<compile_context>
chip_gen: v7x
topology: tpu7x:2x2x1
jax: 0.10.2.dev20260603
libtpu: 0.0.44.dev20260713+nightly
codegen_flags: <defaults>
</compile_context>

<pallas_src>
import functools

import jax
import jax.numpy as jnp
from jax import lax
from jax.experimental import pallas as pl
from jax.experimental.pallas import tpu as pltpu
from jax.experimental.pallas import tpu_sc as plsc

B = 4
L = 20000
N = B * L
D = 256
H = 8
DH = D // H
FF = 1024
K = 1000
NF = DH // 4

NW = 32
CHUNK = 2496
CHUNKL = L - 7 * CHUNK
PERT = 2560
NVREG = PERT // 16
OUTSZ = B * K + NW * PERT
MIN32 = -(2 ** 31)


def _scorekey_body(sal_ref, elec_ref, key_ref):
    s = sal_ref[...] + elec_ref[...]
    bits = lax.bitcast_convert_type(s, jnp.int32)
    kkey = jnp.where(bits >= 0, bits, ~bits ^ MIN32)
    key_ref[...] = jnp.where(s == 0.0, 0, kkey)


def _scorekey(sal, elec):
    r = (N // 128, 128)
    out = pl.pallas_call(
        _scorekey_body,
        in_specs=[pl.BlockSpec(r, lambda: (0, 0)),
                  pl.BlockSpec(r, lambda: (0, 0))],
        out_specs=pl.BlockSpec(r, lambda: (0, 0)),
        out_shape=jax.ShapeDtypeStruct(r, jnp.int32),
    )(sal.reshape(r), elec.reshape(r))
    return out.reshape(N)


def _select_body(key_hbm, out_hbm,
                 key_v, dest2_v, vals2_v, hist_v, hist2_v,
                 tmp8g_v, tmp8e_v, sh_v, sh2_v, sem):
    c = lax.axis_index("c")
    s = lax.axis_index("s")
    wid = c * 16 + s
    batch = c * 2 + s // 8
    myc = s % 8
    s0 = (s // 8) * 8
    gbase = batch * L + myc * CHUNK
    cnt = jnp.where(myc == 7, CHUNKL, CHUNK)
    iot = lax.iota(jnp.int32, 16)
    zeros = jnp.zeros((16,), jnp.int32)
    pltpu.sync_copy(key_hbm.at[pl.ds(gbase, CHUNKL)],
                    key_v.at[pl.ds(0, CHUNKL)])

    kk = zeros + K
    ph = zeros
    ones16 = jnp.ones((16,), jnp.int32)
    for r in range(8):
        shift = 28 - 4 * r
        hist_v[...] = zeros
        ph_c = ph

        def hbody(i, _, r=r, shift=shift, ph_c=ph_c):
            sl = pl.ds(i * 16, 16)
            u = key_v[sl] ^ MIN32
            act = (i * 16 + iot) < cnt
            if r > 0:
                act = act & (
                    lax.shift_right_logical(u, shift + 4) == ph_c)
            rbin = 15 ^ (lax.shift_right_logical(u, shift) & 15)
            plsc.addupdate_scatter(hist_v, [rbin], ones16, mask=act)
            return 0
        lax.fori_loop(0, NVREG, hbody, 0)

        pltpu.sync_copy(hist_v, sh_v.at[s])
        plsc.subcore_barrier()
        pltpu.sync_copy(sh_v.at[pl.ds(s0, 8)], tmp8g_v)
        plsc.subcore_barrier()
        total16 = tmp8g_v[0]
        for j in range(1, 8):
            total16 = total16 + tmp8g_v[j]
        pref = plsc.cumsum(total16)
        cond = pref >= kk
        n_after = plsc.all_reduce_population_count(cond)
        sel_bin = n_after - 1
        hist2_v[...] = plsc.cumsum(jnp.where(cond, 0, total16))
        above_tot = plsc.load_gather(hist2_v, [zeros + 15])
        kk = kk - above_tot
        ph = ph * 16 + sel_bin

    t_k = ph ^ MIN32

    def cbody(i, carry):
        g, e = carry
        sl = pl.ds(i * 16, 16)
        kv = key_v[sl]
        valid = (i * 16 + iot) < cnt
        g = g + plsc.all_reduce_population_count(valid & (kv > t_k))
        e = e + plsc.all_reduce_population_count(valid & (kv == t_k))
        return g, e
    gt_c, eq_c = lax.fori_loop(0, NVREG, cbody, (zeros, zeros))

    hist_v[...] = gt_c
    hist2_v[...] = eq_c
    pltpu.sync_copy(hist_v, sh_v.at[s])
    pltpu.sync_copy(hist2_v, sh2_v.at[s])
    plsc.subcore_barrier()
    pltpu.sync_copy(sh_v.at[pl.ds(s0, 8)], tmp8g_v)
    pltpu.sync_copy(sh2_v.at[pl.ds(s0, 8)], tmp8e_v)
    mycv = zeros + myc
    tgt = zeros
    gt_off = zeros
    eq_off = zeros
    for j in range(8):
        rg = tmp8g_v[j]
        re = tmp8e_v[j]
        tgt = tgt + rg
        sel = jnp.where(mycv > j, 1, 0)
        gt_off = gt_off + sel * rg
        eq_off = eq_off + sel * re
    fill = zeros + K - tgt
    b_k = batch * K
    dump0 = B * K + wid * PERT

    def wbody(i, carry):
        g_c, e_c = carry
        sl = pl.ds(i * 16, 16)
        kv = key_v[sl]
        valid = (i * 16 + iot) < cnt
        gt = valid & (kv > t_k)
        eq = valid & (kv == t_k)
        grank = gt_off + g_c + plsc.cumsum(jnp.where(gt, 1, 0)) - 1
        erank = eq_off + e_c + plsc.cumsum(jnp.where(eq, 1, 0)) - 1
        dmp = dump0 + i * 16 + iot
        dest = jnp.where(gt, b_k + grank,
                         jnp.where(eq & (erank < fill),
                                   b_k + tgt + erank, dmp))
        dest2_v[i // 8, pl.ds((i % 8) * 16, 16)] = dest
        vals2_v[i // 8, pl.ds((i % 8) * 16, 16)] = gbase + i * 16 + iot
        return (g_c + plsc.all_reduce_population_count(gt),
                e_c + plsc.all_reduce_population_count(eq))
    lax.fori_loop(0, NVREG, wbody, (zeros, zeros))

    hs = [pltpu.async_copy(vals2_v.at[j], out_hbm.at[dest2_v.at[j]], sem)
          for j in range(PERT // 128)]
    for h in hs:
        h.wait()


def _select_topk(keys):
    mesh = plsc.VectorSubcoreMesh(core_axis_name="c", subcore_axis_name="s")
    f = pl.kernel(
        _select_body,
        out_type=jax.ShapeDtypeStruct((OUTSZ,), jnp.int32),
        mesh=mesh,
        compiler_params=pltpu.CompilerParams(needs_layout_passes=False),
        scratch_types=[
            pltpu.VMEM((PERT,), jnp.int32),
            pltpu.VMEM((PERT // 128, 128), jnp.int32),
            pltpu.VMEM((PERT // 128, 128), jnp.int32),
            pltpu.VMEM((16,), jnp.int32),
            pltpu.VMEM((16,), jnp.int32),
            pltpu.VMEM((8, 16), jnp.int32),
            pltpu.VMEM((8, 16), jnp.int32),
            pltpu.VMEM_SHARED((16, 16), jnp.int32),
            pltpu.VMEM_SHARED((16, 16), jnp.int32),
            pltpu.SemaphoreType.DMA,
        ],
    )
    return f(keys)


def _attn_body(x_ref, py_ref, px_ref, inv_ref, ln1s_ref, ln1b_ref,
               wqkv_ref, wo_ref, o_ref):
    x = x_ref[0]
    mu = jnp.mean(x, axis=-1, keepdims=True)
    var = jnp.mean((x - mu) ** 2, axis=-1, keepdims=True)
    h = (x - mu) / jnp.sqrt(var + 1e-5) * ln1s_ref[...] + ln1b_ref[...]
    qkv = jnp.dot(h.astype(jnp.bfloat16),
                  wqkv_ref[...].astype(jnp.bfloat16),
                  preferred_element_type=jnp.float32)

    inv = inv_ref[...]
    py = py_ref[0]
    px = px_ref[0]
    ang = jnp.concatenate([py * inv, px * inv], axis=1)
    cos = jnp.cos(ang)
    sin = jnp.sin(ang)
    cs = jnp.concatenate([cos, cos], axis=1)
    sn = jnp.concatenate([-sin, sin], axis=1)

    def rope(t):
        partner = jnp.concatenate([t[:, DH // 2:], t[:, :DH // 2]], axis=1)
        return t * cs + partner * sn

    scale = 1.0 / (DH ** 0.5)
    outs = []
    for hh in range(H):
        qh = rope(qkv[:, hh * DH:(hh + 1) * DH])
        kh = rope(qkv[:, D + hh * DH:D + (hh + 1) * DH])
        vh = qkv[:, 2 * D + hh * DH:2 * D + (hh + 1) * DH]
        logits = lax.dot_general(
            qh.astype(jnp.bfloat16), kh.astype(jnp.bfloat16),
            (((1,), (1,)), ((), ())),
            preferred_element_type=jnp.float32) * scale
        m = jnp.max(logits, axis=-1, keepdims=True)
        p = jnp.exp(logits - m)
        p = p / jnp.sum(p, axis=-1, keepdims=True)
        outs.append(jnp.dot(p.astype(jnp.bfloat16),
                            vh.astype(jnp.bfloat16),
                            preferred_element_type=jnp.float32))
    o = jnp.concatenate(outs, axis=1)
    o_ref[0] = x + jnp.dot(o.astype(jnp.bfloat16),
                           wo_ref[...].astype(jnp.bfloat16),
                           preferred_element_type=jnp.float32)


def _ffn_body(x_ref, ln2s_ref, ln2b_ref, w1_ref, b1_ref, w2_ref, b2_ref,
              o_ref):
    x = x_ref[...]
    mu = jnp.mean(x, axis=-1, keepdims=True)
    var = jnp.mean((x - mu) ** 2, axis=-1, keepdims=True)
    h = (x - mu) / jnp.sqrt(var + 1e-5) * ln2s_ref[...] + ln2b_ref[...]
    a = jnp.dot(h.astype(jnp.bfloat16), w1_ref[...].astype(jnp.bfloat16),
                preferred_element_type=jnp.float32) + b1_ref[...]
    g = jax.nn.gelu(a)
    o_ref[...] = x + jnp.dot(g.astype(jnp.bfloat16),
                             w2_ref[...].astype(jnp.bfloat16),
                             preferred_element_type=jnp.float32) + b2_ref[...]


def _attn_block(x_sel, posy, posx, inv, ln1_s, ln1_b, wqkv_p, wo):
    full = lambda s: pl.BlockSpec(s, lambda b: (0,) * len(s))
    return pl.pallas_call(
        _attn_body,
        grid=(B,),
        in_specs=[
            pl.BlockSpec((1, K, D), lambda b: (b, 0, 0)),
            pl.BlockSpec((1, K, 1), lambda b: (b, 0, 0)),
            pl.BlockSpec((1, K, 1), lambda b: (b, 0, 0)),
            full((1, NF)),
            full((D,)),
            full((D,)),
            full((D, 3 * D)),
            full((D, D)),
        ],
        out_specs=pl.BlockSpec((1, K, D), lambda b: (b, 0, 0)),
        out_shape=jax.ShapeDtypeStruct((B, K, D), jnp.float32),
    )(x_sel, posy, posx, inv, ln1_s, ln1_b, wqkv_p, wo)


FBLK = 2000


def _ffn_block(x, ln2_s, ln2_b, w1, b1, w2, b2):
    n = x.shape[0]
    assert n % FBLK == 0
    full = lambda s: pl.BlockSpec(s, lambda b: (0,) * len(s))
    return pl.pallas_call(
        _ffn_body,
        grid=(n // FBLK,),
        in_specs=[
            pl.BlockSpec((FBLK, D), lambda b: (b, 0)),
            full((D,)),
            full((D,)),
            full((D, FF)),
            full((FF,)),
            full((FF, D)),
            full((D,)),
        ],
        out_specs=pl.BlockSpec((FBLK, D), lambda b: (b, 0)),
        out_shape=jax.ShapeDtypeStruct((n, D), jnp.float32),
    )(x, ln2_s, ln2_b, w1, b1, w2, b2)


def kernel(queries, query_batch_offsets, token_predicted_salience_score,
           query_spatial_indices, stacked_feature_maps, level_spatial_shapes,
           token_electron_scores, ln1_s, ln1_b, Wqkv, Wo, ln2_s, ln2_b,
           W1, b1, W2, b2):
    del query_batch_offsets, stacked_feature_maps, level_spatial_shapes
    keys = _scorekey(token_predicted_salience_score, token_electron_scores)
    idx_all = _select_topk(keys)
    flat_idx = idx_all[:B * K]

    x_sel = jnp.take(queries, flat_idx, axis=0).reshape(B, K, D)
    posy = jnp.take(query_spatial_indices[1], flat_idx).astype(jnp.float32)
    posx = jnp.take(query_spatial_indices[2], flat_idx).astype(jnp.float32)
    posy = posy.reshape(B, K, 1)
    posx = posx.reshape(B, K, 1)

    perm32 = jnp.concatenate([jnp.arange(0, DH, 2, dtype=jnp.int32),
                              jnp.arange(1, DH, 2, dtype=jnp.int32)])
    head_perm = (jnp.arange(2 * D, dtype=jnp.int32) // DH) * DH + \
        perm32[jnp.arange(2 * D, dtype=jnp.int32) % DH]
    col_perm = jnp.concatenate(
        [head_perm, jnp.arange(2 * D, 3 * D, dtype=jnp.int32)])
    wqkv_p = Wqkv[:, col_perm]
    inv = (1.0 / (100.0 ** (jnp.arange(NF, dtype=jnp.float32) / NF)))
    inv = inv.reshape(1, NF)

    sa_out = _attn_block(x_sel, posy, posx, inv, ln1_s, ln1_b, wqkv_p, Wo)

    out_all = _ffn_block(queries, ln2_s, ln2_b, W1, b1, W2, b2)
    sel_fin = _ffn_block(sa_out.reshape(B * K, D), ln2_s, ln2_b,
                         W1, b1, W2, b2)
    return out_all.at[flat_idx].set(sel_fin)

# --- scband reference (transcript-rebuilt; emitter-appended) ---
"""Pipeline reference for scband-emtransformer-encoder-70282844832277 (READ-ONLY COPY).

The authoritative reference and input builder live on the scoring server;
editing this copy changes nothing except your own understanding.
"""

import jax, jax.numpy as jnp
import numpy as np

B = 4
L = 20000
N = B * L
D = 256
H = 8
DH = D // H
FF = 1024
K = 1000
NLVL = 4


def _ln(x, s, b):
    mu = x.mean(-1, keepdims=True)
    v = ((x - mu) ** 2).mean(-1, keepdims=True)
    return (x - mu) / jnp.sqrt(v + 1e-5) * s + b


def _rope(t, pos):
    # t: [B, K, H, DH], pos: [B, K, 2] int spatial (y, x)
    nf = DH // 4
    inv = 1.0 / (100.0 ** (jnp.arange(nf, dtype=jnp.float32) / nf))
    ang = jnp.concatenate([
        pos[:, :, 0:1].astype(jnp.float32) * inv,
        pos[:, :, 1:2].astype(jnp.float32) * inv,
    ], axis=-1)  # [B, K, DH//2]
    cos = jnp.cos(ang)[:, :, None, :]
    sin = jnp.sin(ang)[:, :, None, :]
    t1 = t[..., ::2]
    t2 = t[..., 1::2]
    out = jnp.stack([t1 * cos - t2 * sin, t1 * sin + t2 * cos], axis=-1)
    return out.reshape(t.shape)


def setup_inputs(seed: int = 0):
    key = jax.random.key(seed)
    ks = jax.random.split(key, 16)
    queries = jax.random.normal(ks[0], (N, D), dtype=jnp.float32)
    query_batch_offsets = jnp.arange(B + 1, dtype=jnp.int32) * L
    sal = jax.random.normal(ks[1], (N,), dtype=jnp.float32)
    elec = jax.random.normal(ks[2], (N,), dtype=jnp.float32)
    batch_ids = jnp.repeat(jnp.arange(B, dtype=jnp.int32), L)
    yx = jax.random.randint(ks[3], (2, N), 0, 64)
    lvl = jax.random.randint(ks[4], (N,), 0, NLVL)
    query_spatial_indices = jnp.concatenate([batch_ids[None], yx, lvl[None]], axis=0)
    stacked_feature_maps = jax.random.normal(ks[5], (B, 64, 64, NLVL, D), dtype=jnp.float32)
    level_spatial_shapes = jnp.array([[64, 64], [32, 32], [16, 16], [8, 8]], dtype=jnp.int32)
    s = 0.02
    return {
        'queries': queries,
        'query_batch_offsets': query_batch_offsets,
        'token_predicted_salience_score': sal,
        'query_spatial_indices': query_spatial_indices,
        'stacked_feature_maps': stacked_feature_maps,
        'level_spatial_shapes': level_spatial_shapes,
        'token_electron_scores': elec,
        'ln1_s': jnp.ones((D,), jnp.float32),
        'ln1_b': jnp.zeros((D,), jnp.float32),
        'Wqkv': jax.random.normal(ks[6], (D, 3 * D), dtype=jnp.float32) * s,
        'Wo': jax.random.normal(ks[7], (D, D), dtype=jnp.float32) * s,
        'ln2_s': jnp.ones((D,), jnp.float32),
        'ln2_b': jnp.zeros((D,), jnp.float32),
        'W1': jax.random.normal(ks[8], (D, FF), dtype=jnp.float32) * s,
        'b1': jnp.zeros((FF,), jnp.float32),
        'W2': jax.random.normal(ks[9], (FF, D), dtype=jnp.float32) * s,
        'b2': jnp.zeros((D,), jnp.float32),
    }


def reference(queries, query_batch_offsets, token_predicted_salience_score,
              query_spatial_indices, stacked_feature_maps, level_spatial_shapes,
              token_electron_scores, ln1_s, ln1_b, Wqkv, Wo, ln2_s, ln2_b,
              W1, b1, W2, b2):
    # token scoring + per-batch top-k masking (batch_topk with equal-length batches)
    token_scores = token_electron_scores + token_predicted_salience_score
    scores_b = token_scores.reshape(B, L)
    _, idx = jax.lax.top_k(scores_b, K)  # [B, K]
    flat_idx = (idx + (jnp.arange(B) * L)[:, None]).reshape(-1)  # [B*K]
    # gather selected queries and their spatial positions
    queries_sa = jnp.take(queries, flat_idx, axis=0)
    pos = jnp.take(query_spatial_indices[1:3, :].T, flat_idx, axis=0).reshape(B, K, 2)
    # pre-norm multi-head self-attention with RoPE over selected tokens
    x = queries_sa.reshape(B, K, D)
    h = _ln(x, ln1_s, ln1_b)
    qkv = h @ Wqkv
    q = qkv[..., :D].reshape(B, K, H, DH)
    k = qkv[..., D:2 * D].reshape(B, K, H, DH)
    v = qkv[..., 2 * D:].reshape(B, K, H, DH)
    q = _rope(q, pos)
    k = _rope(k, pos)
    logits = jnp.einsum('bqhd,bkhd->bhqk', q, k) / jnp.sqrt(jnp.float32(DH))
    a = jax.nn.softmax(logits, axis=-1)
    o = jnp.einsum('bhqk,bkhd->bqhd', a, v).reshape(B, K, D) @ Wo
    sa_out = (x + o).reshape(B * K, D)
    # index_copy the attended tokens back (scatter-overwrite)
    queries = queries.at[flat_idx].set(sa_out)
    # pre-norm FFN over all tokens
    h2 = _ln(queries, ln2_s, ln2_b)
    ff = jax.nn.gelu(h2 @ W1 + b1) @ W2 + b2
    return queries + ff


if False:  # reference __main__ guard neutralized (emitter)
    out = reference(**setup_inputs())
    print(out.shape, out.dtype)

if __name__ == "__main__":
    import jax
    _d = setup_inputs()
    print(jax.jit(kernel)(*tuple(_d.values())))

</pallas_src>

<mosaic_0001>
#map = affine_map<(d0, d1) -> (0)>
module attributes {stable_mosaic.version = 14 : i64} {
  func.func @_select_body(%arg0: i32, %arg1: i32, %arg2: memref<80000xi32, #tpu.memory_space<hbm>>, %arg3: memref<85920xi32, #tpu.memory_space<hbm>>, %arg4: memref<2560xi32, #tpu.memory_space<vmem>>, %arg5: memref<20x128xi32, #tpu.memory_space<vmem>>, %arg6: memref<20x128xi32, #tpu.memory_space<vmem>>, %arg7: memref<16xi32, #tpu.memory_space<vmem>>, %arg8: memref<16xi32, #tpu.memory_space<vmem>>, %arg9: memref<8x16xi32, #tpu.memory_space<vmem>>, %arg10: memref<8x16xi32, #tpu.memory_space<vmem>>, %arg11: memref<16x16xi32, #tpu.memory_space<vmem_shared>>, %arg12: memref<16x16xi32, #tpu.memory_space<vmem_shared>>, %arg13: memref<!tpu.dma_semaphore, #tpu.memory_space<semaphore_mem>>) attributes {dimension_semantics = [#tpu.dimension_semantics<core_parallel>, #tpu.dimension_semantics<subcore_parallel>], iteration_bounds = array<i64: 2, 16>, scalar_prefetch = 0 : i64, scratch_operands = 10 : i64, tpu.core_type = #tpu.core_type<sc_vector_subcore>, window_params = [{transform_indices = #map}, {transform_indices = #map}]} {
    %mul3A = arith.constant 16 : i32
    %mul3A_0 = arith.muli %arg0, %mul3A : i32
    %add3A = arith.addi %mul3A_0, %arg1 : i32
    %mul3A_1 = arith.constant 2 : i32
    %mul3A_2 = arith.muli %arg0, %mul3A_1 : i32
    %jit3A = arith.constant 8 : i32
    %div3A = arith.divsi %arg1, %jit3A : i32
    %sign3A = arith.constant 0 : i32
    %sign3A_3 = arith.cmpi sgt, %arg1, %sign3A : i32
    %sign3A_4 = arith.extui %sign3A_3 : i1 to i32
    %sign3A_5 = arith.constant 0 : i32
    %sign3A_6 = arith.cmpi slt, %arg1, %sign3A_5 : i32
    %sign3A_7 = arith.extui %sign3A_6 : i1 to i32
    %sign3A_8 = arith.subi %sign3A_4, %sign3A_7 : i32
    %sign3A_9 = arith.constant 0 : i32
    %sign3A_10 = arith.cmpi sgt, %jit3A, %sign3A_9 : i32
    %sign3A_11 = arith.extui %sign3A_10 : i1 to i32
    %sign3A_12 = arith.constant 0 : i32
    %sign3A_13 = arith.cmpi slt, %jit3A, %sign3A_12 : i32
    %sign3A_14 = arith.extui %sign3A_13 : i1 to i32
    %sign3A_15 = arith.subi %sign3A_11, %sign3A_14 : i32
    %ne3A = arith.cmpi ne, %sign3A_8, %sign3A_15 : i32
    %rem3A = arith.remsi %arg1, %jit3A : i32
    %ne3A_16 = arith.constant 0 : i32
    %ne3A_17 = arith.cmpi ne, %rem3A, %ne3A_16 : i32
    %and3A = arith.andi %ne3A, %ne3A_17 : i1
    %sub3A = arith.constant 1 : i32
    %sub3A_18 = arith.subi %div3A, %sub3A : i32
    %select_n3A = arith.select %and3A, %sub3A_18, %div3A : i32
    %add3A_19 = arith.addi %mul3A_2, %select_n3A : i32
    %jit3A_20 = arith.constant 8 : i32
    %eq3A = arith.constant 0 : i32
    %eq3A_21 = arith.cmpi eq, %jit3A_20, %eq3A : i32
    %jit3A_22 = arith.constant 1 : i32
    %select_n3A_23 = arith.select %eq3A_21, %jit3A_22, %jit3A_20 : i32
    %rem3A_24 = arith.remsi %arg1, %select_n3A_23 : i32
    %ne3A_25 = arith.constant 0 : i32
    %ne3A_26 = arith.cmpi ne, %rem3A_24, %ne3A_25 : i32
    %lt3A = arith.constant 0 : i32
    %lt3A_27 = arith.cmpi slt, %rem3A_24, %lt3A : i32
    %lt3A_28 = arith.constant 0 : i32
    %lt3A_29 = arith.cmpi slt, %select_n3A_23, %lt3A_28 : i32
    %ne3A_30 = arith.xori %lt3A_27, %lt3A_29 : i1
    %and3A_31 = arith.andi %ne3A_30, %ne3A_26 : i1
    %add3A_32 = arith.addi %rem3A_24, %select_n3A_23 : i32
    %select_n3A_33 = arith.select %and3A_31, %add3A_32, %rem3A_24 : i32
    %jit3A_34 = arith.constant 8 : i32
    %div3A_35 = arith.divsi %arg1, %jit3A_34 : i32
    %sign3A_36 = arith.constant 0 : i32
    %sign3A_37 = arith.cmpi sgt, %arg1, %sign3A_36 : i32
    %sign3A_38 = arith.extui %sign3A_37 : i1 to i32
    %sign3A_39 = arith.constant 0 : i32
    %sign3A_40 = arith.cmpi slt, %arg1, %sign3A_39 : i32
    %sign3A_41 = arith.extui %sign3A_40 : i1 to i32
    %sign3A_42 = arith.subi %sign3A_38, %sign3A_41 : i32
    %sign3A_43 = arith.constant 0 : i32
    %sign3A_44 = arith.cmpi sgt, %jit3A_34, %sign3A_43 : i32
    %sign3A_45 = arith.extui %sign3A_44 : i1 to i32
    %sign3A_46 = arith.constant 0 : i32
    %sign3A_47 = arith.cmpi slt, %jit3A_34, %sign3A_46 : i32
    %sign3A_48 = arith.extui %sign3A_47 : i1 to i32
    %sign3A_49 = arith.subi %sign3A_45, %sign3A_48 : i32
    %ne3A_50 = arith.cmpi ne, %sign3A_42, %sign3A_49 : i32
    %rem3A_51 = arith.remsi %arg1, %jit3A_34 : i32
    %ne3A_52 = arith.constant 0 : i32
    %ne3A_53 = arith.cmpi ne, %rem3A_51, %ne3A_52 : i32
    %and3A_54 = arith.andi %ne3A_50, %ne3A_53 : i1
    %sub3A_55 = arith.constant 1 : i32
    %sub3A_56 = arith.subi %div3A_35, %sub3A_55 : i32
    %select_n3A_57 = arith.select %and3A_54, %sub3A_56, %div3A_35 : i32
    %mul3A_58 = arith.constant 8 : i32
    %mul3A_59 = arith.muli %select_n3A_57, %mul3A_58 : i32
    %mul3A_60 = arith.constant 20000 : i32
    %mul3A_61 = arith.muli %add3A_19, %mul3A_60 : i32
    %mul3A_62 = arith.constant 2496 : i32
    %mul3A_63 = arith.muli %select_n3A_33, %mul3A_62 : i32
    %add3A_64 = arith.addi %mul3A_61, %mul3A_63 : i32
    %eq3A_65 = arith.constant 7 : i32
    %eq3A_66 = arith.cmpi eq, %select_n3A_33, %eq3A_65 : i32
    %jit3A_67 = arith.constant 2528 : i32
    %jit3A_68 = arith.constant 2496 : i32
    %select_n3A_69 = arith.select %eq3A_66, %jit3A_67, %jit3A_68 : i32
    %iota3A = tpu.iota {dimensions = array<i32: 0>} : vector<16xi32>
    %broadcast_in_dim3A = arith.constant 0 : i32
    %broadcast_in_dim3A_70 = vector.broadcast %broadcast_in_dim3A : i32 to vector<16xi32>
    "tpu.region"() ({
      %run_scoped3A = tpu.sem_alloc : memref<!tpu.dma_semaphore, #tpu.memory_space<semaphore_mem>>
      %dma_start3A_1264 = arith.constant 0 : i32
      %dma_start3A_1265 = tpu.memref_slice %arg4[%dma_start3A_1264] : memref<2560xi32, #tpu.memory_space<vmem>> -> memref<2528xi32, #tpu.memory_space<vmem>>
      %dma_start3A_1266 = tpu.memref_slice %arg2[%add3A_64] : memref<80000xi32, #tpu.memory_space<hbm>> -> memref<2528xi32, #tpu.memory_space<hbm>>
      %dma_start3A_1267 = arith.constant 0 : i32
      %dma_start3A_1268 = tpu.memref_slice %arg4[%dma_start3A_1267] : memref<2560xi32, #tpu.memory_space<vmem>> -> memref<2528xi32, #tpu.memory_space<vmem>>
      %dma_start3A_1269 = tpu.memref_slice %arg2[%add3A_64] : memref<80000xi32, #tpu.memory_space<hbm>> -> memref<2528xi32, #tpu.memory_space<hbm>>
      tpu.enqueue_dma source(%dma_start3A_1269 : memref<2528xi32, #tpu.memory_space<hbm>>) target(%dma_start3A_1268 : memref<2528xi32, #tpu.memory_space<vmem>>) target_semaphore(%run_scoped3A : memref<!tpu.dma_semaphore, #tpu.memory_space<semaphore_mem>>)
      %dma_wait3A_1270 = arith.constant 0 : i32
      %dma_wait3A_1271 = tpu.memref_slice %arg4[%dma_wait3A_1270] : memref<2560xi32, #tpu.memory_space<vmem>> -> memref<2528xi32, #tpu.memory_space<vmem>>
      %dma_wait3A_1272 = tpu.memref_slice %arg2[%add3A_64] : memref<80000xi32, #tpu.memory_space<hbm>> -> memref<2528xi32, #tpu.memory_space<hbm>>
      %dma_wait3A_1273 = arith.constant 0 : i32
      %dma_wait3A_1274 = tpu.memref_slice %arg4[%dma_wait3A_1273] : memref<2560xi32, #tpu.memory_space<vmem>> -> memref<2528xi32, #tpu.memory_space<vmem>>
      %dma_wait3A_1275 = tpu.memref_slice %arg2[%add3A_64] : memref<80000xi32, #tpu.memory_space<hbm>> -> memref<2528xi32, #tpu.memory_space<hbm>>
      tpu.wait_dma2 semaphore(%run_scoped3A : memref<!tpu.dma_semaphore, #tpu.memory_space<semaphore_mem>>) src(%dma_wait3A_1275 : memref<2528xi32, #tpu.memory_space<hbm>>) dst(%dma_wait3A_1274 : memref<2528xi32, #tpu.memory_space<vmem>>)
      tpu.yield
    }) : () -> ()
    %add3A_71 = arith.constant 1000 : i32
    %add3A_72 = vector.broadcast %add3A_71 : i32 to vector<16xi32>
    %add3A_73 = arith.addi %broadcast_in_dim3A_70, %add3A_72 : vector<16xi32>
    %broadcast_in_dim3A_74 = arith.constant 1 : i32
    %broadcast_in_dim3A_75 = vector.broadcast %broadcast_in_dim3A_74 : i32 to vector<16xi32>
    %swap3A = arith.constant 0 : index
    %swap3A_76 = tpu.vector_load %arg7[%swap3A] {strides = array<i32>} : memref<16xi32, #tpu.memory_space<vmem>>, vector<16xi32>,
    tpu.vector_store %arg7[%swap3A], %broadcast_in_dim3A_70 {strides = array<i32>} : memref<16xi32, #tpu.memory_space<vmem>>, vector<16xi32>,
    %scan3A = arith.constant 0 : i32
    %scan3A_77 = arith.constant 0 : i32
    %scan3A_78 = arith.constant 160 : i32
    %scan3A_79 = arith.addi %scan3A_77, %scan3A_78 : i32
    %scan3A_80 = arith.constant 1 : i32
    %scan3A_81 = scf.for %scan3A_1264 = %scan3A_77 to %scan3A_79 step %scan3A_80 iter_args(%scan3A_1265 = %scan3A) -> (i32)  : i32 {
      %mul3A_1266 = arith.constant 16 : i32
      %mul3A_1267 = arith.muli %scan3A_1264, %mul3A_1266 : i32
      %get3A_1268 = arith.index_cast %mul3A_1267 : i32 to index
      %get3A_1269 = tpu.vector_load %arg4[%get3A_1268] {strides = array<i32>} : memref<2560xi32, #tpu.memory_space<vmem>>, vector<16xi32>,
      %xor3A_1270 = arith.constant -2147483648 : i32
      %xor3A_1271 = vector.broadcast %xor3A_1270 : i32 to vector<16xi32>
      %xor3A_1272 = arith.xori %get3A_1269, %xor3A_1271 : vector<16xi32>
      %mul3A_1273 = arith.constant 16 : i32
      %mul3A_1274 = arith.muli %scan3A_1264, %mul3A_1273 : i32
      %add3A_1275 = vector.broadcast %mul3A_1274 : i32 to vector<16xi32>
      %add3A_1276 = arith.addi %add3A_1275, %iota3A : vector<16xi32>
      %lt3A_1277 = vector.broadcast %select_n3A_69 : i32 to vector<16xi32>
      %lt3A_1278 = arith.cmpi slt, %add3A_1276, %lt3A_1277 : vector<16xi32>
      %shift_right_logical3A = arith.constant 28 : i32
      %shift_right_logical3A_1279 = vector.broadcast %shift_right_logical3A : i32 to vector<16xi32>
      %shift_right_logical3A_1280 = arith.shrui %xor3A_1272, %shift_right_logical3A_1279 : vector<16xi32>
      %and3A_1281 = arith.constant 15 : i32
      %and3A_1282 = vector.broadcast %and3A_1281 : i32 to vector<16xi32>
      %and3A_1283 = arith.andi %shift_right_logical3A_1280, %and3A_1282 : vector<16xi32>
      %xor3A_1284 = arith.constant 15 : i32
      %xor3A_1285 = vector.broadcast %xor3A_1284 : i32 to vector<16xi32>
      %xor3A_1286 = arith.xori %xor3A_1285, %and3A_1283 : vector<16xi32>
      tpu.vector_store_idx %arg7[%xor3A_1286], %broadcast_in_dim3A_75 masked %lt3A_1278 {add = true} : memref<16xi32, #tpu.memory_space<vmem>>[vector<16xi32>], vector<16xi32>, vector<16xi1>
      %scan3A_1287 = arith.constant 0 : i32
      scf.yield %scan3A_1287 : i32
    }
    %scan3A_82 = arith.constant 160 : i32
    "tpu.region"() ({
      %run_scoped3A = tpu.sem_alloc : memref<!tpu.dma_semaphore, #tpu.memory_space<semaphore_mem>>
      %dma_start3A_1264 = arith.constant 0 : i32
      %dma_start3A_1265 = tpu.memref_slice %arg11[%arg1, %dma_start3A_1264] : memref<16x16xi32, #tpu.memory_space<vmem_shared>> -> memref<1x16xi32, #tpu.memory_space<vmem_shared>>
      %dma_start3A_1266 = tpu.memref_squeeze %dma_start3A_1265 : memref<1x16xi32, #tpu.memory_space<vmem_shared>> -> memref<16xi32, #tpu.memory_space<vmem_shared>>
      %dma_start3A_1267 = arith.constant 0 : i32
      %dma_start3A_1268 = tpu.memref_slice %arg11[%arg1, %dma_start3A_1267] : memref<16x16xi32, #tpu.memory_space<vmem_shared>> -> memref<1x16xi32, #tpu.memory_space<vmem_shared>>
      %dma_start3A_1269 = tpu.memref_squeeze %dma_start3A_1268 : memref<1x16xi32, #tpu.memory_space<vmem_shared>> -> memref<16xi32, #tpu.memory_space<vmem_shared>>
      tpu.enqueue_dma source(%arg7 : memref<16xi32, #tpu.memory_space<vmem>>) target(%dma_start3A_1269 : memref<16xi32, #tpu.memory_space<vmem_shared>>) target_semaphore(%run_scoped3A : memref<!tpu.dma_semaphore, #tpu.memory_space<semaphore_mem>>)
      %dma_wait3A_1270 = arith.constant 0 : i32
      %dma_wait3A_1271 = tpu.memref_slice %arg11[%arg1, %dma_wait3A_1270] : memref<16x16xi32, #tpu.memory_space<vmem_shared>> -> memref<1x16xi32, #tpu.memory_space<vmem_shared>>
      %dma_wait3A_1272 = tpu.memref_squeeze %dma_wait3A_1271 : memref<1x16xi32, #tpu.memory_space<vmem_shared>> -> memref<16xi32, #tpu.memory_space<vmem_shared>>
      %dma_wait3A_1273 = arith.constant 0 : i32
      %dma_wait3A_1274 = tpu.memref_slice %arg11[%arg1, %dma_wait3A_1273] : memref<16x16xi32, #tpu.memory_space<vmem_shared>> -> memref<1x16xi32, #tpu.memory_space<vmem_shared>>
      %dma_wait3A_1275 = tpu.memref_squeeze %dma_wait3A_1274 : memref<1x16xi32, #tpu.memory_space<vmem_shared>> -> memref<16xi32, #tpu.memory_space<vmem_shared>>
      tpu.wait_dma2 semaphore(%run_scoped3A : memref<!tpu.dma_semaphore, #tpu.memory_space<semaphore_mem>>) src(%arg7 : memref<16xi32, #tpu.memory_space<vmem>>) dst(%dma_wait3A_1275 : memref<16xi32, #tpu.memory_space<vmem_shared>>)
      tpu.yield
    }) : () -> ()
    %barrier3A = arith.constant 0 : index
    tpu.barrier barrier_id(%barrier3A)
    "tpu.region"() ({
      %run_scoped3A = tpu.sem_alloc : memref<!tpu.dma_semaphore, #tpu.memory_space<semaphore_mem>>
      %dma_start3A_1264 = arith.constant 0 : i32
      %dma_start3A_1265 = tpu.memref_slice %arg11[%mul3A_59, %dma_start3A_1264] : memref<16x16xi32, #tpu.memory_space<vmem_shared>> -> memref<8x16xi32, #tpu.memory_space<vmem_shared>>
      %dma_start3A_1266 = arith.constant 0 : i32
      %dma_start3A_1267 = tpu.memref_slice %arg11[%mul3A_59, %dma_start3A_1266] : memref<16x16xi32, #tpu.memory_space<vmem_shared>> -> memref<8x16xi32, #tpu.memory_space<vmem_shared>>
      tpu.enqueue_dma source(%dma_start3A_1267 : memref<8x16xi32, #tpu.memory_space<vmem_shared>>) target(%arg9 : memref<8x16xi32, #tpu.memory_space<vmem>>) target_semaphore(%run_scoped3A : memref<!tpu.dma_semaphore, #tpu.memory_space<semaphore_mem>>)
      %dma_wait3A_1268 = arith.constant 0 : i32
      %dma_wait3A_1269 = tpu.memref_slice %arg11[%mul3A_59, %dma_wait3A_1268] : memref<16x16xi32, #tpu.memory_space<vmem_shared>> -> memref<8x16xi32, #tpu.memory_space<vmem_shared>>
      %dma_wait3A_1270 = arith.constant 0 : i32
      %dma_wait3A_1271 = tpu.memref_slice %arg11[%mul3A_59, %dma_wait3A_1270] : memref<16x16xi32, #tpu.memory_space<vmem_shared>> -> memref<8x16xi32, #tpu.memory_space<vmem_shared>>
      tpu.wait_dma2 semaphore(%run_scoped3A : memref<!tpu.dma_semaphore, #tpu.memory_space<semaphore_mem>>) src(%dma_wait3A_1271 : memref<8x16xi32, #tpu.memory_space<vmem_shared>>) dst(%arg9 : memref<8x16xi32, #tpu.memory_space<vmem>>)
      tpu.yield
    }) : () -> ()
    %barrier3A_83 = arith.constant 0 : index
    tpu.barrier barrier_id(%barrier3A_83)
    %get3A = arith.constant 0 : i32
    %get3A_84 = arith.index_cast %get3A : i32 to index
    %get3A_85 = arith.constant 0 : index
    %get3A_86 = tpu.vector_load %arg9[%get3A_84, %get3A_85] {strides = array<i32>} : memref<8x16xi32, #tpu.memory_space<vmem>>, vector<16xi32>,
    %get3A_87 = arith.constant 1 : i32
    %get3A_88 = arith.index_cast %get3A_87 : i32 to index
    %get3A_89 = arith.constant 0 : index
    %get3A_90 = tpu.vector_load %arg9[%get3A_88, %get3A_89] {strides = array<i32>} : memref<8x16xi32, #tpu.memory_space<vmem>>, vector<16xi32>,
    %add3A_91 = arith.addi %get3A_86, %get3A_90 : vector<16xi32>
    %get3A_92 = arith.constant 2 : i32
    %get3A_93 = arith.index_cast %get3A_92 : i32 to index
    %get3A_94 = arith.constant 0 : index
    %get3A_95 = tpu.vector_load %arg9[%get3A_93, %get3A_94] {strides = array<i32>} : memref<8x16xi32, #tpu.memory_space<vmem>>, vector<16xi32>,
    %add3A_96 = arith.addi %add3A_91, %get3A_95 : vector<16xi32>
    %get3A_97 = arith.constant 3 : i32
    %get3A_98 = arith.index_cast %get3A_97 : i32 to index
    %get3A_99 = arith.constant 0 : index
    %get3A_100 = tpu.vector_load %arg9[%get3A_98, %get3A_99] {strides = array<i32>} : memref<8x16xi32, #tpu.memory_space<vmem>>, vector<16xi32>,
    %add3A_101 = arith.addi %add3A_96, %get3A_100 : vector<16xi32>
    %get3A_102 = arith.constant 4 : i32
    %get3A_103 = arith.index_cast %get3A_102 : i32 to index
    %get3A_104 = arith.constant 0 : index
    %get3A_105 = tpu.vector_load %arg9[%get3A_103, %get3A_104] {strides = array<i32>} : memref<8x16xi32, #tpu.memory_space<vmem>>, vector<16xi32>,
    %add3A_106 = arith.addi %add3A_101, %get3A_105 : vector<16xi32>
    %get3A_107 = arith.constant 5 : i32
    %get3A_108 = arith.index_cast %get3A_107 : i32 to index
    %get3A_109 = arith.constant 0 : index
    %get3A_110 = tpu.vector_load %arg9[%get3A_108, %get3A_109] {strides = array<i32>} : memref<8x16xi32, #tpu.memory_space<vmem>>, vector<16xi32>,
    %add3A_111 = arith.addi %add3A_106, %get3A_110 : vector<16xi32>
    %get3A_112 = arith.constant 6 : i32
    %get3A_113 = arith.index_cast %get3A_112 : i32 to index
    %get3A_114 = arith.constant 0 : index
    %get3A_115 = tpu.vector_load %arg9[%get3A_113, %get3A_114] {strides = array<i32>} : memref<8x16xi32, #tpu.memory_space<vmem>>, vector<16xi32>,
    %add3A_116 = arith.addi %add3A_111, %get3A_115 : vector<16xi32>
    %get3A_117 = arith.constant 7 : i32
    %get3A_118 = arith.index_cast %get3A_117 : i32 to index
    %get3A_119 = arith.constant 0 : index
    %get3A_120 = tpu.vector_load %arg9[%get3A_118, %get3A_119] {strides = array<i32>} : memref<8x16xi32, #tpu.memory_space<vmem>>, vector<16xi32>,
    %add3A_121 = arith.addi %add3A_116, %get3A_120 : vector<16xi32>
    %broadcast_in_dim3A_122 = arith.constant true
    %broadcast_in_dim3A_123 = vector.broadcast %broadcast_in_dim3A_122 : i1 to vector<16xi1>
    %masked_cumsum3A = tpu.scan <sum>, %add3A_121 masked %broadcast_in_dim3A_123 : vector<16xi32>, vector<16xi1> -> vector<16xi32>
    %ge3A = arith.cmpi sge, %masked_cumsum3A, %add3A_73 : vector<16xi32>
    %all_reduce_population_count3A = tpu.all_reduce %ge3A {dim = 0 : i64, kind = #tpu.reduction_kind<sum>} : vector<16xi1> -> vector<16xi32>
    %sub3A_124 = arith.constant 1 : i32
    %sub3A_125 = vector.broadcast %sub3A_124 : i32 to vector<16xi32>
    %sub3A_126 = arith.subi %all_reduce_population_count3A, %sub3A_125 : vector<16xi32>
    %jit3A_127 = arith.constant 0 : i32
    %broadcast_in_dim3A_128 = vector.broadcast %jit3A_127 : i32 to vector<16xi32>
    %select_n3A_129 = arith.select %ge3A, %broadcast_in_dim3A_128, %add3A_121 : vector<16xi1>, vector<16xi32>
    %broadcast_in_dim3A_130 = arith.constant true
    %broadcast_in_dim3A_131 = vector.broadcast %broadcast_in_dim3A_130 : i1 to vector<16xi1>
    %masked_cumsum3A_132 = tpu.scan <sum>, %select_n3A_129 masked %broadcast_in_dim3A_131 : vector<16xi32>, vector<16xi1> -> vector<16xi32>
    %swap3A_133 = arith.constant 0 : index
    %swap3A_134 = tpu.vector_load %arg8[%swap3A_133] {strides = array<i32>} : memref<16xi32, #tpu.memory_space<vmem>>, vector<16xi32>,
    tpu.vector_store %arg8[%swap3A_133], %masked_cumsum3A_132 {strides = array<i32>} : memref<16xi32, #tpu.memory_space<vmem>>, vector<16xi32>,
    %add3A_135 = arith.constant 15 : i32
    %add3A_136 = vector.broadcast %add3A_135 : i32 to vector<16xi32>
    %add3A_137 = arith.addi %broadcast_in_dim3A_70, %add3A_136 : vector<16xi32>
    %gather3A = tpu.vector_load_idx %arg8[%add3A_137] : memref<16xi32, #tpu.memory_space<vmem>>[vector<16xi32>], vector<16xi32>,
    %sub3A_138 = arith.subi %add3A_73, %gather3A : vector<16xi32>
    %mul3A_139 = arith.constant 16 : i32
    %mul3A_140 = vector.broadcast %mul3A_139 : i32 to vector<16xi32>
    %mul3A_141 = arith.muli %broadcast_in_dim3A_70, %mul3A_140 : vector<16xi32>
    %add3A_142 = arith.addi %mul3A_141, %sub3A_126 : vector<16xi32>
    %swap3A_143 = arith.constant 0 : index
    %swap3A_144 = tpu.vector_load %arg7[%swap3A_143] {strides = array<i32>} : memref<16xi32, #tpu.memory_space<vmem>>, vector<16xi32>,
    tpu.vector_store %arg7[%swap3A_143], %broadcast_in_dim3A_70 {strides = array<i32>} : memref<16xi32, #tpu.memory_space<vmem>>, vector<16xi32>,
    %scan3A_145 = arith.constant 0 : i32
    %scan3A_146 = arith.constant 0 : i32
    %scan3A_147 = arith.constant 160 : i32
    %scan3A_148 = arith.addi %scan3A_146, %scan3A_147 : i32
    %scan3A_149 = arith.constant 1 : i32
    %scan3A_150 = scf.for %scan3A_1264 = %scan3A_146 to %scan3A_148 step %scan3A_149 iter_args(%scan3A_1265 = %scan3A_145) -> (i32)  : i32 {
      %mul3A_1266 = arith.constant 16 : i32
      %mul3A_1267 = arith.muli %scan3A_1264, %mul3A_1266 : i32
      %get3A_1268 = arith.index_cast %mul3A_1267 : i32 to index
      %get3A_1269 = tpu.vector_load %arg4[%get3A_1268] {strides = array<i32>} : memref<2560xi32, #tpu.memory_space<vmem>>, vector<16xi32>,
      %xor3A_1270 = arith.constant -2147483648 : i32
      %xor3A_1271 = vector.broadcast %xor3A_1270 : i32 to vector<16xi32>
      %xor3A_1272 = arith.xori %get3A_1269, %xor3A_1271 : vector<16xi32>
      %mul3A_1273 = arith.constant 16 : i32
      %mul3A_1274 = arith.muli %scan3A_1264, %mul3A_1273 : i32
      %add3A_1275 = vector.broadcast %mul3A_1274 : i32 to vector<16xi32>
      %add3A_1276 = arith.addi %add3A_1275, %iota3A : vector<16xi32>
      %lt3A_1277 = vector.broadcast %select_n3A_69 : i32 to vector<16xi32>
      %lt3A_1278 = arith.cmpi slt, %add3A_1276, %lt3A_1277 : vector<16xi32>
      %shift_right_logical3A = arith.constant 28 : i32
      %shift_right_logical3A_1279 = vector.broadcast %shift_right_logical3A : i32 to vector<16xi32>
      %shift_right_logical3A_1280 = arith.shrui %xor3A_1272, %shift_right_logical3A_1279 : vector<16xi32>
      %eq3A_1281 = arith.cmpi eq, %shift_right_logical3A_1280, %add3A_142 : vector<16xi32>
      %and3A_1282 = arith.andi %lt3A_1278, %eq3A_1281 : vector<16xi1>
      %shift_right_logical3A_1283 = arith.constant 24 : i32
      %shift_right_logical3A_1284 = vector.broadcast %shift_right_logical3A_1283 : i32 to vector<16xi32>
      %shift_right_logical3A_1285 = arith.shrui %xor3A_1272, %shift_right_logical3A_1284 : vector<16xi32>
      %and3A_1286 = arith.constant 15 : i32
      %and3A_1287 = vector.broadcast %and3A_1286 : i32 to vector<16xi32>
      %and3A_1288 = arith.andi %shift_right_logical3A_1285, %and3A_1287 : vector<16xi32>
      %xor3A_1289 = arith.constant 15 : i32
      %xor3A_1290 = vector.broadcast %xor3A_1289 : i32 to vector<16xi32>
      %xor3A_1291 = arith.xori %xor3A_1290, %and3A_1288 : vector<16xi32>
      tpu.vector_store_idx %arg7[%xor3A_1291], %broadcast_in_dim3A_75 masked %and3A_1282 {add = true} : memref<16xi32, #tpu.memory_space<vmem>>[vector<16xi32>], vector<16xi32>, vector<16xi1>
      %scan3A_1292 = arith.constant 0 : i32
      scf.yield %scan3A_1292 : i32
    }
    %scan3A_151 = arith.constant 160 : i32
    "tpu.region"() ({
      %run_scoped3A = tpu.sem_alloc : memref<!tpu.dma_semaphore, #tpu.memory_space<semaphore_mem>>
      %dma_start3A_1264 = arith.constant 0 : i32
      %dma_start3A_1265 = tpu.memref_slice %arg11[%arg1, %dma_start3A_1264] : memref<16x16xi32, #tpu.memory_space<vmem_shared>> -> memref<1x16xi32, #tpu.memory_space<vmem_shared>>
      %dma_start3A_1266 = tpu.memref_squeeze %dma_start3A_1265 : memref<1x16xi32, #tpu.memory_space<vmem_shared>> -> memref<16xi32, #tpu.memory_space<vmem_shared>>
      %dma_start3A_1267 = arith.constant 0 : i32
      %dma_start3A_1268 = tpu.memref_slice %arg11[%arg1, %dma_start3A_1267] : memref<16x16xi32, #tpu.memory_space<vmem_shared>> -> memref<1x16xi32, #tpu.memory_space<vmem_shared>>
      %dma_start3A_1269 = tpu.memref_squeeze %dma_start3A_1268 : memref<1x16xi32, #tpu.memory_space<vmem_shared>> -> memref<16xi32, #tpu.memory_space<vmem_shared>>
      tpu.enqueue_dma source(%arg7 : memref<16xi32, #tpu.memory_space<vmem>>) target(%dma_start3A_1269 : memref<16xi32, #tpu.memory_space<vmem_shared>>) target_semaphore(%run_scoped3A : memref<!tpu.dma_semaphore, #tpu.memory_space<semaphore_mem>>)
      %dma_wait3A_1270 = arith.constant 0 : i32
      %dma_wait3A_1271 = tpu.memref_slice %arg11[%arg1, %dma_wait3A_1270] : memref<16x16xi32, #tpu.memory_space<vmem_shared>> -> memref<1x16xi32, #tpu.memory_space<vmem_shared>>
      %dma_wait3A_1272 = tpu.memref_squeeze %dma_wait3A_1271 : memref<1x16xi32, #tpu.memory_space<vmem_shared>> -> memref<16xi32, #tpu.memory_space<vmem_shared>>
      %dma_wait3A_1273 = arith.constant 0 : i32
      %dma_wait3A_1274 = tpu.memref_slice %arg11[%arg1, %dma_wait3A_1273] : memref<16x16xi32, #tpu.memory_space<vmem_shared>> -> memref<1x16xi32, #tpu.memory_space<vmem_shared>>
      %dma_wait3A_1275 = tpu.memref_squeeze %dma_wait3A_1274 : memref<1x16xi32, #tpu.memory_space<vmem_shared>> -> memref<16xi32, #tpu.memory_space<vmem_shared>>
      tpu.wait_dma2 semaphore(%run_scoped3A : memref<!tpu.dma_semaphore, #tpu.memory_space<semaphore_mem>>) src(%arg7 : memref<16xi32, #tpu.memory_space<vmem>>) dst(%dma_wait3A_1275 : memref<16xi32, #tpu.memory_space<vmem_shared>>)
      tpu.yield
    }) : () -> ()
    %barrier3A_152 = arith.constant 0 : index
    tpu.barrier barrier_id(%barrier3A_152)
    "tpu.region"() ({
      %run_scoped3A = tpu.sem_alloc : memref<!tpu.dma_semaphore, #tpu.memory_space<semaphore_mem>>
      %dma_start3A_1264 = arith.constant 0 : i32
      %dma_start3A_1265 = tpu.memref_slice %arg11[%mul3A_59, %dma_start3A_1264] : memref<16x16xi32, #tpu.memory_space<vmem_shared>> -> memref<8x16xi32, #tpu.memory_space<vmem_shared>>
      %dma_start3A_1266 = arith.constant 0 : i32
      %dma_start3A_1267 = tpu.memref_slice %arg11[%mul3A_59, %dma_start3A_1266] : memref<16x16xi32, #tpu.memory_space<vmem_shared>> -> memref<8x16xi32, #tpu.memory_space<vmem_shared>>
      tpu.enqueue_dma source(%dma_start3A_1267 : memref<8x16xi32, #tpu.memory_space<vmem_shared>>) target(%arg9 : memref<8x16xi32, #tpu.memory_space<vmem>>) target_semaphore(%run_scoped3A : memref<!tpu.dma_semaphore, #tpu.memory_space<semaphore_mem>>)
      %dma_wait3A_1268 = arith.constant 0 : i32
      %dma_wait3A_1269 = tpu.memref_slice %arg11[%mul3A_59, %dma_wait3A_1268] : memref<16x16xi32, #tpu.memory_space<vmem_shared>> -> memref<8x16xi32, #tpu.memory_space<vmem_shared>>
      %dma_wait3A_1270 = arith.constant 0 : i32
      %dma_wait3A_1271 = tpu.memref_slice %arg11[%mul3A_59, %dma_wait3A_1270] : memref<16x16xi32, #tpu.memory_space<vmem_shared>> -> memref<8x16xi32, #tpu.memory_space<vmem_shared>>
      tpu.wait_dma2 semaphore(%run_scoped3A : memref<!tpu.dma_semaphore, #tpu.memory_space<semaphore_mem>>) src(%dma_wait3A_1271 : memref<8x16xi32, #tpu.memory_space<vmem_shared>>) dst(%arg9 : memref<8x16xi32, #tpu.memory_space<vmem>>)
      tpu.yield
    }) : () -> ()
    %barrier3A_153 = arith.constant 0 : index
    tpu.barrier barrier_id(%barrier3A_153)
    %get3A_154 = arith.constant 0 : i32
    %get3A_155 = arith.index_cast %get3A_154 : i32 to index
    %get3A_156 = arith.constant 0 : index
    %get3A_157 = tpu.vector_load %arg9[%get3A_155, %get3A_156] {strides = array<i32>} : memref<8x16xi32, #tpu.memory_space<vmem>>, vector<16xi32>,
    %get3A_158 = arith.constant 1 : i32
    %get3A_159 = arith.index_cast %get3A_158 : i32 to index
    %get3A_160 = arith.constant 0 : index
    %get3A_161 = tpu.vector_load %arg9[%get3A_159, %get3A_160] {strides = array<i32>} : memref<8x16xi32, #tpu.memory_space<vmem>>, vector<16xi32>,
    %add3A_162 = arith.addi %get3A_157, %get3A_161 : vector<16xi32>
    %get3A_163 = arith.constant 2 : i32
    %get3A_164 = arith.index_cast %get3A_163 : i32 to index
    %get3A_165 = arith.constant 0 : index
    %get3A_166 = tpu.vector_load %arg9[%get3A_164, %get3A_165] {strides = array<i32>} : memref<8x16xi32, #tpu.memory_space<vmem>>, vector<16xi32>,
    %add3A_167 = arith.addi %add3A_162, %get3A_166 : vector<16xi32>
    %get3A_168 = arith.constant 3 : i32
    %get3A_169 = arith.index_cast %get3A_168 : i32 to index
    %get3A_170 = arith.constant 0 : index
    %get3A_171 = tpu.vector_load %arg9[%get3A_169, %get3A_170] {strides = array<i32>} : memref<8x16xi32, #tpu.memory_space<vmem>>, vector<16xi32>,
    %add3A_172 = arith.addi %add3A_167, %get3A_171 : vector<16xi32>
    %get3A_173 = arith.constant 4 : i32
    %get3A_174 = arith.index_cast %get3A_173 : i32 to index
    %get3A_175 = arith.constant 0 : index
    %get3A_176 = tpu.vector_load %arg9[%get3A_174, %get3A_175] {strides = array<i32>} : memref<8x16xi32, #tpu.memory_space<vmem>>, vector<16xi32>,
    %add3A_177 = arith.addi %add3A_172, %get3A_176 : vector<16xi32>
    %get3A_178 = arith.constant 5 : i32
    %get3A_179 = arith.index_cast %get3A_178 : i32 to index
    %get3A_180 = arith.constant 0 : index
    %get3A_181 = tpu.vector_load %arg9[%get3A_179, %get3A_180] {strides = array<i32>} : memref<8x16xi32, #tpu.memory_space<vmem>>, vector<16xi32>,
    %add3A_182 = arith.addi %add3A_177, %get3A_181 : vector<16xi32>
    %get3A_183 = arith.constant 6 : i32
    %get3A_184 = arith.index_cast %get3A_183 : i32 to index
    %get3A_185 = arith.constant 0 : index
    %get3A_186 = tpu.vector_load %arg9[%get3A_184, %get3A_185] {strides = array<i32>} : memref<8x16xi32, #tpu.memory_space<vmem>>, vector<16xi32>,
    %add3A_187 = arith.addi %add3A_182, %get3A_186 : vector<16xi32>
    %get3A_188 = arith.constant 7 : i32
    %get3A_189 = arith.index_cast %get3A_188 : i32 to index
    %get3A_190 = arith.constant 0 : index
    %get3A_191 = tpu.vector_load %arg9[%get3A_189, %get3A_190] {strides = array<i32>} : memref<8x16xi32, #tpu.memory_space<vmem>>, vector<16xi32>,
    %add3A_192 = arith.addi %add3A_187, %get3A_191 : vector<16xi32>
    %broadcast_in_dim3A_193 = arith.constant true
    %broadcast_in_dim3A_194 = vector.broadcast %broadcast_in_dim3A_193 : i1 to vector<16xi1>
    %masked_cumsum3A_195 = tpu.scan <sum>, %add3A_192 masked %broadcast_in_dim3A_194 : vector<16xi32>, vector<16xi1> -> vector<16xi32>
    %ge3A_196 = arith.cmpi sge, %masked_cumsum3A_195, %sub3A_138 : vector<16xi32>
    %all_reduce_population_count3A_197 = tpu.all_reduce %ge3A_196 {dim = 0 : i64, kind = #tpu.reduction_kind<sum>} : vector<16xi1> -> vector<16xi32>
    %sub3A_198 = arith.constant 1 : i32
    %sub3A_199 = vector.broadcast %sub3A_198 : i32 to vector<16xi32>
    %sub3A_200 = arith.subi %all_reduce_population_count3A_197, %sub3A_199 : vector<16xi32>
    %jit3A_201 = arith.constant 0 : i32
    %broadcast_in_dim3A_202 = vector.broadcast %jit3A_201 : i32 to vector<16xi32>
    %select_n3A_203 = arith.select %ge3A_196, %broadcast_in_dim3A_202, %add3A_192 : vector<16xi1>, vector<16xi32>
    %broadcast_in_dim3A_204 = arith.constant true
    %broadcast_in_dim3A_205 = vector.broadcast %broadcast_in_dim3A_204 : i1 to vector<16xi1>
    %masked_cumsum3A_206 = tpu.scan <sum>, %select_n3A_203 masked %broadcast_in_dim3A_205 : vector<16xi32>, vector<16xi1> -> vector<16xi32>
    %swap3A_207 = arith.constant 0 : index
    %swap3A_208 = tpu.vector_load %arg8[%swap3A_207] {strides = array<i32>} : memref<16xi32, #tpu.memory_space<vmem>>, vector<16xi32>,
    tpu.vector_store %arg8[%swap3A_207], %masked_cumsum3A_206 {strides = array<i32>} : memref<16xi32, #tpu.memory_space<vmem>>, vector<16xi32>,
    %add3A_209 = arith.constant 15 : i32
    %add3A_210 = vector.broadcast %add3A_209 : i32 to vector<16xi32>
    %add3A_211 = arith.addi %broadcast_in_dim3A_70, %add3A_210 : vector<16xi32>
    %gather3A_212 = tpu.vector_load_idx %arg8[%add3A_211] : memref<16xi32, #tpu.memory_space<vmem>>[vector<16xi32>], vector<16xi32>,
    %sub3A_213 = arith.subi %sub3A_138, %gather3A_212 : vector<16xi32>
    %mul3A_214 = arith.constant 16 : i32
    %mul3A_215 = vector.broadcast %mul3A_214 : i32 to vector<16xi32>
    %mul3A_216 = arith.muli %add3A_142, %mul3A_215 : vector<16xi32>
    %add3A_217 = arith.addi %mul3A_216, %sub3A_200 : vector<16xi32>
    %swap3A_218 = arith.constant 0 : index
    %swap3A_219 = tpu.vector_load %arg7[%swap3A_218] {strides = array<i32>} : memref<16xi32, #tpu.memory_space<vmem>>, vector<16xi32>,
    tpu.vector_store %arg7[%swap3A_218], %broadcast_in_dim3A_70 {strides = array<i32>} : memref<16xi32, #tpu.memory_space<vmem>>, vector<16xi32>,
    %scan3A_220 = arith.constant 0 : i32
    %scan3A_221 = arith.constant 0 : i32
    %scan3A_222 = arith.constant 160 : i32
    %scan3A_223 = arith.addi %scan3A_221, %scan3A_222 : i32
    %scan3A_224 = arith.constant 1 : i32
    %scan3A_225 = scf.for %scan3A_1264 = %scan3A_221 to %scan3A_223 step %scan3A_224 iter_args(%scan3A_1265 = %scan3A_220) -> (i32)  : i32 {
      %mul3A_1266 = arith.constant 16 : i32
      %mul3A_1267 = arith.muli %scan3A_1264, %mul3A_1266 : i32
      %get3A_1268 = arith.index_cast %mul3A_1267 : i32 to index
      %get3A_1269 = tpu.vector_load %arg4[%get3A_1268] {strides = array<i32>} : memref<2560xi32, #tpu.memory_space<vmem>>, vector<16xi32>,
      %xor3A_1270 = arith.constant -2147483648 : i32
      %xor3A_1271 = vector.broadcast %xor3A_1270 : i32 to vector<16xi32>
      %xor3A_1272 = arith.xori %get3A_1269, %xor3A_1271 : vector<16xi32>
      %mul3A_1273 = arith.constant 16 : i32
      %mul3A_1274 = arith.muli %scan3A_1264, %mul3A_1273 : i32
      %add3A_1275 = vector.broadcast %mul3A_1274 : i32 to vector<16xi32>
      %add3A_1276 = arith.addi %add3A_1275, %iota3A : vector<16xi32>
      %lt3A_1277 = vector.broadcast %select_n3A_69 : i32 to vector<16xi32>
      %lt3A_1278 = arith.cmpi slt, %add3A_1276, %lt3A_1277 : vector<16xi32>
      %shift_right_logical3A = arith.constant 24 : i32
      %shift_right_logical3A_1279 = vector.broadcast %shift_right_logical3A : i32 to vector<16xi32>
      %shift_right_logical3A_1280 = arith.shrui %xor3A_1272, %shift_right_logical3A_1279 : vector<16xi32>
      %eq3A_1281 = arith.cmpi eq, %shift_right_logical3A_1280, %add3A_217 : vector<16xi32>
      %and3A_1282 = arith.andi %lt3A_1278, %eq3A_1281 : vector<16xi1>
      %shift_right_logical3A_1283 = arith.constant 20 : i32
      %shift_right_logical3A_1284 = vector.broadcast %shift_right_logical3A_1283 : i32 to vector<16xi32>
      %shift_right_logical3A_1285 = arith.shrui %xor3A_1272, %shift_right_logical3A_1284 : vector<16xi32>
      %and3A_1286 = arith.constant 15 : i32
      %and3A_1287 = vector.broadcast %and3A_1286 : i32 to vector<16xi32>
      %and3A_1288 = arith.andi %shift_right_logical3A_1285, %and3A_1287 : vector<16xi32>
      %xor3A_1289 = arith.constant 15 : i32
      %xor3A_1290 = vector.broadcast %xor3A_1289 : i32 to vector<16xi32>
      %xor3A_1291 = arith.xori %xor3A_1290, %and3A_1288 : vector<16xi32>
      tpu.vector_store_idx %arg7[%xor3A_1291], %broadcast_in_dim3A_75 masked %and3A_1282 {add = true} : memref<16xi32, #tpu.memory_space<vmem>>[vector<16xi32>], vector<16xi32>, vector<16xi1>
      %scan3A_1292 = arith.constant 0 : i32
      scf.yield %scan3A_1292 : i32
    }
    %scan3A_226 = arith.constant 160 : i32
    "tpu.region"() ({
      %run_scoped3A = tpu.sem_alloc : memref<!tpu.dma_semaphore, #tpu.memory_space<semaphore_mem>>
      %dma_start3A_1264 = arith.constant 0 : i32
      %dma_start3A_1265 = tpu.memref_slice %arg11[%arg1, %dma_start3A_1264] : memref<16x16xi32, #tpu.memory_space<vmem_shared>> -> memref<1x16xi32, #tpu.memory_space<vmem_shared>>
      %dma_start3A_1266 = tpu.memref_squeeze %dma_start3A_1265 : memref<1x16xi32, #tpu.memory_space<vmem_shared>> -> memref<16xi32, #tpu.memory_space<vmem_shared>>
      %dma_start3A_1267 = arith.constant 0 : i32
      %dma_start3A_1268 = tpu.memref_slice %arg11[%arg1, %dma_start3A_1267] : memref<16x16xi32, #tpu.memory_space<vmem_shared>> -> memref<1x16xi32, #tpu.memory_space<vmem_shared>>
      %dma_start3A_1269 = tpu.memref_squeeze %dma_start3A_1268 : memref<1x16xi32, #tpu.memory_space<vmem_shared>> -> memref<16xi32, #tpu.memory_space<vmem_shared>>
      tpu.enqueue_dma source(%arg7 : memref<16xi32, #tpu.memory_space<vmem>>) target(%dma_start3A_1269 : memref<16xi32, #tpu.memory_space<vmem_shared>>) target_semaphore(%run_scoped3A : memref<!tpu.dma_semaphore, #tpu.memory_space<semaphore_mem>>)
      %dma_wait3A_1270 = arith.constant 0 : i32
      %dma_wait3A_1271 = tpu.memref_slice %arg11[%arg1, %dma_wait3A_1270] : memref<16x16xi32, #tpu.memory_space<vmem_shared>> -> memref<1x16xi32, #tpu.memory_space<vmem_shared>>
      %dma_wait3A_1272 = tpu.memref_squeeze %dma_wait3A_1271 : memref<1x16xi32, #tpu.memory_space<vmem_shared>> -> memref<16xi32, #tpu.memory_space<vmem_shared>>
      %dma_wait3A_1273 = arith.constant 0 : i32
      %dma_wait3A_1274 = tpu.memref_slice %arg11[%arg1, %dma_wait3A_1273] : memref<16x16xi32, #tpu.memory_space<vmem_shared>> -> memref<1x16xi32, #tpu.memory_space<vmem_shared>>
      %dma_wait3A_1275 = tpu.memref_squeeze %dma_wait3A_1274 : memref<1x16xi32, #tpu.memory_space<vmem_shared>> -> memref<16xi32, #tpu.memory_space<vmem_shared>>
      tpu.wait_dma2 semaphore(%run_scoped3A : memref<!tpu.dma_semaphore, #tpu.memory_space<semaphore_mem>>) src(%arg7 : memref<16xi32, #tpu.memory_space<vmem>>) dst(%dma_wait3A_1275 : memref<16xi32, #tpu.memory_space<vmem_shared>>)
      tpu.yield
    }) : () -> ()
    %barrier3A_227 = arith.constant 0 : index
    tpu.barrier barrier_id(%barrier3A_227)
    "tpu.region"() ({
      %run_scoped3A = tpu.sem_alloc : memref<!tpu.dma_semaphore, #tpu.memory_space<semaphore_mem>>
      %dma_start3A_1264 = arith.constant 0 : i32
      %dma_start3A_1265 = tpu.memref_slice %arg11[%mul3A_59, %dma_start3A_1264] : memref<16x16xi32, #tpu.memory_space<vmem_shared>> -> memref<8x16xi32, #tpu.memory_space<vmem_shared>>
      %dma_start3A_1266 = arith.constant 0 : i32
      %dma_start3A_1267 = tpu.memref_slice %arg11[%mul3A_59, %dma_start3A_1266] : memref<16x16xi32, #tpu.memory_space<vmem_shared>> -> memref<8x16xi32, #tpu.memory_space<vmem_shared>>
      tpu.enqueue_dma source(%dma_start3A_1267 : memref<8x16xi32, #tpu.memory_space<vmem_shared>>) target(%arg9 : memref<8x16xi32, #tpu.memory_space<vmem>>) target_semaphore(%run_scoped3A : memref<!tpu.dma_semaphore, #tpu.memory_space<semaphore_mem>>)
      %dma_wait3A_1268 = arith.constant 0 : i32
      %dma_wait3A_1269 = tpu.memref_slice %arg11[%mul3A_59, %dma_wait3A_1268] : memref<16x16xi32, #tpu.memory_space<vmem_shared>> -> memref<8x16xi32, #tpu.memory_space<vmem_shared>>
      %dma_wait3A_1270 = arith.constant 0 : i32
      %dma_wait3A_1271 = tpu.memref_slice %arg11[%mul3A_59, %dma_wait3A_1270] : memref<16x16xi32, #tpu.memory_space<vmem_shared>> -> memref<8x16xi32, #tpu.memory_space<vmem_shared>>
      tpu.wait_dma2 semaphore(%run_scoped3A : memref<!tpu.dma_semaphore, #tpu.memory_space<semaphore_mem>>) src(%dma_wait3A_1271 : memref<8x16xi32, #tpu.memory_space<vmem_shared>>) dst(%arg9 : memref<8x16xi32, #tpu.memory_space<vmem>>)
      tpu.yield
    }) : () -> ()
    %barrier3A_228 = arith.constant 0 : index
    tpu.barrier barrier_id(%barrier3A_228)
    %get3A_229 = arith.constant 0 : i32
    %get3A_230 = arith.index_cast %get3A_229 : i32 to index
    %get3A_231 = arith.constant 0 : index
    %get3A_232 = tpu.vector_load %arg9[%get3A_230, %get3A_231] {strides = array<i32>} : memref<8x16xi32, #tpu.memory_space<vmem>>, vector<16xi32>,
    %get3A_233 = arith.constant 1 : i32
    %get3A_234 = arith.index_cast %get3A_233 : i32 to index
    %get3A_235 = arith.constant 0 : index
    %get3A_236 = tpu.vector_load %arg9[%get3A_234, %get3A_235] {strides = array<i32>} : memref<8x16xi32, #tpu.memory_space<vmem>>, vector<16xi32>,
    %add3A_237 = arith.addi %get3A_232, %get3A_236 : vector<16xi32>
    %get3A_238 = arith.constant 2 : i32
    %get3A_239 = arith.index_cast %get3A_238 : i32 to index
    %get3A_240 = arith.constant 0 : index
    %get3A_241 = tpu.vector_load %arg9[%get3A_239, %get3A_240] {strides = array<i32>} : memref<8x16xi32, #tpu.memory_space<vmem>>, vector<16xi32>,
    %add3A_242 = arith.addi %add3A_237, %get3A_241 : vector<16xi32>
    %get3A_243 = arith.constant 3 : i32
    %get3A_244 = arith.index_cast %get3A_243 : i32 to index
    %get3A_245 = arith.constant 0 : index
    %get3A_246 = tpu.vector_load %arg9[%get3A_244, %get3A_245] {strides = array<i32>} : memref<8x16xi32, #tpu.memory_space<vmem>>, vector<16xi32>,
    %add3A_247 = arith.addi %add3A_242, %get3A_246 : vector<16xi32>
    %get3A_248 = arith.constant 4 : i32
    %get3A_249 = arith.index_cast %get3A_248 : i32 to index
    %get3A_250 = arith.constant 0 : index
    %get3A_251 = tpu.vector_load %arg9[%get3A_249, %get3A_250] {strides = array<i32>} : memref<8x16xi32, #tpu.memory_space<vmem>>, vector<16xi32>,
    %add3A_252 = arith.addi %add3A_247, %get3A_251 : vector<16xi32>
    %get3A_253 = arith.constant 5 : i32
    %get3A_254 = arith.index_cast %get3A_253 : i32 to index
    %get3A_255 = arith.constant 0 : index
    %get3A_256 = tpu.vector_load %arg9[%get3A_254, %get3A_255] {strides = array<i32>} : memref<8x16xi32, #tpu.memory_space<vmem>>, vector<16xi32>,
    %add3A_257 = arith.addi %add3A_252, %get3A_256 : vector<16xi32>
    %get3A_258 = arith.constant 6 : i32
    %get3A_259 = arith.index_cast %get3A_258 : i32 to index
    %get3A_260 = arith.constant 0 : index
    %get3A_261 = tpu.vector_load %arg9[%get3A_259, %get3A_260] {strides = array<i32>} : memref<8x16xi32, #tpu.memory_space<vmem>>, vector<16xi32>,
    %add3A_262 = arith.addi %add3A_257, %get3A_261 : vector<16xi32>
    %get3A_263 = arith.constant 7 : i32
    %get3A_264 = arith.index_cast %get3A_263 : i32 to index
    %get3A_265 = arith.constant 0 : index
    %get3A_266 = tpu.vector_load %arg9[%get3A_264, %get3A_265] {strides = array<i32>} : memref<8x16xi32, #tpu.memory_space<vmem>>, vector<16xi32>,
    %add3A_267 = arith.addi %add3A_262, %get3A_266 : vector<16xi32>
    %broadcast_in_dim3A_268 = arith.constant true
    %broadcast_in_dim3A_269 = vector.broadcast %broadcast_in_dim3A_268 : i1 to vector<16xi1>
    %masked_cumsum3A_270 = tpu.scan <sum>, %add3A_267 masked %broadcast_in_dim3A_269 : vector<16xi32>, vector<16xi1> -> vector<16xi32>
    %ge3A_271 = arith.cmpi sge, %masked_cumsum3A_270, %sub3A_213 : vector<16xi32>
    %all_reduce_population_count3A_272 = tpu.all_reduce %ge3A_271 {dim = 0 : i64, kind = #tpu.reduction_kind<sum>} : vector<16xi1> -> vector<16xi32>
    %sub3A_273 = arith.constant 1 : i32
    %sub3A_274 = vector.broadcast %sub3A_273 : i32 to vector<16xi32>
    %sub3A_275 = arith.subi %all_reduce_population_count3A_272, %sub3A_274 : vector<16xi32>
    %jit3A_276 = arith.constant 0 : i32
    %broadcast_in_dim3A_277 = vector.broadcast %jit3A_276 : i32 to vector<16xi32>
    %select_n3A_278 = arith.select %ge3A_271, %broadcast_in_dim3A_277, %add3A_267 : vector<16xi1>, vector<16xi32>
    %broadcast_in_dim3A_279 = arith.constant true
    %broadcast_in_dim3A_280 = vector.broadcast %broadcast_in_dim3A_279 : i1 to vector<16xi1>
    %masked_cumsum3A_281 = tpu.scan <sum>, %select_n3A_278 masked %broadcast_in_dim3A_280 : vector<16xi32>, vector<16xi1> -> vector<16xi32>
    %swap3A_282 = arith.constant 0 : index
    %swap3A_283 = tpu.vector_load %arg8[%swap3A_282] {strides = array<i32>} : memref<16xi32, #tpu.memory_space<vmem>>, vector<16xi32>,
    tpu.vector_store %arg8[%swap3A_282], %masked_cumsum3A_281 {strides = array<i32>} : memref<16xi32, #tpu.memory_space<vmem>>, vector<16xi32>,
    %add3A_284 = arith.constant 15 : i32
    %add3A_285 = vector.broadcast %add3A_284 : i32 to vector<16xi32>
    %add3A_286 = arith.addi %broadcast_in_dim3A_70, %add3A_285 : vector<16xi32>
    %gather3A_287 = tpu.vector_load_idx %arg8[%add3A_286] : memref<16xi32, #tpu.memory_space<vmem>>[vector<16xi32>], vector<16xi32>,
    %sub3A_288 = arith.subi %sub3A_213, %gather3A_287 : vector<16xi32>
    %mul3A_289 = arith.constant 16 : i32
    %mul3A_290 = vector.broadcast %mul3A_289 : i32 to vector<16xi32>
    %mul3A_291 = arith.muli %add3A_217, %mul3A_290 : vector<16xi32>
    %add3A_292 = arith.addi %mul3A_291, %sub3A_275 : vector<16xi32>
    %swap3A_293 = arith.constant 0 : index
    %swap3A_294 = tpu.vector_load %arg7[%swap3A_293] {strides = array<i32>} : memref<16xi32, #tpu.memory_space<vmem>>, vector<16xi32>,
    tpu.vector_store %arg7[%swap3A_293], %broadcast_in_dim3A_70 {strides = array<i32>} : memref<16xi32, #tpu.memory_space<vmem>>, vector<16xi32>,
    %scan3A_295 = arith.constant 0 : i32
    %scan3A_296 = arith.constant 0 : i32
    %scan3A_297 = arith.constant 160 : i32
    %scan3A_298 = arith.addi %scan3A_296, %scan3A_297 : i32
    %scan3A_299 = arith.constant 1 : i32
    %scan3A_300 = scf.for %scan3A_1264 = %scan3A_296 to %scan3A_298 step %scan3A_299 iter_args(%scan3A_1265 = %scan3A_295) -> (i32)  : i32 {
      %mul3A_1266 = arith.constant 16 : i32
      %mul3A_1267 = arith.muli %scan3A_1264, %mul3A_1266 : i32
      %get3A_1268 = arith.index_cast %mul3A_1267 : i32 to index
      %get3A_1269 = tpu.vector_load %arg4[%get3A_1268] {strides = array<i32>} : memref<2560xi32, #tpu.memory_space<vmem>>, vector<16xi32>,
      %xor3A_1270 = arith.constant -2147483648 : i32
      %xor3A_1271 = vector.broadcast %xor3A_1270 : i32 to vector<16xi32>
      %xor3A_1272 = arith.xori %get3A_1269, %xor3A_1271 : vector<16xi32>
      %mul3A_1273 = arith.constant 16 : i32
      %mul3A_1274 = arith.muli %scan3A_1264, %mul3A_1273 : i32
      %add3A_1275 = vector.broadcast %mul3A_1274 : i32 to vector<16xi32>
      %add3A_1276 = arith.addi %add3A_1275, %iota3A : vector<16xi32>
      %lt3A_1277 = vector.broadcast %select_n3A_69 : i32 to vector<16xi32>
      %lt3A_1278 = arith.cmpi slt, %add3A_1276, %lt3A_1277 : vector<16xi32>
      %shift_right_logical3A = arith.constant 20 : i32
      %shift_right_logical3A_1279 = vector.broadcast %shift_right_logical3A : i32 to vector<16xi32>
      %shift_right_logical3A_1280 = arith.shrui %xor3A_1272, %shift_right_logical3A_1279 : vector<16xi32>
      %eq3A_1281 = arith.cmpi eq, %shift_right_logical3A_1280, %add3A_292 : vector<16xi32>
      %and3A_1282 = arith.andi %lt3A_1278, %eq3A_1281 : vector<16xi1>
      %shift_right_logical3A_1283 = arith.constant 16 : i32
      %shift_right_logical3A_1284 = vector.broadcast %shift_right_logical3A_1283 : i32 to vector<16xi32>
      %shift_right_logical3A_1285 = arith.shrui %xor3A_1272, %shift_right_logical3A_1284 : vector<16xi32>
      %and3A_1286 = arith.constant 15 : i32
      %and3A_1287 = vector.broadcast %and3A_1286 : i32 to vector<16xi32>
      %and3A_1288 = arith.andi %shift_right_logical3A_1285, %and3A_1287 : vector<16xi32>
      %xor3A_1289 = arith.constant 15 : i32
      %xor3A_1290 = vector.broadcast %xor3A_1289 : i32 to vector<16xi32>
      %xor3A_1291 = arith.xori %xor3A_1290, %and3A_1288 : vector<16xi32>
      tpu.vector_store_idx %arg7[%xor3A_1291], %broadcast_in_dim3A_75 masked %and3A_1282 {add = true} : memref<16xi32, #tpu.memory_space<vmem>>[vector<16xi32>], vector<16xi32>, vector<16xi1>
      %scan3A_1292 = arith.constant 0 : i32
      scf.yield %scan3A_1292 : i32
    }
    %scan3A_301 = arith.constant 160 : i32
    "tpu.region"() ({
      %run_scoped3A = tpu.sem_alloc : memref<!tpu.dma_semaphore, #tpu.memory_space<semaphore_mem>>
      %dma_start3A_1264 = arith.constant 0 : i32
      %dma_start3A_1265 = tpu.memref_slice %arg11[%arg1, %dma_start3A_1264] : memref<16x16xi32, #tpu.memory_space<vmem_shared>> -> memref<1x16xi32, #tpu.memory_space<vmem_shared>>
      %dma_start3A_1266 = tpu.memref_squeeze %dma_start3A_1265 : memref<1x16xi32, #tpu.memory_space<vmem_shared>> -> memref<16xi32, #tpu.memory_space<vmem_shared>>
      %dma_start3A_1267 = arith.constant 0 : i32
      %dma_start3A_1268 = tpu.memref_slice %arg11[%arg1, %dma_start3A_1267] : memref<16x16xi32, #tpu.memory_space<vmem_shared>> -> memref<1x16xi32, #tpu.memory_space<vmem_shared>>
      %dma_start3A_1269 = tpu.memref_squeeze %dma_start3A_1268 : memref<1x16xi32, #tpu.memory_space<vmem_shared>> -> memref<16xi32, #tpu.memory_space<vmem_shared>>
      tpu.enqueue_dma source(%arg7 : memref<16xi32, #tpu.memory_space<vmem>>) target(%dma_start3A_1269 : memref<16xi32, #tpu.memory_space<vmem_shared>>) target_semaphore(%run_scoped3A : memref<!tpu.dma_semaphore, #tpu.memory_space<semaphore_mem>>)
      %dma_wait3A_1270 = arith.constant 0 : i32
      %dma_wait3A_1271 = tpu.memref_slice %arg11[%arg1, %dma_wait3A_1270] : memref<16x16xi32, #tpu.memory_space<vmem_shared>> -> memref<1x16xi32, #tpu.memory_space<vmem_shared>>
      %dma_wait3A_1272 = tpu.memref_squeeze %dma_wait3A_1271 : memref<1x16xi32, #tpu.memory_space<vmem_shared>> -> memref<16xi32, #tpu.memory_space<vmem_shared>>
      %dma_wait3A_1273 = arith.constant 0 : i32
      %dma_wait3A_1274 = tpu.memref_slice %arg11[%arg1, %dma_wait3A_1273] : memref<16x16xi32, #tpu.memory_space<vmem_shared>> -> memref<1x16xi32, #tpu.memory_space<vmem_shared>>
      %dma_wait3A_1275 = tpu.memref_squeeze %dma_wait3A_1274 : memref<1x16xi32, #tpu.memory_space<vmem_shared>> -> memref<16xi32, #tpu.memory_space<vmem_shared>>
      tpu.wait_dma2 semaphore(%run_scoped3A : memref<!tpu.dma_semaphore, #tpu.memory_space<semaphore_mem>>) src(%arg7 : memref<16xi32, #tpu.memory_space<vmem>>) dst(%dma_wait3A_1275 : memref<16xi32, #tpu.memory_space<vmem_shared>>)
      tpu.yield
    }) : () -> ()
    %barrier3A_302 = arith.constant 0 : index
    tpu.barrier barrier_id(%barrier3A_302)
    "tpu.region"() ({
      %run_scoped3A = tpu.sem_alloc : memref<!tpu.dma_semaphore, #tpu.memory_space<semaphore_mem>>
      %dma_start3A_1264 = arith.constant 0 : i32
      %dma_start3A_1265 = tpu.memref_slice %arg11[%mul3A_59, %dma_start3A_1264] : memref<16x16xi32, #tpu.memory_space<vmem_shared>> -> memref<8x16xi32, #tpu.memory_space<vmem_shared>>
      %dma_start3A_1266 = arith.constant 0 : i32
      %dma_start3A_1267 = tpu.memref_slice %arg11[%mul3A_59, %dma_start3A_1266] : memref<16x16xi32, #tpu.memory_space<vmem_shared>> -> memref<8x16xi32, #tpu.memory_space<vmem_shared>>
      tpu.enqueue_dma source(%dma_start3A_1267 : memref<8x16xi32, #tpu.memory_space<vmem_shared>>) target(%arg9 : memref<8x16xi32, #tpu.memory_space<vmem>>) target_semaphore(%run_scoped3A : memref<!tpu.dma_semaphore, #tpu.memory_space<semaphore_mem>>)
      %dma_wait3A_1268 = arith.constant 0 : i32
      %dma_wait3A_1269 = tpu.memref_slice %arg11[%mul3A_59, %dma_wait3A_1268] : memref<16x16xi32, #tpu.memory_space<vmem_shared>> -> memref<8x16xi32, #tpu.memory_space<vmem_shared>>
      %dma_wait3A_1270 = arith.constant 0 : i32
      %dma_wait3A_1271 = tpu.memref_slice %arg11[%mul3A_59, %dma_wait3A_1270] : memref<16x16xi32, #tpu.memory_space<vmem_shared>> -> memref<8x16xi32, #tpu.memory_space<vmem_shared>>
      tpu.wait_dma2 semaphore(%run_scoped3A : memref<!tpu.dma_semaphore, #tpu.memory_space<semaphore_mem>>) src(%dma_wait3A_1271 : memref<8x16xi32, #tpu.memory_space<vmem_shared>>) dst(%arg9 : memref<8x16xi32, #tpu.memory_space<vmem>>)
      tpu.yield
    }) : () -> ()
    %barrier3A_303 = arith.constant 0 : index
    tpu.barrier barrier_id(%barrier3A_303)
    %get3A_304 = arith.constant 0 : i32
    %get3A_305 = arith.index_cast %get3A_304 : i32 to index
    %get3A_306 = arith.constant 0 : index
    %get3A_307 = tpu.vector_load %arg9[%get3A_305, %get3A_306] {strides = array<i32>} : memref<8x16xi32, #tpu.memory_space<vmem>>, vector<16xi32>,
    %get3A_308 = arith.constant 1 : i32
    %get3A_309 = arith.index_cast %get3A_308 : i32 to index
    %get3A_310 = arith.constant 0 : index
    %get3A_311 = tpu.vector_load %arg9[%get3A_309, %get3A_310] {strides = array<i32>} : memref<8x16xi32, #tpu.memory_space<vmem>>, vector<16xi32>,
    %add3A_312 = arith.addi %get3A_307, %get3A_311 : vector<16xi32>
    %get3A_313 = arith.constant 2 : i32
    %get3A_314 = arith.index_cast %get3A_313 : i32 to index
    %get3A_315 = arith.constant 0 : index
    %get3A_316 = tpu.vector_load %arg9[%get3A_314, %get3A_315] {strides = array<i32>} : memref<8x16xi32, #tpu.memory_space<vmem>>, vector<16xi32>,
    %add3A_317 = arith.addi %add3A_312, %get3A_316 : vector<16xi32>
    %get3A_318 = arith.constant 3 : i32
    %get3A_319 = arith.index_cast %get3A_318 : i32 to index
    %get3A_320 = arith.constant 0 : index
    %get3A_321 = tpu.vector_load %arg9[%get3A_319, %get3A_320] {strides = array<i32>} : memref<8x16xi32, #tpu.memory_space<vmem>>, vector<16xi32>,
    %add3A_322 = arith.addi %add3A_317, %get3A_321 : vector<16xi32>
    %get3A_323 = arith.constant 4 : i32
    %get3A_324 = arith.index_cast %get3A_323 : i32 to index
    %get3A_325 = arith.constant 0 : index
    %get3A_326 = tpu.vector_load %arg9[%get3A_324, %get3A_325] {strides = array<i32>} : memref<8x16xi32, #tpu.memory_space<vmem>>, vector<16xi32>,
    %add3A_327 = arith.addi %add3A_322, %get3A_326 : vector<16xi32>
    %get3A_328 = arith.constant 5 : i32
    %get3A_329 = arith.index_cast %get3A_328 : i32 to index
    %get3A_330 = arith.constant 0 : index
    %get3A_331 = tpu.vector_load %arg9[%get3A_329, %get3A_330] {strides = array<i32>} : memref<8x16xi32, #tpu.memory_space<vmem>>, vector<16xi32>,
    %add3A_332 = arith.addi %add3A_327, %get3A_331 : vector<16xi32>
    %get3A_333 = arith.constant 6 : i32
    %get3A_334 = arith.index_cast %get3A_333 : i32 to index
    %get3A_335 = arith.constant 0 : index
    %get3A_336 = tpu.vector_load %arg9[%get3A_334, %get3A_335] {strides = array<i32>} : memref<8x16xi32, #tpu.memory_space<vmem>>, vector<16xi32>,
    %add3A_337 = arith.addi %add3A_332, %get3A_336 : vector<16xi32>
    %get3A_338 = arith.constant 7 : i32
    %get3A_339 = arith.index_cast %get3A_338 : i32 to index
    %get3A_340 = arith.constant 0 : index
    %get3A_341 = tpu.vector_load %arg9[%get3A_339, %get3A_340] {strides = array<i32>} : memref<8x16xi32, #tpu.memory_space<vmem>>, vector<16xi32>,
    %add3A_342 = arith.addi %add3A_337, %get3A_341 : vector<16xi32>
    %broadcast_in_dim3A_343 = arith.constant true
    %broadcast_in_dim3A_344 = vector.broadcast %broadcast_in_dim3A_343 : i1 to vector<16xi1>
    %masked_cumsum3A_345 = tpu.scan <sum>, %add3A_342 masked %broadcast_in_dim3A_344 : vector<16xi32>, vector<16xi1> -> vector<16xi32>
    %ge3A_346 = arith.cmpi sge, %masked_cumsum3A_345, %sub3A_288 : vector<16xi32>
    %all_reduce_population_count3A_347 = tpu.all_reduce %ge3A_346 {dim = 0 : i64, kind = #tpu.reduction_kind<sum>} : vector<16xi1> -> vector<16xi32>
    %sub3A_348 = arith.constant 1 : i32
    %sub3A_349 = vector.broadcast %sub3A_348 : i32 to vector<16xi32>
    %sub3A_350 = arith.subi %all_reduce_population_count3A_347, %sub3A_349 : vector<16xi32>
    %jit3A_351 = arith.constant 0 : i32
    %broadcast_in_dim3A_352 = vector.broadcast %jit3A_351 : i32 to vector<16xi32>
    %select_n3A_353 = arith.select %ge3A_346, %broadcast_in_dim3A_352, %add3A_342 : vector<16xi1>, vector<16xi32>
    %broadcast_in_dim3A_354 = arith.constant true
    %broadcast_in_dim3A_355 = vector.broadcast %broadcast_in_dim3A_354 : i1 to vector<16xi1>
    %masked_cumsum3A_356 = tpu.scan <sum>, %select_n3A_353 masked %broadcast_in_dim3A_355 : vector<16xi32>, vector<16xi1> -> vector<16xi32>
    %swap3A_357 = arith.constant 0 : index
    %swap3A_358 = tpu.vector_load %arg8[%swap3A_357] {strides = array<i32>} : memref<16xi32, #tpu.memory_space<vmem>>, vector<16xi32>,
    tpu.vector_store %arg8[%swap3A_357], %masked_cumsum3A_356 {strides = array<i32>} : memref<16xi32, #tpu.memory_space<vmem>>, vector<16xi32>,
    %add3A_359 = arith.constant 15 : i32
    %add3A_360 = vector.broadcast %add3A_359 : i32 to vector<16xi32>
    %add3A_361 = arith.addi %broadcast_in_dim3A_70, %add3A_360 : vector<16xi32>
    %gather3A_362 = tpu.vector_load_idx %arg8[%add3A_361] : memref<16xi32, #tpu.memory_space<vmem>>[vector<16xi32>], vector<16xi32>,
    %sub3A_363 = arith.subi %sub3A_288, %gather3A_362 : vector<16xi32>
    %mul3A_364 = arith.constant 16 : i32
    %mul3A_365 = vector.broadcast %mul3A_364 : i32 to vector<16xi32>
    %mul3A_366 = arith.muli %add3A_292, %mul3A_365 : vector<16xi32>
    %add3A_367 = arith.addi %mul3A_366, %sub3A_350 : vector<16xi32>
    %swap3A_368 = arith.constant 0 : index
    %swap3A_369 = tpu.vector_load %arg7[%swap3A_368] {strides = array<i32>} : memref<16xi32, #tpu.memory_space<vmem>>, vector<16xi32>,
    tpu.vector_store %arg7[%swap3A_368], %broadcast_in_dim3A_70 {strides = array<i32>} : memref<16xi32, #tpu.memory_space<vmem>>, vector<16xi32>,
    %scan3A_370 = arith.constant 0 : i32
    %scan3A_371 = arith.constant 0 : i32
    %scan3A_372 = arith.constant 160 : i32
    %scan3A_373 = arith.addi %scan3A_371, %scan3A_372 : i32
    %scan3A_374 = arith.constant 1 : i32
    %scan3A_375 = scf.for %scan3A_1264 = %scan3A_371 to %scan3A_373 step %scan3A_374 iter_args(%scan3A_1265 = %scan3A_370) -> (i32)  : i32 {
      %mul3A_1266 = arith.constant 16 : i32
      %mul3A_1267 = arith.muli %scan3A_1264, %mul3A_1266 : i32
      %get3A_1268 = arith.index_cast %mul3A_1267 : i32 to index
      %get3A_1269 = tpu.vector_load %arg4[%get3A_1268] {strides = array<i32>} : memref<2560xi32, #tpu.memory_space<vmem>>, vector<16xi32>,
      %xor3A_1270 = arith.constant -2147483648 : i32
      %xor3A_1271 = vector.broadcast %xor3A_1270 : i32 to vector<16xi32>
      %xor3A_1272 = arith.xori %get3A_1269, %xor3A_1271 : vector<16xi32>
      %mul3A_1273 = arith.constant 16 : i32
      %mul3A_1274 = arith.muli %scan3A_1264, %mul3A_1273 : i32
      %add3A_1275 = vector.broadcast %mul3A_1274 : i32 to vector<16xi32>
      %add3A_1276 = arith.addi %add3A_1275, %iota3A : vector<16xi32>
      %lt3A_1277 = vector.broadcast %select_n3A_69 : i32 to vector<16xi32>
      %lt3A_1278 = arith.cmpi slt, %add3A_1276, %lt3A_1277 : vector<16xi32>
      %shift_right_logical3A = arith.constant 16 : i32
      %shift_right_logical3A_1279 = vector.broadcast %shift_right_logical3A : i32 to vector<16xi32>
      %shift_right_logical3A_1280 = arith.shrui %xor3A_1272, %shift_right_logical3A_1279 : vector<16xi32>
      %eq3A_1281 = arith.cmpi eq, %shift_right_logical3A_1280, %add3A_367 : vector<16xi32>
      %and3A_1282 = arith.andi %lt3A_1278, %eq3A_1281 : vector<16xi1>
      %shift_right_logical3A_1283 = arith.constant 12 : i32
      %shift_right_logical3A_1284 = vector.broadcast %shift_right_logical3A_1283 : i32 to vector<16xi32>
      %shift_right_logical3A_1285 = arith.shrui %xor3A_1272, %shift_right_logical3A_1284 : vector<16xi32>
      %and3A_1286 = arith.constant 15 : i32
      %and3A_1287 = vector.broadcast %and3A_1286 : i32 to vector<16xi32>
      %and3A_1288 = arith.andi %shift_right_logical3A_1285, %and3A_1287 : vector<16xi32>
      %xor3A_1289 = arith.constant 15 : i32
      %xor3A_1290 = vector.broadcast %xor3A_1289 : i32 to vector<16xi32>
      %xor3A_1291 = arith.xori %xor3A_1290, %and3A_1288 : vector<16xi32>
      tpu.vector_store_idx %arg7[%xor3A_1291], %broadcast_in_dim3A_75 masked %and3A_1282 {add = true} : memref<16xi32, #tpu.memory_space<vmem>>[vector<16xi32>], vector<16xi32>, vector<16xi1>
      %scan3A_1292 = arith.constant 0 : i32
      scf.yield %scan3A_1292 : i32
    }
    %scan3A_376 = arith.constant 160 : i32
    "tpu.region"() ({
      %run_scoped3A = tpu.sem_alloc : memref<!tpu.dma_semaphore, #tpu.memory_space<semaphore_mem>>
      %dma_start3A_1264 = arith.constant 0 : i32
      %dma_start3A_1265 = tpu.memref_slice %arg11[%arg1, %dma_start3A_1264] : memref<16x16xi32, #tpu.memory_space<vmem_shared>> -> memref<1x16xi32, #tpu.memory_space<vmem_shared>>
      %dma_start3A_1266 = tpu.memref_squeeze %dma_start3A_1265 : memref<1x16xi32, #tpu.memory_space<vmem_shared>> -> memref<16xi32, #tpu.memory_space<vmem_shared>>
      %dma_start3A_1267 = arith.constant 0 : i32
      %dma_start3A_1268 = tpu.memref_slice %arg11[%arg1, %dma_start3A_1267] : memref<16x16xi32, #tpu.memory_space<vmem_shared>> -> memref<1x16xi32, #tpu.memory_space<vmem_shared>>
      %dma_start3A_1269 = tpu.memref_squeeze %dma_start3A_1268 : memref<1x16xi32, #tpu.memory_space<vmem_shared>> -> memref<16xi32, #tpu.memory_space<vmem_shared>>
      tpu.enqueue_dma source(%arg7 : memref<16xi32, #tpu.memory_space<vmem>>) target(%dma_start3A_1269 : memref<16xi32, #tpu.memory_space<vmem_shared>>) target_semaphore(%run_scoped3A : memref<!tpu.dma_semaphore, #tpu.memory_space<semaphore_mem>>)
      %dma_wait3A_1270 = arith.constant 0 : i32
      %dma_wait3A_1271 = tpu.memref_slice %arg11[%arg1, %dma_wait3A_1270] : memref<16x16xi32, #tpu.memory_space<vmem_shared>> -> memref<1x16xi32, #tpu.memory_space<vmem_shared>>
      %dma_wait3A_1272 = tpu.memref_squeeze %dma_wait3A_1271 : memref<1x16xi32, #tpu.memory_space<vmem_shared>> -> memref<16xi32, #tpu.memory_space<vmem_shared>>
      %dma_wait3A_1273 = arith.constant 0 : i32
      %dma_wait3A_1274 = tpu.memref_slice %arg11[%arg1, %dma_wait3A_1273] : memref<16x16xi32, #tpu.memory_space<vmem_shared>> -> memref<1x16xi32, #tpu.memory_space<vmem_shared>>
      %dma_wait3A_1275 = tpu.memref_squeeze %dma_wait3A_1274 : memref<1x16xi32, #tpu.memory_space<vmem_shared>> -> memref<16xi32, #tpu.memory_space<vmem_shared>>
      tpu.wait_dma2 semaphore(%run_scoped3A : memref<!tpu.dma_semaphore, #tpu.memory_space<semaphore_mem>>) src(%arg7 : memref<16xi32, #tpu.memory_space<vmem>>) dst(%dma_wait3A_1275 : memref<16xi32, #tpu.memory_space<vmem_shared>>)
      tpu.yield
    }) : () -> ()
    %barrier3A_377 = arith.constant 0 : index
    tpu.barrier barrier_id(%barrier3A_377)
    "tpu.region"() ({
      %run_scoped3A = tpu.sem_alloc : memref<!tpu.dma_semaphore, #tpu.memory_space<semaphore_mem>>
      %dma_start3A_1264 = arith.constant 0 : i32
      %dma_start3A_1265 = tpu.memref_slice %arg11[%mul3A_59, %dma_start3A_1264] : memref<16x16xi32, #tpu.memory_space<vmem_shared>> -> memref<8x16xi32, #tpu.memory_space<vmem_shared>>
      %dma_start3A_1266 = arith.constant 0 : i32
      %dma_start3A_1267 = tpu.memref_slice %arg11[%mul3A_59, %dma_start3A_1266] : memref<16x16xi32, #tpu.memory_space<vmem_shared>> -> memref<8x16xi32, #tpu.memory_space<vmem_shared>>
      tpu.enqueue_dma source(%dma_start3A_1267 : memref<8x16xi32, #tpu.memory_space<vmem_shared>>) target(%arg9 : memref<8x16xi32, #tpu.memory_space<vmem>>) target_semaphore(%run_scoped3A : memref<!tpu.dma_semaphore, #tpu.memory_space<semaphore_mem>>)
      %dma_wait3A_1268 = arith.constant 0 : i32
      %dma_wait3A_1269 = tpu.memref_slice %arg11[%mul3A_59, %dma_wait3A_1268] : memref<16x16xi32, #tpu.memory_space<vmem_shared>> -> memref<8x16xi32, #tpu.memory_space<vmem_shared>>
      %dma_wait3A_1270 = arith.constant 0 : i32
      %dma_wait3A_1271 = tpu.memref_slice %arg11[%mul3A_59, %dma_wait3A_1270] : memref<16x16xi32, #tpu.memory_space<vmem_shared>> -> memref<8x16xi32, #tpu.memory_space<vmem_shared>>
      tpu.wait_dma2 semaphore(%run_scoped3A : memref<!tpu.dma_semaphore, #tpu.memory_space<semaphore_mem>>) src(%dma_wait3A_1271 : memref<8x16xi32, #tpu.memory_space<vmem_shared>>) dst(%arg9 : memref<8x16xi32, #tpu.memory_space<vmem>>)
      tpu.yield
    }) : () -> ()
    %barrier3A_378 = arith.constant 0 : index
    tpu.barrier barrier_id(%barrier3A_378)
    %get3A_379 = arith.constant 0 : i32
    %get3A_380 = arith.index_cast %get3A_379 : i32 to index
    %get3A_381 = arith.constant 0 : index
    %get3A_382 = tpu.vector_load %arg9[%get3A_380, %get3A_381] {strides = array<i32>} : memref<8x16xi32, #tpu.memory_space<vmem>>, vector<16xi32>,
    %get3A_383 = arith.constant 1 : i32
    %get3A_384 = arith.index_cast %get3A_383 : i32 to index
    %get3A_385 = arith.constant 0 : index
    %get3A_386 = tpu.vector_load %arg9[%get3A_384, %get3A_385] {strides = array<i32>} : memref<8x16xi32, #tpu.memory_space<vmem>>, vector<16xi32>,
    %add3A_387 = arith.addi %get3A_382, %get3A_386 : vector<16xi32>
    %get3A_388 = arith.constant 2 : i32
    %get3A_389 = arith.index_cast %get3A_388 : i32 to index
    %get3A_390 = arith.constant 0 : index
    %get3A_391 = tpu.vector_load %arg9[%get3A_389, %get3A_390] {strides = array<i32>} : memref<8x16xi32, #tpu.memory_space<vmem>>, vector<16xi32>,
    %add3A_392 = arith.addi %add3A_387, %get3A_391 : vector<16xi32>
    %get3A_393 = arith.constant 3 : i32
    %get3A_394 = arith.index_cast %get3A_393 : i32 to index
    %get3A_395 = arith.constant 0 : index
    %get3A_396 = tpu.vector_load %arg9[%get3A_394, %get3A_395] {strides = array<i32>} : memref<8x16xi32, #tpu.memory_space<vmem>>, vector<16xi32>,
    %add3A_397 = arith.addi %add3A_392, %get3A_396 : vector<16xi32>
    %get3A_398 = arith.constant 4 : i32
    %get3A_399 = arith.index_cast %get3A_398 : i32 to index
    %get3A_400 = arith.constant 0 : index
    %get3A_401 = tpu.vector_load %arg9[%get3A_399, %get3A_400] {strides = array<i32>} : memref<8x16xi32, #tpu.memory_space<vmem>>, vector<16xi32>,
    %add3A_402 = arith.addi %add3A_397, %get3A_401 : vector<16xi32>
    %get3A_403 = arith.constant 5 : i32
    %get3A_404 = arith.index_cast %get3A_403 : i32 to index
    %get3A_405 = arith.constant 0 : index
    %get3A_406 = tpu.vector_load %arg9[%get3A_404, %get3A_405] {strides = array<i32>} : memref<8x16xi32, #tpu.memory_space<vmem>>, vector<16xi32>,
    %add3A_407 = arith.addi %add3A_402, %get3A_406 : vector<16xi32>
    %get3A_408 = arith.constant 6 : i32
    %get3A_409 = arith.index_cast %get3A_408 : i32 to index
    %get3A_410 = arith.constant 0 : index
    %get3A_411 = tpu.vector_load %arg9[%get3A_409, %get3A_410] {strides = array<i32>} : memref<8x16xi32, #tpu.memory_space<vmem>>, vector<16xi32>,
    %add3A_412 = arith.addi %add3A_407, %get3A_411 : vector<16xi32>
    %get3A_413 = arith.constant 7 : i32
    %get3A_414 = arith.index_cast %get3A_413 : i32 to index
    %get3A_415 = arith.constant 0 : index
    %get3A_416 = tpu.vector_load %arg9[%get3A_414, %get3A_415] {strides = array<i32>} : memref<8x16xi32, #tpu.memory_space<vmem>>, vector<16xi32>,
    %add3A_417 = arith.addi %add3A_412, %get3A_416 : vector<16xi32>
    %broadcast_in_dim3A_418 = arith.constant true
    %broadcast_in_dim3A_419 = vector.broadcast %broadcast_in_dim3A_418 : i1 to vector<16xi1>
    %masked_cumsum3A_420 = tpu.scan <sum>, %add3A_417 masked %broadcast_in_dim3A_419 : vector<16xi32>, vector<16xi1> -> vector<16xi32>
    %ge3A_421 = arith.cmpi sge, %masked_cumsum3A_420, %sub3A_363 : vector<16xi32>
    %all_reduce_population_count3A_422 = tpu.all_reduce %ge3A_421 {dim = 0 : i64, kind = #tpu.reduction_kind<sum>} : vector<16xi1> -> vector<16xi32>
    %sub3A_423 = arith.constant 1 : i32
    %sub3A_424 = vector.broadcast %sub3A_423 : i32 to vector<16xi32>
    %sub3A_425 = arith.subi %all_reduce_population_count3A_422, %sub3A_424 : vector<16xi32>
    %jit3A_426 = arith.constant 0 : i32
    %broadcast_in_dim3A_427 = vector.broadcast %jit3A_426 : i32 to vector<16xi32>
    %select_n3A_428 = arith.select %ge3A_421, %broadcast_in_dim3A_427, %add3A_417 : vector<16xi1>, vector<16xi32>
    %broadcast_in_dim3A_429 = arith.constant true
    %broadcast_in_dim3A_430 = vector.broadcast %broadcast_in_dim3A_429 : i1 to vector<16xi1>
    %masked_cumsum3A_431 = tpu.scan <sum>, %select_n3A_428 masked %broadcast_in_dim3A_430 : vector<16xi32>, vector<16xi1> -> vector<16xi32>
    %swap3A_432 = arith.constant 0 : index
    %swap3A_433 = tpu.vector_load %arg8[%swap3A_432] {strides = array<i32>} : memref<16xi32, #tpu.memory_space<vmem>>, vector<16xi32>,
    tpu.vector_store %arg8[%swap3A_432], %masked_cumsum3A_431 {strides = array<i32>} : memref<16xi32, #tpu.memory_space<vmem>>, vector<16xi32>,
    %add3A_434 = arith.constant 15 : i32
    %add3A_435 = vector.broadcast %add3A_434 : i32 to vector<16xi32>
    %add3A_436 = arith.addi %broadcast_in_dim3A_70, %add3A_435 : vector<16xi32>
    %gather3A_437 = tpu.vector_load_idx %arg8[%add3A_436] : memref<16xi32, #tpu.memory_space<vmem>>[vector<16xi32>], vector<16xi32>,
    %sub3A_438 = arith.subi %sub3A_363, %gather3A_437 : vector<16xi32>
    %mul3A_439 = arith.constant 16 : i32
    %mul3A_440 = vector.broadcast %mul3A_439 : i32 to vector<16xi32>
    %mul3A_441 = arith.muli %add3A_367, %mul3A_440 : vector<16xi32>
    %add3A_442 = arith.addi %mul3A_441, %sub3A_425 : vector<16xi32>
    %swap3A_443 = arith.constant 0 : index
    %swap3A_444 = tpu.vector_load %arg7[%swap3A_443] {strides = array<i32>} : memref<16xi32, #tpu.memory_space<vmem>>, vector<16xi32>,
    tpu.vector_store %arg7[%swap3A_443], %broadcast_in_dim3A_70 {strides = array<i32>} : memref<16xi32, #tpu.memory_space<vmem>>, vector<16xi32>,
    %scan3A_445 = arith.constant 0 : i32
    %scan3A_446 = arith.constant 0 : i32
    %scan3A_447 = arith.constant 160 : i32
    %scan3A_448 = arith.addi %scan3A_446, %scan3A_447 : i32
    %scan3A_449 = arith.constant 1 : i32
    %scan3A_450 = scf.for %scan3A_1264 = %scan3A_446 to %scan3A_448 step %scan3A_449 iter_args(%scan3A_1265 = %scan3A_445) -> (i32)  : i32 {
      %mul3A_1266 = arith.constant 16 : i32
      %mul3A_1267 = arith.muli %scan3A_1264, %mul3A_1266 : i32
      %get3A_1268 = arith.index_cast %mul3A_1267 : i32 to index
      %get3A_1269 = tpu.vector_load %arg4[%get3A_1268] {strides = array<i32>} : memref<2560xi32, #tpu.memory_space<vmem>>, vector<16xi32>,
      %xor3A_1270 = arith.constant -2147483648 : i32
      %xor3A_1271 = vector.broadcast %xor3A_1270 : i32 to vector<16xi32>
      %xor3A_1272 = arith.xori %get3A_1269, %xor3A_1271 : vector<16xi32>
      %mul3A_1273 = arith.constant 16 : i32
      %mul3A_1274 = arith.muli %scan3A_1264, %mul3A_1273 : i32
      %add3A_1275 = vector.broadcast %mul3A_1274 : i32 to vector<16xi32>
      %add3A_1276 = arith.addi %add3A_1275, %iota3A : vector<16xi32>
      %lt3A_1277 = vector.broadcast %select_n3A_69 : i32 to vector<16xi32>
      %lt3A_1278 = arith.cmpi slt, %add3A_1276, %lt3A_1277 : vector<16xi32>
      %shift_right_logical3A = arith.constant 12 : i32
      %shift_right_logical3A_1279 = vector.broadcast %shift_right_logical3A : i32 to vector<16xi32>
      %shift_right_logical3A_1280 = arith.shrui %xor3A_1272, %shift_right_logical3A_1279 : vector<16xi32>
      %eq3A_1281 = arith.cmpi eq, %shift_right_logical3A_1280, %add3A_442 : vector<16xi32>
      %and3A_1282 = arith.andi %lt3A_1278, %eq3A_1281 : vector<16xi1>
      %shift_right_logical3A_1283 = arith.constant 8 : i32
      %shift_right_logical3A_1284 = vector.broadcast %shift_right_logical3A_1283 : i32 to vector<16xi32>
      %shift_right_logical3A_1285 = arith.shrui %xor3A_1272, %shift_right_logical3A_1284 : vector<16xi32>
      %and3A_1286 = arith.constant 15 : i32
      %and3A_1287 = vector.broadcast %and3A_1286 : i32 to vector<16xi32>
      %and3A_1288 = arith.andi %shift_right_logical3A_1285, %and3A_1287 : vector<16xi32>
      %xor3A_1289 = arith.constant 15 : i32
      %xor3A_1290 = vector.broadcast %xor3A_1289 : i32 to vector<16xi32>
      %xor3A_1291 = arith.xori %xor3A_1290, %and3A_1288 : vector<16xi32>
      tpu.vector_store_idx %arg7[%xor3A_1291], %broadcast_in_dim3A_75 masked %and3A_1282 {add = true} : memref<16xi32, #tpu.memory_space<vmem>>[vector<16xi32>], vector<16xi32>, vector<16xi1>
      %scan3A_1292 = arith.constant 0 : i32
      scf.yield %scan3A_1292 : i32
    }
    %scan3A_451 = arith.constant 160 : i32
    "tpu.region"() ({
      %run_scoped3A = tpu.sem_alloc : memref<!tpu.dma_semaphore, #tpu.memory_space<semaphore_mem>>
      %dma_start3A_1264 = arith.constant 0 : i32
      %dma_start3A_1265 = tpu.memref_slice %arg11[%arg1, %dma_start3A_1264] : memref<16x16xi32, #tpu.memory_space<vmem_shared>> -> memref<1x16xi32, #tpu.memory_space<vmem_shared>>
      %dma_start3A_1266 = tpu.memref_squeeze %dma_start3A_1265 : memref<1x16xi32, #tpu.memory_space<vmem_shared>> -> memref<16xi32, #tpu.memory_space<vmem_shared>>
      %dma_start3A_1267 = arith.constant 0 : i32
      %dma_start3A_1268 = tpu.memref_slice %arg11[%arg1, %dma_start3A_1267] : memref<16x16xi32, #tpu.memory_space<vmem_shared>> -> memref<1x16xi32, #tpu.memory_space<vmem_shared>>
      %dma_start3A_1269 = tpu.memref_squeeze %dma_start3A_1268 : memref<1x16xi32, #tpu.memory_space<vmem_shared>> -> memref<16xi32, #tpu.memory_space<vmem_shared>>
      tpu.enqueue_dma source(%arg7 : memref<16xi32, #tpu.memory_space<vmem>>) target(%dma_start3A_1269 : memref<16xi32, #tpu.memory_space<vmem_shared>>) target_semaphore(%run_scoped3A : memref<!tpu.dma_semaphore, #tpu.memory_space<semaphore_mem>>)
      %dma_wait3A_1270 = arith.constant 0 : i32
      %dma_wait3A_1271 = tpu.memref_slice %arg11[%arg1, %dma_wait3A_1270] : memref<16x16xi32, #tpu.memory_space<vmem_shared>> -> memref<1x16xi32, #tpu.memory_space<vmem_shared>>
      %dma_wait3A_1272 = tpu.memref_squeeze %dma_wait3A_1271 : memref<1x16xi32, #tpu.memory_space<vmem_shared>> -> memref<16xi32, #tpu.memory_space<vmem_shared>>
      %dma_wait3A_1273 = arith.constant 0 : i32
      %dma_wait3A_1274 = tpu.memref_slice %arg11[%arg1, %dma_wait3A_1273] : memref<16x16xi32, #tpu.memory_space<vmem_shared>> -> memref<1x16xi32, #tpu.memory_space<vmem_shared>>
      %dma_wait3A_1275 = tpu.memref_squeeze %dma_wait3A_1274 : memref<1x16xi32, #tpu.memory_space<vmem_shared>> -> memref<16xi32, #tpu.memory_space<vmem_shared>>
      tpu.wait_dma2 semaphore(%run_scoped3A : memref<!tpu.dma_semaphore, #tpu.memory_space<semaphore_mem>>) src(%arg7 : memref<16xi32, #tpu.memory_space<vmem>>) dst(%dma_wait3A_1275 : memref<16xi32, #tpu.memory_space<vmem_shared>>)
      tpu.yield
    }) : () -> ()
    %barrier3A_452 = arith.constant 0 : index
    tpu.barrier barrier_id(%barrier3A_452)
    "tpu.region"() ({
      %run_scoped3A = tpu.sem_alloc : memref<!tpu.dma_semaphore, #tpu.memory_space<semaphore_mem>>
      %dma_start3A_1264 = arith.constant 0 : i32
      %dma_start3A_1265 = tpu.memref_slice %arg11[%mul3A_59, %dma_start3A_1264] : memref<16x16xi32, #tpu.memory_space<vmem_shared>> -> memref<8x16xi32, #tpu.memory_space<vmem_shared>>
      %dma_start3A_1266 = arith.constant 0 : i32
      %dma_start3A_1267 = tpu.memref_slice %arg11[%mul3A_59, %dma_start3A_1266] : memref<16x16xi32, #tpu.memory_space<vmem_shared>> -> memref<8x16xi32, #tpu.memory_space<vmem_shared>>
      tpu.enqueue_dma source(%dma_start3A_1267 : memref<8x16xi32, #tpu.memory_space<vmem_shared>>) target(%arg9 : memref<8x16xi32, #tpu.memory_space<vmem>>) target_semaphore(%run_scoped3A : memref<!tpu.dma_semaphore, #tpu.memory_space<semaphore_mem>>)
      %dma_wait3A_1268 = arith.constant 0 : i32
      %dma_wait3A_1269 = tpu.memref_slice %arg11[%mul3A_59, %dma_wait3A_1268] : memref<16x16xi32, #tpu.memory_space<vmem_shared>> -> memref<8x16xi32, #tpu.memory_space<vmem_shared>>
      %dma_wait3A_1270 = arith.constant 0 : i32
      %dma_wait3A_1271 = tpu.memref_slice %arg11[%mul3A_59, %dma_wait3A_1270] : memref<16x16xi32, #tpu.memory_space<vmem_shared>> -> memref<8x16xi32, #tpu.memory_space<vmem_shared>>
      tpu.wait_dma2 semaphore(%run_scoped3A : memref<!tpu.dma_semaphore, #tpu.memory_space<semaphore_mem>>) src(%dma_wait3A_1271 : memref<8x16xi32, #tpu.memory_space<vmem_shared>>) dst(%arg9 : memref<8x16xi32, #tpu.memory_space<vmem>>)
      tpu.yield
    }) : () -> ()
    %barrier3A_453 = arith.constant 0 : index
    tpu.barrier barrier_id(%barrier3A_453)
    %get3A_454 = arith.constant 0 : i32
    %get3A_455 = arith.index_cast %get3A_454 : i32 to index
    %get3A_456 = arith.constant 0 : index
    %get3A_457 = tpu.vector_load %arg9[%get3A_455, %get3A_456] {strides = array<i32>} : memref<8x16xi32, #tpu.memory_space<vmem>>, vector<16xi32>,
    %get3A_458 = arith.constant 1 : i32
    %get3A_459 = arith.index_cast %get3A_458 : i32 to index
    %get3A_460 = arith.constant 0 : index
    %get3A_461 = tpu.vector_load %arg9[%get3A_459, %get3A_460] {strides = array<i32>} : memref<8x16xi32, #tpu.memory_space<vmem>>, vector<16xi32>,
    %add3A_462 = arith.addi %get3A_457, %get3A_461 : vector<16xi32>
    %get3A_463 = arith.constant 2 : i32
    %get3A_464 = arith.index_cast %get3A_463 : i32 to index
    %get3A_465 = arith.constant 0 : index
    %get3A_466 = tpu.vector_load %arg9[%get3A_464, %get3A_465] {strides = array<i32>} : memref<8x16xi32, #tpu.memory_space<vmem>>, vector<16xi32>,
    %add3A_467 = arith.addi %add3A_462, %get3A_466 : vector<16xi32>
    %get3A_468 = arith.constant 3 : i32
    %get3A_469 = arith.index_cast %get3A_468 : i32 to index
    %get3A_470 = arith.constant 0 : index
    %get3A_471 = tpu.vector_load %arg9[%get3A_469, %get3A_470] {strides = array<i32>} : memref<8x16xi32, #tpu.memory_space<vmem>>, vector<16xi32>,
    %add3A_472 = arith.addi %add3A_467, %get3A_471 : vector<16xi32>
    %get3A_473 = arith.constant 4 : i32
    %get3A_474 = arith.index_cast %get3A_473 : i32 to index
    %get3A_475 = arith.constant 0 : index
    %get3A_476 = tpu.vector_load %arg9[%get3A_474, %get3A_475] {strides = array<i32>} : memref<8x16xi32, #tpu.memory_space<vmem>>, vector<16xi32>,
    %add3A_477 = arith.addi %add3A_472, %get3A_476 : vector<16xi32>
    %get3A_478 = arith.constant 5 : i32
    %get3A_479 = arith.index_cast %get3A_478 : i32 to index
    %get3A_480 = arith.constant 0 : index
    %get3A_481 = tpu.vector_load %arg9[%get3A_479, %get3A_480] {strides = array<i32>} : memref<8x16xi32, #tpu.memory_space<vmem>>, vector<16xi32>,
    %add3A_482 = arith.addi %add3A_477, %get3A_481 : vector<16xi32>
    %get3A_483 = arith.constant 6 : i32
    %get3A_484 = arith.index_cast %get3A_483 : i32 to index
    %get3A_485 = arith.constant 0 : index
    %get3A_486 = tpu.vector_load %arg9[%get3A_484, %get3A_485] {strides = array<i32>} : memref<8x16xi32, #tpu.memory_space<vmem>>, vector<16xi32>,
    %add3A_487 = arith.addi %add3A_482, %get3A_486 : vector<16xi32>
    %get3A_488 = arith.constant 7 : i32
    %get3A_489 = arith.index_cast %get3A_488 : i32 to index
    %get3A_490 = arith.constant 0 : index
    %get3A_491 = tpu.vector_load %arg9[%get3A_489, %get3A_490] {strides = array<i32>} : memref<8x16xi32, #tpu.memory_space<vmem>>, vector<16xi32>,
    %add3A_492 = arith.addi %add3A_487, %get3A_491 : vector<16xi32>
    %broadcast_in_dim3A_493 = arith.constant true
    %broadcast_in_dim3A_494 = vector.broadcast %broadcast_in_dim3A_493 : i1 to vector<16xi1>
    %masked_cumsum3A_495 = tpu.scan <sum>, %add3A_492 masked %broadcast_in_dim3A_494 : vector<16xi32>, vector<16xi1> -> vector<16xi32>
    %ge3A_496 = arith.cmpi sge, %masked_cumsum3A_495, %sub3A_438 : vector<16xi32>
    %all_reduce_population_count3A_497 = tpu.all_reduce %ge3A_496 {dim = 0 : i64, kind = #tpu.reduction_kind<sum>} : vector<16xi1> -> vector<16xi32>
    %sub3A_498 = arith.constant 1 : i32
    %sub3A_499 = vector.broadcast %sub3A_498 : i32 to vector<16xi32>
    %sub3A_500 = arith.subi %all_reduce_population_count3A_497, %sub3A_499 : vector<16xi32>
    %jit3A_501 = arith.constant 0 : i32
    %broadcast_in_dim3A_502 = vector.broadcast %jit3A_501 : i32 to vector<16xi32>
    %select_n3A_503 = arith.select %ge3A_496, %broadcast_in_dim3A_502, %add3A_492 : vector<16xi1>, vector<16xi32>
    %broadcast_in_dim3A_504 = arith.constant true
    %broadcast_in_dim3A_505 = vector.broadcast %broadcast_in_dim3A_504 : i1 to vector<16xi1>
    %masked_cumsum3A_506 = tpu.scan <sum>, %select_n3A_503 masked %broadcast_in_dim3A_505 : vector<16xi32>, vector<16xi1> -> vector<16xi32>
    %swap3A_507 = arith.constant 0 : index
    %swap3A_508 = tpu.vector_load %arg8[%swap3A_507] {strides = array<i32>} : memref<16xi32, #tpu.memory_space<vmem>>, vector<16xi32>,
    tpu.vector_store %arg8[%swap3A_507], %masked_cumsum3A_506 {strides = array<i32>} : memref<16xi32, #tpu.memory_space<vmem>>, vector<16xi32>,
    %add3A_509 = arith.constant 15 : i32
    %add3A_510 = vector.broadcast %add3A_509 : i32 to vector<16xi32>
    %add3A_511 = arith.addi %broadcast_in_dim3A_70, %add3A_510 : vector<16xi32>
    %gather3A_512 = tpu.vector_load_idx %arg8[%add3A_511] : memref<16xi32, #tpu.memory_space<vmem>>[vector<16xi32>], vector<16xi32>,
    %sub3A_513 = arith.subi %sub3A_438, %gather3A_512 : vector<16xi32>
    %mul3A_514 = arith.constant 16 : i32
    %mul3A_515 = vector.broadcast %mul3A_514 : i32 to vector<16xi32>
    %mul3A_516 = arith.muli %add3A_442, %mul3A_515 : vector<16xi32>
    %add3A_517 = arith.addi %mul3A_516, %sub3A_500 : vector<16xi32>
    %swap3A_518 = arith.constant 0 : index
    %swap3A_519 = tpu.vector_load %arg7[%swap3A_518] {strides = array<i32>} : memref<16xi32, #tpu.memory_space<vmem>>, vector<16xi32>,
    tpu.vector_store %arg7[%swap3A_518], %broadcast_in_dim3A_70 {strides = array<i32>} : memref<16xi32, #tpu.memory_space<vmem>>, vector<16xi32>,
    %scan3A_520 = arith.constant 0 : i32
    %scan3A_521 = arith.constant 0 : i32
    %scan3A_522 = arith.constant 160 : i32
    %scan3A_523 = arith.addi %scan3A_521, %scan3A_522 : i32
    %scan3A_524 = arith.constant 1 : i32
    %scan3A_525 = scf.for %scan3A_1264 = %scan3A_521 to %scan3A_523 step %scan3A_524 iter_args(%scan3A_1265 = %scan3A_520) -> (i32)  : i32 {
      %mul3A_1266 = arith.constant 16 : i32
      %mul3A_1267 = arith.muli %scan3A_1264, %mul3A_1266 : i32
      %get3A_1268 = arith.index_cast %mul3A_1267 : i32 to index
      %get3A_1269 = tpu.vector_load %arg4[%get3A_1268] {strides = array<i32>} : memref<2560xi32, #tpu.memory_space<vmem>>, vector<16xi32>,
      %xor3A_1270 = arith.constant -2147483648 : i32
      %xor3A_1271 = vector.broadcast %xor3A_1270 : i32 to vector<16xi32>
      %xor3A_1272 = arith.xori %get3A_1269, %xor3A_1271 : vector<16xi32>
      %mul3A_1273 = arith.constant 16 : i32
      %mul3A_1274 = arith.muli %scan3A_1264, %mul3A_1273 : i32
      %add3A_1275 = vector.broadcast %mul3A_1274 : i32 to vector<16xi32>
      %add3A_1276 = arith.addi %add3A_1275, %iota3A : vector<16xi32>
      %lt3A_1277 = vector.broadcast %select_n3A_69 : i32 to vector<16xi32>
      %lt3A_1278 = arith.cmpi slt, %add3A_1276, %lt3A_1277 : vector<16xi32>
      %shift_right_logical3A = arith.constant 8 : i32
      %shift_right_logical3A_1279 = vector.broadcast %shift_right_logical3A : i32 to vector<16xi32>
      %shift_right_logical3A_1280 = arith.shrui %xor3A_1272, %shift_right_logical3A_1279 : vector<16xi32>
      %eq3A_1281 = arith.cmpi eq, %shift_right_logical3A_1280, %add3A_517 : vector<16xi32>
      %and3A_1282 = arith.andi %lt3A_1278, %eq3A_1281 : vector<16xi1>
      %shift_right_logical3A_1283 = arith.constant 4 : i32
      %shift_right_logical3A_1284 = vector.broadcast %shift_right_logical3A_1283 : i32 to vector<16xi32>
      %shift_right_logical3A_1285 = arith.shrui %xor3A_1272, %shift_right_logical3A_1284 : vector<16xi32>
      %and3A_1286 = arith.constant 15 : i32
      %and3A_1287 = vector.broadcast %and3A_1286 : i32 to vector<16xi32>
      %and3A_1288 = arith.andi %shift_right_logical3A_1285, %and3A_1287 : vector<16xi32>
      %xor3A_1289 = arith.constant 15 : i32
      %xor3A_1290 = vector.broadcast %xor3A_1289 : i32 to vector<16xi32>
      %xor3A_1291 = arith.xori %xor3A_1290, %and3A_1288 : vector<16xi32>
      tpu.vector_store_idx %arg7[%xor3A_1291], %broadcast_in_dim3A_75 masked %and3A_1282 {add = true} : memref<16xi32, #tpu.memory_space<vmem>>[vector<16xi32>], vector<16xi32>, vector<16xi1>
      %scan3A_1292 = arith.constant 0 : i32
      scf.yield %scan3A_1292 : i32
    }
    %scan3A_526 = arith.constant 160 : i32
    "tpu.region"() ({
      %run_scoped3A = tpu.sem_alloc : memref<!tpu.dma_semaphore, #tpu.memory_space<semaphore_mem>>
      %dma_start3A_1264 = arith.constant 0 : i32
      %dma_start3A_1265 = tpu.memref_slice %arg11[%arg1, %dma_start3A_1264] : memref<16x16xi32, #tpu.memory_space<vmem_shared>> -> memref<1x16xi32, #tpu.memory_space<vmem_shared>>
      %dma_start3A_1266 = tpu.memref_squeeze %dma_start3A_1265 : memref<1x16xi32, #tpu.memory_space<vmem_shared>> -> memref<16xi32, #tpu.memory_space<vmem_shared>>
      %dma_start3A_1267 = arith.constant 0 : i32
      %dma_start3A_1268 = tpu.memref_slice %arg11[%arg1, %dma_start3A_1267] : memref<16x16xi32, #tpu.memory_space<vmem_shared>> -> memref<1x16xi32, #tpu.memory_space<vmem_shared>>
      %dma_start3A_1269 = tpu.memref_squeeze %dma_start3A_1268 : memref<1x16xi32, #tpu.memory_space<vmem_shared>> -> memref<16xi32, #tpu.memory_space<vmem_shared>>
      tpu.enqueue_dma source(%arg7 : memref<16xi32, #tpu.memory_space<vmem>>) target(%dma_start3A_1269 : memref<16xi32, #tpu.memory_space<vmem_shared>>) target_semaphore(%run_scoped3A : memref<!tpu.dma_semaphore, #tpu.memory_space<semaphore_mem>>)
      %dma_wait3A_1270 = arith.constant 0 : i32
      %dma_wait3A_1271 = tpu.memref_slice %arg11[%arg1, %dma_wait3A_1270] : memref<16x16xi32, #tpu.memory_space<vmem_shared>> -> memref<1x16xi32, #tpu.memory_space<vmem_shared>>
      %dma_wait3A_1272 = tpu.memref_squeeze %dma_wait3A_1271 : memref<1x16xi32, #tpu.memory_space<vmem_shared>> -> memref<16xi32, #tpu.memory_space<vmem_shared>>
      %dma_wait3A_1273 = arith.constant 0 : i32
      %dma_wait3A_1274 = tpu.memref_slice %arg11[%arg1, %dma_wait3A_1273] : memref<16x16xi32, #tpu.memory_space<vmem_shared>> -> memref<1x16xi32, #tpu.memory_space<vmem_shared>>
      %dma_wait3A_1275 = tpu.memref_squeeze %dma_wait3A_1274 : memref<1x16xi32, #tpu.memory_space<vmem_shared>> -> memref<16xi32, #tpu.memory_space<vmem_shared>>
      tpu.wait_dma2 semaphore(%run_scoped3A : memref<!tpu.dma_semaphore, #tpu.memory_space<semaphore_mem>>) src(%arg7 : memref<16xi32, #tpu.memory_space<vmem>>) dst(%dma_wait3A_1275 : memref<16xi32, #tpu.memory_space<vmem_shared>>)
      tpu.yield
    }) : () -> ()
    %barrier3A_527 = arith.constant 0 : index
    tpu.barrier barrier_id(%barrier3A_527)
    "tpu.region"() ({
      %run_scoped3A = tpu.sem_alloc : memref<!tpu.dma_semaphore, #tpu.memory_space<semaphore_mem>>
      %dma_start3A_1264 = arith.constant 0 : i32
      %dma_start3A_1265 = tpu.memref_slice %arg11[%mul3A_59, %dma_start3A_1264] : memref<16x16xi32, #tpu.memory_space<vmem_shared>> -> memref<8x16xi32, #tpu.memory_space<vmem_shared>>
      %dma_start3A_1266 = arith.constant 0 : i32
      %dma_start3A_1267 = tpu.memref_slice %arg11[%mul3A_59, %dma_start3A_1266] : memref<16x16xi32, #tpu.memory_space<vmem_shared>> -> memref<8x16xi32, #tpu.memory_space<vmem_shared>>
      tpu.enqueue_dma source(%dma_start3A_1267 : memref<8x16xi32, #tpu.memory_space<vmem_shared>>) target(%arg9 : memref<8x16xi32, #tpu.memory_space<vmem>>) target_semaphore(%run_scoped3A : memref<!tpu.dma_semaphore, #tpu.memory_space<semaphore_mem>>)
      %dma_wait3A_1268 = arith.constant 0 : i32
      %dma_wait3A_1269 = tpu.memref_slice %arg11[%mul3A_59, %dma_wait3A_1268] : memref<16x16xi32, #tpu.memory_space<vmem_shared>> -> memref<8x16xi32, #tpu.memory_space<vmem_shared>>
      %dma_wait3A_1270 = arith.constant 0 : i32
      %dma_wait3A_1271 = tpu.memref_slice %arg11[%mul3A_59, %dma_wait3A_1270] : memref<16x16xi32, #tpu.memory_space<vmem_shared>> -> memref<8x16xi32, #tpu.memory_space<vmem_shared>>
      tpu.wait_dma2 semaphore(%run_scoped3A : memref<!tpu.dma_semaphore, #tpu.memory_space<semaphore_mem>>) src(%dma_wait3A_1271 : memref<8x16xi32, #tpu.memory_space<vmem_shared>>) dst(%arg9 : memref<8x16xi32, #tpu.memory_space<vmem>>)
      tpu.yield
    }) : () -> ()
    %barrier3A_528 = arith.constant 0 : index
    tpu.barrier barrier_id(%barrier3A_528)
    %get3A_529 = arith.constant 0 : i32
    %get3A_530 = arith.index_cast %get3A_529 : i32 to index
    %get3A_531 = arith.constant 0 : index
    %get3A_532 = tpu.vector_load %arg9[%get3A_530, %get3A_531] {strides = array<i32>} : memref<8x16xi32, #tpu.memory_space<vmem>>, vector<16xi32>,
    %get3A_533 = arith.constant 1 : i32
    %get3A_534 = arith.index_cast %get3A_533 : i32 to index
    %get3A_535 = arith.constant 0 : index
    %get3A_536 = tpu.vector_load %arg9[%get3A_534, %get3A_535] {strides = array<i32>} : memref<8x16xi32, #tpu.memory_space<vmem>>, vector<16xi32>,
    %add3A_537 = arith.addi %get3A_532, %get3A_536 : vector<16xi32>
    %get3A_538 = arith.constant 2 : i32
    %get3A_539 = arith.index_cast %get3A_538 : i32 to index
    %get3A_540 = arith.constant 0 : index
    %get3A_541 = tpu.vector_load %arg9[%get3A_539, %get3A_540] {strides = array<i32>} : memref<8x16xi32, #tpu.memory_space<vmem>>, vector<16xi32>,
    %add3A_542 = arith.addi %add3A_537, %get3A_541 : vector<16xi32>
    %get3A_543 = arith.constant 3 : i32
    %get3A_544 = arith.index_cast %get3A_543 : i32 to index
    %get3A_545 = arith.constant 0 : index
    %get3A_546 = tpu.vector_load %arg9[%get3A_544, %get3A_545] {strides = array<i32>} : memref<8x16xi32, #tpu.memory_space<vmem>>, vector<16xi32>,
    %add3A_547 = arith.addi %add3A_542, %get3A_546 : vector<16xi32>
    %get3A_548 = arith.constant 4 : i32
    %get3A_549 = arith.index_cast %get3A_548 : i32 to index
    %get3A_550 = arith.constant 0 : index
    %get3A_551 = tpu.vector_load %arg9[%get3A_549, %get3A_550] {strides = array<i32>} : memref<8x16xi32, #tpu.memory_space<vmem>>, vector<16xi32>,
    %add3A_552 = arith.addi %add3A_547, %get3A_551 : vector<16xi32>
    %get3A_553 = arith.constant 5 : i32
    %get3A_554 = arith.index_cast %get3A_553 : i32 to index
    %get3A_555 = arith.constant 0 : index
    %get3A_556 = tpu.vector_load %arg9[%get3A_554, %get3A_555] {strides = array<i32>} : memref<8x16xi32, #tpu.memory_space<vmem>>, vector<16xi32>,
    %add3A_557 = arith.addi %add3A_552, %get3A_556 : vector<16xi32>
    %get3A_558 = arith.constant 6 : i32
    %get3A_559 = arith.index_cast %get3A_558 : i32 to index
    %get3A_560 = arith.constant 0 : index
    %get3A_561 = tpu.vector_load %arg9[%get3A_559, %get3A_560] {strides = array<i32>} : memref<8x16xi32, #tpu.memory_space<vmem>>, vector<16xi32>,
    %add3A_562 = arith.addi %add3A_557, %get3A_561 : vector<16xi32>
    %get3A_563 = arith.constant 7 : i32
    %get3A_564 = arith.index_cast %get3A_563 : i32 to index
    %get3A_565 = arith.constant 0 : index
    %get3A_566 = tpu.vector_load %arg9[%get3A_564, %get3A_565] {strides = array<i32>} : memref<8x16xi32, #tpu.memory_space<vmem>>, vector<16xi32>,
    %add3A_567 = arith.addi %add3A_562, %get3A_566 : vector<16xi32>
    %broadcast_in_dim3A_568 = arith.constant true
    %broadcast_in_dim3A_569 = vector.broadcast %broadcast_in_dim3A_568 : i1 to vector<16xi1>
    %masked_cumsum3A_570 = tpu.scan <sum>, %add3A_567 masked %broadcast_in_dim3A_569 : vector<16xi32>, vector<16xi1> -> vector<16xi32>
    %ge3A_571 = arith.cmpi sge, %masked_cumsum3A_570, %sub3A_513 : vector<16xi32>
    %all_reduce_population_count3A_572 = tpu.all_reduce %ge3A_571 {dim = 0 : i64, kind = #tpu.reduction_kind<sum>} : vector<16xi1> -> vector<16xi32>
    %sub3A_573 = arith.constant 1 : i32
    %sub3A_574 = vector.broadcast %sub3A_573 : i32 to vector<16xi32>
    %sub3A_575 = arith.subi %all_reduce_population_count3A_572, %sub3A_574 : vector<16xi32>
    %jit3A_576 = arith.constant 0 : i32
    %broadcast_in_dim3A_577 = vector.broadcast %jit3A_576 : i32 to vector<16xi32>
    %select_n3A_578 = arith.select %ge3A_571, %broadcast_in_dim3A_577, %add3A_567 : vector<16xi1>, vector<16xi32>
    %broadcast_in_dim3A_579 = arith.constant true
    %broadcast_in_dim3A_580 = vector.broadcast %broadcast_in_dim3A_579 : i1 to vector<16xi1>
    %masked_cumsum3A_581 = tpu.scan <sum>, %select_n3A_578 masked %broadcast_in_dim3A_580 : vector<16xi32>, vector<16xi1> -> vector<16xi32>
    %swap3A_582 = arith.constant 0 : index
    %swap3A_583 = tpu.vector_load %arg8[%swap3A_582] {strides = array<i32>} : memref<16xi32, #tpu.memory_space<vmem>>, vector<16xi32>,
    tpu.vector_store %arg8[%swap3A_582], %masked_cumsum3A_581 {strides = array<i32>} : memref<16xi32, #tpu.memory_space<vmem>>, vector<16xi32>,
    %add3A_584 = arith.constant 15 : i32
    %add3A_585 = vector.broadcast %add3A_584 : i32 to vector<16xi32>
    %add3A_586 = arith.addi %broadcast_in_dim3A_70, %add3A_585 : vector<16xi32>
    %gather3A_587 = tpu.vector_load_idx %arg8[%add3A_586] : memref<16xi32, #tpu.memory_space<vmem>>[vector<16xi32>], vector<16xi32>,
    %sub3A_588 = arith.subi %sub3A_513, %gather3A_587 : vector<16xi32>
    %mul3A_589 = arith.constant 16 : i32
    %mul3A_590 = vector.broadcast %mul3A_589 : i32 to vector<16xi32>
    %mul3A_591 = arith.muli %add3A_517, %mul3A_590 : vector<16xi32>
    %add3A_592 = arith.addi %mul3A_591, %sub3A_575 : vector<16xi32>
    %swap3A_593 = arith.constant 0 : index
    %swap3A_594 = tpu.vector_load %arg7[%swap3A_593] {strides = array<i32>} : memref<16xi32, #tpu.memory_space<vmem>>, vector<16xi32>,
    tpu.vector_store %arg7[%swap3A_593], %broadcast_in_dim3A_70 {strides = array<i32>} : memref<16xi32, #tpu.memory_space<vmem>>, vector<16xi32>,
    %scan3A_595 = arith.constant 0 : i32
    %scan3A_596 = arith.constant 0 : i32
    %scan3A_597 = arith.constant 160 : i32
    %scan3A_598 = arith.addi %scan3A_596, %scan3A_597 : i32
    %scan3A_599 = arith.constant 1 : i32
    %scan3A_600 = scf.for %scan3A_1264 = %scan3A_596 to %scan3A_598 step %scan3A_599 iter_args(%scan3A_1265 = %scan3A_595) -> (i32)  : i32 {
      %mul3A_1266 = arith.constant 16 : i32
      %mul3A_1267 = arith.muli %scan3A_1264, %mul3A_1266 : i32
      %get3A_1268 = arith.index_cast %mul3A_1267 : i32 to index
      %get3A_1269 = tpu.vector_load %arg4[%get3A_1268] {strides = array<i32>} : memref<2560xi32, #tpu.memory_space<vmem>>, vector<16xi32>,
      %xor3A_1270 = arith.constant -2147483648 : i32
      %xor3A_1271 = vector.broadcast %xor3A_1270 : i32 to vector<16xi32>
      %xor3A_1272 = arith.xori %get3A_1269, %xor3A_1271 : vector<16xi32>
      %mul3A_1273 = arith.constant 16 : i32
      %mul3A_1274 = arith.muli %scan3A_1264, %mul3A_1273 : i32
      %add3A_1275 = vector.broadcast %mul3A_1274 : i32 to vector<16xi32>
      %add3A_1276 = arith.addi %add3A_1275, %iota3A : vector<16xi32>
      %lt3A_1277 = vector.broadcast %select_n3A_69 : i32 to vector<16xi32>
      %lt3A_1278 = arith.cmpi slt, %add3A_1276, %lt3A_1277 : vector<16xi32>
      %shift_right_logical3A = arith.constant 4 : i32
      %shift_right_logical3A_1279 = vector.broadcast %shift_right_logical3A : i32 to vector<16xi32>
      %shift_right_logical3A_1280 = arith.shrui %xor3A_1272, %shift_right_logical3A_1279 : vector<16xi32>
      %eq3A_1281 = arith.cmpi eq, %shift_right_logical3A_1280, %add3A_592 : vector<16xi32>
      %and3A_1282 = arith.andi %lt3A_1278, %eq3A_1281 : vector<16xi1>
      %shift_right_logical3A_1283 = arith.constant 0 : i32
      %shift_right_logical3A_1284 = vector.broadcast %shift_right_logical3A_1283 : i32 to vector<16xi32>
      %shift_right_logical3A_1285 = arith.shrui %xor3A_1272, %shift_right_logical3A_1284 : vector<16xi32>
      %and3A_1286 = arith.constant 15 : i32
      %and3A_1287 = vector.broadcast %and3A_1286 : i32 to vector<16xi32>
      %and3A_1288 = arith.andi %shift_right_logical3A_1285, %and3A_1287 : vector<16xi32>
      %xor3A_1289 = arith.constant 15 : i32
      %xor3A_1290 = vector.broadcast %xor3A_1289 : i32 to vector<16xi32>
      %xor3A_1291 = arith.xori %xor3A_1290, %and3A_1288 : vector<16xi32>
      tpu.vector_store_idx %arg7[%xor3A_1291], %broadcast_in_dim3A_75 masked %and3A_1282 {add = true} : memref<16xi32, #tpu.memory_space<vmem>>[vector<16xi32>], vector<16xi32>, vector<16xi1>
      %scan3A_1292 = arith.constant 0 : i32
      scf.yield %scan3A_1292 : i32
    }
    %scan3A_601 = arith.constant 160 : i32
    "tpu.region"() ({
      %run_scoped3A = tpu.sem_alloc : memref<!tpu.dma_semaphore, #tpu.memory_space<semaphore_mem>>
      %dma_start3A_1264 = arith.constant 0 : i32
      %dma_start3A_1265 = tpu.memref_slice %arg11[%arg1, %dma_start3A_1264] : memref<16x16xi32, #tpu.memory_space<vmem_shared>> -> memref<1x16xi32, #tpu.memory_space<vmem_shared>>
      %dma_start3A_1266 = tpu.memref_squeeze %dma_start3A_1265 : memref<1x16xi32, #tpu.memory_space<vmem_shared>> -> memref<16xi32, #tpu.memory_space<vmem_shared>>
      %dma_start3A_1267 = arith.constant 0 : i32
      %dma_start3A_1268 = tpu.memref_slice %arg11[%arg1, %dma_start3A_1267] : memref<16x16xi32, #tpu.memory_space<vmem_shared>> -> memref<1x16xi32, #tpu.memory_space<vmem_shared>>
      %dma_start3A_1269 = tpu.memref_squeeze %dma_start3A_1268 : memref<1x16xi32, #tpu.memory_space<vmem_shared>> -> memref<16xi32, #tpu.memory_space<vmem_shared>>
      tpu.enqueue_dma source(%arg7 : memref<16xi32, #tpu.memory_space<vmem>>) target(%dma_start3A_1269 : memref<16xi32, #tpu.memory_space<vmem_shared>>) target_semaphore(%run_scoped3A : memref<!tpu.dma_semaphore, #tpu.memory_space<semaphore_mem>>)
      %dma_wait3A_1270 = arith.constant 0 : i32
      %dma_wait3A_1271 = tpu.memref_slice %arg11[%arg1, %dma_wait3A_1270] : memref<16x16xi32, #tpu.memory_space<vmem_shared>> -> memref<1x16xi32, #tpu.memory_space<vmem_shared>>
      %dma_wait3A_1272 = tpu.memref_squeeze %dma_wait3A_1271 : memref<1x16xi32, #tpu.memory_space<vmem_shared>> -> memref<16xi32, #tpu.memory_space<vmem_shared>>
      %dma_wait3A_1273 = arith.constant 0 : i32
      %dma_wait3A_1274 = tpu.memref_slice %arg11[%arg1, %dma_wait3A_1273] : memref<16x16xi32, #tpu.memory_space<vmem_shared>> -> memref<1x16xi32, #tpu.memory_space<vmem_shared>>
      %dma_wait3A_1275 = tpu.memref_squeeze %dma_wait3A_1274 : memref<1x16xi32, #tpu.memory_space<vmem_shared>> -> memref<16xi32, #tpu.memory_space<vmem_shared>>
      tpu.wait_dma2 semaphore(%run_scoped3A : memref<!tpu.dma_semaphore, #tpu.memory_space<semaphore_mem>>) src(%arg7 : memref<16xi32, #tpu.memory_space<vmem>>) dst(%dma_wait3A_1275 : memref<16xi32, #tpu.memory_space<vmem_shared>>)
      tpu.yield
    }) : () -> ()
    %barrier3A_602 = arith.constant 0 : index
    tpu.barrier barrier_id(%barrier3A_602)
    "tpu.region"() ({
      %run_scoped3A = tpu.sem_alloc : memref<!tpu.dma_semaphore, #tpu.memory_space<semaphore_mem>>
      %dma_start3A_1264 = arith.constant 0 : i32
      %dma_start3A_1265 = tpu.memref_slice %arg11[%mul3A_59, %dma_start3A_1264] : memref<16x16xi32, #tpu.memory_space<vmem_shared>> -> memref<8x16xi32, #tpu.memory_space<vmem_shared>>
      %dma_start3A_1266 = arith.constant 0 : i32
      %dma_start3A_1267 = tpu.memref_slice %arg11[%mul3A_59, %dma_start3A_1266] : memref<16x16xi32, #tpu.memory_space<vmem_shared>> -> memref<8x16xi32, #tpu.memory_space<vmem_shared>>
      tpu.enqueue_dma source(%dma_start3A_1267 : memref<8x16xi32, #tpu.memory_space<vmem_shared>>) target(%arg9 : memref<8x16xi32, #tpu.memory_space<vmem>>) target_semaphore(%run_scoped3A : memref<!tpu.dma_semaphore, #tpu.memory_space<semaphore_mem>>)
      %dma_wait3A_1268 = arith.constant 0 : i32
      %dma_wait3A_1269 = tpu.memref_slice %arg11[%mul3A_59, %dma_wait3A_1268] : memref<16x16xi32, #tpu.memory_space<vmem_shared>> -> memref<8x16xi32, #tpu.memory_space<vmem_shared>>
      %dma_wait3A_1270 = arith.constant 0 : i32
      %dma_wait3A_1271 = tpu.memref_slice %arg11[%mul3A_59, %dma_wait3A_1270] : memref<16x16xi32, #tpu.memory_space<vmem_shared>> -> memref<8x16xi32, #tpu.memory_space<vmem_shared>>
      tpu.wait_dma2 semaphore(%run_scoped3A : memref<!tpu.dma_semaphore, #tpu.memory_space<semaphore_mem>>) src(%dma_wait3A_1271 : memref<8x16xi32, #tpu.memory_space<vmem_shared>>) dst(%arg9 : memref<8x16xi32, #tpu.memory_space<vmem>>)
      tpu.yield
    }) : () -> ()
    %barrier3A_603 = arith.constant 0 : index
    tpu.barrier barrier_id(%barrier3A_603)
    %get3A_604 = arith.constant 0 : i32
    %get3A_605 = arith.index_cast %get3A_604 : i32 to index
    %get3A_606 = arith.constant 0 : index
    %get3A_607 = tpu.vector_load %arg9[%get3A_605, %get3A_606] {strides = array<i32>} : memref<8x16xi32, #tpu.memory_space<vmem>>, vector<16xi32>,
    %get3A_608 = arith.constant 1 : i32
    %get3A_609 = arith.index_cast %get3A_608 : i32 to index
    %get3A_610 = arith.constant 0 : index
    %get3A_611 = tpu.vector_load %arg9[%get3A_609, %get3A_610] {strides = array<i32>} : memref<8x16xi32, #tpu.memory_space<vmem>>, vector<16xi32>,
    %add3A_612 = arith.addi %get3A_607, %get3A_611 : vector<16xi32>
    %get3A_613 = arith.constant 2 : i32
    %get3A_614 = arith.index_cast %get3A_613 : i32 to index
    %get3A_615 = arith.constant 0 : index
    %get3A_616 = tpu.vector_load %arg9[%get3A_614, %get3A_615] {strides = array<i32>} : memref<8x16xi32, #tpu.memory_space<vmem>>, vector<16xi32>,
    %add3A_617 = arith.addi %add3A_612, %get3A_616 : vector<16xi32>
    %get3A_618 = arith.constant 3 : i32
    %get3A_619 = arith.index_cast %get3A_618 : i32 to index
    %get3A_620 = arith.constant 0 : index
    %get3A_621 = tpu.vector_load %arg9[%get3A_619, %get3A_620] {strides = array<i32>} : memref<8x16xi32, #tpu.memory_space<vmem>>, vector<16xi32>,
    %add3A_622 = arith.addi %add3A_617, %get3A_621 : vector<16xi32>
    %get3A_623 = arith.constant 4 : i32
    %get3A_624 = arith.index_cast %get3A_623 : i32 to index
    %get3A_625 = arith.constant 0 : index
    %get3A_626 = tpu.vector_load %arg9[%get3A_624, %get3A_625] {strides = array<i32>} : memref<8x16xi32, #tpu.memory_space<vmem>>, vector<16xi32>,
    %add3A_627 = arith.addi %add3A_622, %get3A_626 : vector<16xi32>
    %get3A_628 = arith.constant 5 : i32
    %get3A_629 = arith.index_cast %get3A_628 : i32 to index
    %get3A_630 = arith.constant 0 : index
    %get3A_631 = tpu.vector_load %arg9[%get3A_629, %get3A_630] {strides = array<i32>} : memref<8x16xi32, #tpu.memory_space<vmem>>, vector<16xi32>,
    %add3A_632 = arith.addi %add3A_627, %get3A_631 : vector<16xi32>
    %get3A_633 = arith.constant 6 : i32
    %get3A_634 = arith.index_cast %get3A_633 : i32 to index
    %get3A_635 = arith.constant 0 : index
    %get3A_636 = tpu.vector_load %arg9[%get3A_634, %get3A_635] {strides = array<i32>} : memref<8x16xi32, #tpu.memory_space<vmem>>, vector<16xi32>,
    %add3A_637 = arith.addi %add3A_632, %get3A_636 : vector<16xi32>
    %get3A_638 = arith.constant 7 : i32
    %get3A_639 = arith.index_cast %get3A_638 : i32 to index
    %get3A_640 = arith.constant 0 : index
    %get3A_641 = tpu.vector_load %arg9[%get3A_639, %get3A_640] {strides = array<i32>} : memref<8x16xi32, #tpu.memory_space<vmem>>, vector<16xi32>,
    %add3A_642 = arith.addi %add3A_637, %get3A_641 : vector<16xi32>
    %broadcast_in_dim3A_643 = arith.constant true
    %broadcast_in_dim3A_644 = vector.broadcast %broadcast_in_dim3A_643 : i1 to vector<16xi1>
    %masked_cumsum3A_645 = tpu.scan <sum>, %add3A_642 masked %broadcast_in_dim3A_644 : vector<16xi32>, vector<16xi1> -> vector<16xi32>
    %ge3A_646 = arith.cmpi sge, %masked_cumsum3A_645, %sub3A_588 : vector<16xi32>
    %all_reduce_population_count3A_647 = tpu.all_reduce %ge3A_646 {dim = 0 : i64, kind = #tpu.reduction_kind<sum>} : vector<16xi1> -> vector<16xi32>
    %sub3A_648 = arith.constant 1 : i32
    %sub3A_649 = vector.broadcast %sub3A_648 : i32 to vector<16xi32>
    %sub3A_650 = arith.subi %all_reduce_population_count3A_647, %sub3A_649 : vector<16xi32>
    %jit3A_651 = arith.constant 0 : i32
    %broadcast_in_dim3A_652 = vector.broadcast %jit3A_651 : i32 to vector<16xi32>
    %select_n3A_653 = arith.select %ge3A_646, %broadcast_in_dim3A_652, %add3A_642 : vector<16xi1>, vector<16xi32>
    %broadcast_in_dim3A_654 = arith.constant true
    %broadcast_in_dim3A_655 = vector.broadcast %broadcast_in_dim3A_654 : i1 to vector<16xi1>
    %masked_cumsum3A_656 = tpu.scan <sum>, %select_n3A_653 masked %broadcast_in_dim3A_655 : vector<16xi32>, vector<16xi1> -> vector<16xi32>
    %swap3A_657 = arith.constant 0 : index
    %swap3A_658 = tpu.vector_load %arg8[%swap3A_657] {strides = array<i32>} : memref<16xi32, #tpu.memory_space<vmem>>, vector<16xi32>,
    tpu.vector_store %arg8[%swap3A_657], %masked_cumsum3A_656 {strides = array<i32>} : memref<16xi32, #tpu.memory_space<vmem>>, vector<16xi32>,
    %add3A_659 = arith.constant 15 : i32
    %add3A_660 = vector.broadcast %add3A_659 : i32 to vector<16xi32>
    %add3A_661 = arith.addi %broadcast_in_dim3A_70, %add3A_660 : vector<16xi32>
    %gather3A_662 = tpu.vector_load_idx %arg8[%add3A_661] : memref<16xi32, #tpu.memory_space<vmem>>[vector<16xi32>], vector<16xi32>,
    %sub3A_663 = arith.subi %sub3A_588, %gather3A_662 : vector<16xi32>
    %mul3A_664 = arith.constant 16 : i32
    %mul3A_665 = vector.broadcast %mul3A_664 : i32 to vector<16xi32>
    %mul3A_666 = arith.muli %add3A_592, %mul3A_665 : vector<16xi32>
    %add3A_667 = arith.addi %mul3A_666, %sub3A_650 : vector<16xi32>
    %xor3A = arith.constant -2147483648 : i32
    %xor3A_668 = vector.broadcast %xor3A : i32 to vector<16xi32>
    %xor3A_669 = arith.xori %add3A_667, %xor3A_668 : vector<16xi32>
    %scan3A_670 = arith.constant 0 : i32
    %scan3A_671 = arith.constant 160 : i32
    %scan3A_672 = arith.addi %scan3A_670, %scan3A_671 : i32
    %scan3A_673 = arith.constant 1 : i32
    %scan3A_674:2 = scf.for %scan3A_1264 = %scan3A_670 to %scan3A_672 step %scan3A_673 iter_args(%scan3A_1265 = %broadcast_in_dim3A_70, %scan3A_1266 = %broadcast_in_dim3A_70) -> (vector<16xi32>, vector<16xi32>)  : i32 {
      %mul3A_1267 = arith.constant 16 : i32
      %mul3A_1268 = arith.muli %scan3A_1264, %mul3A_1267 : i32
      %get3A_1269 = arith.index_cast %mul3A_1268 : i32 to index
      %get3A_1270 = tpu.vector_load %arg4[%get3A_1269] {strides = array<i32>} : memref<2560xi32, #tpu.memory_space<vmem>>, vector<16xi32>,
      %mul3A_1271 = arith.constant 16 : i32
      %mul3A_1272 = arith.muli %scan3A_1264, %mul3A_1271 : i32
      %add3A_1273 = vector.broadcast %mul3A_1272 : i32 to vector<16xi32>
      %add3A_1274 = arith.addi %add3A_1273, %iota3A : vector<16xi32>
      %lt3A_1275 = vector.broadcast %select_n3A_69 : i32 to vector<16xi32>
      %lt3A_1276 = arith.cmpi slt, %add3A_1274, %lt3A_1275 : vector<16xi32>
      %gt3A_1277 = arith.cmpi sgt, %get3A_1270, %xor3A_669 : vector<16xi32>
      %and3A_1278 = arith.andi %lt3A_1276, %gt3A_1277 : vector<16xi1>
      %all_reduce_population_count3A_1279 = tpu.all_reduce %and3A_1278 {dim = 0 : i64, kind = #tpu.reduction_kind<sum>} : vector<16xi1> -> vector<16xi32>
      %add3A_1280 = arith.addi %scan3A_1265, %all_reduce_population_count3A_1279 : vector<16xi32>
      %eq3A_1281 = arith.cmpi eq, %get3A_1270, %xor3A_669 : vector<16xi32>
      %and3A_1282 = arith.andi %lt3A_1276, %eq3A_1281 : vector<16xi1>
      %all_reduce_population_count3A_1283 = tpu.all_reduce %and3A_1282 {dim = 0 : i64, kind = #tpu.reduction_kind<sum>} : vector<16xi1> -> vector<16xi32>
      %add3A_1284 = arith.addi %scan3A_1266, %all_reduce_population_count3A_1283 : vector<16xi32>
      scf.yield %add3A_1280, %add3A_1284 : vector<16xi32>, vector<16xi32>
    }
    %scan3A_675 = arith.constant 160 : i32
    %swap3A_676 = arith.constant 0 : index
    %swap3A_677 = tpu.vector_load %arg7[%swap3A_676] {strides = array<i32>} : memref<16xi32, #tpu.memory_space<vmem>>, vector<16xi32>,
    tpu.vector_store %arg7[%swap3A_676], %scan3A_674#0 {strides = array<i32>} : memref<16xi32, #tpu.memory_space<vmem>>, vector<16xi32>,
    %swap3A_678 = arith.constant 0 : index
    %swap3A_679 = tpu.vector_load %arg8[%swap3A_678] {strides = array<i32>} : memref<16xi32, #tpu.memory_space<vmem>>, vector<16xi32>,
    tpu.vector_store %arg8[%swap3A_678], %scan3A_674#1 {strides = array<i32>} : memref<16xi32, #tpu.memory_space<vmem>>, vector<16xi32>,
    "tpu.region"() ({
      %run_scoped3A = tpu.sem_alloc : memref<!tpu.dma_semaphore, #tpu.memory_space<semaphore_mem>>
      %dma_start3A_1264 = arith.constant 0 : i32
      %dma_start3A_1265 = tpu.memref_slice %arg11[%arg1, %dma_start3A_1264] : memref<16x16xi32, #tpu.memory_space<vmem_shared>> -> memref<1x16xi32, #tpu.memory_space<vmem_shared>>
      %dma_start3A_1266 = tpu.memref_squeeze %dma_start3A_1265 : memref<1x16xi32, #tpu.memory_space<vmem_shared>> -> memref<16xi32, #tpu.memory_space<vmem_shared>>
      %dma_start3A_1267 = arith.constant 0 : i32
      %dma_start3A_1268 = tpu.memref_slice %arg11[%arg1, %dma_start3A_1267] : memref<16x16xi32, #tpu.memory_space<vmem_shared>> -> memref<1x16xi32, #tpu.memory_space<vmem_shared>>
      %dma_start3A_1269 = tpu.memref_squeeze %dma_start3A_1268 : memref<1x16xi32, #tpu.memory_space<vmem_shared>> -> memref<16xi32, #tpu.memory_space<vmem_shared>>
      tpu.enqueue_dma source(%arg7 : memref<16xi32, #tpu.memory_space<vmem>>) target(%dma_start3A_1269 : memref<16xi32, #tpu.memory_space<vmem_shared>>) target_semaphore(%run_scoped3A : memref<!tpu.dma_semaphore, #tpu.memory_space<semaphore_mem>>)
      %dma_wait3A_1270 = arith.constant 0 : i32
      %dma_wait3A_1271 = tpu.memref_slice %arg11[%arg1, %dma_wait3A_1270] : memref<16x16xi32, #tpu.memory_space<vmem_shared>> -> memref<1x16xi32, #tpu.memory_space<vmem_shared>>
      %dma_wait3A_1272 = tpu.memref_squeeze %dma_wait3A_1271 : memref<1x16xi32, #tpu.memory_space<vmem_shared>> -> memref<16xi32, #tpu.memory_space<vmem_shared>>
      %dma_wait3A_1273 = arith.constant 0 : i32
      %dma_wait3A_1274 = tpu.memref_slice %arg11[%arg1, %dma_wait3A_1273] : memref<16x16xi32, #tpu.memory_space<vmem_shared>> -> memref<1x16xi32, #tpu.memory_space<vmem_shared>>
      %dma_wait3A_1275 = tpu.memref_squeeze %dma_wait3A_1274 : memref<1x16xi32, #tpu.memory_space<vmem_shared>> -> memref<16xi32, #tpu.memory_space<vmem_shared>>
      tpu.wait_dma2 semaphore(%run_scoped3A : memref<!tpu.dma_semaphore, #tpu.memory_space<semaphore_mem>>) src(%arg7 : memref<16xi32, #tpu.memory_space<vmem>>) dst(%dma_wait3A_1275 : memref<16xi32, #tpu.memory_space<vmem_shared>>)
      tpu.yield
    }) : () -> ()
    "tpu.region"() ({
      %run_scoped3A = tpu.sem_alloc : memref<!tpu.dma_semaphore, #tpu.memory_space<semaphore_mem>>
      %dma_start3A_1264 = arith.constant 0 : i32
      %dma_start3A_1265 = tpu.memref_slice %arg12[%arg1, %dma_start3A_1264] : memref<16x16xi32, #tpu.memory_space<vmem_shared>> -> memref<1x16xi32, #tpu.memory_space<vmem_shared>>
      %dma_start3A_1266 = tpu.memref_squeeze %dma_start3A_1265 : memref<1x16xi32, #tpu.memory_space<vmem_shared>> -> memref<16xi32, #tpu.memory_space<vmem_shared>>
      %dma_start3A_1267 = arith.constant 0 : i32
      %dma_start3A_1268 = tpu.memref_slice %arg12[%arg1, %dma_start3A_1267] : memref<16x16xi32, #tpu.memory_space<vmem_shared>> -> memref<1x16xi32, #tpu.memory_space<vmem_shared>>
      %dma_start3A_1269 = tpu.memref_squeeze %dma_start3A_1268 : memref<1x16xi32, #tpu.memory_space<vmem_shared>> -> memref<16xi32, #tpu.memory_space<vmem_shared>>
      tpu.enqueue_dma source(%arg8 : memref<16xi32, #tpu.memory_space<vmem>>) target(%dma_start3A_1269 : memref<16xi32, #tpu.memory_space<vmem_shared>>) target_semaphore(%run_scoped3A : memref<!tpu.dma_semaphore, #tpu.memory_space<semaphore_mem>>)
      %dma_wait3A_1270 = arith.constant 0 : i32
      %dma_wait3A_1271 = tpu.memref_slice %arg12[%arg1, %dma_wait3A_1270] : memref<16x16xi32, #tpu.memory_space<vmem_shared>> -> memref<1x16xi32, #tpu.memory_space<vmem_shared>>
      %dma_wait3A_1272 = tpu.memref_squeeze %dma_wait3A_1271 : memref<1x16xi32, #tpu.memory_space<vmem_shared>> -> memref<16xi32, #tpu.memory_space<vmem_shared>>
      %dma_wait3A_1273 = arith.constant 0 : i32
      %dma_wait3A_1274 = tpu.memref_slice %arg12[%arg1, %dma_wait3A_1273] : memref<16x16xi32, #tpu.memory_space<vmem_shared>> -> memref<1x16xi32, #tpu.memory_space<vmem_shared>>
      %dma_wait3A_1275 = tpu.memref_squeeze %dma_wait3A_1274 : memref<1x16xi32, #tpu.memory_space<vmem_shared>> -> memref<16xi32, #tpu.memory_space<vmem_shared>>
      tpu.wait_dma2 semaphore(%run_scoped3A : memref<!tpu.dma_semaphore, #tpu.memory_space<semaphore_mem>>) src(%arg8 : memref<16xi32, #tpu.memory_space<vmem>>) dst(%dma_wait3A_1275 : memref<16xi32, #tpu.memory_space<vmem_shared>>)
      tpu.yield
    }) : () -> ()
    %barrier3A_680 = arith.constant 0 : index
    tpu.barrier barrier_id(%barrier3A_680)
    "tpu.region"() ({
      %run_scoped3A = tpu.sem_alloc : memref<!tpu.dma_semaphore, #tpu.memory_space<semaphore_mem>>
      %dma_start3A_1264 = arith.constant 0 : i32
      %dma_start3A_1265 = tpu.memref_slice %arg11[%mul3A_59, %dma_start3A_1264] : memref<16x16xi32, #tpu.memory_space<vmem_shared>> -> memref<8x16xi32, #tpu.memory_space<vmem_shared>>
      %dma_start3A_1266 = arith.constant 0 : i32
      %dma_start3A_1267 = tpu.memref_slice %arg11[%mul3A_59, %dma_start3A_1266] : memref<16x16xi32, #tpu.memory_space<vmem_shared>> -> memref<8x16xi32, #tpu.memory_space<vmem_shared>>
      tpu.enqueue_dma source(%dma_start3A_1267 : memref<8x16xi32, #tpu.memory_space<vmem_shared>>) target(%arg9 : memref<8x16xi32, #tpu.memory_space<vmem>>) target_semaphore(%run_scoped3A : memref<!tpu.dma_semaphore, #tpu.memory_space<semaphore_mem>>)
      %dma_wait3A_1268 = arith.constant 0 : i32
      %dma_wait3A_1269 = tpu.memref_slice %arg11[%mul3A_59, %dma_wait3A_1268] : memref<16x16xi32, #tpu.memory_space<vmem_shared>> -> memref<8x16xi32, #tpu.memory_space<vmem_shared>>
      %dma_wait3A_1270 = arith.constant 0 : i32
      %dma_wait3A_1271 = tpu.memref_slice %arg11[%mul3A_59, %dma_wait3A_1270] : memref<16x16xi32, #tpu.memory_space<vmem_shared>> -> memref<8x16xi32, #tpu.memory_space<vmem_shared>>
      tpu.wait_dma2 semaphore(%run_scoped3A : memref<!tpu.dma_semaphore, #tpu.memory_space<semaphore_mem>>) src(%dma_wait3A_1271 : memref<8x16xi32, #tpu.memory_space<vmem_shared>>) dst(%arg9 : memref<8x16xi32, #tpu.memory_space<vmem>>)
      tpu.yield
    }) : () -> ()
    "tpu.region"() ({
      %run_scoped3A = tpu.sem_alloc : memref<!tpu.dma_semaphore, #tpu.memory_space<semaphore_mem>>
      %dma_start3A_1264 = arith.constant 0 : i32
      %dma_start3A_1265 = tpu.memref_slice %arg12[%mul3A_59, %dma_start3A_1264] : memref<16x16xi32, #tpu.memory_space<vmem_shared>> -> memref<8x16xi32, #tpu.memory_space<vmem_shared>>
      %dma_start3A_1266 = arith.constant 0 : i32
      %dma_start3A_1267 = tpu.memref_slice %arg12[%mul3A_59, %dma_start3A_1266] : memref<16x16xi32, #tpu.memory_space<vmem_shared>> -> memref<8x16xi32, #tpu.memory_space<vmem_shared>>
      tpu.enqueue_dma source(%dma_start3A_1267 : memref<8x16xi32, #tpu.memory_space<vmem_shared>>) target(%arg10 : memref<8x16xi32, #tpu.memory_space<vmem>>) target_semaphore(%run_scoped3A : memref<!tpu.dma_semaphore, #tpu.memory_space<semaphore_mem>>)
      %dma_wait3A_1268 = arith.constant 0 : i32
      %dma_wait3A_1269 = tpu.memref_slice %arg12[%mul3A_59, %dma_wait3A_1268] : memref<16x16xi32, #tpu.memory_space<vmem_shared>> -> memref<8x16xi32, #tpu.memory_space<vmem_shared>>
      %dma_wait3A_1270 = arith.constant 0 : i32
      %dma_wait3A_1271 = tpu.memref_slice %arg12[%mul3A_59, %dma_wait3A_1270] : memref<16x16xi32, #tpu.memory_space<vmem_shared>> -> memref<8x16xi32, #tpu.memory_space<vmem_shared>>
      tpu.wait_dma2 semaphore(%run_scoped3A : memref<!tpu.dma_semaphore, #tpu.memory_space<semaphore_mem>>) src(%dma_wait3A_1271 : memref<8x16xi32, #tpu.memory_space<vmem_shared>>) dst(%arg10 : memref<8x16xi32, #tpu.memory_space<vmem>>)
      tpu.yield
    }) : () -> ()
    %add3A_681 = vector.broadcast %select_n3A_33 : i32 to vector<16xi32>
    %add3A_682 = arith.addi %broadcast_in_dim3A_70, %add3A_681 : vector<16xi32>
    %get3A_683 = arith.constant 0 : i32
    %get3A_684 = arith.index_cast %get3A_683 : i32 to index
    %get3A_685 = arith.constant 0 : index
    %get3A_686 = tpu.vector_load %arg9[%get3A_684, %get3A_685] {strides = array<i32>} : memref<8x16xi32, #tpu.memory_space<vmem>>, vector<16xi32>,
    %get3A_687 = arith.constant 0 : i32
    %get3A_688 = arith.index_cast %get3A_687 : i32 to index
    %get3A_689 = arith.constant 0 : index
    %get3A_690 = tpu.vector_load %arg10[%get3A_688, %get3A_689] {strides = array<i32>} : memref<8x16xi32, #tpu.memory_space<vmem>>, vector<16xi32>,
    %add3A_691 = arith.addi %broadcast_in_dim3A_70, %get3A_686 : vector<16xi32>
    %gt3A = arith.constant 0 : i32
    %gt3A_692 = vector.broadcast %gt3A : i32 to vector<16xi32>
    %gt3A_693 = arith.cmpi sgt, %add3A_682, %gt3A_692 : vector<16xi32>
    %jit3A_694 = arith.constant 1 : i32
    %jit3A_695 = arith.constant 0 : i32
    %broadcast_in_dim3A_696 = vector.broadcast %jit3A_694 : i32 to vector<16xi32>
    %broadcast_in_dim3A_697 = vector.broadcast %jit3A_695 : i32 to vector<16xi32>
    %select_n3A_698 = arith.select %gt3A_693, %broadcast_in_dim3A_696, %broadcast_in_dim3A_697 : vector<16xi1>, vector<16xi32>
    %mul3A_699 = arith.muli %select_n3A_698, %get3A_686 : vector<16xi32>
    %add3A_700 = arith.addi %broadcast_in_dim3A_70, %mul3A_699 : vector<16xi32>
    %mul3A_701 = arith.muli %select_n3A_698, %get3A_690 : vector<16xi32>
    %add3A_702 = arith.addi %broadcast_in_dim3A_70, %mul3A_701 : vector<16xi32>
    %get3A_703 = arith.constant 1 : i32
    %get3A_704 = arith.index_cast %get3A_703 : i32 to index
    %get3A_705 = arith.constant 0 : index
    %get3A_706 = tpu.vector_load %arg9[%get3A_704, %get3A_705] {strides = array<i32>} : memref<8x16xi32, #tpu.memory_space<vmem>>, vector<16xi32>,
    %get3A_707 = arith.constant 1 : i32
    %get3A_708 = arith.index_cast %get3A_707 : i32 to index
    %get3A_709 = arith.constant 0 : index
    %get3A_710 = tpu.vector_load %arg10[%get3A_708, %get3A_709] {strides = array<i32>} : memref<8x16xi32, #tpu.memory_space<vmem>>, vector<16xi32>,
    %add3A_711 = arith.addi %add3A_691, %get3A_706 : vector<16xi32>
    %gt3A_712 = arith.constant 1 : i32
    %gt3A_713 = vector.broadcast %gt3A_712 : i32 to vector<16xi32>
    %gt3A_714 = arith.cmpi sgt, %add3A_682, %gt3A_713 : vector<16xi32>
    %jit3A_715 = arith.constant 1 : i32
    %jit3A_716 = arith.constant 0 : i32
    %broadcast_in_dim3A_717 = vector.broadcast %jit3A_715 : i32 to vector<16xi32>
    %broadcast_in_dim3A_718 = vector.broadcast %jit3A_716 : i32 to vector<16xi32>
    %select_n3A_719 = arith.select %gt3A_714, %broadcast_in_dim3A_717, %broadcast_in_dim3A_718 : vector<16xi1>, vector<16xi32>
    %mul3A_720 = arith.muli %select_n3A_719, %get3A_706 : vector<16xi32>
    %add3A_721 = arith.addi %add3A_700, %mul3A_720 : vector<16xi32>
    %mul3A_722 = arith.muli %select_n3A_719, %get3A_710 : vector<16xi32>
    %add3A_723 = arith.addi %add3A_702, %mul3A_722 : vector<16xi32>
    %get3A_724 = arith.constant 2 : i32
    %get3A_725 = arith.index_cast %get3A_724 : i32 to index
    %get3A_726 = arith.constant 0 : index
    %get3A_727 = tpu.vector_load %arg9[%get3A_725, %get3A_726] {strides = array<i32>} : memref<8x16xi32, #tpu.memory_space<vmem>>, vector<16xi32>,
    %get3A_728 = arith.constant 2 : i32
    %get3A_729 = arith.index_cast %get3A_728 : i32 to index
    %get3A_730 = arith.constant 0 : index
    %get3A_731 = tpu.vector_load %arg10[%get3A_729, %get3A_730] {strides = array<i32>} : memref<8x16xi32, #tpu.memory_space<vmem>>, vector<16xi32>,
    %add3A_732 = arith.addi %add3A_711, %get3A_727 : vector<16xi32>
    %gt3A_733 = arith.constant 2 : i32
    %gt3A_734 = vector.broadcast %gt3A_733 : i32 to vector<16xi32>
    %gt3A_735 = arith.cmpi sgt, %add3A_682, %gt3A_734 : vector<16xi32>
    %jit3A_736 = arith.constant 1 : i32
    %jit3A_737 = arith.constant 0 : i32
    %broadcast_in_dim3A_738 = vector.broadcast %jit3A_736 : i32 to vector<16xi32>
    %broadcast_in_dim3A_739 = vector.broadcast %jit3A_737 : i32 to vector<16xi32>
    %select_n3A_740 = arith.select %gt3A_735, %broadcast_in_dim3A_738, %broadcast_in_dim3A_739 : vector<16xi1>, vector<16xi32>
    %mul3A_741 = arith.muli %select_n3A_740, %get3A_727 : vector<16xi32>
    %add3A_742 = arith.addi %add3A_721, %mul3A_741 : vector<16xi32>
    %mul3A_743 = arith.muli %select_n3A_740, %get3A_731 : vector<16xi32>
    %add3A_744 = arith.addi %add3A_723, %mul3A_743 : vector<16xi32>
    %get3A_745 = arith.constant 3 : i32
    %get3A_746 = arith.index_cast %get3A_745 : i32 to index
    %get3A_747 = arith.constant 0 : index
    %get3A_748 = tpu.vector_load %arg9[%get3A_746, %get3A_747] {strides = array<i32>} : memref<8x16xi32, #tpu.memory_space<vmem>>, vector<16xi32>,
    %get3A_749 = arith.constant 3 : i32
    %get3A_750 = arith.index_cast %get3A_749 : i32 to index
    %get3A_751 = arith.constant 0 : index
    %get3A_752 = tpu.vector_load %arg10[%get3A_750, %get3A_751] {strides = array<i32>} : memref<8x16xi32, #tpu.memory_space<vmem>>, vector<16xi32>,
    %add3A_753 = arith.addi %add3A_732, %get3A_748 : vector<16xi32>
    %gt3A_754 = arith.constant 3 : i32
    %gt3A_755 = vector.broadcast %gt3A_754 : i32 to vector<16xi32>
    %gt3A_756 = arith.cmpi sgt, %add3A_682, %gt3A_755 : vector<16xi32>
    %jit3A_757 = arith.constant 1 : i32
    %jit3A_758 = arith.constant 0 : i32
    %broadcast_in_dim3A_759 = vector.broadcast %jit3A_757 : i32 to vector<16xi32>
    %broadcast_in_dim3A_760 = vector.broadcast %jit3A_758 : i32 to vector<16xi32>
    %select_n3A_761 = arith.select %gt3A_756, %broadcast_in_dim3A_759, %broadcast_in_dim3A_760 : vector<16xi1>, vector<16xi32>
    %mul3A_762 = arith.muli %select_n3A_761, %get3A_748 : vector<16xi32>
    %add3A_763 = arith.addi %add3A_742, %mul3A_762 : vector<16xi32>
    %mul3A_764 = arith.muli %select_n3A_761, %get3A_752 : vector<16xi32>
    %add3A_765 = arith.addi %add3A_744, %mul3A_764 : vector<16xi32>
    %get3A_766 = arith.constant 4 : i32
    %get3A_767 = arith.index_cast %get3A_766 : i32 to index
    %get3A_768 = arith.constant 0 : index
    %get3A_769 = tpu.vector_load %arg9[%get3A_767, %get3A_768] {strides = array<i32>} : memref<8x16xi32, #tpu.memory_space<vmem>>, vector<16xi32>,
    %get3A_770 = arith.constant 4 : i32
    %get3A_771 = arith.index_cast %get3A_770 : i32 to index
    %get3A_772 = arith.constant 0 : index
    %get3A_773 = tpu.vector_load %arg10[%get3A_771, %get3A_772] {strides = array<i32>} : memref<8x16xi32, #tpu.memory_space<vmem>>, vector<16xi32>,
    %add3A_774 = arith.addi %add3A_753, %get3A_769 : vector<16xi32>
    %gt3A_775 = arith.constant 4 : i32
    %gt3A_776 = vector.broadcast %gt3A_775 : i32 to vector<16xi32>
    %gt3A_777 = arith.cmpi sgt, %add3A_682, %gt3A_776 : vector<16xi32>
    %jit3A_778 = arith.constant 1 : i32
    %jit3A_779 = arith.constant 0 : i32
    %broadcast_in_dim3A_780 = vector.broadcast %jit3A_778 : i32 to vector<16xi32>
    %broadcast_in_dim3A_781 = vector.broadcast %jit3A_779 : i32 to vector<16xi32>
    %select_n3A_782 = arith.select %gt3A_777, %broadcast_in_dim3A_780, %broadcast_in_dim3A_781 : vector<16xi1>, vector<16xi32>
    %mul3A_783 = arith.muli %select_n3A_782, %get3A_769 : vector<16xi32>
    %add3A_784 = arith.addi %add3A_763, %mul3A_783 : vector<16xi32>
    %mul3A_785 = arith.muli %select_n3A_782, %get3A_773 : vector<16xi32>
    %add3A_786 = arith.addi %add3A_765, %mul3A_785 : vector<16xi32>
    %get3A_787 = arith.constant 5 : i32
    %get3A_788 = arith.index_cast %get3A_787 : i32 to index
    %get3A_789 = arith.constant 0 : index
    %get3A_790 = tpu.vector_load %arg9[%get3A_788, %get3A_789] {strides = array<i32>} : memref<8x16xi32, #tpu.memory_space<vmem>>, vector<16xi32>,
    %get3A_791 = arith.constant 5 : i32
    %get3A_792 = arith.index_cast %get3A_791 : i32 to index
    %get3A_793 = arith.constant 0 : index
    %get3A_794 = tpu.vector_load %arg10[%get3A_792, %get3A_793] {strides = array<i32>} : memref<8x16xi32, #tpu.memory_space<vmem>>, vector<16xi32>,
    %add3A_795 = arith.addi %add3A_774, %get3A_790 : vector<16xi32>
    %gt3A_796 = arith.constant 5 : i32
    %gt3A_797 = vector.broadcast %gt3A_796 : i32 to vector<16xi32>
    %gt3A_798 = arith.cmpi sgt, %add3A_682, %gt3A_797 : vector<16xi32>
    %jit3A_799 = arith.constant 1 : i32
    %jit3A_800 = arith.constant 0 : i32
    %broadcast_in_dim3A_801 = vector.broadcast %jit3A_799 : i32 to vector<16xi32>
    %broadcast_in_dim3A_802 = vector.broadcast %jit3A_800 : i32 to vector<16xi32>
    %select_n3A_803 = arith.select %gt3A_798, %broadcast_in_dim3A_801, %broadcast_in_dim3A_802 : vector<16xi1>, vector<16xi32>
    %mul3A_804 = arith.muli %select_n3A_803, %get3A_790 : vector<16xi32>
    %add3A_805 = arith.addi %add3A_784, %mul3A_804 : vector<16xi32>
    %mul3A_806 = arith.muli %select_n3A_803, %get3A_794 : vector<16xi32>
    %add3A_807 = arith.addi %add3A_786, %mul3A_806 : vector<16xi32>
    %get3A_808 = arith.constant 6 : i32
    %get3A_809 = arith.index_cast %get3A_808 : i32 to index
    %get3A_810 = arith.constant 0 : index
    %get3A_811 = tpu.vector_load %arg9[%get3A_809, %get3A_810] {strides = array<i32>} : memref<8x16xi32, #tpu.memory_space<vmem>>, vector<16xi32>,
    %get3A_812 = arith.constant 6 : i32
    %get3A_813 = arith.index_cast %get3A_812 : i32 to index
    %get3A_814 = arith.constant 0 : index
    %get3A_815 = tpu.vector_load %arg10[%get3A_813, %get3A_814] {strides = array<i32>} : memref<8x16xi32, #tpu.memory_space<vmem>>, vector<16xi32>,
    %add3A_816 = arith.addi %add3A_795, %get3A_811 : vector<16xi32>
    %gt3A_817 = arith.constant 6 : i32
    %gt3A_818 = vector.broadcast %gt3A_817 : i32 to vector<16xi32>
    %gt3A_819 = arith.cmpi sgt, %add3A_682, %gt3A_818 : vector<16xi32>
    %jit3A_820 = arith.constant 1 : i32
    %jit3A_821 = arith.constant 0 : i32
    %broadcast_in_dim3A_822 = vector.broadcast %jit3A_820 : i32 to vector<16xi32>
    %broadcast_in_dim3A_823 = vector.broadcast %jit3A_821 : i32 to vector<16xi32>
    %select_n3A_824 = arith.select %gt3A_819, %broadcast_in_dim3A_822, %broadcast_in_dim3A_823 : vector<16xi1>, vector<16xi32>
    %mul3A_825 = arith.muli %select_n3A_824, %get3A_811 : vector<16xi32>
    %add3A_826 = arith.addi %add3A_805, %mul3A_825 : vector<16xi32>
    %mul3A_827 = arith.muli %select_n3A_824, %get3A_815 : vector<16xi32>
    %add3A_828 = arith.addi %add3A_807, %mul3A_827 : vector<16xi32>
    %get3A_829 = arith.constant 7 : i32
    %get3A_830 = arith.index_cast %get3A_829 : i32 to index
    %get3A_831 = arith.constant 0 : index
    %get3A_832 = tpu.vector_load %arg9[%get3A_830, %get3A_831] {strides = array<i32>} : memref<8x16xi32, #tpu.memory_space<vmem>>, vector<16xi32>,
    %get3A_833 = arith.constant 7 : i32
    %get3A_834 = arith.index_cast %get3A_833 : i32 to index
    %get3A_835 = arith.constant 0 : index
    %get3A_836 = tpu.vector_load %arg10[%get3A_834, %get3A_835] {strides = array<i32>} : memref<8x16xi32, #tpu.memory_space<vmem>>, vector<16xi32>,
    %add3A_837 = arith.addi %add3A_816, %get3A_832 : vector<16xi32>
    %gt3A_838 = arith.constant 7 : i32
    %gt3A_839 = vector.broadcast %gt3A_838 : i32 to vector<16xi32>
    %gt3A_840 = arith.cmpi sgt, %add3A_682, %gt3A_839 : vector<16xi32>
    %jit3A_841 = arith.constant 1 : i32
    %jit3A_842 = arith.constant 0 : i32
    %broadcast_in_dim3A_843 = vector.broadcast %jit3A_841 : i32 to vector<16xi32>
    %broadcast_in_dim3A_844 = vector.broadcast %jit3A_842 : i32 to vector<16xi32>
    %select_n3A_845 = arith.select %gt3A_840, %broadcast_in_dim3A_843, %broadcast_in_dim3A_844 : vector<16xi1>, vector<16xi32>
    %mul3A_846 = arith.muli %select_n3A_845, %get3A_832 : vector<16xi32>
    %add3A_847 = arith.addi %add3A_826, %mul3A_846 : vector<16xi32>
    %mul3A_848 = arith.muli %select_n3A_845, %get3A_836 : vector<16xi32>
    %add3A_849 = arith.addi %add3A_828, %mul3A_848 : vector<16xi32>
    %add3A_850 = arith.constant 1000 : i32
    %add3A_851 = vector.broadcast %add3A_850 : i32 to vector<16xi32>
    %add3A_852 = arith.addi %broadcast_in_dim3A_70, %add3A_851 : vector<16xi32>
    %sub3A_853 = arith.subi %add3A_852, %add3A_837 : vector<16xi32>
    %mul3A_854 = arith.constant 1000 : i32
    %mul3A_855 = arith.muli %add3A_19, %mul3A_854 : i32
    %mul3A_856 = arith.constant 2560 : i32
    %mul3A_857 = arith.muli %add3A, %mul3A_856 : i32
    %add3A_858 = arith.constant 4000 : i32
    %add3A_859 = arith.addi %add3A_858, %mul3A_857 : i32
    %scan3A_860 = arith.constant 0 : i32
    %scan3A_861 = arith.constant 160 : i32
    %scan3A_862 = arith.addi %scan3A_860, %scan3A_861 : i32
    %scan3A_863 = arith.constant 1 : i32
    %scan3A_864:2 = scf.for %scan3A_1264 = %scan3A_860 to %scan3A_862 step %scan3A_863 iter_args(%scan3A_1265 = %broadcast_in_dim3A_70, %scan3A_1266 = %broadcast_in_dim3A_70) -> (vector<16xi32>, vector<16xi32>)  : i32 {
      %mul3A_1267 = arith.constant 16 : i32
      %mul3A_1268 = arith.muli %scan3A_1264, %mul3A_1267 : i32
      %get3A_1269 = arith.index_cast %mul3A_1268 : i32 to index
      %get3A_1270 = tpu.vector_load %arg4[%get3A_1269] {strides = array<i32>} : memref<2560xi32, #tpu.memory_space<vmem>>, vector<16xi32>,
      %mul3A_1271 = arith.constant 16 : i32
      %mul3A_1272 = arith.muli %scan3A_1264, %mul3A_1271 : i32
      %add3A_1273 = vector.broadcast %mul3A_1272 : i32 to vector<16xi32>
      %add3A_1274 = arith.addi %add3A_1273, %iota3A : vector<16xi32>
      %lt3A_1275 = vector.broadcast %select_n3A_69 : i32 to vector<16xi32>
      %lt3A_1276 = arith.cmpi slt, %add3A_1274, %lt3A_1275 : vector<16xi32>
      %gt3A_1277 = arith.cmpi sgt, %get3A_1270, %xor3A_669 : vector<16xi32>
      %and3A_1278 = arith.andi %lt3A_1276, %gt3A_1277 : vector<16xi1>
      %eq3A_1279 = arith.cmpi eq, %get3A_1270, %xor3A_669 : vector<16xi32>
      %and3A_1280 = arith.andi %lt3A_1276, %eq3A_1279 : vector<16xi1>
      %add3A_1281 = arith.addi %add3A_847, %scan3A_1265 : vector<16xi32>
      %jit3A_1282 = arith.constant 1 : i32
      %jit3A_1283 = arith.constant 0 : i32
      %broadcast_in_dim3A_1284 = vector.broadcast %jit3A_1282 : i32 to vector<16xi32>
      %broadcast_in_dim3A_1285 = vector.broadcast %jit3A_1283 : i32 to vector<16xi32>
      %select_n3A_1286 = arith.select %and3A_1278, %broadcast_in_dim3A_1284, %broadcast_in_dim3A_1285 : vector<16xi1>, vector<16xi32>
      %broadcast_in_dim3A_1287 = arith.constant true
      %broadcast_in_dim3A_1288 = vector.broadcast %broadcast_in_dim3A_1287 : i1 to vector<16xi1>
      %masked_cumsum3A_1289 = tpu.scan <sum>, %select_n3A_1286 masked %broadcast_in_dim3A_1288 : vector<16xi32>, vector<16xi1> -> vector<16xi32>
      %add3A_1290 = arith.addi %add3A_1281, %masked_cumsum3A_1289 : vector<16xi32>
      %sub3A_1291 = arith.constant 1 : i32
      %sub3A_1292 = vector.broadcast %sub3A_1291 : i32 to vector<16xi32>
      %sub3A_1293 = arith.subi %add3A_1290, %sub3A_1292 : vector<16xi32>
      %add3A_1294 = arith.addi %add3A_849, %scan3A_1266 : vector<16xi32>
      %jit3A_1295 = arith.constant 1 : i32
      %jit3A_1296 = arith.constant 0 : i32
      %broadcast_in_dim3A_1297 = vector.broadcast %jit3A_1295 : i32 to vector<16xi32>
      %broadcast_in_dim3A_1298 = vector.broadcast %jit3A_1296 : i32 to vector<16xi32>
      %select_n3A_1299 = arith.select %and3A_1280, %broadcast_in_dim3A_1297, %broadcast_in_dim3A_1298 : vector<16xi1>, vector<16xi32>
      %broadcast_in_dim3A_1300 = arith.constant true
      %broadcast_in_dim3A_1301 = vector.broadcast %broadcast_in_dim3A_1300 : i1 to vector<16xi1>
      %masked_cumsum3A_1302 = tpu.scan <sum>, %select_n3A_1299 masked %broadcast_in_dim3A_1301 : vector<16xi32>, vector<16xi1> -> vector<16xi32>
      %add3A_1303 = arith.addi %add3A_1294, %masked_cumsum3A_1302 : vector<16xi32>
      %sub3A_1304 = arith.constant 1 : i32
      %sub3A_1305 = vector.broadcast %sub3A_1304 : i32 to vector<16xi32>
      %sub3A_1306 = arith.subi %add3A_1303, %sub3A_1305 : vector<16xi32>
      %mul3A_1307 = arith.constant 16 : i32
      %mul3A_1308 = arith.muli %scan3A_1264, %mul3A_1307 : i32
      %add3A_1309 = arith.addi %add3A_859, %mul3A_1308 : i32
      %add3A_1310 = vector.broadcast %add3A_1309 : i32 to vector<16xi32>
      %add3A_1311 = arith.addi %add3A_1310, %iota3A : vector<16xi32>
      %add3A_1312 = vector.broadcast %mul3A_855 : i32 to vector<16xi32>
      %add3A_1313 = arith.addi %add3A_1312, %sub3A_1293 : vector<16xi32>
      %lt3A_1314 = arith.cmpi slt, %sub3A_1306, %sub3A_853 : vector<16xi32>
      %and3A_1315 = arith.andi %and3A_1280, %lt3A_1314 : vector<16xi1>
      %add3A_1316 = vector.broadcast %mul3A_855 : i32 to vector<16xi32>
      %add3A_1317 = arith.addi %add3A_1316, %add3A_837 : vector<16xi32>
      %add3A_1318 = arith.addi %add3A_1317, %sub3A_1306 : vector<16xi32>
      %select_n3A_1319 = arith.select %and3A_1315, %add3A_1318, %add3A_1311 : vector<16xi1>, vector<16xi32>
      %select_n3A_1320 = arith.select %and3A_1278, %add3A_1313, %select_n3A_1319 : vector<16xi1>, vector<16xi32>
      %jit3A_1321 = arith.constant 8 : i32
      %div3A_1322 = arith.divsi %scan3A_1264, %jit3A_1321 : i32
      %sign3A_1323 = arith.constant 0 : i32
      %sign3A_1324 = arith.cmpi sgt, %scan3A_1264, %sign3A_1323 : i32
      %sign3A_1325 = arith.extui %sign3A_1324 : i1 to i32
      %sign3A_1326 = arith.constant 0 : i32
      %sign3A_1327 = arith.cmpi slt, %scan3A_1264, %sign3A_1326 : i32
      %sign3A_1328 = arith.extui %sign3A_1327 : i1 to i32
      %sign3A_1329 = arith.subi %sign3A_1325, %sign3A_1328 : i32
      %sign3A_1330 = arith.constant 0 : i32
      %sign3A_1331 = arith.cmpi sgt, %jit3A_1321, %sign3A_1330 : i32
      %sign3A_1332 = arith.extui %sign3A_1331 : i1 to i32
      %sign3A_1333 = arith.constant 0 : i32
      %sign3A_1334 = arith.cmpi slt, %jit3A_1321, %sign3A_1333 : i32
      %sign3A_1335 = arith.extui %sign3A_1334 : i1 to i32
      %sign3A_1336 = arith.subi %sign3A_1332, %sign3A_1335 : i32
      %ne3A_1337 = arith.cmpi ne, %sign3A_1329, %sign3A_1336 : i32
      %rem3A_1338 = arith.remsi %scan3A_1264, %jit3A_1321 : i32
      %ne3A_1339 = arith.constant 0 : i32
      %ne3A_1340 = arith.cmpi ne, %rem3A_1338, %ne3A_1339 : i32
      %and3A_1341 = arith.andi %ne3A_1337, %ne3A_1340 : i1
      %sub3A_1342 = arith.constant 1 : i32
      %sub3A_1343 = arith.subi %div3A_1322, %sub3A_1342 : i32
      %select_n3A_1344 = arith.select %and3A_1341, %sub3A_1343, %div3A_1322 : i32
      %jit3A_1345 = arith.constant 8 : i32
      %eq3A_1346 = arith.constant 0 : i32
      %eq3A_1347 = arith.cmpi eq, %jit3A_1345, %eq3A_1346 : i32
      %jit3A_1348 = arith.constant 1 : i32
      %select_n3A_1349 = arith.select %eq3A_1347, %jit3A_1348, %jit3A_1345 : i32
      %rem3A_1350 = arith.remsi %scan3A_1264, %select_n3A_1349 : i32
      %ne3A_1351 = arith.constant 0 : i32
      %ne3A_1352 = arith.cmpi ne, %rem3A_1350, %ne3A_1351 : i32
      %lt3A_1353 = arith.constant 0 : i32
      %lt3A_1354 = arith.cmpi slt, %rem3A_1350, %lt3A_1353 : i32
      %lt3A_1355 = arith.constant 0 : i32
      %lt3A_1356 = arith.cmpi slt, %select_n3A_1349, %lt3A_1355 : i32
      %ne3A_1357 = arith.xori %lt3A_1354, %lt3A_1356 : i1
      %and3A_1358 = arith.andi %ne3A_1357, %ne3A_1352 : i1
      %add3A_1359 = arith.addi %rem3A_1350, %select_n3A_1349 : i32
      %select_n3A_1360 = arith.select %and3A_1358, %add3A_1359, %rem3A_1350 : i32
      %mul3A_1361 = arith.constant 16 : i32
      %mul3A_1362 = arith.muli %select_n3A_1360, %mul3A_1361 : i32
      %swap3A_1363 = arith.index_cast %select_n3A_1344 : i32 to index
      %swap3A_1364 = arith.index_cast %mul3A_1362 : i32 to index
      %swap3A_1365 = tpu.vector_load %arg5[%swap3A_1363, %swap3A_1364] {strides = array<i32>} : memref<20x128xi32, #tpu.memory_space<vmem>>, vector<16xi32>,
      tpu.vector_store %arg5[%swap3A_1363, %swap3A_1364], %select_n3A_1320 {strides = array<i32>} : memref<20x128xi32, #tpu.memory_space<vmem>>, vector<16xi32>,
      %mul3A_1366 = arith.constant 16 : i32
      %mul3A_1367 = arith.muli %scan3A_1264, %mul3A_1366 : i32
      %add3A_1368 = arith.addi %add3A_64, %mul3A_1367 : i32
      %add3A_1369 = vector.broadcast %add3A_1368 : i32 to vector<16xi32>
      %add3A_1370 = arith.addi %add3A_1369, %iota3A : vector<16xi32>
      %jit3A_1371 = arith.constant 8 : i32
      %div3A_1372 = arith.divsi %scan3A_1264, %jit3A_1371 : i32
      %sign3A_1373 = arith.constant 0 : i32
      %sign3A_1374 = arith.cmpi sgt, %scan3A_1264, %sign3A_1373 : i32
      %sign3A_1375 = arith.extui %sign3A_1374 : i1 to i32
      %sign3A_1376 = arith.constant 0 : i32
      %sign3A_1377 = arith.cmpi slt, %scan3A_1264, %sign3A_1376 : i32
      %sign3A_1378 = arith.extui %sign3A_1377 : i1 to i32
      %sign3A_1379 = arith.subi %sign3A_1375, %sign3A_1378 : i32
      %sign3A_1380 = arith.constant 0 : i32
      %sign3A_1381 = arith.cmpi sgt, %jit3A_1371, %sign3A_1380 : i32
      %sign3A_1382 = arith.extui %sign3A_1381 : i1 to i32
      %sign3A_1383 = arith.constant 0 : i32
      %sign3A_1384 = arith.cmpi slt, %jit3A_1371, %sign3A_1383 : i32
      %sign3A_1385 = arith.extui %sign3A_1384 : i1 to i32
      %sign3A_1386 = arith.subi %sign3A_1382, %sign3A_1385 : i32
      %ne3A_1387 = arith.cmpi ne, %sign3A_1379, %sign3A_1386 : i32
      %rem3A_1388 = arith.remsi %scan3A_1264, %jit3A_1371 : i32
      %ne3A_1389 = arith.constant 0 : i32
      %ne3A_1390 = arith.cmpi ne, %rem3A_1388, %ne3A_1389 : i32
      %and3A_1391 = arith.andi %ne3A_1387, %ne3A_1390 : i1
      %sub3A_1392 = arith.constant 1 : i32
      %sub3A_1393 = arith.subi %div3A_1372, %sub3A_1392 : i32
      %select_n3A_1394 = arith.select %and3A_1391, %sub3A_1393, %div3A_1372 : i32
      %jit3A_1395 = arith.constant 8 : i32
      %eq3A_1396 = arith.constant 0 : i32
      %eq3A_1397 = arith.cmpi eq, %jit3A_1395, %eq3A_1396 : i32
      %jit3A_1398 = arith.constant 1 : i32
      %select_n3A_1399 = arith.select %eq3A_1397, %jit3A_1398, %jit3A_1395 : i32
      %rem3A_1400 = arith.remsi %scan3A_1264, %select_n3A_1399 : i32
      %ne3A_1401 = arith.constant 0 : i32
      %ne3A_1402 = arith.cmpi ne, %rem3A_1400, %ne3A_1401 : i32
      %lt3A_1403 = arith.constant 0 : i32
      %lt3A_1404 = arith.cmpi slt, %rem3A_1400, %lt3A_1403 : i32
      %lt3A_1405 = arith.constant 0 : i32
      %lt3A_1406 = arith.cmpi slt, %select_n3A_1399, %lt3A_1405 : i32
      %ne3A_1407 = arith.xori %lt3A_1404, %lt3A_1406 : i1
      %and3A_1408 = arith.andi %ne3A_1407, %ne3A_1402 : i1
      %add3A_1409 = arith.addi %rem3A_1400, %select_n3A_1399 : i32
      %select_n3A_1410 = arith.select %and3A_1408, %add3A_1409, %rem3A_1400 : i32
      %mul3A_1411 = arith.constant 16 : i32
      %mul3A_1412 = arith.muli %select_n3A_1410, %mul3A_1411 : i32
      %swap3A_1413 = arith.index_cast %select_n3A_1394 : i32 to index
      %swap3A_1414 = arith.index_cast %mul3A_1412 : i32 to index
      %swap3A_1415 = tpu.vector_load %arg6[%swap3A_1413, %swap3A_1414] {strides = array<i32>} : memref<20x128xi32, #tpu.memory_space<vmem>>, vector<16xi32>,
      tpu.vector_store %arg6[%swap3A_1413, %swap3A_1414], %add3A_1370 {strides = array<i32>} : memref<20x128xi32, #tpu.memory_space<vmem>>, vector<16xi32>,
      %all_reduce_population_count3A_1416 = tpu.all_reduce %and3A_1278 {dim = 0 : i64, kind = #tpu.reduction_kind<sum>} : vector<16xi1> -> vector<16xi32>
      %add3A_1417 = arith.addi %scan3A_1265, %all_reduce_population_count3A_1416 : vector<16xi32>
      %all_reduce_population_count3A_1418 = tpu.all_reduce %and3A_1280 {dim = 0 : i64, kind = #tpu.reduction_kind<sum>} : vector<16xi1> -> vector<16xi32>
      %add3A_1419 = arith.addi %scan3A_1266, %all_reduce_population_count3A_1418 : vector<16xi32>
      scf.yield %add3A_1417, %add3A_1419 : vector<16xi32>, vector<16xi32>
    }
    %scan3A_865 = arith.constant 160 : i32
    %dma_start3A = arith.constant 0 : i32
    %dma_start3A_866 = arith.constant 0 : i32
    %dma_start3A_867 = arith.constant 0 : i32
    %dma_start3A_868 = tpu.memref_slice %arg6[%dma_start3A, %dma_start3A_867] : memref<20x128xi32, #tpu.memory_space<vmem>> -> memref<1x128xi32, #tpu.memory_space<vmem>>
    %dma_start3A_869 = tpu.memref_squeeze %dma_start3A_868 : memref<1x128xi32, #tpu.memory_space<vmem>> -> memref<128xi32, #tpu.memory_space<vmem>>
    %dma_start3A_870 = arith.constant 0 : i32
    %dma_start3A_871 = tpu.memref_slice %arg5[%dma_start3A_866, %dma_start3A_870] : memref<20x128xi32, #tpu.memory_space<vmem>> -> memref<1x128xi32, #tpu.memory_space<vmem>>
    %dma_start3A_872 = tpu.memref_squeeze %dma_start3A_871 : memref<1x128xi32, #tpu.memory_space<vmem>> -> memref<128xi32, #tpu.memory_space<vmem>>
    %dma_start3A_873 = arith.constant 0 : i32
    %dma_start3A_874 = tpu.memref_slice %arg3[%dma_start3A_873] : memref<85920xi32, #tpu.memory_space<hbm>> -> memref<85920xi32, #tpu.memory_space<hbm>>
    tpu.enqueue_indirect_dma source(%dma_start3A_869 : memref<128xi32, #tpu.memory_space<vmem>>) target(%dma_start3A_874 : memref<85920xi32, #tpu.memory_space<hbm>>) offsets(%dma_start3A_872 : memref<128xi32, #tpu.memory_space<vmem>>) semaphore(%arg13 : memref<!tpu.dma_semaphore, #tpu.memory_space<semaphore_mem>>)
    %dma_start3A_875 = arith.constant 1 : i32
    %dma_start3A_876 = arith.constant 1 : i32
    %dma_start3A_877 = arith.constant 0 : i32
    %dma_start3A_878 = tpu.memref_slice %arg6[%dma_start3A_875, %dma_start3A_877] : memref<20x128xi32, #tpu.memory_space<vmem>> -> memref<1x128xi32, #tpu.memory_space<vmem>>
    %dma_start3A_879 = tpu.memref_squeeze %dma_start3A_878 : memref<1x128xi32, #tpu.memory_space<vmem>> -> memref<128xi32, #tpu.memory_space<vmem>>
    %dma_start3A_880 = arith.constant 0 : i32
    %dma_start3A_881 = tpu.memref_slice %arg5[%dma_start3A_876, %dma_start3A_880] : memref<20x128xi32, #tpu.memory_space<vmem>> -> memref<1x128xi32, #tpu.memory_space<vmem>>
    %dma_start3A_882 = tpu.memref_squeeze %dma_start3A_881 : memref<1x128xi32, #tpu.memory_space<vmem>> -> memref<128xi32, #tpu.memory_space<vmem>>
    %dma_start3A_883 = arith.constant 0 : i32
    %dma_start3A_884 = tpu.memref_slice %arg3[%dma_start3A_883] : memref<85920xi32, #tpu.memory_space<hbm>> -> memref<85920xi32, #tpu.memory_space<hbm>>
    tpu.enqueue_indirect_dma source(%dma_start3A_879 : memref<128xi32, #tpu.memory_space<vmem>>) target(%dma_start3A_884 : memref<85920xi32, #tpu.memory_space<hbm>>) offsets(%dma_start3A_882 : memref<128xi32, #tpu.memory_space<vmem>>) semaphore(%arg13 : memref<!tpu.dma_semaphore, #tpu.memory_space<semaphore_mem>>)
    %dma_start3A_885 = arith.constant 2 : i32
    %dma_start3A_886 = arith.constant 2 : i32
    %dma_start3A_887 = arith.constant 0 : i32
    %dma_start3A_888 = tpu.memref_slice %arg6[%dma_start3A_885, %dma_start3A_887] : memref<20x128xi32, #tpu.memory_space<vmem>> -> memref<1x128xi32, #tpu.memory_space<vmem>>
    %dma_start3A_889 = tpu.memref_squeeze %dma_start3A_888 : memref<1x128xi32, #tpu.memory_space<vmem>> -> memref<128xi32, #tpu.memory_space<vmem>>
    %dma_start3A_890 = arith.constant 0 : i32
    %dma_start3A_891 = tpu.memref_slice %arg5[%dma_start3A_886, %dma_start3A_890] : memref<20x128xi32, #tpu.memory_space<vmem>> -> memref<1x128xi32, #tpu.memory_space<vmem>>
    %dma_start3A_892 = tpu.memref_squeeze %dma_start3A_891 : memref<1x128xi32, #tpu.memory_space<vmem>> -> memref<128xi32, #tpu.memory_space<vmem>>
    %dma_start3A_893 = arith.constant 0 : i32
    %dma_start3A_894 = tpu.memref_slice %arg3[%dma_start3A_893] : memref<85920xi32, #tpu.memory_space<hbm>> -> memref<85920xi32, #tpu.memory_space<hbm>>
    tpu.enqueue_indirect_dma source(%dma_start3A_889 : memref<128xi32, #tpu.memory_space<vmem>>) target(%dma_start3A_894 : memref<85920xi32, #tpu.memory_space<hbm>>) offsets(%dma_start3A_892 : memref<128xi32, #tpu.memory_space<vmem>>) semaphore(%arg13 : memref<!tpu.dma_semaphore, #tpu.memory_space<semaphore_mem>>)
    %dma_start3A_895 = arith.constant 3 : i32
    %dma_start3A_896 = arith.constant 3 : i32
    %dma_start3A_897 = arith.constant 0 : i32
    %dma_start3A_898 = tpu.memref_slice %arg6[%dma_start3A_895, %dma_start3A_897] : memref<20x128xi32, #tpu.memory_space<vmem>> -> memref<1x128xi32, #tpu.memory_space<vmem>>
    %dma_start3A_899 = tpu.memref_squeeze %dma_start3A_898 : memref<1x128xi32, #tpu.memory_space<vmem>> -> memref<128xi32, #tpu.memory_space<vmem>>
    %dma_start3A_900 = arith.constant 0 : i32
    %dma_start3A_901 = tpu.memref_slice %arg5[%dma_start3A_896, %dma_start3A_900] : memref<20x128xi32, #tpu.memory_space<vmem>> -> memref<1x128xi32, #tpu.memory_space<vmem>>
    %dma_start3A_902 = tpu.memref_squeeze %dma_start3A_901 : memref<1x128xi32, #tpu.memory_space<vmem>> -> memref<128xi32, #tpu.memory_space<vmem>>
    %dma_start3A_903 = arith.constant 0 : i32
    %dma_start3A_904 = tpu.memref_slice %arg3[%dma_start3A_903] : memref<85920xi32, #tpu.memory_space<hbm>> -> memref<85920xi32, #tpu.memory_space<hbm>>
    tpu.enqueue_indirect_dma source(%dma_start3A_899 : memref<128xi32, #tpu.memory_space<vmem>>) target(%dma_start3A_904 : memref<85920xi32, #tpu.memory_space<hbm>>) offsets(%dma_start3A_902 : memref<128xi32, #tpu.memory_space<vmem>>) semaphore(%arg13 : memref<!tpu.dma_semaphore, #tpu.memory_space<semaphore_mem>>)
    %dma_start3A_905 = arith.constant 4 : i32
    %dma_start3A_906 = arith.constant 4 : i32
    %dma_start3A_907 = arith.constant 0 : i32
    %dma_start3A_908 = tpu.memref_slice %arg6[%dma_start3A_905, %dma_start3A_907] : memref<20x128xi32, #tpu.memory_space<vmem>> -> memref<1x128xi32, #tpu.memory_space<vmem>>
    %dma_start3A_909 = tpu.memref_squeeze %dma_start3A_908 : memref<1x128xi32, #tpu.memory_space<vmem>> -> memref<128xi32, #tpu.memory_space<vmem>>
    %dma_start3A_910 = arith.constant 0 : i32
    %dma_start3A_911 = tpu.memref_slice %arg5[%dma_start3A_906, %dma_start3A_910] : memref<20x128xi32, #tpu.memory_space<vmem>> -> memref<1x128xi32, #tpu.memory_space<vmem>>
    %dma_start3A_912 = tpu.memref_squeeze %dma_start3A_911 : memref<1x128xi32, #tpu.memory_space<vmem>> -> memref<128xi32, #tpu.memory_space<vmem>>
    %dma_start3A_913 = arith.constant 0 : i32
    %dma_start3A_914 = tpu.memref_slice %arg3[%dma_start3A_913] : memref<85920xi32, #tpu.memory_space<hbm>> -> memref<85920xi32, #tpu.memory_space<hbm>>
    tpu.enqueue_indirect_dma source(%dma_start3A_909 : memref<128xi32, #tpu.memory_space<vmem>>) target(%dma_start3A_914 : memref<85920xi32, #tpu.memory_space<hbm>>) offsets(%dma_start3A_912 : memref<128xi32, #tpu.memory_space<vmem>>) semaphore(%arg13 : memref<!tpu.dma_semaphore, #tpu.memory_space<semaphore_mem>>)
    %dma_start3A_915 = arith.constant 5 : i32
    %dma_start3A_916 = arith.constant 5 : i32
    %dma_start3A_917 = arith.constant 0 : i32
    %dma_start3A_918 = tpu.memref_slice %arg6[%dma_start3A_915, %dma_start3A_917] : memref<20x128xi32, #tpu.memory_space<vmem>> -> memref<1x128xi32, #tpu.memory_space<vmem>>
    %dma_start3A_919 = tpu.memref_squeeze %dma_start3A_918 : memref<1x128xi32, #tpu.memory_space<vmem>> -> memref<128xi32, #tpu.memory_space<vmem>>
    %dma_start3A_920 = arith.constant 0 : i32
    %dma_start3A_921 = tpu.memref_slice %arg5[%dma_start3A_916, %dma_start3A_920] : memref<20x128xi32, #tpu.memory_space<vmem>> -> memref<1x128xi32, #tpu.memory_space<vmem>>
    %dma_start3A_922 = tpu.memref_squeeze %dma_start3A_921 : memref<1x128xi32, #tpu.memory_space<vmem>> -> memref<128xi32, #tpu.memory_space<vmem>>
    %dma_start3A_923 = arith.constant 0 : i32
    %dma_start3A_924 = tpu.memref_slice %arg3[%dma_start3A_923] : memref<85920xi32, #tpu.memory_space<hbm>> -> memref<85920xi32, #tpu.memory_space<hbm>>
    tpu.enqueue_indirect_dma source(%dma_start3A_919 : memref<128xi32, #tpu.memory_space<vmem>>) target(%dma_start3A_924 : memref<85920xi32, #tpu.memory_space<hbm>>) offsets(%dma_start3A_922 : memref<128xi32, #tpu.memory_space<vmem>>) semaphore(%arg13 : memref<!tpu.dma_semaphore, #tpu.memory_space<semaphore_mem>>)
    %dma_start3A_925 = arith.constant 6 : i32
    %dma_start3A_926 = arith.constant 6 : i32
    %dma_start3A_927 = arith.constant 0 : i32
    %dma_start3A_928 = tpu.memref_slice %arg6[%dma_start3A_925, %dma_start3A_927] : memref<20x128xi32, #tpu.memory_space<vmem>> -> memref<1x128xi32, #tpu.memory_space<vmem>>
    %dma_start3A_929 = tpu.memref_squeeze %dma_start3A_928 : memref<1x128xi32, #tpu.memory_space<vmem>> -> memref<128xi32, #tpu.memory_space<vmem>>
    %dma_start3A_930 = arith.constant 0 : i32
    %dma_start3A_931 = tpu.memref_slice %arg5[%dma_start3A_926, %dma_start3A_930] : memref<20x128xi32, #tpu.memory_space<vmem>> -> memref<1x128xi32, #tpu.memory_space<vmem>>
    %dma_start3A_932 = tpu.memref_squeeze %dma_start3A_931 : memref<1x128xi32, #tpu.memory_space<vmem>> -> memref<128xi32, #tpu.memory_space<vmem>>
    %dma_start3A_933 = arith.constant 0 : i32
    %dma_start3A_934 = tpu.memref_slice %arg3[%dma_start3A_933] : memref<85920xi32, #tpu.memory_space<hbm>> -> memref<85920xi32, #tpu.memory_space<hbm>>
    tpu.enqueue_indirect_dma source(%dma_start3A_929 : memref<128xi32, #tpu.memory_space<vmem>>) target(%dma_start3A_934 : memref<85920xi32, #tpu.memory_space<hbm>>) offsets(%dma_start3A_932 : memref<128xi32, #tpu.memory_space<vmem>>) semaphore(%arg13 : memref<!tpu.dma_semaphore, #tpu.memory_space<semaphore_mem>>)
    %dma_start3A_935 = arith.constant 7 : i32
    %dma_start3A_936 = arith.constant 7 : i32
    %dma_start3A_937 = arith.constant 0 : i32
    %dma_start3A_938 = tpu.memref_slice %arg6[%dma_start3A_935, %dma_start3A_937] : memref<20x128xi32, #tpu.memory_space<vmem>> -> memref<1x128xi32, #tpu.memory_space<vmem>>
    %dma_start3A_939 = tpu.memref_squeeze %dma_start3A_938 : memref<1x128xi32, #tpu.memory_space<vmem>> -> memref<128xi32, #tpu.memory_space<vmem>>
    %dma_start3A_940 = arith.constant 0 : i32
    %dma_start3A_941 = tpu.memref_slice %arg5[%dma_start3A_936, %dma_start3A_940] : memref<20x128xi32, #tpu.memory_space<vmem>> -> memref<1x128xi32, #tpu.memory_space<vmem>>
    %dma_start3A_942 = tpu.memref_squeeze %dma_start3A_941 : memref<1x128xi32, #tpu.memory_space<vmem>> -> memref<128xi32, #tpu.memory_space<vmem>>
    %dma_start3A_943 = arith.constant 0 : i32
    %dma_start3A_944 = tpu.memref_slice %arg3[%dma_start3A_943] : memref<85920xi32, #tpu.memory_space<hbm>> -> memref<85920xi32, #tpu.memory_space<hbm>>
    tpu.enqueue_indirect_dma source(%dma_start3A_939 : memref<128xi32, #tpu.memory_space<vmem>>) target(%dma_start3A_944 : memref<85920xi32, #tpu.memory_space<hbm>>) offsets(%dma_start3A_942 : memref<128xi32, #tpu.memory_space<vmem>>) semaphore(%arg13 : memref<!tpu.dma_semaphore, #tpu.memory_space<semaphore_mem>>)
    %dma_start3A_945 = arith.constant 8 : i32
    %dma_start3A_946 = arith.constant 8 : i32
    %dma_start3A_947 = arith.constant 0 : i32
    %dma_start3A_948 = tpu.memref_slice %arg6[%dma_start3A_945, %dma_start3A_947] : memref<20x128xi32, #tpu.memory_space<vmem>> -> memref<1x128xi32, #tpu.memory_space<vmem>>
    %dma_start3A_949 = tpu.memref_squeeze %dma_start3A_948 : memref<1x128xi32, #tpu.memory_space<vmem>> -> memref<128xi32, #tpu.memory_space<vmem>>
    %dma_start3A_950 = arith.constant 0 : i32
    %dma_start3A_951 = tpu.memref_slice %arg5[%dma_start3A_946, %dma_start3A_950] : memref<20x128xi32, #tpu.memory_space<vmem>> -> memref<1x128xi32, #tpu.memory_space<vmem>>
    %dma_start3A_952 = tpu.memref_squeeze %dma_start3A_951 : memref<1x128xi32, #tpu.memory_space<vmem>> -> memref<128xi32, #tpu.memory_space<vmem>>
    %dma_start3A_953 = arith.constant 0 : i32
    %dma_start3A_954 = tpu.memref_slice %arg3[%dma_start3A_953] : memref<85920xi32, #tpu.memory_space<hbm>> -> memref<85920xi32, #tpu.memory_space<hbm>>
    tpu.enqueue_indirect_dma source(%dma_start3A_949 : memref<128xi32, #tpu.memory_space<vmem>>) target(%dma_start3A_954 : memref<85920xi32, #tpu.memory_space<hbm>>) offsets(%dma_start3A_952 : memref<128xi32, #tpu.memory_space<vmem>>) semaphore(%arg13 : memref<!tpu.dma_semaphore, #tpu.memory_space<semaphore_mem>>)
    %dma_start3A_955 = arith.constant 9 : i32
    %dma_start3A_956 = arith.constant 9 : i32
    %dma_start3A_957 = arith.constant 0 : i32
    %dma_start3A_958 = tpu.memref_slice %arg6[%dma_start3A_955, %dma_start3A_957] : memref<20x128xi32, #tpu.memory_space<vmem>> -> memref<1x128xi32, #tpu.memory_space<vmem>>
    %dma_start3A_959 = tpu.memref_squeeze %dma_start3A_958 : memref<1x128xi32, #tpu.memory_space<vmem>> -> memref<128xi32, #tpu.memory_space<vmem>>
    %dma_start3A_960 = arith.constant 0 : i32
    %dma_start3A_961 = tpu.memref_slice %arg5[%dma_start3A_956, %dma_start3A_960] : memref<20x128xi32, #tpu.memory_space<vmem>> -> memref<1x128xi32, #tpu.memory_space<vmem>>
    %dma_start3A_962 = tpu.memref_squeeze %dma_start3A_961 : memref<1x128xi32, #tpu.memory_space<vmem>> -> memref<128xi32, #tpu.memory_space<vmem>>
    %dma_start3A_963 = arith.constant 0 : i32
    %dma_start3A_964 = tpu.memref_slice %arg3[%dma_start3A_963] : memref<85920xi32, #tpu.memory_space<hbm>> -> memref<85920xi32, #tpu.memory_space<hbm>>
    tpu.enqueue_indirect_dma source(%dma_start3A_959 : memref<128xi32, #tpu.memory_space<vmem>>) target(%dma_start3A_964 : memref<85920xi32, #tpu.memory_space<hbm>>) offsets(%dma_start3A_962 : memref<128xi32, #tpu.memory_space<vmem>>) semaphore(%arg13 : memref<!tpu.dma_semaphore, #tpu.memory_space<semaphore_mem>>)
    %dma_start3A_965 = arith.constant 10 : i32
    %dma_start3A_966 = arith.constant 10 : i32
    %dma_start3A_967 = arith.constant 0 : i32
    %dma_start3A_968 = tpu.memref_slice %arg6[%dma_start3A_965, %dma_start3A_967] : memref<20x128xi32, #tpu.memory_space<vmem>> -> memref<1x128xi32, #tpu.memory_space<vmem>>
    %dma_start3A_969 = tpu.memref_squeeze %dma_start3A_968 : memref<1x128xi32, #tpu.memory_space<vmem>> -> memref<128xi32, #tpu.memory_space<vmem>>
    %dma_start3A_970 = arith.constant 0 : i32
    %dma_start3A_971 = tpu.memref_slice %arg5[%dma_start3A_966, %dma_start3A_970] : memref<20x128xi32, #tpu.memory_space<vmem>> -> memref<1x128xi32, #tpu.memory_space<vmem>>
    %dma_start3A_972 = tpu.memref_squeeze %dma_start3A_971 : memref<1x128xi32, #tpu.memory_space<vmem>> -> memref<128xi32, #tpu.memory_space<vmem>>
    %dma_start3A_973 = arith.constant 0 : i32
    %dma_start3A_974 = tpu.memref_slice %arg3[%dma_start3A_973] : memref<85920xi32, #tpu.memory_space<hbm>> -> memref<85920xi32, #tpu.memory_space<hbm>>
    tpu.enqueue_indirect_dma source(%dma_start3A_969 : memref<128xi32, #tpu.memory_space<vmem>>) target(%dma_start3A_974 : memref<85920xi32, #tpu.memory_space<hbm>>) offsets(%dma_start3A_972 : memref<128xi32, #tpu.memory_space<vmem>>) semaphore(%arg13 : memref<!tpu.dma_semaphore, #tpu.memory_space<semaphore_mem>>)
    %dma_start3A_975 = arith.constant 11 : i32
    %dma_start3A_976 = arith.constant 11 : i32
    %dma_start3A_977 = arith.constant 0 : i32
    %dma_start3A_978 = tpu.memref_slice %arg6[%dma_start3A_975, %dma_start3A_977] : memref<20x128xi32, #tpu.memory_space<vmem>> -> memref<1x128xi32, #tpu.memory_space<vmem>>
    %dma_start3A_979 = tpu.memref_squeeze %dma_start3A_978 : memref<1x128xi32, #tpu.memory_space<vmem>> -> memref<128xi32, #tpu.memory_space<vmem>>
    %dma_start3A_980 = arith.constant 0 : i32
    %dma_start3A_981 = tpu.memref_slice %arg5[%dma_start3A_976, %dma_start3A_980] : memref<20x128xi32, #tpu.memory_space<vmem>> -> memref<1x128xi32, #tpu.memory_space<vmem>>
    %dma_start3A_982 = tpu.memref_squeeze %dma_start3A_981 : memref<1x128xi32, #tpu.memory_space<vmem>> -> memref<128xi32, #tpu.memory_space<vmem>>
    %dma_start3A_983 = arith.constant 0 : i32
    %dma_start3A_984 = tpu.memref_slice %arg3[%dma_start3A_983] : memref<85920xi32, #tpu.memory_space<hbm>> -> memref<85920xi32, #tpu.memory_space<hbm>>
    tpu.enqueue_indirect_dma source(%dma_start3A_979 : memref<128xi32, #tpu.memory_space<vmem>>) target(%dma_start3A_984 : memref<85920xi32, #tpu.memory_space<hbm>>) offsets(%dma_start3A_982 : memref<128xi32, #tpu.memory_space<vmem>>) semaphore(%arg13 : memref<!tpu.dma_semaphore, #tpu.memory_space<semaphore_mem>>)
    %dma_start3A_985 = arith.constant 12 : i32
    %dma_start3A_986 = arith.constant 12 : i32
    %dma_start3A_987 = arith.constant 0 : i32
    %dma_start3A_988 = tpu.memref_slice %arg6[%dma_start3A_985, %dma_start3A_987] : memref<20x128xi32, #tpu.memory_space<vmem>> -> memref<1x128xi32, #tpu.memory_space<vmem>>
    %dma_start3A_989 = tpu.memref_squeeze %dma_start3A_988 : memref<1x128xi32, #tpu.memory_space<vmem>> -> memref<128xi32, #tpu.memory_space<vmem>>
    %dma_start3A_990 = arith.constant 0 : i32
    %dma_start3A_991 = tpu.memref_slice %arg5[%dma_start3A_986, %dma_start3A_990] : memref<20x128xi32, #tpu.memory_space<vmem>> -> memref<1x128xi32, #tpu.memory_space<vmem>>
    %dma_start3A_992 = tpu.memref_squeeze %dma_start3A_991 : memref<1x128xi32, #tpu.memory_space<vmem>> -> memref<128xi32, #tpu.memory_space<vmem>>
    %dma_start3A_993 = arith.constant 0 : i32
    %dma_start3A_994 = tpu.memref_slice %arg3[%dma_start3A_993] : memref<85920xi32, #tpu.memory_space<hbm>> -> memref<85920xi32, #tpu.memory_space<hbm>>
    tpu.enqueue_indirect_dma source(%dma_start3A_989 : memref<128xi32, #tpu.memory_space<vmem>>) target(%dma_start3A_994 : memref<85920xi32, #tpu.memory_space<hbm>>) offsets(%dma_start3A_992 : memref<128xi32, #tpu.memory_space<vmem>>) semaphore(%arg13 : memref<!tpu.dma_semaphore, #tpu.memory_space<semaphore_mem>>)
    %dma_start3A_995 = arith.constant 13 : i32
    %dma_start3A_996 = arith.constant 13 : i32
    %dma_start3A_997 = arith.constant 0 : i32
    %dma_start3A_998 = tpu.memref_slice %arg6[%dma_start3A_995, %dma_start3A_997] : memref<20x128xi32, #tpu.memory_space<vmem>> -> memref<1x128xi32, #tpu.memory_space<vmem>>
    %dma_start3A_999 = tpu.memref_squeeze %dma_start3A_998 : memref<1x128xi32, #tpu.memory_space<vmem>> -> memref<128xi32, #tpu.memory_space<vmem>>
    %dma_start3A_1000 = arith.constant 0 : i32
    %dma_start3A_1001 = tpu.memref_slice %arg5[%dma_start3A_996, %dma_start3A_1000] : memref<20x128xi32, #tpu.memory_space<vmem>> -> memref<1x128xi32, #tpu.memory_space<vmem>>
    %dma_start3A_1002 = tpu.memref_squeeze %dma_start3A_1001 : memref<1x128xi32, #tpu.memory_space<vmem>> -> memref<128xi32, #tpu.memory_space<vmem>>
    %dma_start3A_1003 = arith.constant 0 : i32
    %dma_start3A_1004 = tpu.memref_slice %arg3[%dma_start3A_1003] : memref<85920xi32, #tpu.memory_space<hbm>> -> memref<85920xi32, #tpu.memory_space<hbm>>
    tpu.enqueue_indirect_dma source(%dma_start3A_999 : memref<128xi32, #tpu.memory_space<vmem>>) target(%dma_start3A_1004 : memref<85920xi32, #tpu.memory_space<hbm>>) offsets(%dma_start3A_1002 : memref<128xi32, #tpu.memory_space<vmem>>) semaphore(%arg13 : memref<!tpu.dma_semaphore, #tpu.memory_space<semaphore_mem>>)
    %dma_start3A_1005 = arith.constant 14 : i32
    %dma_start3A_1006 = arith.constant 14 : i32
    %dma_start3A_1007 = arith.constant 0 : i32
    %dma_start3A_1008 = tpu.memref_slice %arg6[%dma_start3A_1005, %dma_start3A_1007] : memref<20x128xi32, #tpu.memory_space<vmem>> -> memref<1x128xi32, #tpu.memory_space<vmem>>
    %dma_start3A_1009 = tpu.memref_squeeze %dma_start3A_1008 : memref<1x128xi32, #tpu.memory_space<vmem>> -> memref<128xi32, #tpu.memory_space<vmem>>
    %dma_start3A_1010 = arith.constant 0 : i32
    %dma_start3A_1011 = tpu.memref_slice %arg5[%dma_start3A_1006, %dma_start3A_1010] : memref<20x128xi32, #tpu.memory_space<vmem>> -> memref<1x128xi32, #tpu.memory_space<vmem>>
    %dma_start3A_1012 = tpu.memref_squeeze %dma_start3A_1011 : memref<1x128xi32, #tpu.memory_space<vmem>> -> memref<128xi32, #tpu.memory_space<vmem>>
    %dma_start3A_1013 = arith.constant 0 : i32
    %dma_start3A_1014 = tpu.memref_slice %arg3[%dma_start3A_1013] : memref<85920xi32, #tpu.memory_space<hbm>> -> memref<85920xi32, #tpu.memory_space<hbm>>
    tpu.enqueue_indirect_dma source(%dma_start3A_1009 : memref<128xi32, #tpu.memory_space<vmem>>) target(%dma_start3A_1014 : memref<85920xi32, #tpu.memory_space<hbm>>) offsets(%dma_start3A_1012 : memref<128xi32, #tpu.memory_space<vmem>>) semaphore(%arg13 : memref<!tpu.dma_semaphore, #tpu.memory_space<semaphore_mem>>)
    %dma_start3A_1015 = arith.constant 15 : i32
    %dma_start3A_1016 = arith.constant 15 : i32
    %dma_start3A_1017 = arith.constant 0 : i32
    %dma_start3A_1018 = tpu.memref_slice %arg6[%dma_start3A_1015, %dma_start3A_1017] : memref<20x128xi32, #tpu.memory_space<vmem>> -> memref<1x128xi32, #tpu.memory_space<vmem>>
    %dma_start3A_1019 = tpu.memref_squeeze %dma_start3A_1018 : memref<1x128xi32, #tpu.memory_space<vmem>> -> memref<128xi32, #tpu.memory_space<vmem>>
    %dma_start3A_1020 = arith.constant 0 : i32
    %dma_start3A_1021 = tpu.memref_slice %arg5[%dma_start3A_1016, %dma_start3A_1020] : memref<20x128xi32, #tpu.memory_space<vmem>> -> memref<1x128xi32, #tpu.memory_space<vmem>>
    %dma_start3A_1022 = tpu.memref_squeeze %dma_start3A_1021 : memref<1x128xi32, #tpu.memory_space<vmem>> -> memref<128xi32, #tpu.memory_space<vmem>>
    %dma_start3A_1023 = arith.constant 0 : i32
    %dma_start3A_1024 = tpu.memref_slice %arg3[%dma_start3A_1023] : memref<85920xi32, #tpu.memory_space<hbm>> -> memref<85920xi32, #tpu.memory_space<hbm>>
    tpu.enqueue_indirect_dma source(%dma_start3A_1019 : memref<128xi32, #tpu.memory_space<vmem>>) target(%dma_start3A_1024 : memref<85920xi32, #tpu.memory_space<hbm>>) offsets(%dma_start3A_1022 : memref<128xi32, #tpu.memory_space<vmem>>) semaphore(%arg13 : memref<!tpu.dma_semaphore, #tpu.memory_space<semaphore_mem>>)
    %dma_start3A_1025 = arith.constant 16 : i32
    %dma_start3A_1026 = arith.constant 16 : i32
    %dma_start3A_1027 = arith.constant 0 : i32
    %dma_start3A_1028 = tpu.memref_slice %arg6[%dma_start3A_1025, %dma_start3A_1027] : memref<20x128xi32, #tpu.memory_space<vmem>> -> memref<1x128xi32, #tpu.memory_space<vmem>>
    %dma_start3A_1029 = tpu.memref_squeeze %dma_start3A_1028 : memref<1x128xi32, #tpu.memory_space<vmem>> -> memref<128xi32, #tpu.memory_space<vmem>>
    %dma_start3A_1030 = arith.constant 0 : i32
    %dma_start3A_1031 = tpu.memref_slice %arg5[%dma_start3A_1026, %dma_start3A_1030] : memref<20x128xi32, #tpu.memory_space<vmem>> -> memref<1x128xi32, #tpu.memory_space<vmem>>
    %dma_start3A_1032 = tpu.memref_squeeze %dma_start3A_1031 : memref<1x128xi32, #tpu.memory_space<vmem>> -> memref<128xi32, #tpu.memory_space<vmem>>
    %dma_start3A_1033 = arith.constant 0 : i32
    %dma_start3A_1034 = tpu.memref_slice %arg3[%dma_start3A_1033] : memref<85920xi32, #tpu.memory_space<hbm>> -> memref<85920xi32, #tpu.memory_space<hbm>>
    tpu.enqueue_indirect_dma source(%dma_start3A_1029 : memref<128xi32, #tpu.memory_space<vmem>>) target(%dma_start3A_1034 : memref<85920xi32, #tpu.memory_space<hbm>>) offsets(%dma_start3A_1032 : memref<128xi32, #tpu.memory_space<vmem>>) semaphore(%arg13 : memref<!tpu.dma_semaphore, #tpu.memory_space<semaphore_mem>>)
    %dma_start3A_1035 = arith.constant 17 : i32
    %dma_start3A_1036 = arith.constant 17 : i32
    %dma_start3A_1037 = arith.constant 0 : i32
    %dma_start3A_1038 = tpu.memref_slice %arg6[%dma_start3A_1035, %dma_start3A_1037] : memref<20x128xi32, #tpu.memory_space<vmem>> -> memref<1x128xi32, #tpu.memory_space<vmem>>
    %dma_start3A_1039 = tpu.memref_squeeze %dma_start3A_1038 : memref<1x128xi32, #tpu.memory_space<vmem>> -> memref<128xi32, #tpu.memory_space<vmem>>
    %dma_start3A_1040 = arith.constant 0 : i32
    %dma_start3A_1041 = tpu.memref_slice %arg5[%dma_start3A_1036, %dma_start3A_1040] : memref<20x128xi32, #tpu.memory_space<vmem>> -> memref<1x128xi32, #tpu.memory_space<vmem>>
    %dma_start3A_1042 = tpu.memref_squeeze %dma_start3A_1041 : memref<1x128xi32, #tpu.memory_space<vmem>> -> memref<128xi32, #tpu.memory_space<vmem>>
    %dma_start3A_1043 = arith.constant 0 : i32
    %dma_start3A_1044 = tpu.memref_slice %arg3[%dma_start3A_1043] : memref<85920xi32, #tpu.memory_space<hbm>> -> memref<85920xi32, #tpu.memory_space<hbm>>
    tpu.enqueue_indirect_dma source(%dma_start3A_1039 : memref<128xi32, #tpu.memory_space<vmem>>) target(%dma_start3A_1044 : memref<85920xi32, #tpu.memory_space<hbm>>) offsets(%dma_start3A_1042 : memref<128xi32, #tpu.memory_space<vmem>>) semaphore(%arg13 : memref<!tpu.dma_semaphore, #tpu.memory_space<semaphore_mem>>)
    %dma_start3A_1045 = arith.constant 18 : i32
    %dma_start3A_1046 = arith.constant 18 : i32
    %dma_start3A_1047 = arith.constant 0 : i32
    %dma_start3A_1048 = tpu.memref_slice %arg6[%dma_start3A_1045, %dma_start3A_1047] : memref<20x128xi32, #tpu.memory_space<vmem>> -> memref<1x128xi32, #tpu.memory_space<vmem>>
    %dma_start3A_1049 = tpu.memref_squeeze %dma_start3A_1048 : memref<1x128xi32, #tpu.memory_space<vmem>> -> memref<128xi32, #tpu.memory_space<vmem>>
    %dma_start3A_1050 = arith.constant 0 : i32
    %dma_start3A_1051 = tpu.memref_slice %arg5[%dma_start3A_1046, %dma_start3A_1050] : memref<20x128xi32, #tpu.memory_space<vmem>> -> memref<1x128xi32, #tpu.memory_space<vmem>>
    %dma_start3A_1052 = tpu.memref_squeeze %dma_start3A_1051 : memref<1x128xi32, #tpu.memory_space<vmem>> -> memref<128xi32, #tpu.memory_space<vmem>>
    %dma_start3A_1053 = arith.constant 0 : i32
    %dma_start3A_1054 = tpu.memref_slice %arg3[%dma_start3A_1053] : memref<85920xi32, #tpu.memory_space<hbm>> -> memref<85920xi32, #tpu.memory_space<hbm>>
    tpu.enqueue_indirect_dma source(%dma_start3A_1049 : memref<128xi32, #tpu.memory_space<vmem>>) target(%dma_start3A_1054 : memref<85920xi32, #tpu.memory_space<hbm>>) offsets(%dma_start3A_1052 : memref<128xi32, #tpu.memory_space<vmem>>) semaphore(%arg13 : memref<!tpu.dma_semaphore, #tpu.memory_space<semaphore_mem>>)
    %dma_start3A_1055 = arith.constant 19 : i32
    %dma_start3A_1056 = arith.constant 19 : i32
    %dma_start3A_1057 = arith.constant 0 : i32
    %dma_start3A_1058 = tpu.memref_slice %arg6[%dma_start3A_1055, %dma_start3A_1057] : memref<20x128xi32, #tpu.memory_space<vmem>> -> memref<1x128xi32, #tpu.memory_space<vmem>>
    %dma_start3A_1059 = tpu.memref_squeeze %dma_start3A_1058 : memref<1x128xi32, #tpu.memory_space<vmem>> -> memref<128xi32, #tpu.memory_space<vmem>>
    %dma_start3A_1060 = arith.constant 0 : i32
    %dma_start3A_1061 = tpu.memref_slice %arg5[%dma_start3A_1056, %dma_start3A_1060] : memref<20x128xi32, #tpu.memory_space<vmem>> -> memref<1x128xi32, #tpu.memory_space<vmem>>
    %dma_start3A_1062 = tpu.memref_squeeze %dma_start3A_1061 : memref<1x128xi32, #tpu.memory_space<vmem>> -> memref<128xi32, #tpu.memory_space<vmem>>
    %dma_start3A_1063 = arith.constant 0 : i32
    %dma_start3A_1064 = tpu.memref_slice %arg3[%dma_start3A_1063] : memref<85920xi32, #tpu.memory_space<hbm>> -> memref<85920xi32, #tpu.memory_space<hbm>>
    tpu.enqueue_indirect_dma source(%dma_start3A_1059 : memref<128xi32, #tpu.memory_space<vmem>>) target(%dma_start3A_1064 : memref<85920xi32, #tpu.memory_space<hbm>>) offsets(%dma_start3A_1062 : memref<128xi32, #tpu.memory_space<vmem>>) semaphore(%arg13 : memref<!tpu.dma_semaphore, #tpu.memory_space<semaphore_mem>>)
    %dma_wait3A = arith.constant 0 : i32
    %dma_wait3A_1065 = arith.constant 0 : i32
    %dma_wait3A_1066 = arith.constant 0 : i32
    %dma_wait3A_1067 = tpu.memref_slice %arg6[%dma_wait3A, %dma_wait3A_1066] : memref<20x128xi32, #tpu.memory_space<vmem>> -> memref<1x128xi32, #tpu.memory_space<vmem>>
    %dma_wait3A_1068 = tpu.memref_squeeze %dma_wait3A_1067 : memref<1x128xi32, #tpu.memory_space<vmem>> -> memref<128xi32, #tpu.memory_space<vmem>>
    %dma_wait3A_1069 = arith.constant 0 : i32
    %dma_wait3A_1070 = tpu.memref_slice %arg5[%dma_wait3A_1065, %dma_wait3A_1069] : memref<20x128xi32, #tpu.memory_space<vmem>> -> memref<1x128xi32, #tpu.memory_space<vmem>>
    %dma_wait3A_1071 = tpu.memref_squeeze %dma_wait3A_1070 : memref<1x128xi32, #tpu.memory_space<vmem>> -> memref<128xi32, #tpu.memory_space<vmem>>
    %dma_wait3A_1072 = arith.constant 0 : i32
    %dma_wait3A_1073 = tpu.memref_slice %arg3[%dma_wait3A_1072] : memref<85920xi32, #tpu.memory_space<hbm>> -> memref<85920xi32, #tpu.memory_space<hbm>>
    tpu.wait_indirect_dma semaphore(%arg13 : memref<!tpu.dma_semaphore, #tpu.memory_space<semaphore_mem>>) src(%dma_wait3A_1068 : memref<128xi32, #tpu.memory_space<vmem>>) dst(%dma_wait3A_1073 : memref<85920xi32, #tpu.memory_space<hbm>>)
    %dma_wait3A_1074 = arith.constant 1 : i32
    %dma_wait3A_1075 = arith.constant 1 : i32
    %dma_wait3A_1076 = arith.constant 0 : i32
    %dma_wait3A_1077 = tpu.memref_slice %arg6[%dma_wait3A_1074, %dma_wait3A_1076] : memref<20x128xi32, #tpu.memory_space<vmem>> -> memref<1x128xi32, #tpu.memory_space<vmem>>
    %dma_wait3A_1078 = tpu.memref_squeeze %dma_wait3A_1077 : memref<1x128xi32, #tpu.memory_space<vmem>> -> memref<128xi32, #tpu.memory_space<vmem>>
    %dma_wait3A_1079 = arith.constant 0 : i32
    %dma_wait3A_1080 = tpu.memref_slice %arg5[%dma_wait3A_1075, %dma_wait3A_1079] : memref<20x128xi32, #tpu.memory_space<vmem>> -> memref<1x128xi32, #tpu.memory_space<vmem>>
    %dma_wait3A_1081 = tpu.memref_squeeze %dma_wait3A_1080 : memref<1x128xi32, #tpu.memory_space<vmem>> -> memref<128xi32, #tpu.memory_space<vmem>>
    %dma_wait3A_1082 = arith.constant 0 : i32
    %dma_wait3A_1083 = tpu.memref_slice %arg3[%dma_wait3A_1082] : memref<85920xi32, #tpu.memory_space<hbm>> -> memref<85920xi32, #tpu.memory_space<hbm>>
    tpu.wait_indirect_dma semaphore(%arg13 : memref<!tpu.dma_semaphore, #tpu.memory_space<semaphore_mem>>) src(%dma_wait3A_1078 : memref<128xi32, #tpu.memory_space<vmem>>) dst(%dma_wait3A_1083 : memref<85920xi32, #tpu.memory_space<hbm>>)
    %dma_wait3A_1084 = arith.constant 2 : i32
    %dma_wait3A_1085 = arith.constant 2 : i32
    %dma_wait3A_1086 = arith.constant 0 : i32
    %dma_wait3A_1087 = tpu.memref_slice %arg6[%dma_wait3A_1084, %dma_wait3A_1086] : memref<20x128xi32, #tpu.memory_space<vmem>> -> memref<1x128xi32, #tpu.memory_space<vmem>>
    %dma_wait3A_1088 = tpu.memref_squeeze %dma_wait3A_1087 : memref<1x128xi32, #tpu.memory_space<vmem>> -> memref<128xi32, #tpu.memory_space<vmem>>
    %dma_wait3A_1089 = arith.constant 0 : i32
    %dma_wait3A_1090 = tpu.memref_slice %arg5[%dma_wait3A_1085, %dma_wait3A_1089] : memref<20x128xi32, #tpu.memory_space<vmem>> -> memref<1x128xi32, #tpu.memory_space<vmem>>
    %dma_wait3A_1091 = tpu.memref_squeeze %dma_wait3A_1090 : memref<1x128xi32, #tpu.memory_space<vmem>> -> memref<128xi32, #tpu.memory_space<vmem>>
    %dma_wait3A_1092 = arith.constant 0 : i32
    %dma_wait3A_1093 = tpu.memref_slice %arg3[%dma_wait3A_1092] : memref<85920xi32, #tpu.memory_space<hbm>> -> memref<85920xi32, #tpu.memory_space<hbm>>
    tpu.wait_indirect_dma semaphore(%arg13 : memref<!tpu.dma_semaphore, #tpu.memory_space<semaphore_mem>>) src(%dma_wait3A_1088 : memref<128xi32, #tpu.memory_space<vmem>>) dst(%dma_wait3A_1093 : memref<85920xi32, #tpu.memory_space<hbm>>)
    %dma_wait3A_1094 = arith.constant 3 : i32
    %dma_wait3A_1095 = arith.constant 3 : i32
    %dma_wait3A_1096 = arith.constant 0 : i32
    %dma_wait3A_1097 = tpu.memref_slice %arg6[%dma_wait3A_1094, %dma_wait3A_1096] : memref<20x128xi32, #tpu.memory_space<vmem>> -> memref<1x128xi32, #tpu.memory_space<vmem>>
    %dma_wait3A_1098 = tpu.memref_squeeze %dma_wait3A_1097 : memref<1x128xi32, #tpu.memory_space<vmem>> -> memref<128xi32, #tpu.memory_space<vmem>>
    %dma_wait3A_1099 = arith.constant 0 : i32
    %dma_wait3A_1100 = tpu.memref_slice %arg5[%dma_wait3A_1095, %dma_wait3A_1099] : memref<20x128xi32, #tpu.memory_space<vmem>> -> memref<1x128xi32, #tpu.memory_space<vmem>>
    %dma_wait3A_1101 = tpu.memref_squeeze %dma_wait3A_1100 : memref<1x128xi32, #tpu.memory_space<vmem>> -> memref<128xi32, #tpu.memory_space<vmem>>
    %dma_wait3A_1102 = arith.constant 0 : i32
    %dma_wait3A_1103 = tpu.memref_slice %arg3[%dma_wait3A_1102] : memref<85920xi32, #tpu.memory_space<hbm>> -> memref<85920xi32, #tpu.memory_space<hbm>>
    tpu.wait_indirect_dma semaphore(%arg13 : memref<!tpu.dma_semaphore, #tpu.memory_space<semaphore_mem>>) src(%dma_wait3A_1098 : memref<128xi32, #tpu.memory_space<vmem>>) dst(%dma_wait3A_1103 : memref<85920xi32, #tpu.memory_space<hbm>>)
    %dma_wait3A_1104 = arith.constant 4 : i32
    %dma_wait3A_1105 = arith.constant 4 : i32
    %dma_wait3A_1106 = arith.constant 0 : i32
    %dma_wait3A_1107 = tpu.memref_slice %arg6[%dma_wait3A_1104, %dma_wait3A_1106] : memref<20x128xi32, #tpu.memory_space<vmem>> -> memref<1x128xi32, #tpu.memory_space<vmem>>
    %dma_wait3A_1108 = tpu.memref_squeeze %dma_wait3A_1107 : memref<1x128xi32, #tpu.memory_space<vmem>> -> memref<128xi32, #tpu.memory_space<vmem>>
    %dma_wait3A_1109 = arith.constant 0 : i32
    %dma_wait3A_1110 = tpu.memref_slice %arg5[%dma_wait3A_1105, %dma_wait3A_1109] : memref<20x128xi32, #tpu.memory_space<vmem>> -> memref<1x128xi32, #tpu.memory_space<vmem>>
    %dma_wait3A_1111 = tpu.memref_squeeze %dma_wait3A_1110 : memref<1x128xi32, #tpu.memory_space<vmem>> -> memref<128xi32, #tpu.memory_space<vmem>>
    %dma_wait3A_1112 = arith.constant 0 : i32
    %dma_wait3A_1113 = tpu.memref_slice %arg3[%dma_wait3A_1112] : memref<85920xi32, #tpu.memory_space<hbm>> -> memref<85920xi32, #tpu.memory_space<hbm>>
    tpu.wait_indirect_dma semaphore(%arg13 : memref<!tpu.dma_semaphore, #tpu.memory_space<semaphore_mem>>) src(%dma_wait3A_1108 : memref<128xi32, #tpu.memory_space<vmem>>) dst(%dma_wait3A_1113 : memref<85920xi32, #tpu.memory_space<hbm>>)
    %dma_wait3A_1114 = arith.constant 5 : i32
    %dma_wait3A_1115 = arith.constant 5 : i32
    %dma_wait3A_1116 = arith.constant 0 : i32
    %dma_wait3A_1117 = tpu.memref_slice %arg6[%dma_wait3A_1114, %dma_wait3A_1116] : memref<20x128xi32, #tpu.memory_space<vmem>> -> memref<1x128xi32, #tpu.memory_space<vmem>>
    %dma_wait3A_1118 = tpu.memref_squeeze %dma_wait3A_1117 : memref<1x128xi32, #tpu.memory_space<vmem>> -> memref<128xi32, #tpu.memory_space<vmem>>
    %dma_wait3A_1119 = arith.constant 0 : i32
    %dma_wait3A_1120 = tpu.memref_slice %arg5[%dma_wait3A_1115, %dma_wait3A_1119] : memref<20x128xi32, #tpu.memory_space<vmem>> -> memref<1x128xi32, #tpu.memory_space<vmem>>
    %dma_wait3A_1121 = tpu.memref_squeeze %dma_wait3A_1120 : memref<1x128xi32, #tpu.memory_space<vmem>> -> memref<128xi32, #tpu.memory_space<vmem>>
    %dma_wait3A_1122 = arith.constant 0 : i32
    %dma_wait3A_1123 = tpu.memref_slice %arg3[%dma_wait3A_1122] : memref<85920xi32, #tpu.memory_space<hbm>> -> memref<85920xi32, #tpu.memory_space<hbm>>
    tpu.wait_indirect_dma semaphore(%arg13 : memref<!tpu.dma_semaphore, #tpu.memory_space<semaphore_mem>>) src(%dma_wait3A_1118 : memref<128xi32, #tpu.memory_space<vmem>>) dst(%dma_wait3A_1123 : memref<85920xi32, #tpu.memory_space<hbm>>)
    %dma_wait3A_1124 = arith.constant 6 : i32
    %dma_wait3A_1125 = arith.constant 6 : i32
    %dma_wait3A_1126 = arith.constant 0 : i32
    %dma_wait3A_1127 = tpu.memref_slice %arg6[%dma_wait3A_1124, %dma_wait3A_1126] : memref<20x128xi32, #tpu.memory_space<vmem>> -> memref<1x128xi32, #tpu.memory_space<vmem>>
    %dma_wait3A_1128 = tpu.memref_squeeze %dma_wait3A_1127 : memref<1x128xi32, #tpu.memory_space<vmem>> -> memref<128xi32, #tpu.memory_space<vmem>>
    %dma_wait3A_1129 = arith.constant 0 : i32
    %dma_wait3A_1130 = tpu.memref_slice %arg5[%dma_wait3A_1125, %dma_wait3A_1129] : memref<20x128xi32, #tpu.memory_space<vmem>> -> memref<1x128xi32, #tpu.memory_space<vmem>>
    %dma_wait3A_1131 = tpu.memref_squeeze %dma_wait3A_1130 : memref<1x128xi32, #tpu.memory_space<vmem>> -> memref<128xi32, #tpu.memory_space<vmem>>
    %dma_wait3A_1132 = arith.constant 0 : i32
    %dma_wait3A_1133 = tpu.memref_slice %arg3[%dma_wait3A_1132] : memref<85920xi32, #tpu.memory_space<hbm>> -> memref<85920xi32, #tpu.memory_space<hbm>>
    tpu.wait_indirect_dma semaphore(%arg13 : memref<!tpu.dma_semaphore, #tpu.memory_space<semaphore_mem>>) src(%dma_wait3A_1128 : memref<128xi32, #tpu.memory_space<vmem>>) dst(%dma_wait3A_1133 : memref<85920xi32, #tpu.memory_space<hbm>>)
    %dma_wait3A_1134 = arith.constant 7 : i32
    %dma_wait3A_1135 = arith.constant 7 : i32
    %dma_wait3A_1136 = arith.constant 0 : i32
    %dma_wait3A_1137 = tpu.memref_slice %arg6[%dma_wait3A_1134, %dma_wait3A_1136] : memref<20x128xi32, #tpu.memory_space<vmem>> -> memref<1x128xi32, #tpu.memory_space<vmem>>
    %dma_wait3A_1138 = tpu.memref_squeeze %dma_wait3A_1137 : memref<1x128xi32, #tpu.memory_space<vmem>> -> memref<128xi32, #tpu.memory_space<vmem>>
    %dma_wait3A_1139 = arith.constant 0 : i32
    %dma_wait3A_1140 = tpu.memref_slice %arg5[%dma_wait3A_1135, %dma_wait3A_1139] : memref<20x128xi32, #tpu.memory_space<vmem>> -> memref<1x128xi32, #tpu.memory_space<vmem>>
    %dma_wait3A_1141 = tpu.memref_squeeze %dma_wait3A_1140 : memref<1x128xi32, #tpu.memory_space<vmem>> -> memref<128xi32, #tpu.memory_space<vmem>>
    %dma_wait3A_1142 = arith.constant 0 : i32
    %dma_wait3A_1143 = tpu.memref_slice %arg3[%dma_wait3A_1142] : memref<85920xi32, #tpu.memory_space<hbm>> -> memref<85920xi32, #tpu.memory_space<hbm>>
    tpu.wait_indirect_dma semaphore(%arg13 : memref<!tpu.dma_semaphore, #tpu.memory_space<semaphore_mem>>) src(%dma_wait3A_1138 : memref<128xi32, #tpu.memory_space<vmem>>) dst(%dma_wait3A_1143 : memref<85920xi32, #tpu.memory_space<hbm>>)
    %dma_wait3A_1144 = arith.constant 8 : i32
    %dma_wait3A_1145 = arith.constant 8 : i32
    %dma_wait3A_1146 = arith.constant 0 : i32
    %dma_wait3A_1147 = tpu.memref_slice %arg6[%dma_wait3A_1144, %dma_wait3A_1146] : memref<20x128xi32, #tpu.memory_space<vmem>> -> memref<1x128xi32, #tpu.memory_space<vmem>>
    %dma_wait3A_1148 = tpu.memref_squeeze %dma_wait3A_1147 : memref<1x128xi32, #tpu.memory_space<vmem>> -> memref<128xi32, #tpu.memory_space<vmem>>
    %dma_wait3A_1149 = arith.constant 0 : i32
    %dma_wait3A_1150 = tpu.memref_slice %arg5[%dma_wait3A_1145, %dma_wait3A_1149] : memref<20x128xi32, #tpu.memory_space<vmem>> -> memref<1x128xi32, #tpu.memory_space<vmem>>
    %dma_wait3A_1151 = tpu.memref_squeeze %dma_wait3A_1150 : memref<1x128xi32, #tpu.memory_space<vmem>> -> memref<128xi32, #tpu.memory_space<vmem>>
    %dma_wait3A_1152 = arith.constant 0 : i32
    %dma_wait3A_1153 = tpu.memref_slice %arg3[%dma_wait3A_1152] : memref<85920xi32, #tpu.memory_space<hbm>> -> memref<85920xi32, #tpu.memory_space<hbm>>
    tpu.wait_indirect_dma semaphore(%arg13 : memref<!tpu.dma_semaphore, #tpu.memory_space<semaphore_mem>>) src(%dma_wait3A_1148 : memref<128xi32, #tpu.memory_space<vmem>>) dst(%dma_wait3A_1153 : memref<85920xi32, #tpu.memory_space<hbm>>)
    %dma_wait3A_1154 = arith.constant 9 : i32
    %dma_wait3A_1155 = arith.constant 9 : i32
    %dma_wait3A_1156 = arith.constant 0 : i32
    %dma_wait3A_1157 = tpu.memref_slice %arg6[%dma_wait3A_1154, %dma_wait3A_1156] : memref<20x128xi32, #tpu.memory_space<vmem>> -> memref<1x128xi32, #tpu.memory_space<vmem>>
    %dma_wait3A_1158 = tpu.memref_squeeze %dma_wait3A_1157 : memref<1x128xi32, #tpu.memory_space<vmem>> -> memref<128xi32, #tpu.memory_space<vmem>>
    %dma_wait3A_1159 = arith.constant 0 : i32
    %dma_wait3A_1160 = tpu.memref_slice %arg5[%dma_wait3A_1155, %dma_wait3A_1159] : memref<20x128xi32, #tpu.memory_space<vmem>> -> memref<1x128xi32, #tpu.memory_space<vmem>>
    %dma_wait3A_1161 = tpu.memref_squeeze %dma_wait3A_1160 : memref<1x128xi32, #tpu.memory_space<vmem>> -> memref<128xi32, #tpu.memory_space<vmem>>
    %dma_wait3A_1162 = arith.constant 0 : i32
    %dma_wait3A_1163 = tpu.memref_slice %arg3[%dma_wait3A_1162] : memref<85920xi32, #tpu.memory_space<hbm>> -> memref<85920xi32, #tpu.memory_space<hbm>>
    tpu.wait_indirect_dma semaphore(%arg13 : memref<!tpu.dma_semaphore, #tpu.memory_space<semaphore_mem>>) src(%dma_wait3A_1158 : memref<128xi32, #tpu.memory_space<vmem>>) dst(%dma_wait3A_1163 : memref<85920xi32, #tpu.memory_space<hbm>>)
    %dma_wait3A_1164 = arith.constant 10 : i32
    %dma_wait3A_1165 = arith.constant 10 : i32
    %dma_wait3A_1166 = arith.constant 0 : i32
    %dma_wait3A_1167 = tpu.memref_slice %arg6[%dma_wait3A_1164, %dma_wait3A_1166] : memref<20x128xi32, #tpu.memory_space<vmem>> -> memref<1x128xi32, #tpu.memory_space<vmem>>
    %dma_wait3A_1168 = tpu.memref_squeeze %dma_wait3A_1167 : memref<1x128xi32, #tpu.memory_space<vmem>> -> memref<128xi32, #tpu.memory_space<vmem>>
    %dma_wait3A_1169 = arith.constant 0 : i32
    %dma_wait3A_1170 = tpu.memref_slice %arg5[%dma_wait3A_1165, %dma_wait3A_1169] : memref<20x128xi32, #tpu.memory_space<vmem>> -> memref<1x128xi32, #tpu.memory_space<vmem>>
    %dma_wait3A_1171 = tpu.memref_squeeze %dma_wait3A_1170 : memref<1x128xi32, #tpu.memory_space<vmem>> -> memref<128xi32, #tpu.memory_space<vmem>>
    %dma_wait3A_1172 = arith.constant 0 : i32
    %dma_wait3A_1173 = tpu.memref_slice %arg3[%dma_wait3A_1172] : memref<85920xi32, #tpu.memory_space<hbm>> -> memref<85920xi32, #tpu.memory_space<hbm>>
    tpu.wait_indirect_dma semaphore(%arg13 : memref<!tpu.dma_semaphore, #tpu.memory_space<semaphore_mem>>) src(%dma_wait3A_1168 : memref<128xi32, #tpu.memory_space<vmem>>) dst(%dma_wait3A_1173 : memref<85920xi32, #tpu.memory_space<hbm>>)
    %dma_wait3A_1174 = arith.constant 11 : i32
    %dma_wait3A_1175 = arith.constant 11 : i32
    %dma_wait3A_1176 = arith.constant 0 : i32
    %dma_wait3A_1177 = tpu.memref_slice %arg6[%dma_wait3A_1174, %dma_wait3A_1176] : memref<20x128xi32, #tpu.memory_space<vmem>> -> memref<1x128xi32, #tpu.memory_space<vmem>>
    %dma_wait3A_1178 = tpu.memref_squeeze %dma_wait3A_1177 : memref<1x128xi32, #tpu.memory_space<vmem>> -> memref<128xi32, #tpu.memory_space<vmem>>
    %dma_wait3A_1179 = arith.constant 0 : i32
    %dma_wait3A_1180 = tpu.memref_slice %arg5[%dma_wait3A_1175, %dma_wait3A_1179] : memref<20x128xi32, #tpu.memory_space<vmem>> -> memref<1x128xi32, #tpu.memory_space<vmem>>
    %dma_wait3A_1181 = tpu.memref_squeeze %dma_wait3A_1180 : memref<1x128xi32, #tpu.memory_space<vmem>> -> memref<128xi32, #tpu.memory_space<vmem>>
    %dma_wait3A_1182 = arith.constant 0 : i32
    %dma_wait3A_1183 = tpu.memref_slice %arg3[%dma_wait3A_1182] : memref<85920xi32, #tpu.memory_space<hbm>> -> memref<85920xi32, #tpu.memory_space<hbm>>
    tpu.wait_indirect_dma semaphore(%arg13 : memref<!tpu.dma_semaphore, #tpu.memory_space<semaphore_mem>>) src(%dma_wait3A_1178 : memref<128xi32, #tpu.memory_space<vmem>>) dst(%dma_wait3A_1183 : memref<85920xi32, #tpu.memory_space<hbm>>)
    %dma_wait3A_1184 = arith.constant 12 : i32
    %dma_wait3A_1185 = arith.constant 12 : i32
    %dma_wait3A_1186 = arith.constant 0 : i32
    %dma_wait3A_1187 = tpu.memref_slice %arg6[%dma_wait3A_1184, %dma_wait3A_1186] : memref<20x128xi32, #tpu.memory_space<vmem>> -> memref<1x128xi32, #tpu.memory_space<vmem>>
    %dma_wait3A_1188 = tpu.memref_squeeze %dma_wait3A_1187 : memref<1x128xi32, #tpu.memory_space<vmem>> -> memref<128xi32, #tpu.memory_space<vmem>>
    %dma_wait3A_1189 = arith.constant 0 : i32
    %dma_wait3A_1190 = tpu.memref_slice %arg5[%dma_wait3A_1185, %dma_wait3A_1189] : memref<20x128xi32, #tpu.memory_space<vmem>> -> memref<1x128xi32, #tpu.memory_space<vmem>>
    %dma_wait3A_1191 = tpu.memref_squeeze %dma_wait3A_1190 : memref<1x128xi32, #tpu.memory_space<vmem>> -> memref<128xi32, #tpu.memory_space<vmem>>
    %dma_wait3A_1192 = arith.constant 0 : i32
    %dma_wait3A_1193 = tpu.memref_slice %arg3[%dma_wait3A_1192] : memref<85920xi32, #tpu.memory_space<hbm>> -> memref<85920xi32, #tpu.memory_space<hbm>>
    tpu.wait_indirect_dma semaphore(%arg13 : memref<!tpu.dma_semaphore, #tpu.memory_space<semaphore_mem>>) src(%dma_wait3A_1188 : memref<128xi32, #tpu.memory_space<vmem>>) dst(%dma_wait3A_1193 : memref<85920xi32, #tpu.memory_space<hbm>>)
    %dma_wait3A_1194 = arith.constant 13 : i32
    %dma_wait3A_1195 = arith.constant 13 : i32
    %dma_wait3A_1196 = arith.constant 0 : i32
    %dma_wait3A_1197 = tpu.memref_slice %arg6[%dma_wait3A_1194, %dma_wait3A_1196] : memref<20x128xi32, #tpu.memory_space<vmem>> -> memref<1x128xi32, #tpu.memory_space<vmem>>
    %dma_wait3A_1198 = tpu.memref_squeeze %dma_wait3A_1197 : memref<1x128xi32, #tpu.memory_space<vmem>> -> memref<128xi32, #tpu.memory_space<vmem>>
    %dma_wait3A_1199 = arith.constant 0 : i32
    %dma_wait3A_1200 = tpu.memref_slice %arg5[%dma_wait3A_1195, %dma_wait3A_1199] : memref<20x128xi32, #tpu.memory_space<vmem>> -> memref<1x128xi32, #tpu.memory_space<vmem>>
    %dma_wait3A_1201 = tpu.memref_squeeze %dma_wait3A_1200 : memref<1x128xi32, #tpu.memory_space<vmem>> -> memref<128xi32, #tpu.memory_space<vmem>>
    %dma_wait3A_1202 = arith.constant 0 : i32
    %dma_wait3A_1203 = tpu.memref_slice %arg3[%dma_wait3A_1202] : memref<85920xi32, #tpu.memory_space<hbm>> -> memref<85920xi32, #tpu.memory_space<hbm>>
    tpu.wait_indirect_dma semaphore(%arg13 : memref<!tpu.dma_semaphore, #tpu.memory_space<semaphore_mem>>) src(%dma_wait3A_1198 : memref<128xi32, #tpu.memory_space<vmem>>) dst(%dma_wait3A_1203 : memref<85920xi32, #tpu.memory_space<hbm>>)
    %dma_wait3A_1204 = arith.constant 14 : i32
    %dma_wait3A_1205 = arith.constant 14 : i32
    %dma_wait3A_1206 = arith.constant 0 : i32
    %dma_wait3A_1207 = tpu.memref_slice %arg6[%dma_wait3A_1204, %dma_wait3A_1206] : memref<20x128xi32, #tpu.memory_space<vmem>> -> memref<1x128xi32, #tpu.memory_space<vmem>>
    %dma_wait3A_1208 = tpu.memref_squeeze %dma_wait3A_1207 : memref<1x128xi32, #tpu.memory_space<vmem>> -> memref<128xi32, #tpu.memory_space<vmem>>
    %dma_wait3A_1209 = arith.constant 0 : i32
    %dma_wait3A_1210 = tpu.memref_slice %arg5[%dma_wait3A_1205, %dma_wait3A_1209] : memref<20x128xi32, #tpu.memory_space<vmem>> -> memref<1x128xi32, #tpu.memory_space<vmem>>
    %dma_wait3A_1211 = tpu.memref_squeeze %dma_wait3A_1210 : memref<1x128xi32, #tpu.memory_space<vmem>> -> memref<128xi32, #tpu.memory_space<vmem>>
    %dma_wait3A_1212 = arith.constant 0 : i32
    %dma_wait3A_1213 = tpu.memref_slice %arg3[%dma_wait3A_1212] : memref<85920xi32, #tpu.memory_space<hbm>> -> memref<85920xi32, #tpu.memory_space<hbm>>
    tpu.wait_indirect_dma semaphore(%arg13 : memref<!tpu.dma_semaphore, #tpu.memory_space<semaphore_mem>>) src(%dma_wait3A_1208 : memref<128xi32, #tpu.memory_space<vmem>>) dst(%dma_wait3A_1213 : memref<85920xi32, #tpu.memory_space<hbm>>)
    %dma_wait3A_1214 = arith.constant 15 : i32
    %dma_wait3A_1215 = arith.constant 15 : i32
    %dma_wait3A_1216 = arith.constant 0 : i32
    %dma_wait3A_1217 = tpu.memref_slice %arg6[%dma_wait3A_1214, %dma_wait3A_1216] : memref<20x128xi32, #tpu.memory_space<vmem>> -> memref<1x128xi32, #tpu.memory_space<vmem>>
    %dma_wait3A_1218 = tpu.memref_squeeze %dma_wait3A_1217 : memref<1x128xi32, #tpu.memory_space<vmem>> -> memref<128xi32, #tpu.memory_space<vmem>>
    %dma_wait3A_1219 = arith.constant 0 : i32
    %dma_wait3A_1220 = tpu.memref_slice %arg5[%dma_wait3A_1215, %dma_wait3A_1219] : memref<20x128xi32, #tpu.memory_space<vmem>> -> memref<1x128xi32, #tpu.memory_space<vmem>>
    %dma_wait3A_1221 = tpu.memref_squeeze %dma_wait3A_1220 : memref<1x128xi32, #tpu.memory_space<vmem>> -> memref<128xi32, #tpu.memory_space<vmem>>
    %dma_wait3A_1222 = arith.constant 0 : i32
    %dma_wait3A_1223 = tpu.memref_slice %arg3[%dma_wait3A_1222] : memref<85920xi32, #tpu.memory_space<hbm>> -> memref<85920xi32, #tpu.memory_space<hbm>>
    tpu.wait_indirect_dma semaphore(%arg13 : memref<!tpu.dma_semaphore, #tpu.memory_space<semaphore_mem>>) src(%dma_wait3A_1218 : memref<128xi32, #tpu.memory_space<vmem>>) dst(%dma_wait3A_1223 : memref<85920xi32, #tpu.memory_space<hbm>>)
    %dma_wait3A_1224 = arith.constant 16 : i32
    %dma_wait3A_1225 = arith.constant 16 : i32
    %dma_wait3A_1226 = arith.constant 0 : i32
    %dma_wait3A_1227 = tpu.memref_slice %arg6[%dma_wait3A_1224, %dma_wait3A_1226] : memref<20x128xi32, #tpu.memory_space<vmem>> -> memref<1x128xi32, #tpu.memory_space<vmem>>
    %dma_wait3A_1228 = tpu.memref_squeeze %dma_wait3A_1227 : memref<1x128xi32, #tpu.memory_space<vmem>> -> memref<128xi32, #tpu.memory_space<vmem>>
    %dma_wait3A_1229 = arith.constant 0 : i32
    %dma_wait3A_1230 = tpu.memref_slice %arg5[%dma_wait3A_1225, %dma_wait3A_1229] : memref<20x128xi32, #tpu.memory_space<vmem>> -> memref<1x128xi32, #tpu.memory_space<vmem>>
    %dma_wait3A_1231 = tpu.memref_squeeze %dma_wait3A_1230 : memref<1x128xi32, #tpu.memory_space<vmem>> -> memref<128xi32, #tpu.memory_space<vmem>>
    %dma_wait3A_1232 = arith.constant 0 : i32
    %dma_wait3A_1233 = tpu.memref_slice %arg3[%dma_wait3A_1232] : memref<85920xi32, #tpu.memory_space<hbm>> -> memref<85920xi32, #tpu.memory_space<hbm>>
    tpu.wait_indirect_dma semaphore(%arg13 : memref<!tpu.dma_semaphore, #tpu.memory_space<semaphore_mem>>) src(%dma_wait3A_1228 : memref<128xi32, #tpu.memory_space<vmem>>) dst(%dma_wait3A_1233 : memref<85920xi32, #tpu.memory_space<hbm>>)
    %dma_wait3A_1234 = arith.constant 17 : i32
    %dma_wait3A_1235 = arith.constant 17 : i32
    %dma_wait3A_1236 = arith.constant 0 : i32
    %dma_wait3A_1237 = tpu.memref_slice %arg6[%dma_wait3A_1234, %dma_wait3A_1236] : memref<20x128xi32, #tpu.memory_space<vmem>> -> memref<1x128xi32, #tpu.memory_space<vmem>>
    %dma_wait3A_1238 = tpu.memref_squeeze %dma_wait3A_1237 : memref<1x128xi32, #tpu.memory_space<vmem>> -> memref<128xi32, #tpu.memory_space<vmem>>
    %dma_wait3A_1239 = arith.constant 0 : i32
    %dma_wait3A_1240 = tpu.memref_slice %arg5[%dma_wait3A_1235, %dma_wait3A_1239] : memref<20x128xi32, #tpu.memory_space<vmem>> -> memref<1x128xi32, #tpu.memory_space<vmem>>
    %dma_wait3A_1241 = tpu.memref_squeeze %dma_wait3A_1240 : memref<1x128xi32, #tpu.memory_space<vmem>> -> memref<128xi32, #tpu.memory_space<vmem>>
    %dma_wait3A_1242 = arith.constant 0 : i32
    %dma_wait3A_1243 = tpu.memref_slice %arg3[%dma_wait3A_1242] : memref<85920xi32, #tpu.memory_space<hbm>> -> memref<85920xi32, #tpu.memory_space<hbm>>
    tpu.wait_indirect_dma semaphore(%arg13 : memref<!tpu.dma_semaphore, #tpu.memory_space<semaphore_mem>>) src(%dma_wait3A_1238 : memref<128xi32, #tpu.memory_space<vmem>>) dst(%dma_wait3A_1243 : memref<85920xi32, #tpu.memory_space<hbm>>)
    %dma_wait3A_1244 = arith.constant 18 : i32
    %dma_wait3A_1245 = arith.constant 18 : i32
    %dma_wait3A_1246 = arith.constant 0 : i32
    %dma_wait3A_1247 = tpu.memref_slice %arg6[%dma_wait3A_1244, %dma_wait3A_1246] : memref<20x128xi32, #tpu.memory_space<vmem>> -> memref<1x128xi32, #tpu.memory_space<vmem>>
    %dma_wait3A_1248 = tpu.memref_squeeze %dma_wait3A_1247 : memref<1x128xi32, #tpu.memory_space<vmem>> -> memref<128xi32, #tpu.memory_space<vmem>>
    %dma_wait3A_1249 = arith.constant 0 : i32
    %dma_wait3A_1250 = tpu.memref_slice %arg5[%dma_wait3A_1245, %dma_wait3A_1249] : memref<20x128xi32, #tpu.memory_space<vmem>> -> memref<1x128xi32, #tpu.memory_space<vmem>>
    %dma_wait3A_1251 = tpu.memref_squeeze %dma_wait3A_1250 : memref<1x128xi32, #tpu.memory_space<vmem>> -> memref<128xi32, #tpu.memory_space<vmem>>
    %dma_wait3A_1252 = arith.constant 0 : i32
    %dma_wait3A_1253 = tpu.memref_slice %arg3[%dma_wait3A_1252] : memref<85920xi32, #tpu.memory_space<hbm>> -> memref<85920xi32, #tpu.memory_space<hbm>>
    tpu.wait_indirect_dma semaphore(%arg13 : memref<!tpu.dma_semaphore, #tpu.memory_space<semaphore_mem>>) src(%dma_wait3A_1248 : memref<128xi32, #tpu.memory_space<vmem>>) dst(%dma_wait3A_1253 : memref<85920xi32, #tpu.memory_space<hbm>>)
    %dma_wait3A_1254 = arith.constant 19 : i32
    %dma_wait3A_1255 = arith.constant 19 : i32
    %dma_wait3A_1256 = arith.constant 0 : i32
    %dma_wait3A_1257 = tpu.memref_slice %arg6[%dma_wait3A_1254, %dma_wait3A_1256] : memref<20x128xi32, #tpu.memory_space<vmem>> -> memref<1x128xi32, #tpu.memory_space<vmem>>
    %dma_wait3A_1258 = tpu.memref_squeeze %dma_wait3A_1257 : memref<1x128xi32, #tpu.memory_space<vmem>> -> memref<128xi32, #tpu.memory_space<vmem>>
    %dma_wait3A_1259 = arith.constant 0 : i32
    %dma_wait3A_1260 = tpu.memref_slice %arg5[%dma_wait3A_1255, %dma_wait3A_1259] : memref<20x128xi32, #tpu.memory_space<vmem>> -> memref<1x128xi32, #tpu.memory_space<vmem>>
    %dma_wait3A_1261 = tpu.memref_squeeze %dma_wait3A_1260 : memref<1x128xi32, #tpu.memory_space<vmem>> -> memref<128xi32, #tpu.memory_space<vmem>>
    %dma_wait3A_1262 = arith.constant 0 : i32
    %dma_wait3A_1263 = tpu.memref_slice %arg3[%dma_wait3A_1262] : memref<85920xi32, #tpu.memory_space<hbm>> -> memref<85920xi32, #tpu.memory_space<hbm>>
    tpu.wait_indirect_dma semaphore(%arg13 : memref<!tpu.dma_semaphore, #tpu.memory_space<semaphore_mem>>) src(%dma_wait3A_1258 : memref<128xi32, #tpu.memory_space<vmem>>) dst(%dma_wait3A_1263 : memref<85920xi32, #tpu.memory_space<hbm>>)
    return
  }
}

module attributes {stable_mosaic.version = 14 : i64} {
  func.func @_scorekey_body(%arg0: memref<625x128xf32, #tpu.memory_space<vmem>>, %arg1: memref<625x128xf32, #tpu.memory_space<vmem>>, %arg2: memref<625x128xi32, #tpu.memory_space<vmem>>) attributes {dimension_semantics = [], scalar_prefetch = 0 : i64, scratch_operands = 0 : i64, tpu.core_type = #tpu.core_type<tc>} {
    %get3A = arith.constant 0 : index
    %get3A_0 = arith.constant 0 : index
    %get3A_1 = vector.load %arg0[%get3A, %get3A_0] : memref<625x128xf32, #tpu.memory_space<vmem>>, vector<625x128xf32>
    %get3A_2 = arith.constant 0 : index
    %get3A_3 = arith.constant 0 : index
    %get3A_4 = vector.load %arg1[%get3A_2, %get3A_3] : memref<625x128xf32, #tpu.memory_space<vmem>>, vector<625x128xf32>
    %add3A = arith.addf %get3A_1, %get3A_4 : vector<625x128xf32>
    %bitcast_convert_type3A = tpu.bitcast %add3A : vector<625x128xf32> -> vector<625x128xi32>
    %ge3A = arith.constant 0 : i32
    %ge3A_5 = vector.broadcast %ge3A : i32 to vector<625x128xi32>
    %ge3A_6 = arith.cmpi sge, %bitcast_convert_type3A, %ge3A_5 : vector<625x128xi32>
    %not3A = arith.constant dense<-1> : vector<625x128xi32>
    %not3A_7 = arith.xori %bitcast_convert_type3A, %not3A : vector<625x128xi32>
    %xor3A = arith.constant -2147483648 : i32
    %xor3A_8 = vector.broadcast %xor3A : i32 to vector<625x128xi32>
    %xor3A_9 = arith.xori %not3A_7, %xor3A_8 : vector<625x128xi32>
    %select_n3A = arith.select %ge3A_6, %bitcast_convert_type3A, %xor3A_9 : vector<625x128xi1>, vector<625x128xi32>
    %eq3A = arith.constant 0.000000e+00 : f32
    %eq3A_10 = vector.broadcast %eq3A : f32 to vector<625x128xf32>
    %eq3A_11 = arith.cmpf oeq, %add3A, %eq3A_10 : vector<625x128xf32>
    %jit3A = arith.constant 0 : i32
    %broadcast_in_dim3A = vector.broadcast %jit3A : i32 to vector<625x128xi32>
    %select_n3A_12 = arith.select %eq3A_11, %broadcast_in_dim3A, %select_n3A : vector<625x128xi1>, vector<625x128xi32>
    %swap3A = arith.constant 0 : index
    %swap3A_13 = arith.constant 0 : index
    %swap3A_14 = vector.load %arg2[%swap3A, %swap3A_13] : memref<625x128xi32, #tpu.memory_space<vmem>>, vector<625x128xi32>
    tpu.vector_store %arg2[%swap3A, %swap3A_13], %select_n3A_12 {strides = array<i32>} : memref<625x128xi32, #tpu.memory_space<vmem>>, vector<625x128xi32>,
    return
  }
}

module attributes {stable_mosaic.version = 14 : i64} {
  func.func @_ffn_body(%arg0: i32, %arg1: memref<2000x256xf32, #tpu.memory_space<vmem>>, %arg2: memref<256xf32, #tpu.memory_space<vmem>>, %arg3: memref<256xf32, #tpu.memory_space<vmem>>, %arg4: memref<256x1024xf32, #tpu.memory_space<vmem>>, %arg5: memref<1024xf32, #tpu.memory_space<vmem>>, %arg6: memref<1024x256xf32, #tpu.memory_space<vmem>>, %arg7: memref<256xf32, #tpu.memory_space<vmem>>, %arg8: memref<2000x256xf32, #tpu.memory_space<vmem>>) attributes {dimension_semantics = [#tpu.dimension_semantics<arbitrary>], iteration_bounds = array<i64: 40>, scalar_prefetch = 0 : i64, scratch_operands = 0 : i64, tpu.core_type = #tpu.core_type<tc>, window_params = [{transform_indices = @transform_0, window_bounds = array<i64: 2000, 256>}, {pipeline_mode = #tpu.pipeline_mode<synchronous>, transform_indices = @transform_1, window_bounds = array<i64: 256>}, {pipeline_mode = #tpu.pipeline_mode<synchronous>, transform_indices = @transform_2, window_bounds = array<i64: 256>}, {pipeline_mode = #tpu.pipeline_mode<synchronous>, transform_indices = @transform_3, window_bounds = array<i64: 256, 1024>}, {pipeline_mode = #tpu.pipeline_mode<synchronous>, transform_indices = @transform_4, window_bounds = array<i64: 1024>}, {pipeline_mode = #tpu.pipeline_mode<synchronous>, transform_indices = @transform_5, window_bounds = array<i64: 1024, 256>}, {pipeline_mode = #tpu.pipeline_mode<synchronous>, transform_indices = @transform_6, window_bounds = array<i64: 256>}, {transform_indices = @transform_7, window_bounds = array<i64: 2000, 256>}]} {
    %get3A = arith.constant 0 : index
    %get3A_0 = arith.constant 0 : index
    %get3A_1 = vector.load %arg1[%get3A, %get3A_0] : memref<2000x256xf32, #tpu.memory_space<vmem>>, vector<2000x256xf32>
    %reduce_sum3A = arith.constant dense<0.000000e+00> : vector<2000xf32>
    %reduce_sum3A_2 = vector.multi_reduction <add>, %get3A_1, %reduce_sum3A [1] : vector<2000x256xf32> to vector<2000xf32>
    %broadcast_in_dim3A = vector.shape_cast %reduce_sum3A_2 : vector<2000xf32> to vector<2000x1xf32>
    %div3A = arith.constant 2.560000e+02 : f32
    %div3A_3 = vector.broadcast %div3A : f32 to vector<2000x1xf32>
    %div3A_4 = arith.divf %broadcast_in_dim3A, %div3A_3 : vector<2000x1xf32>
    %sub3A = vector.broadcast %div3A_4 : vector<2000x1xf32> to vector<2000x256xf32>
    %sub3A_5 = arith.subf %get3A_1, %sub3A : vector<2000x256xf32>
    %integer_pow3A = arith.mulf %sub3A_5, %sub3A_5 : vector<2000x256xf32>
    %reduce_sum3A_6 = arith.constant dense<0.000000e+00> : vector<2000xf32>
    %reduce_sum3A_7 = vector.multi_reduction <add>, %integer_pow3A, %reduce_sum3A_6 [1] : vector<2000x256xf32> to vector<2000xf32>
    %broadcast_in_dim3A_8 = vector.shape_cast %reduce_sum3A_7 : vector<2000xf32> to vector<2000x1xf32>
    %div3A_9 = arith.constant 2.560000e+02 : f32
    %div3A_10 = vector.broadcast %div3A_9 : f32 to vector<2000x1xf32>
    %div3A_11 = arith.divf %broadcast_in_dim3A_8, %div3A_10 : vector<2000x1xf32>
    %sub3A_12 = vector.broadcast %div3A_4 : vector<2000x1xf32> to vector<2000x256xf32>
    %sub3A_13 = arith.subf %get3A_1, %sub3A_12 : vector<2000x256xf32>
    %add3A = arith.constant 9.99999974E-6 : f32
    %add3A_14 = vector.broadcast %add3A : f32 to vector<2000x1xf32>
    %add3A_15 = arith.addf %div3A_11, %add3A_14 : vector<2000x1xf32>
    %sqrt3A = math.sqrt %add3A_15 : vector<2000x1xf32>
    %div3A_16 = vector.broadcast %sqrt3A : vector<2000x1xf32> to vector<2000x256xf32>
    %div3A_17 = arith.divf %sub3A_13, %div3A_16 : vector<2000x256xf32>
    %get3A_18 = arith.constant 0 : index
    %get3A_19 = vector.load %arg2[%get3A_18] : memref<256xf32, #tpu.memory_space<vmem>>, vector<256xf32>
    %broadcast_in_dim3A_20 = vector.shape_cast %get3A_19 : vector<256xf32> to vector<1x256xf32>
    %mul3A = vector.broadcast %broadcast_in_dim3A_20 : vector<1x256xf32> to vector<2000x256xf32>
    %mul3A_21 = arith.mulf %div3A_17, %mul3A : vector<2000x256xf32>
    %get3A_22 = arith.constant 0 : index
    %get3A_23 = vector.load %arg3[%get3A_22] : memref<256xf32, #tpu.memory_space<vmem>>, vector<256xf32>
    %broadcast_in_dim3A_24 = vector.shape_cast %get3A_23 : vector<256xf32> to vector<1x256xf32>
    %add3A_25 = vector.broadcast %broadcast_in_dim3A_24 : vector<1x256xf32> to vector<2000x256xf32>
    %add3A_26 = arith.addf %mul3A_21, %add3A_25 : vector<2000x256xf32>
    %convert_element_type3A = arith.truncf %add3A_26 : vector<2000x256xf32> to vector<2000x256xbf16>
    %get3A_27 = arith.constant 0 : index
    %get3A_28 = arith.constant 0 : index
    %get3A_29 = vector.load %arg4[%get3A_27, %get3A_28] : memref<256x1024xf32, #tpu.memory_space<vmem>>, vector<256x1024xf32>
    %convert_element_type3A_30 = arith.truncf %get3A_29 : vector<256x1024xf32> to vector<256x1024xbf16>
    %dot_general3A = arith.constant dense<0.000000e+00> : vector<2000x1024xf32>
    %dot_general3A_31 = tpu.matmul %convert_element_type3A, %convert_element_type3A_30, %dot_general3A {dimension_numbers = #tpu.dot_dimension_numbers<[1], [0], [0], [1], [0, 0, 1, 1], [], []>, transpose_lhs_hint = false} : vector<2000x256xbf16>, vector<256x1024xbf16>, vector<2000x1024xf32> -> vector<2000x1024xf32>
    %get3A_32 = arith.constant 0 : index
    %get3A_33 = vector.load %arg5[%get3A_32] : memref<1024xf32, #tpu.memory_space<vmem>>, vector<1024xf32>
    %broadcast_in_dim3A_34 = vector.shape_cast %get3A_33 : vector<1024xf32> to vector<1x1024xf32>
    %add3A_35 = vector.broadcast %broadcast_in_dim3A_34 : vector<1x1024xf32> to vector<2000x1024xf32>
    %add3A_36 = arith.addf %dot_general3A_31, %add3A_35 : vector<2000x1024xf32>
    %integer_pow3A_37 = arith.mulf %add3A_36, %add3A_36 : vector<2000x1024xf32>
    %integer_pow3A_38 = arith.mulf %add3A_36, %integer_pow3A_37 : vector<2000x1024xf32>
    %mul3A_39 = arith.constant 4.471500e-02 : f32
    %mul3A_40 = vector.broadcast %mul3A_39 : f32 to vector<2000x1024xf32>
    %mul3A_41 = arith.mulf %mul3A_40, %integer_pow3A_38 : vector<2000x1024xf32>
    %add3A_42 = arith.addf %add3A_36, %mul3A_41 : vector<2000x1024xf32>
    %mul3A_43 = arith.constant 0.797884583 : f32
    %mul3A_44 = vector.broadcast %mul3A_43 : f32 to vector<2000x1024xf32>
    %mul3A_45 = arith.mulf %mul3A_44, %add3A_42 : vector<2000x1024xf32>
    %tanh3A = math.tanh %mul3A_45 : vector<2000x1024xf32>
    %add3A_46 = arith.constant 1.000000e+00 : f32
    %add3A_47 = vector.broadcast %add3A_46 : f32 to vector<2000x1024xf32>
    %add3A_48 = arith.addf %add3A_47, %tanh3A : vector<2000x1024xf32>
    %mul3A_49 = arith.constant 5.000000e-01 : f32
    %mul3A_50 = vector.broadcast %mul3A_49 : f32 to vector<2000x1024xf32>
    %mul3A_51 = arith.mulf %mul3A_50, %add3A_48 : vector<2000x1024xf32>
    %mul3A_52 = arith.mulf %add3A_36, %mul3A_51 : vector<2000x1024xf32>
    %convert_element_type3A_53 = arith.truncf %mul3A_52 : vector<2000x1024xf32> to vector<2000x1024xbf16>
    %get3A_54 = arith.constant 0 : index
    %get3A_55 = arith.constant 0 : index
    %get3A_56 = vector.load %arg6[%get3A_54, %get3A_55] : memref<1024x256xf32, #tpu.memory_space<vmem>>, vector<1024x256xf32>
    %convert_element_type3A_57 = arith.truncf %get3A_56 : vector<1024x256xf32> to vector<1024x256xbf16>
    %dot_general3A_58 = arith.constant dense<0.000000e+00> : vector<2000x256xf32>
    %dot_general3A_59 = tpu.matmul %convert_element_type3A_53, %convert_element_type3A_57, %dot_general3A_58 {dimension_numbers = #tpu.dot_dimension_numbers<[1], [0], [0], [1], [0, 0, 1, 1], [], []>, transpose_lhs_hint = false} : vector<2000x1024xbf16>, vector<1024x256xbf16>, vector<2000x256xf32> -> vector<2000x256xf32>
    %add3A_60 = arith.addf %get3A_1, %dot_general3A_59 : vector<2000x256xf32>
    %get3A_61 = arith.constant 0 : index
    %get3A_62 = vector.load %arg7[%get3A_61] : memref<256xf32, #tpu.memory_space<vmem>>, vector<256xf32>
    %broadcast_in_dim3A_63 = vector.shape_cast %get3A_62 : vector<256xf32> to vector<1x256xf32>
    %add3A_64 = vector.broadcast %broadcast_in_dim3A_63 : vector<1x256xf32> to vector<2000x256xf32>
    %add3A_65 = arith.addf %add3A_60, %add3A_64 : vector<2000x256xf32>
    %swap3A = arith.constant 0 : index
    %swap3A_66 = arith.constant 0 : index
    %swap3A_67 = vector.load %arg8[%swap3A, %swap3A_66] : memref<2000x256xf32, #tpu.memory_space<vmem>>, vector<2000x256xf32>
    tpu.vector_store %arg8[%swap3A, %swap3A_66], %add3A_65 {strides = array<i32>} : memref<2000x256xf32, #tpu.memory_space<vmem>>, vector<2000x256xf32>,
    return
  }
  func.func @transform_0(%arg0: i32) -> (i32, i32) {
    %c0_i32 = arith.constant 0 : i32
    %c0_i32_0 = arith.constant 0 : i32
    return %arg0, %c0_i32 : i32, i32
  }
  func.func @transform_1(%arg0: i32) -> i32 {
    %c0_i32 = arith.constant 0 : i32
    %c0_i32_0 = arith.constant 0 : i32
    return %c0_i32 : i32
  }
  func.func @transform_2(%arg0: i32) -> i32 {
    %c0_i32 = arith.constant 0 : i32
    %c0_i32_0 = arith.constant 0 : i32
    return %c0_i32 : i32
  }
  func.func @transform_3(%arg0: i32) -> (i32, i32) {
    %c0_i32 = arith.constant 0 : i32
    %c0_i32_0 = arith.constant 0 : i32
    %c0_i32_1 = arith.constant 0 : i32
    return %c0_i32, %c0_i32_0 : i32, i32
  }
  func.func @transform_4(%arg0: i32) -> i32 {
    %c0_i32 = arith.constant 0 : i32
    %c0_i32_0 = arith.constant 0 : i32
    return %c0_i32 : i32
  }
  func.func @transform_5(%arg0: i32) -> (i32, i32) {
    %c0_i32 = arith.constant 0 : i32
    %c0_i32_0 = arith.constant 0 : i32
    %c0_i32_1 = arith.constant 0 : i32
    return %c0_i32, %c0_i32_0 : i32, i32
  }
  func.func @transform_6(%arg0: i32) -> i32 {
    %c0_i32 = arith.constant 0 : i32
    %c0_i32_0 = arith.constant 0 : i32
    return %c0_i32 : i32
  }
  func.func @transform_7(%arg0: i32) -> (i32, i32) {
    %c0_i32 = arith.constant 0 : i32
    %c0_i32_0 = arith.constant 0 : i32
    return %arg0, %c0_i32 : i32, i32
  }
}

module attributes {stable_mosaic.version = 14 : i64} {
  func.func @_attn_body(%arg0: i32, %arg1: memref<1x1000x256xf32, #tpu.memory_space<vmem>>, %arg2: memref<1x1000x1xf32, #tpu.memory_space<vmem>>, %arg3: memref<1x1000x1xf32, #tpu.memory_space<vmem>>, %arg4: memref<1x8xf32, #tpu.memory_space<vmem>>, %arg5: memref<256xf32, #tpu.memory_space<vmem>>, %arg6: memref<256xf32, #tpu.memory_space<vmem>>, %arg7: memref<256x768xf32, #tpu.memory_space<vmem>>, %arg8: memref<256x256xf32, #tpu.memory_space<vmem>>, %arg9: memref<1x1000x256xf32, #tpu.memory_space<vmem>>) attributes {dimension_semantics = [#tpu.dimension_semantics<arbitrary>], iteration_bounds = array<i64: 4>, scalar_prefetch = 0 : i64, scratch_operands = 0 : i64, tpu.core_type = #tpu.core_type<tc>, window_params = [{transform_indices = @transform_0, window_bounds = array<i64: 1, 1000, 256>}, {transform_indices = @transform_1, window_bounds = array<i64: 1, 1000, 1>}, {transform_indices = @transform_2, window_bounds = array<i64: 1, 1000, 1>}, {pipeline_mode = #tpu.pipeline_mode<synchronous>, transform_indices = @transform_3, window_bounds = array<i64: 1, 8>}, {pipeline_mode = #tpu.pipeline_mode<synchronous>, transform_indices = @transform_4, window_bounds = array<i64: 256>}, {pipeline_mode = #tpu.pipeline_mode<synchronous>, transform_indices = @transform_5, window_bounds = array<i64: 256>}, {pipeline_mode = #tpu.pipeline_mode<synchronous>, transform_indices = @transform_6, window_bounds = array<i64: 256, 768>}, {pipeline_mode = #tpu.pipeline_mode<synchronous>, transform_indices = @transform_7, window_bounds = array<i64: 256, 256>}, {transform_indices = @transform_8, window_bounds = array<i64: 1, 1000, 256>}]} {
    %get3A = arith.constant 0 : index
    %get3A_0 = arith.constant 0 : index
    %get3A_1 = arith.constant 0 : index
    %get3A_2 = vector.load %arg1[%get3A, %get3A_0, %get3A_1] : memref<1x1000x256xf32, #tpu.memory_space<vmem>>, vector<1x1000x256xf32>
    %get3A_3 = vector.shape_cast %get3A_2 : vector<1x1000x256xf32> to vector<1000x256xf32>
    %reduce_sum3A = arith.constant dense<0.000000e+00> : vector<1000xf32>
    %reduce_sum3A_4 = vector.multi_reduction <add>, %get3A_3, %reduce_sum3A [1] : vector<1000x256xf32> to vector<1000xf32>
    %broadcast_in_dim3A = vector.shape_cast %reduce_sum3A_4 : vector<1000xf32> to vector<1000x1xf32>
    %div3A = arith.constant 2.560000e+02 : f32
    %div3A_5 = vector.broadcast %div3A : f32 to vector<1000x1xf32>
    %div3A_6 = arith.divf %broadcast_in_dim3A, %div3A_5 : vector<1000x1xf32>
    %sub3A = vector.broadcast %div3A_6 : vector<1000x1xf32> to vector<1000x256xf32>
    %sub3A_7 = arith.subf %get3A_3, %sub3A : vector<1000x256xf32>
    %integer_pow3A = arith.mulf %sub3A_7, %sub3A_7 : vector<1000x256xf32>
    %reduce_sum3A_8 = arith.constant dense<0.000000e+00> : vector<1000xf32>
    %reduce_sum3A_9 = vector.multi_reduction <add>, %integer_pow3A, %reduce_sum3A_8 [1] : vector<1000x256xf32> to vector<1000xf32>
    %broadcast_in_dim3A_10 = vector.shape_cast %reduce_sum3A_9 : vector<1000xf32> to vector<1000x1xf32>
    %div3A_11 = arith.constant 2.560000e+02 : f32
    %div3A_12 = vector.broadcast %div3A_11 : f32 to vector<1000x1xf32>
    %div3A_13 = arith.divf %broadcast_in_dim3A_10, %div3A_12 : vector<1000x1xf32>
    %sub3A_14 = vector.broadcast %div3A_6 : vector<1000x1xf32> to vector<1000x256xf32>
    %sub3A_15 = arith.subf %get3A_3, %sub3A_14 : vector<1000x256xf32>
    %add3A = arith.constant 9.99999974E-6 : f32
    %add3A_16 = vector.broadcast %add3A : f32 to vector<1000x1xf32>
    %add3A_17 = arith.addf %div3A_13, %add3A_16 : vector<1000x1xf32>
    %sqrt3A = math.sqrt %add3A_17 : vector<1000x1xf32>
    %div3A_18 = vector.broadcast %sqrt3A : vector<1000x1xf32> to vector<1000x256xf32>
    %div3A_19 = arith.divf %sub3A_15, %div3A_18 : vector<1000x256xf32>
    %get3A_20 = arith.constant 0 : index
    %get3A_21 = vector.load %arg5[%get3A_20] : memref<256xf32, #tpu.memory_space<vmem>>, vector<256xf32>
    %broadcast_in_dim3A_22 = vector.shape_cast %get3A_21 : vector<256xf32> to vector<1x256xf32>
    %mul3A = vector.broadcast %broadcast_in_dim3A_22 : vector<1x256xf32> to vector<1000x256xf32>
    %mul3A_23 = arith.mulf %div3A_19, %mul3A : vector<1000x256xf32>
    %get3A_24 = arith.constant 0 : index
    %get3A_25 = vector.load %arg6[%get3A_24] : memref<256xf32, #tpu.memory_space<vmem>>, vector<256xf32>
    %broadcast_in_dim3A_26 = vector.shape_cast %get3A_25 : vector<256xf32> to vector<1x256xf32>
    %add3A_27 = vector.broadcast %broadcast_in_dim3A_26 : vector<1x256xf32> to vector<1000x256xf32>
    %add3A_28 = arith.addf %mul3A_23, %add3A_27 : vector<1000x256xf32>
    %convert_element_type3A = arith.truncf %add3A_28 : vector<1000x256xf32> to vector<1000x256xbf16>
    %get3A_29 = arith.constant 0 : index
    %get3A_30 = arith.constant 0 : index
    %get3A_31 = vector.load %arg7[%get3A_29, %get3A_30] : memref<256x768xf32, #tpu.memory_space<vmem>>, vector<256x768xf32>
    %convert_element_type3A_32 = arith.truncf %get3A_31 : vector<256x768xf32> to vector<256x768xbf16>
    %dot_general3A = arith.constant dense<0.000000e+00> : vector<1000x768xf32>
    %dot_general3A_33 = tpu.matmul %convert_element_type3A, %convert_element_type3A_32, %dot_general3A {dimension_numbers = #tpu.dot_dimension_numbers<[1], [0], [0], [1], [0, 0, 1, 1], [], []>, transpose_lhs_hint = false} : vector<1000x256xbf16>, vector<256x768xbf16>, vector<1000x768xf32> -> vector<1000x768xf32>
    %get3A_34 = arith.constant 0 : index
    %get3A_35 = arith.constant 0 : index
    %get3A_36 = vector.load %arg4[%get3A_34, %get3A_35] : memref<1x8xf32, #tpu.memory_space<vmem>>, vector<1x8xf32>
    %get3A_37 = arith.constant 0 : index
    %get3A_38 = arith.constant 0 : index
    %get3A_39 = arith.constant 0 : index
    %get3A_40 = vector.load %arg2[%get3A_37, %get3A_38, %get3A_39] : memref<1x1000x1xf32, #tpu.memory_space<vmem>>, vector<1x1000x1xf32>
    %get3A_41 = vector.shape_cast %get3A_40 : vector<1x1000x1xf32> to vector<1000x1xf32>
    %get3A_42 = arith.constant 0 : index
    %get3A_43 = arith.constant 0 : index
    %get3A_44 = arith.constant 0 : index
    %get3A_45 = vector.load %arg3[%get3A_42, %get3A_43, %get3A_44] : memref<1x1000x1xf32, #tpu.memory_space<vmem>>, vector<1x1000x1xf32>
    %get3A_46 = vector.shape_cast %get3A_45 : vector<1x1000x1xf32> to vector<1000x1xf32>
    %mul3A_47 = vector.broadcast %get3A_41 : vector<1000x1xf32> to vector<1000x8xf32>
    %mul3A_48 = vector.broadcast %get3A_36 : vector<1x8xf32> to vector<1000x8xf32>
    %mul3A_49 = arith.mulf %mul3A_47, %mul3A_48 : vector<1000x8xf32>
    %mul3A_50 = vector.broadcast %get3A_46 : vector<1000x1xf32> to vector<1000x8xf32>
    %mul3A_51 = vector.broadcast %get3A_36 : vector<1x8xf32> to vector<1000x8xf32>
    %mul3A_52 = arith.mulf %mul3A_50, %mul3A_51 : vector<1000x8xf32>
    %concatenate3A = tpu.concatenate %mul3A_49, %mul3A_52 in 1 : vector<1000x8xf32>, vector<1000x8xf32> -> vector<1000x16xf32>
    %cos3A = math.cos %concatenate3A : vector<1000x16xf32>
    %sin3A = math.sin %concatenate3A : vector<1000x16xf32>
    %concatenate3A_53 = tpu.concatenate %cos3A, %cos3A in 1 : vector<1000x16xf32>, vector<1000x16xf32> -> vector<1000x32xf32>
    %neg3A = arith.constant 0.000000e+00 : f32
    %neg3A_54 = vector.broadcast %neg3A : f32 to vector<1000x16xf32>
    %neg3A_55 = arith.subf %neg3A_54, %sin3A : vector<1000x16xf32>
    %concatenate3A_56 = tpu.concatenate %neg3A_55, %sin3A in 1 : vector<1000x16xf32>, vector<1000x16xf32> -> vector<1000x32xf32>
    %slice3A = vector.extract_strided_slice %dot_general3A_33 {offsets = [0, 0], sizes = [1000, 32], strides = [1, 1]} : vector<1000x768xf32> to vector<1000x32xf32>
    %slice3A_57 = vector.extract_strided_slice %slice3A {offsets = [0, 16], sizes = [1000, 16], strides = [1, 1]} : vector<1000x32xf32> to vector<1000x16xf32>
    %slice3A_58 = vector.extract_strided_slice %slice3A {offsets = [0, 0], sizes = [1000, 16], strides = [1, 1]} : vector<1000x32xf32> to vector<1000x16xf32>
    %concatenate3A_59 = tpu.concatenate %slice3A_57, %slice3A_58 in 1 : vector<1000x16xf32>, vector<1000x16xf32> -> vector<1000x32xf32>
    %mul3A_60 = arith.mulf %slice3A, %concatenate3A_53 : vector<1000x32xf32>
    %mul3A_61 = arith.mulf %concatenate3A_59, %concatenate3A_56 : vector<1000x32xf32>
    %add3A_62 = arith.addf %mul3A_60, %mul3A_61 : vector<1000x32xf32>
    %slice3A_63 = vector.extract_strided_slice %dot_general3A_33 {offsets = [0, 256], sizes = [1000, 32], strides = [1, 1]} : vector<1000x768xf32> to vector<1000x32xf32>
    %slice3A_64 = vector.extract_strided_slice %slice3A_63 {offsets = [0, 16], sizes = [1000, 16], strides = [1, 1]} : vector<1000x32xf32> to vector<1000x16xf32>
    %slice3A_65 = vector.extract_strided_slice %slice3A_63 {offsets = [0, 0], sizes = [1000, 16], strides = [1, 1]} : vector<1000x32xf32> to vector<1000x16xf32>
    %concatenate3A_66 = tpu.concatenate %slice3A_64, %slice3A_65 in 1 : vector<1000x16xf32>, vector<1000x16xf32> -> vector<1000x32xf32>
    %mul3A_67 = arith.mulf %slice3A_63, %concatenate3A_53 : vector<1000x32xf32>
    %mul3A_68 = arith.mulf %concatenate3A_66, %concatenate3A_56 : vector<1000x32xf32>
    %add3A_69 = arith.addf %mul3A_67, %mul3A_68 : vector<1000x32xf32>
    %slice3A_70 = vector.extract_strided_slice %dot_general3A_33 {offsets = [0, 512], sizes = [1000, 32], strides = [1, 1]} : vector<1000x768xf32> to vector<1000x32xf32>
    %convert_element_type3A_71 = arith.truncf %add3A_62 : vector<1000x32xf32> to vector<1000x32xbf16>
    %convert_element_type3A_72 = arith.truncf %add3A_69 : vector<1000x32xf32> to vector<1000x32xbf16>
    %dot_general3A_73 = arith.constant dense<0.000000e+00> : vector<1000x1000xf32>
    %dot_general3A_74 = tpu.matmul %convert_element_type3A_71, %convert_element_type3A_72, %dot_general3A_73 {dimension_numbers = #tpu.dot_dimension_numbers<[1], [1], [0], [0], [0, 0, 1, 0], [], []>, transpose_lhs_hint = false} : vector<1000x32xbf16>, vector<1000x32xbf16>, vector<1000x1000xf32> -> vector<1000x1000xf32>
    %mul3A_75 = arith.constant 0.176776692 : f32
    %mul3A_76 = vector.broadcast %mul3A_75 : f32 to vector<1000x1000xf32>
    %mul3A_77 = arith.mulf %dot_general3A_74, %mul3A_76 : vector<1000x1000xf32>
    %reduce_max3A = arith.constant dense<0xFF800000> : vector<1000xf32>
    %reduce_max3A_78 = vector.multi_reduction <maximumf>, %mul3A_77, %reduce_max3A [1] : vector<1000x1000xf32> to vector<1000xf32>
    %broadcast_in_dim3A_79 = vector.shape_cast %reduce_max3A_78 : vector<1000xf32> to vector<1000x1xf32>
    %sub3A_80 = vector.broadcast %broadcast_in_dim3A_79 : vector<1000x1xf32> to vector<1000x1000xf32>
    %sub3A_81 = arith.subf %mul3A_77, %sub3A_80 : vector<1000x1000xf32>
    %exp3A = math.exp %sub3A_81 : vector<1000x1000xf32>
    %reduce_sum3A_82 = arith.constant dense<0.000000e+00> : vector<1000xf32>
    %reduce_sum3A_83 = vector.multi_reduction <add>, %exp3A, %reduce_sum3A_82 [1] : vector<1000x1000xf32> to vector<1000xf32>
    %broadcast_in_dim3A_84 = vector.shape_cast %reduce_sum3A_83 : vector<1000xf32> to vector<1000x1xf32>
    %div3A_85 = vector.broadcast %broadcast_in_dim3A_84 : vector<1000x1xf32> to vector<1000x1000xf32>
    %div3A_86 = arith.divf %exp3A, %div3A_85 : vector<1000x1000xf32>
    %convert_element_type3A_87 = arith.truncf %div3A_86 : vector<1000x1000xf32> to vector<1000x1000xbf16>
    %convert_element_type3A_88 = arith.truncf %slice3A_70 : vector<1000x32xf32> to vector<1000x32xbf16>
    %dot_general3A_89 = arith.constant dense<0.000000e+00> : vector<1000x32xf32>
    %dot_general3A_90 = tpu.matmul %convert_element_type3A_87, %convert_element_type3A_88, %dot_general3A_89 {dimension_numbers = #tpu.dot_dimension_numbers<[1], [0], [0], [1], [0, 0, 1, 1], [], []>, transpose_lhs_hint = false} : vector<1000x1000xbf16>, vector<1000x32xbf16>, vector<1000x32xf32> -> vector<1000x32xf32>
    %slice3A_91 = vector.extract_strided_slice %dot_general3A_33 {offsets = [0, 32], sizes = [1000, 32], strides = [1, 1]} : vector<1000x768xf32> to vector<1000x32xf32>
    %slice3A_92 = vector.extract_strided_slice %slice3A_91 {offsets = [0, 16], sizes = [1000, 16], strides = [1, 1]} : vector<1000x32xf32> to vector<1000x16xf32>
    %slice3A_93 = vector.extract_strided_slice %slice3A_91 {offsets = [0, 0], sizes = [1000, 16], strides = [1, 1]} : vector<1000x32xf32> to vector<1000x16xf32>
    %concatenate3A_94 = tpu.concatenate %slice3A_92, %slice3A_93 in 1 : vector<1000x16xf32>, vector<1000x16xf32> -> vector<1000x32xf32>
    %mul3A_95 = arith.mulf %slice3A_91, %concatenate3A_53 : vector<1000x32xf32>
    %mul3A_96 = arith.mulf %concatenate3A_94, %concatenate3A_56 : vector<1000x32xf32>
    %add3A_97 = arith.addf %mul3A_95, %mul3A_96 : vector<1000x32xf32>
    %slice3A_98 = vector.extract_strided_slice %dot_general3A_33 {offsets = [0, 288], sizes = [1000, 32], strides = [1, 1]} : vector<1000x768xf32> to vector<1000x32xf32>
    %slice3A_99 = vector.extract_strided_slice %slice3A_98 {offsets = [0, 16], sizes = [1000, 16], strides = [1, 1]} : vector<1000x32xf32> to vector<1000x16xf32>
    %slice3A_100 = vector.extract_strided_slice %slice3A_98 {offsets = [0, 0], sizes = [1000, 16], strides = [1, 1]} : vector<1000x32xf32> to vector<1000x16xf32>
    %concatenate3A_101 = tpu.concatenate %slice3A_99, %slice3A_100 in 1 : vector<1000x16xf32>, vector<1000x16xf32> -> vector<1000x32xf32>
    %mul3A_102 = arith.mulf %slice3A_98, %concatenate3A_53 : vector<1000x32xf32>
    %mul3A_103 = arith.mulf %concatenate3A_101, %concatenate3A_56 : vector<1000x32xf32>
    %add3A_104 = arith.addf %mul3A_102, %mul3A_103 : vector<1000x32xf32>
    %slice3A_105 = vector.extract_strided_slice %dot_general3A_33 {offsets = [0, 544], sizes = [1000, 32], strides = [1, 1]} : vector<1000x768xf32> to vector<1000x32xf32>
    %convert_element_type3A_106 = arith.truncf %add3A_97 : vector<1000x32xf32> to vector<1000x32xbf16>
    %convert_element_type3A_107 = arith.truncf %add3A_104 : vector<1000x32xf32> to vector<1000x32xbf16>
    %dot_general3A_108 = arith.constant dense<0.000000e+00> : vector<1000x1000xf32>
    %dot_general3A_109 = tpu.matmul %convert_element_type3A_106, %convert_element_type3A_107, %dot_general3A_108 {dimension_numbers = #tpu.dot_dimension_numbers<[1], [1], [0], [0], [0, 0, 1, 0], [], []>, transpose_lhs_hint = false} : vector<1000x32xbf16>, vector<1000x32xbf16>, vector<1000x1000xf32> -> vector<1000x1000xf32>
    %mul3A_110 = arith.constant 0.176776692 : f32
    %mul3A_111 = vector.broadcast %mul3A_110 : f32 to vector<1000x1000xf32>
    %mul3A_112 = arith.mulf %dot_general3A_109, %mul3A_111 : vector<1000x1000xf32>
    %reduce_max3A_113 = arith.constant dense<0xFF800000> : vector<1000xf32>
    %reduce_max3A_114 = vector.multi_reduction <maximumf>, %mul3A_112, %reduce_max3A_113 [1] : vector<1000x1000xf32> to vector<1000xf32>
    %broadcast_in_dim3A_115 = vector.shape_cast %reduce_max3A_114 : vector<1000xf32> to vector<1000x1xf32>
    %sub3A_116 = vector.broadcast %broadcast_in_dim3A_115 : vector<1000x1xf32> to vector<1000x1000xf32>
    %sub3A_117 = arith.subf %mul3A_112, %sub3A_116 : vector<1000x1000xf32>
    %exp3A_118 = math.exp %sub3A_117 : vector<1000x1000xf32>
    %reduce_sum3A_119 = arith.constant dense<0.000000e+00> : vector<1000xf32>
    %reduce_sum3A_120 = vector.multi_reduction <add>, %exp3A_118, %reduce_sum3A_119 [1] : vector<1000x1000xf32> to vector<1000xf32>
    %broadcast_in_dim3A_121 = vector.shape_cast %reduce_sum3A_120 : vector<1000xf32> to vector<1000x1xf32>
    %div3A_122 = vector.broadcast %broadcast_in_dim3A_121 : vector<1000x1xf32> to vector<1000x1000xf32>
    %div3A_123 = arith.divf %exp3A_118, %div3A_122 : vector<1000x1000xf32>
    %convert_element_type3A_124 = arith.truncf %div3A_123 : vector<1000x1000xf32> to vector<1000x1000xbf16>
    %convert_element_type3A_125 = arith.truncf %slice3A_105 : vector<1000x32xf32> to vector<1000x32xbf16>
    %dot_general3A_126 = arith.constant dense<0.000000e+00> : vector<1000x32xf32>
    %dot_general3A_127 = tpu.matmul %convert_element_type3A_124, %convert_element_type3A_125, %dot_general3A_126 {dimension_numbers = #tpu.dot_dimension_numbers<[1], [0], [0], [1], [0, 0, 1, 1], [], []>, transpose_lhs_hint = false} : vector<1000x1000xbf16>, vector<1000x32xbf16>, vector<1000x32xf32> -> vector<1000x32xf32>
    %slice3A_128 = vector.extract_strided_slice %dot_general3A_33 {offsets = [0, 64], sizes = [1000, 32], strides = [1, 1]} : vector<1000x768xf32> to vector<1000x32xf32>
    %slice3A_129 = vector.extract_strided_slice %slice3A_128 {offsets = [0, 16], sizes = [1000, 16], strides = [1, 1]} : vector<1000x32xf32> to vector<1000x16xf32>
    %slice3A_130 = vector.extract_strided_slice %slice3A_128 {offsets = [0, 0], sizes = [1000, 16], strides = [1, 1]} : vector<1000x32xf32> to vector<1000x16xf32>
    %concatenate3A_131 = tpu.concatenate %slice3A_129, %slice3A_130 in 1 : vector<1000x16xf32>, vector<1000x16xf32> -> vector<1000x32xf32>
    %mul3A_132 = arith.mulf %slice3A_128, %concatenate3A_53 : vector<1000x32xf32>
    %mul3A_133 = arith.mulf %concatenate3A_131, %concatenate3A_56 : vector<1000x32xf32>
    %add3A_134 = arith.addf %mul3A_132, %mul3A_133 : vector<1000x32xf32>
    %slice3A_135 = vector.extract_strided_slice %dot_general3A_33 {offsets = [0, 320], sizes = [1000, 32], strides = [1, 1]} : vector<1000x768xf32> to vector<1000x32xf32>
    %slice3A_136 = vector.extract_strided_slice %slice3A_135 {offsets = [0, 16], sizes = [1000, 16], strides = [1, 1]} : vector<1000x32xf32> to vector<1000x16xf32>
    %slice3A_137 = vector.extract_strided_slice %slice3A_135 {offsets = [0, 0], sizes = [1000, 16], strides = [1, 1]} : vector<1000x32xf32> to vector<1000x16xf32>
    %concatenate3A_138 = tpu.concatenate %slice3A_136, %slice3A_137 in 1 : vector<1000x16xf32>, vector<1000x16xf32> -> vector<1000x32xf32>
    %mul3A_139 = arith.mulf %slice3A_135, %concatenate3A_53 : vector<1000x32xf32>
    %mul3A_140 = arith.mulf %concatenate3A_138, %concatenate3A_56 : vector<1000x32xf32>
    %add3A_141 = arith.addf %mul3A_139, %mul3A_140 : vector<1000x32xf32>
    %slice3A_142 = vector.extract_strided_slice %dot_general3A_33 {offsets = [0, 576], sizes = [1000, 32], strides = [1, 1]} : vector<1000x768xf32> to vector<1000x32xf32>
    %convert_element_type3A_143 = arith.truncf %add3A_134 : vector<1000x32xf32> to vector<1000x32xbf16>
    %convert_element_type3A_144 = arith.truncf %add3A_141 : vector<1000x32xf32> to vector<1000x32xbf16>
    %dot_general3A_145 = arith.constant dense<0.000000e+00> : vector<1000x1000xf32>
    %dot_general3A_146 = tpu.matmul %convert_element_type3A_143, %convert_element_type3A_144, %dot_general3A_145 {dimension_numbers = #tpu.dot_dimension_numbers<[1], [1], [0], [0], [0, 0, 1, 0], [], []>, transpose_lhs_hint = false} : vector<1000x32xbf16>, vector<1000x32xbf16>, vector<1000x1000xf32> -> vector<1000x1000xf32>
    %mul3A_147 = arith.constant 0.176776692 : f32
    %mul3A_148 = vector.broadcast %mul3A_147 : f32 to vector<1000x1000xf32>
    %mul3A_149 = arith.mulf %dot_general3A_146, %mul3A_148 : vector<1000x1000xf32>
    %reduce_max3A_150 = arith.constant dense<0xFF800000> : vector<1000xf32>
    %reduce_max3A_151 = vector.multi_reduction <maximumf>, %mul3A_149, %reduce_max3A_150 [1] : vector<1000x1000xf32> to vector<1000xf32>
    %broadcast_in_dim3A_152 = vector.shape_cast %reduce_max3A_151 : vector<1000xf32> to vector<1000x1xf32>
    %sub3A_153 = vector.broadcast %broadcast_in_dim3A_152 : vector<1000x1xf32> to vector<1000x1000xf32>
    %sub3A_154 = arith.subf %mul3A_149, %sub3A_153 : vector<1000x1000xf32>
    %exp3A_155 = math.exp %sub3A_154 : vector<1000x1000xf32>
    %reduce_sum3A_156 = arith.constant dense<0.000000e+00> : vector<1000xf32>
    %reduce_sum3A_157 = vector.multi_reduction <add>, %exp3A_155, %reduce_sum3A_156 [1] : vector<1000x1000xf32> to vector<1000xf32>
    %broadcast_in_dim3A_158 = vector.shape_cast %reduce_sum3A_157 : vector<1000xf32> to vector<1000x1xf32>
    %div3A_159 = vector.broadcast %broadcast_in_dim3A_158 : vector<1000x1xf32> to vector<1000x1000xf32>
    %div3A_160 = arith.divf %exp3A_155, %div3A_159 : vector<1000x1000xf32>
    %convert_element_type3A_161 = arith.truncf %div3A_160 : vector<1000x1000xf32> to vector<1000x1000xbf16>
    %convert_element_type3A_162 = arith.truncf %slice3A_142 : vector<1000x32xf32> to vector<1000x32xbf16>
    %dot_general3A_163 = arith.constant dense<0.000000e+00> : vector<1000x32xf32>
    %dot_general3A_164 = tpu.matmul %convert_element_type3A_161, %convert_element_type3A_162, %dot_general3A_163 {dimension_numbers = #tpu.dot_dimension_numbers<[1], [0], [0], [1], [0, 0, 1, 1], [], []>, transpose_lhs_hint = false} : vector<1000x1000xbf16>, vector<1000x32xbf16>, vector<1000x32xf32> -> vector<1000x32xf32>
    %slice3A_165 = vector.extract_strided_slice %dot_general3A_33 {offsets = [0, 96], sizes = [1000, 32], strides = [1, 1]} : vector<1000x768xf32> to vector<1000x32xf32>
    %slice3A_166 = vector.extract_strided_slice %slice3A_165 {offsets = [0, 16], sizes = [1000, 16], strides = [1, 1]} : vector<1000x32xf32> to vector<1000x16xf32>
    %slice3A_167 = vector.extract_strided_slice %slice3A_165 {offsets = [0, 0], sizes = [1000, 16], strides = [1, 1]} : vector<1000x32xf32> to vector<1000x16xf32>
    %concatenate3A_168 = tpu.concatenate %slice3A_166, %slice3A_167 in 1 : vector<1000x16xf32>, vector<1000x16xf32> -> vector<1000x32xf32>
    %mul3A_169 = arith.mulf %slice3A_165, %concatenate3A_53 : vector<1000x32xf32>
    %mul3A_170 = arith.mulf %concatenate3A_168, %concatenate3A_56 : vector<1000x32xf32>
    %add3A_171 = arith.addf %mul3A_169, %mul3A_170 : vector<1000x32xf32>
    %slice3A_172 = vector.extract_strided_slice %dot_general3A_33 {offsets = [0, 352], sizes = [1000, 32], strides = [1, 1]} : vector<1000x768xf32> to vector<1000x32xf32>
    %slice3A_173 = vector.extract_strided_slice %slice3A_172 {offsets = [0, 16], sizes = [1000, 16], strides = [1, 1]} : vector<1000x32xf32> to vector<1000x16xf32>
    %slice3A_174 = vector.extract_strided_slice %slice3A_172 {offsets = [0, 0], sizes = [1000, 16], strides = [1, 1]} : vector<1000x32xf32> to vector<1000x16xf32>
    %concatenate3A_175 = tpu.concatenate %slice3A_173, %slice3A_174 in 1 : vector<1000x16xf32>, vector<1000x16xf32> -> vector<1000x32xf32>
    %mul3A_176 = arith.mulf %slice3A_172, %concatenate3A_53 : vector<1000x32xf32>
    %mul3A_177 = arith.mulf %concatenate3A_175, %concatenate3A_56 : vector<1000x32xf32>
    %add3A_178 = arith.addf %mul3A_176, %mul3A_177 : vector<1000x32xf32>
    %slice3A_179 = vector.extract_strided_slice %dot_general3A_33 {offsets = [0, 608], sizes = [1000, 32], strides = [1, 1]} : vector<1000x768xf32> to vector<1000x32xf32>
    %convert_element_type3A_180 = arith.truncf %add3A_171 : vector<1000x32xf32> to vector<1000x32xbf16>
    %convert_element_type3A_181 = arith.truncf %add3A_178 : vector<1000x32xf32> to vector<1000x32xbf16>
    %dot_general3A_182 = arith.constant dense<0.000000e+00> : vector<1000x1000xf32>
    %dot_general3A_183 = tpu.matmul %convert_element_type3A_180, %convert_element_type3A_181, %dot_general3A_182 {dimension_numbers = #tpu.dot_dimension_numbers<[1], [1], [0], [0], [0, 0, 1, 0], [], []>, transpose_lhs_hint = false} : vector<1000x32xbf16>, vector<1000x32xbf16>, vector<1000x1000xf32> -> vector<1000x1000xf32>
    %mul3A_184 = arith.constant 0.176776692 : f32
    %mul3A_185 = vector.broadcast %mul3A_184 : f32 to vector<1000x1000xf32>
    %mul3A_186 = arith.mulf %dot_general3A_183, %mul3A_185 : vector<1000x1000xf32>
    %reduce_max3A_187 = arith.constant dense<0xFF800000> : vector<1000xf32>
    %reduce_max3A_188 = vector.multi_reduction <maximumf>, %mul3A_186, %reduce_max3A_187 [1] : vector<1000x1000xf32> to vector<1000xf32>
    %broadcast_in_dim3A_189 = vector.shape_cast %reduce_max3A_188 : vector<1000xf32> to vector<1000x1xf32>
    %sub3A_190 = vector.broadcast %broadcast_in_dim3A_189 : vector<1000x1xf32> to vector<1000x1000xf32>
    %sub3A_191 = arith.subf %mul3A_186, %sub3A_190 : vector<1000x1000xf32>
    %exp3A_192 = math.exp %sub3A_191 : vector<1000x1000xf32>
    %reduce_sum3A_193 = arith.constant dense<0.000000e+00> : vector<1000xf32>
    %reduce_sum3A_194 = vector.multi_reduction <add>, %exp3A_192, %reduce_sum3A_193 [1] : vector<1000x1000xf32> to vector<1000xf32>
    %broadcast_in_dim3A_195 = vector.shape_cast %reduce_sum3A_194 : vector<1000xf32> to vector<1000x1xf32>
    %div3A_196 = vector.broadcast %broadcast_in_dim3A_195 : vector<1000x1xf32> to vector<1000x1000xf32>
    %div3A_197 = arith.divf %exp3A_192, %div3A_196 : vector<1000x1000xf32>
    %convert_element_type3A_198 = arith.truncf %div3A_197 : vector<1000x1000xf32> to vector<1000x1000xbf16>
    %convert_element_type3A_199 = arith.truncf %slice3A_179 : vector<1000x32xf32> to vector<1000x32xbf16>
    %dot_general3A_200 = arith.constant dense<0.000000e+00> : vector<1000x32xf32>
    %dot_general3A_201 = tpu.matmul %convert_element_type3A_198, %convert_element_type3A_199, %dot_general3A_200 {dimension_numbers = #tpu.dot_dimension_numbers<[1], [0], [0], [1], [0, 0, 1, 1], [], []>, transpose_lhs_hint = false} : vector<1000x1000xbf16>, vector<1000x32xbf16>, vector<1000x32xf32> -> vector<1000x32xf32>
    %slice3A_202 = vector.extract_strided_slice %dot_general3A_33 {offsets = [0, 128], sizes = [1000, 32], strides = [1, 1]} : vector<1000x768xf32> to vector<1000x32xf32>
    %slice3A_203 = vector.extract_strided_slice %slice3A_202 {offsets = [0, 16], sizes = [1000, 16], strides = [1, 1]} : vector<1000x32xf32> to vector<1000x16xf32>
    %slice3A_204 = vector.extract_strided_slice %slice3A_202 {offsets = [0, 0], sizes = [1000, 16], strides = [1, 1]} : vector<1000x32xf32> to vector<1000x16xf32>
    %concatenate3A_205 = tpu.concatenate %slice3A_203, %slice3A_204 in 1 : vector<1000x16xf32>, vector<1000x16xf32> -> vector<1000x32xf32>
    %mul3A_206 = arith.mulf %slice3A_202, %concatenate3A_53 : vector<1000x32xf32>
    %mul3A_207 = arith.mulf %concatenate3A_205, %concatenate3A_56 : vector<1000x32xf32>
    %add3A_208 = arith.addf %mul3A_206, %mul3A_207 : vector<1000x32xf32>
    %slice3A_209 = vector.extract_strided_slice %dot_general3A_33 {offsets = [0, 384], sizes = [1000, 32], strides = [1, 1]} : vector<1000x768xf32> to vector<1000x32xf32>
    %slice3A_210 = vector.extract_strided_slice %slice3A_209 {offsets = [0, 16], sizes = [1000, 16], strides = [1, 1]} : vector<1000x32xf32> to vector<1000x16xf32>
    %slice3A_211 = vector.extract_strided_slice %slice3A_209 {offsets = [0, 0], sizes = [1000, 16], strides = [1, 1]} : vector<1000x32xf32> to vector<1000x16xf32>
    %concatenate3A_212 = tpu.concatenate %slice3A_210, %slice3A_211 in 1 : vector<1000x16xf32>, vector<1000x16xf32> -> vector<1000x32xf32>
    %mul3A_213 = arith.mulf %slice3A_209, %concatenate3A_53 : vector<1000x32xf32>
    %mul3A_214 = arith.mulf %concatenate3A_212, %concatenate3A_56 : vector<1000x32xf32>
    %add3A_215 = arith.addf %mul3A_213, %mul3A_214 : vector<1000x32xf32>
    %slice3A_216 = vector.extract_strided_slice %dot_general3A_33 {offsets = [0, 640], sizes = [1000, 32], strides = [1, 1]} : vector<1000x768xf32> to vector<1000x32xf32>
    %convert_element_type3A_217 = arith.truncf %add3A_208 : vector<1000x32xf32> to vector<1000x32xbf16>
    %convert_element_type3A_218 = arith.truncf %add3A_215 : vector<1000x32xf32> to vector<1000x32xbf16>
    %dot_general3A_219 = arith.constant dense<0.000000e+00> : vector<1000x1000xf32>
    %dot_general3A_220 = tpu.matmul %convert_element_type3A_217, %convert_element_type3A_218, %dot_general3A_219 {dimension_numbers = #tpu.dot_dimension_numbers<[1], [1], [0], [0], [0, 0, 1, 0], [], []>, transpose_lhs_hint = false} : vector<1000x32xbf16>, vector<1000x32xbf16>, vector<1000x1000xf32> -> vector<1000x1000xf32>
    %mul3A_221 = arith.constant 0.176776692 : f32
    %mul3A_222 = vector.broadcast %mul3A_221 : f32 to vector<1000x1000xf32>
    %mul3A_223 = arith.mulf %dot_general3A_220, %mul3A_222 : vector<1000x1000xf32>
    %reduce_max3A_224 = arith.constant dense<0xFF800000> : vector<1000xf32>
    %reduce_max3A_225 = vector.multi_reduction <maximumf>, %mul3A_223, %reduce_max3A_224 [1] : vector<1000x1000xf32> to vector<1000xf32>
    %broadcast_in_dim3A_226 = vector.shape_cast %reduce_max3A_225 : vector<1000xf32> to vector<1000x1xf32>
    %sub3A_227 = vector.broadcast %broadcast_in_dim3A_226 : vector<1000x1xf32> to vector<1000x1000xf32>
    %sub3A_228 = arith.subf %mul3A_223, %sub3A_227 : vector<1000x1000xf32>
    %exp3A_229 = math.exp %sub3A_228 : vector<1000x1000xf32>
    %reduce_sum3A_230 = arith.constant dense<0.000000e+00> : vector<1000xf32>
    %reduce_sum3A_231 = vector.multi_reduction <add>, %exp3A_229, %reduce_sum3A_230 [1] : vector<1000x1000xf32> to vector<1000xf32>
    %broadcast_in_dim3A_232 = vector.shape_cast %reduce_sum3A_231 : vector<1000xf32> to vector<1000x1xf32>
    %div3A_233 = vector.broadcast %broadcast_in_dim3A_232 : vector<1000x1xf32> to vector<1000x1000xf32>
    %div3A_234 = arith.divf %exp3A_229, %div3A_233 : vector<1000x1000xf32>
    %convert_element_type3A_235 = arith.truncf %div3A_234 : vector<1000x1000xf32> to vector<1000x1000xbf16>
    %convert_element_type3A_236 = arith.truncf %slice3A_216 : vector<1000x32xf32> to vector<1000x32xbf16>
    %dot_general3A_237 = arith.constant dense<0.000000e+00> : vector<1000x32xf32>
    %dot_general3A_238 = tpu.matmul %convert_element_type3A_235, %convert_element_type3A_236, %dot_general3A_237 {dimension_numbers = #tpu.dot_dimension_numbers<[1], [0], [0], [1], [0, 0, 1, 1], [], []>, transpose_lhs_hint = false} : vector<1000x1000xbf16>, vector<1000x32xbf16>, vector<1000x32xf32> -> vector<1000x32xf32>
    %slice3A_239 = vector.extract_strided_slice %dot_general3A_33 {offsets = [0, 160], sizes = [1000, 32], strides = [1, 1]} : vector<1000x768xf32> to vector<1000x32xf32>
    %slice3A_240 = vector.extract_strided_slice %slice3A_239 {offsets = [0, 16], sizes = [1000, 16], strides = [1, 1]} : vector<1000x32xf32> to vector<1000x16xf32>
    %slice3A_241 = vector.extract_strided_slice %slice3A_239 {offsets = [0, 0], sizes = [1000, 16], strides = [1, 1]} : vector<1000x32xf32> to vector<1000x16xf32>
    %concatenate3A_242 = tpu.concatenate %slice3A_240, %slice3A_241 in 1 : vector<1000x16xf32>, vector<1000x16xf32> -> vector<1000x32xf32>
    %mul3A_243 = arith.mulf %slice3A_239, %concatenate3A_53 : vector<1000x32xf32>
    %mul3A_244 = arith.mulf %concatenate3A_242, %concatenate3A_56 : vector<1000x32xf32>
    %add3A_245 = arith.addf %mul3A_243, %mul3A_244 : vector<1000x32xf32>
    %slice3A_246 = vector.extract_strided_slice %dot_general3A_33 {offsets = [0, 416], sizes = [1000, 32], strides = [1, 1]} : vector<1000x768xf32> to vector<1000x32xf32>
    %slice3A_247 = vector.extract_strided_slice %slice3A_246 {offsets = [0, 16], sizes = [1000, 16], strides = [1, 1]} : vector<1000x32xf32> to vector<1000x16xf32>
    %slice3A_248 = vector.extract_strided_slice %slice3A_246 {offsets = [0, 0], sizes = [1000, 16], strides = [1, 1]} : vector<1000x32xf32> to vector<1000x16xf32>
    %concatenate3A_249 = tpu.concatenate %slice3A_247, %slice3A_248 in 1 : vector<1000x16xf32>, vector<1000x16xf32> -> vector<1000x32xf32>
    %mul3A_250 = arith.mulf %slice3A_246, %concatenate3A_53 : vector<1000x32xf32>
    %mul3A_251 = arith.mulf %concatenate3A_249, %concatenate3A_56 : vector<1000x32xf32>
    %add3A_252 = arith.addf %mul3A_250, %mul3A_251 : vector<1000x32xf32>
    %slice3A_253 = vector.extract_strided_slice %dot_general3A_33 {offsets = [0, 672], sizes = [1000, 32], strides = [1, 1]} : vector<1000x768xf32> to vector<1000x32xf32>
    %convert_element_type3A_254 = arith.truncf %add3A_245 : vector<1000x32xf32> to vector<1000x32xbf16>
    %convert_element_type3A_255 = arith.truncf %add3A_252 : vector<1000x32xf32> to vector<1000x32xbf16>
    %dot_general3A_256 = arith.constant dense<0.000000e+00> : vector<1000x1000xf32>
    %dot_general3A_257 = tpu.matmul %convert_element_type3A_254, %convert_element_type3A_255, %dot_general3A_256 {dimension_numbers = #tpu.dot_dimension_numbers<[1], [1], [0], [0], [0, 0, 1, 0], [], []>, transpose_lhs_hint = false} : vector<1000x32xbf16>, vector<1000x32xbf16>, vector<1000x1000xf32> -> vector<1000x1000xf32>
    %mul3A_258 = arith.constant 0.176776692 : f32
    %mul3A_259 = vector.broadcast %mul3A_258 : f32 to vector<1000x1000xf32>
    %mul3A_260 = arith.mulf %dot_general3A_257, %mul3A_259 : vector<1000x1000xf32>
    %reduce_max3A_261 = arith.constant dense<0xFF800000> : vector<1000xf32>
    %reduce_max3A_262 = vector.multi_reduction <maximumf>, %mul3A_260, %reduce_max3A_261 [1] : vector<1000x1000xf32> to vector<1000xf32>
    %broadcast_in_dim3A_263 = vector.shape_cast %reduce_max3A_262 : vector<1000xf32> to vector<1000x1xf32>
    %sub3A_264 = vector.broadcast %broadcast_in_dim3A_263 : vector<1000x1xf32> to vector<1000x1000xf32>
    %sub3A_265 = arith.subf %mul3A_260, %sub3A_264 : vector<1000x1000xf32>
    %exp3A_266 = math.exp %sub3A_265 : vector<1000x1000xf32>
    %reduce_sum3A_267 = arith.constant dense<0.000000e+00> : vector<1000xf32>
    %reduce_sum3A_268 = vector.multi_reduction <add>, %exp3A_266, %reduce_sum3A_267 [1] : vector<1000x1000xf32> to vector<1000xf32>
    %broadcast_in_dim3A_269 = vector.shape_cast %reduce_sum3A_268 : vector<1000xf32> to vector<1000x1xf32>
    %div3A_270 = vector.broadcast %broadcast_in_dim3A_269 : vector<1000x1xf32> to vector<1000x1000xf32>
    %div3A_271 = arith.divf %exp3A_266, %div3A_270 : vector<1000x1000xf32>
    %convert_element_type3A_272 = arith.truncf %div3A_271 : vector<1000x1000xf32> to vector<1000x1000xbf16>
    %convert_element_type3A_273 = arith.truncf %slice3A_253 : vector<1000x32xf32> to vector<1000x32xbf16>
    %dot_general3A_274 = arith.constant dense<0.000000e+00> : vector<1000x32xf32>
    %dot_general3A_275 = tpu.matmul %convert_element_type3A_272, %convert_element_type3A_273, %dot_general3A_274 {dimension_numbers = #tpu.dot_dimension_numbers<[1], [0], [0], [1], [0, 0, 1, 1], [], []>, transpose_lhs_hint = false} : vector<1000x1000xbf16>, vector<1000x32xbf16>, vector<1000x32xf32> -> vector<1000x32xf32>
    %slice3A_276 = vector.extract_strided_slice %dot_general3A_33 {offsets = [0, 192], sizes = [1000, 32], strides = [1, 1]} : vector<1000x768xf32> to vector<1000x32xf32>
    %slice3A_277 = vector.extract_strided_slice %slice3A_276 {offsets = [0, 16], sizes = [1000, 16], strides = [1, 1]} : vector<1000x32xf32> to vector<1000x16xf32>
    %slice3A_278 = vector.extract_strided_slice %slice3A_276 {offsets = [0, 0], sizes = [1000, 16], strides = [1, 1]} : vector<1000x32xf32> to vector<1000x16xf32>
    %concatenate3A_279 = tpu.concatenate %slice3A_277, %slice3A_278 in 1 : vector<1000x16xf32>, vector<1000x16xf32> -> vector<1000x32xf32>
    %mul3A_280 = arith.mulf %slice3A_276, %concatenate3A_53 : vector<1000x32xf32>
    %mul3A_281 = arith.mulf %concatenate3A_279, %concatenate3A_56 : vector<1000x32xf32>
    %add3A_282 = arith.addf %mul3A_280, %mul3A_281 : vector<1000x32xf32>
    %slice3A_283 = vector.extract_strided_slice %dot_general3A_33 {offsets = [0, 448], sizes = [1000, 32], strides = [1, 1]} : vector<1000x768xf32> to vector<1000x32xf32>
    %slice3A_284 = vector.extract_strided_slice %slice3A_283 {offsets = [0, 16], sizes = [1000, 16], strides = [1, 1]} : vector<1000x32xf32> to vector<1000x16xf32>
    %slice3A_285 = vector.extract_strided_slice %slice3A_283 {offsets = [0, 0], sizes = [1000, 16], strides = [1, 1]} : vector<1000x32xf32> to vector<1000x16xf32>
    %concatenate3A_286 = tpu.concatenate %slice3A_284, %slice3A_285 in 1 : vector<1000x16xf32>, vector<1000x16xf32> -> vector<1000x32xf32>
    %mul3A_287 = arith.mulf %slice3A_283, %concatenate3A_53 : vector<1000x32xf32>
    %mul3A_288 = arith.mulf %concatenate3A_286, %concatenate3A_56 : vector<1000x32xf32>
    %add3A_289 = arith.addf %mul3A_287, %mul3A_288 : vector<1000x32xf32>
    %slice3A_290 = vector.extract_strided_slice %dot_general3A_33 {offsets = [0, 704], sizes = [1000, 32], strides = [1, 1]} : vector<1000x768xf32> to vector<1000x32xf32>
    %convert_element_type3A_291 = arith.truncf %add3A_282 : vector<1000x32xf32> to vector<1000x32xbf16>
    %convert_element_type3A_292 = arith.truncf %add3A_289 : vector<1000x32xf32> to vector<1000x32xbf16>
    %dot_general3A_293 = arith.constant dense<0.000000e+00> : vector<1000x1000xf32>
    %dot_general3A_294 = tpu.matmul %convert_element_type3A_291, %convert_element_type3A_292, %dot_general3A_293 {dimension_numbers = #tpu.dot_dimension_numbers<[1], [1], [0], [0], [0, 0, 1, 0], [], []>, transpose_lhs_hint = false} : vector<1000x32xbf16>, vector<1000x32xbf16>, vector<1000x1000xf32> -> vector<1000x1000xf32>
    %mul3A_295 = arith.constant 0.176776692 : f32
    %mul3A_296 = vector.broadcast %mul3A_295 : f32 to vector<1000x1000xf32>
    %mul3A_297 = arith.mulf %dot_general3A_294, %mul3A_296 : vector<1000x1000xf32>
    %reduce_max3A_298 = arith.constant dense<0xFF800000> : vector<1000xf32>
    %reduce_max3A_299 = vector.multi_reduction <maximumf>, %mul3A_297, %reduce_max3A_298 [1] : vector<1000x1000xf32> to vector<1000xf32>
    %broadcast_in_dim3A_300 = vector.shape_cast %reduce_max3A_299 : vector<1000xf32> to vector<1000x1xf32>
    %sub3A_301 = vector.broadcast %broadcast_in_dim3A_300 : vector<1000x1xf32> to vector<1000x1000xf32>
    %sub3A_302 = arith.subf %mul3A_297, %sub3A_301 : vector<1000x1000xf32>
    %exp3A_303 = math.exp %sub3A_302 : vector<1000x1000xf32>
    %reduce_sum3A_304 = arith.constant dense<0.000000e+00> : vector<1000xf32>
    %reduce_sum3A_305 = vector.multi_reduction <add>, %exp3A_303, %reduce_sum3A_304 [1] : vector<1000x1000xf32> to vector<1000xf32>
    %broadcast_in_dim3A_306 = vector.shape_cast %reduce_sum3A_305 : vector<1000xf32> to vector<1000x1xf32>
    %div3A_307 = vector.broadcast %broadcast_in_dim3A_306 : vector<1000x1xf32> to vector<1000x1000xf32>
    %div3A_308 = arith.divf %exp3A_303, %div3A_307 : vector<1000x1000xf32>
    %convert_element_type3A_309 = arith.truncf %div3A_308 : vector<1000x1000xf32> to vector<1000x1000xbf16>
    %convert_element_type3A_310 = arith.truncf %slice3A_290 : vector<1000x32xf32> to vector<1000x32xbf16>
    %dot_general3A_311 = arith.constant dense<0.000000e+00> : vector<1000x32xf32>
    %dot_general3A_312 = tpu.matmul %convert_element_type3A_309, %convert_element_type3A_310, %dot_general3A_311 {dimension_numbers = #tpu.dot_dimension_numbers<[1], [0], [0], [1], [0, 0, 1, 1], [], []>, transpose_lhs_hint = false} : vector<1000x1000xbf16>, vector<1000x32xbf16>, vector<1000x32xf32> -> vector<1000x32xf32>
    %slice3A_313 = vector.extract_strided_slice %dot_general3A_33 {offsets = [0, 224], sizes = [1000, 32], strides = [1, 1]} : vector<1000x768xf32> to vector<1000x32xf32>
    %slice3A_314 = vector.extract_strided_slice %slice3A_313 {offsets = [0, 16], sizes = [1000, 16], strides = [1, 1]} : vector<1000x32xf32> to vector<1000x16xf32>
    %slice3A_315 = vector.extract_strided_slice %slice3A_313 {offsets = [0, 0], sizes = [1000, 16], strides = [1, 1]} : vector<1000x32xf32> to vector<1000x16xf32>
    %concatenate3A_316 = tpu.concatenate %slice3A_314, %slice3A_315 in 1 : vector<1000x16xf32>, vector<1000x16xf32> -> vector<1000x32xf32>
    %mul3A_317 = arith.mulf %slice3A_313, %concatenate3A_53 : vector<1000x32xf32>
    %mul3A_318 = arith.mulf %concatenate3A_316, %concatenate3A_56 : vector<1000x32xf32>
    %add3A_319 = arith.addf %mul3A_317, %mul3A_318 : vector<1000x32xf32>
    %slice3A_320 = vector.extract_strided_slice %dot_general3A_33 {offsets = [0, 480], sizes = [1000, 32], strides = [1, 1]} : vector<1000x768xf32> to vector<1000x32xf32>
    %slice3A_321 = vector.extract_strided_slice %slice3A_320 {offsets = [0, 16], sizes = [1000, 16], strides = [1, 1]} : vector<1000x32xf32> to vector<1000x16xf32>
    %slice3A_322 = vector.extract_strided_slice %slice3A_320 {offsets = [0, 0], sizes = [1000, 16], strides = [1, 1]} : vector<1000x32xf32> to vector<1000x16xf32>
    %concatenate3A_323 = tpu.concatenate %slice3A_321, %slice3A_322 in 1 : vector<1000x16xf32>, vector<1000x16xf32> -> vector<1000x32xf32>
    %mul3A_324 = arith.mulf %slice3A_320, %concatenate3A_53 : vector<1000x32xf32>
    %mul3A_325 = arith.mulf %concatenate3A_323, %concatenate3A_56 : vector<1000x32xf32>
    %add3A_326 = arith.addf %mul3A_324, %mul3A_325 : vector<1000x32xf32>
    %slice3A_327 = vector.extract_strided_slice %dot_general3A_33 {offsets = [0, 736], sizes = [1000, 32], strides = [1, 1]} : vector<1000x768xf32> to vector<1000x32xf32>
    %convert_element_type3A_328 = arith.truncf %add3A_319 : vector<1000x32xf32> to vector<1000x32xbf16>
    %convert_element_type3A_329 = arith.truncf %add3A_326 : vector<1000x32xf32> to vector<1000x32xbf16>
    %dot_general3A_330 = arith.constant dense<0.000000e+00> : vector<1000x1000xf32>
    %dot_general3A_331 = tpu.matmul %convert_element_type3A_328, %convert_element_type3A_329, %dot_general3A_330 {dimension_numbers = #tpu.dot_dimension_numbers<[1], [1], [0], [0], [0, 0, 1, 0], [], []>, transpose_lhs_hint = false} : vector<1000x32xbf16>, vector<1000x32xbf16>, vector<1000x1000xf32> -> vector<1000x1000xf32>
    %mul3A_332 = arith.constant 0.176776692 : f32
    %mul3A_333 = vector.broadcast %mul3A_332 : f32 to vector<1000x1000xf32>
    %mul3A_334 = arith.mulf %dot_general3A_331, %mul3A_333 : vector<1000x1000xf32>
    %reduce_max3A_335 = arith.constant dense<0xFF800000> : vector<1000xf32>
    %reduce_max3A_336 = vector.multi_reduction <maximumf>, %mul3A_334, %reduce_max3A_335 [1] : vector<1000x1000xf32> to vector<1000xf32>
    %broadcast_in_dim3A_337 = vector.shape_cast %reduce_max3A_336 : vector<1000xf32> to vector<1000x1xf32>
    %sub3A_338 = vector.broadcast %broadcast_in_dim3A_337 : vector<1000x1xf32> to vector<1000x1000xf32>
    %sub3A_339 = arith.subf %mul3A_334, %sub3A_338 : vector<1000x1000xf32>
    %exp3A_340 = math.exp %sub3A_339 : vector<1000x1000xf32>
    %reduce_sum3A_341 = arith.constant dense<0.000000e+00> : vector<1000xf32>
    %reduce_sum3A_342 = vector.multi_reduction <add>, %exp3A_340, %reduce_sum3A_341 [1] : vector<1000x1000xf32> to vector<1000xf32>
    %broadcast_in_dim3A_343 = vector.shape_cast %reduce_sum3A_342 : vector<1000xf32> to vector<1000x1xf32>
    %div3A_344 = vector.broadcast %broadcast_in_dim3A_343 : vector<1000x1xf32> to vector<1000x1000xf32>
    %div3A_345 = arith.divf %exp3A_340, %div3A_344 : vector<1000x1000xf32>
    %convert_element_type3A_346 = arith.truncf %div3A_345 : vector<1000x1000xf32> to vector<1000x1000xbf16>
    %convert_element_type3A_347 = arith.truncf %slice3A_327 : vector<1000x32xf32> to vector<1000x32xbf16>
    %dot_general3A_348 = arith.constant dense<0.000000e+00> : vector<1000x32xf32>
    %dot_general3A_349 = tpu.matmul %convert_element_type3A_346, %convert_element_type3A_347, %dot_general3A_348 {dimension_numbers = #tpu.dot_dimension_numbers<[1], [0], [0], [1], [0, 0, 1, 1], [], []>, transpose_lhs_hint = false} : vector<1000x1000xbf16>, vector<1000x32xbf16>, vector<1000x32xf32> -> vector<1000x32xf32>
    %concatenate3A_350 = tpu.concatenate %dot_general3A_90, %dot_general3A_127, %dot_general3A_164, %dot_general3A_201, %dot_general3A_238, %dot_general3A_275, %dot_general3A_312, %dot_general3A_349 in 1 : vector<1000x32xf32>, vector<1000x32xf32>, vector<1000x32xf32>, vector<1000x32xf32>, vector<1000x32xf32>, vector<1000x32xf32>, vector<1000x32xf32>, vector<1000x32xf32> -> vector<1000x256xf32>
    %convert_element_type3A_351 = arith.truncf %concatenate3A_350 : vector<1000x256xf32> to vector<1000x256xbf16>
    %get3A_352 = arith.constant 0 : index
    %get3A_353 = arith.constant 0 : index
    %get3A_354 = vector.load %arg8[%get3A_352, %get3A_353] : memref<256x256xf32, #tpu.memory_space<vmem>>, vector<256x256xf32>
    %convert_element_type3A_355 = arith.truncf %get3A_354 : vector<256x256xf32> to vector<256x256xbf16>
    %dot_general3A_356 = arith.constant dense<0.000000e+00> : vector<1000x256xf32>
    %dot_general3A_357 = tpu.matmul %convert_element_type3A_351, %convert_element_type3A_355, %dot_general3A_356 {dimension_numbers = #tpu.dot_dimension_numbers<[1], [0], [0], [1], [0, 0, 1, 1], [], []>, transpose_lhs_hint = false} : vector<1000x256xbf16>, vector<256x256xbf16>, vector<1000x256xf32> -> vector<1000x256xf32>
    %add3A_358 = arith.addf %get3A_3, %dot_general3A_357 : vector<1000x256xf32>
    %swap3A = arith.constant 0 : index
    %swap3A_359 = arith.constant 0 : index
    %swap3A_360 = arith.constant 0 : index
    %swap3A_361 = vector.load %arg9[%swap3A, %swap3A_359, %swap3A_360] : memref<1x1000x256xf32, #tpu.memory_space<vmem>>, vector<1x1000x256xf32>
    %swap3A_362 = vector.shape_cast %swap3A_361 : vector<1x1000x256xf32> to vector<1000x256xf32>
    %swap3A_363 = vector.shape_cast %add3A_358 : vector<1000x256xf32> to vector<1x1000x256xf32>
    tpu.vector_store %arg9[%swap3A, %swap3A_359, %swap3A_360], %swap3A_363 {strides = array<i32>} : memref<1x1000x256xf32, #tpu.memory_space<vmem>>, vector<1x1000x256xf32>,
    return
  }
  func.func @transform_0(%arg0: i32) -> (i32, i32, i32) {
    %c0_i32 = arith.constant 0 : i32
    %c0_i32_0 = arith.constant 0 : i32
    %c0_i32_1 = arith.constant 0 : i32
    return %arg0, %c0_i32, %c0_i32_0 : i32, i32, i32
  }
  func.func @transform_1(%arg0: i32) -> (i32, i32, i32) {
    %c0_i32 = arith.constant 0 : i32
    %c0_i32_0 = arith.constant 0 : i32
    %c0_i32_1 = arith.constant 0 : i32
    return %arg0, %c0_i32, %c0_i32_0 : i32, i32, i32
  }
  func.func @transform_2(%arg0: i32) -> (i32, i32, i32) {
    %c0_i32 = arith.constant 0 : i32
    %c0_i32_0 = arith.constant 0 : i32
    %c0_i32_1 = arith.constant 0 : i32
    return %arg0, %c0_i32, %c0_i32_0 : i32, i32, i32
  }
  func.func @transform_3(%arg0: i32) -> (i32, i32) {
    %c0_i32 = arith.constant 0 : i32
    %c0_i32_0 = arith.constant 0 : i32
    %c0_i32_1 = arith.constant 0 : i32
    return %c0_i32, %c0_i32_0 : i32, i32
  }
  func.func @transform_4(%arg0: i32) -> i32 {
    %c0_i32 = arith.constant 0 : i32
    %c0_i32_0 = arith.constant 0 : i32
    return %c0_i32 : i32
  }
  func.func @transform_5(%arg0: i32) -> i32 {
    %c0_i32 = arith.constant 0 : i32
    %c0_i32_0 = arith.constant 0 : i32
    return %c0_i32 : i32
  }
  func.func @transform_6(%arg0: i32) -> (i32, i32) {
    %c0_i32 = arith.constant 0 : i32
    %c0_i32_0 = arith.constant 0 : i32
    %c0_i32_1 = arith.constant 0 : i32
    return %c0_i32, %c0_i32_0 : i32, i32
  }
  func.func @transform_7(%arg0: i32) -> (i32, i32) {
    %c0_i32 = arith.constant 0 : i32
    %c0_i32_0 = arith.constant 0 : i32
    %c0_i32_1 = arith.constant 0 : i32
    return %c0_i32, %c0_i32_0 : i32, i32
  }
  func.func @transform_8(%arg0: i32) -> (i32, i32, i32) {
    %c0_i32 = arith.constant 0 : i32
    %c0_i32_0 = arith.constant 0 : i32
    %c0_i32_1 = arith.constant 0 : i32
    return %arg0, %c0_i32, %c0_i32_0 : i32, i32, i32
  }
}

module attributes {stable_mosaic.version = 14 : i64} {
  func.func @_ffn_body(%arg0: i32, %arg1: memref<2000x256xf32, #tpu.memory_space<vmem>>, %arg2: memref<256xf32, #tpu.memory_space<vmem>>, %arg3: memref<256xf32, #tpu.memory_space<vmem>>, %arg4: memref<256x1024xf32, #tpu.memory_space<vmem>>, %arg5: memref<1024xf32, #tpu.memory_space<vmem>>, %arg6: memref<1024x256xf32, #tpu.memory_space<vmem>>, %arg7: memref<256xf32, #tpu.memory_space<vmem>>, %arg8: memref<2000x256xf32, #tpu.memory_space<vmem>>) attributes {dimension_semantics = [#tpu.dimension_semantics<arbitrary>], iteration_bounds = array<i64: 2>, scalar_prefetch = 0 : i64, scratch_operands = 0 : i64, tpu.core_type = #tpu.core_type<tc>, window_params = [{transform_indices = @transform_0, window_bounds = array<i64: 2000, 256>}, {pipeline_mode = #tpu.pipeline_mode<synchronous>, transform_indices = @transform_1, window_bounds = array<i64: 256>}, {pipeline_mode = #tpu.pipeline_mode<synchronous>, transform_indices = @transform_2, window_bounds = array<i64: 256>}, {pipeline_mode = #tpu.pipeline_mode<synchronous>, transform_indices = @transform_3, window_bounds = array<i64: 256, 1024>}, {pipeline_mode = #tpu.pipeline_mode<synchronous>, transform_indices = @transform_4, window_bounds = array<i64: 1024>}, {pipeline_mode = #tpu.pipeline_mode<synchronous>, transform_indices = @transform_5, window_bounds = array<i64: 1024, 256>}, {pipeline_mode = #tpu.pipeline_mode<synchronous>, transform_indices = @transform_6, window_bounds = array<i64: 256>}, {transform_indices = @transform_7, window_bounds = array<i64: 2000, 256>}]} {
    %get3A = arith.constant 0 : index
    %get3A_0 = arith.constant 0 : index
    %get3A_1 = vector.load %arg1[%get3A, %get3A_0] : memref<2000x256xf32, #tpu.memory_space<vmem>>, vector<2000x256xf32>
    %reduce_sum3A = arith.constant dense<0.000000e+00> : vector<2000xf32>
    %reduce_sum3A_2 = vector.multi_reduction <add>, %get3A_1, %reduce_sum3A [1] : vector<2000x256xf32> to vector<2000xf32>
    %broadcast_in_dim3A = vector.shape_cast %reduce_sum3A_2 : vector<2000xf32> to vector<2000x1xf32>
    %div3A = arith.constant 2.560000e+02 : f32
    %div3A_3 = vector.broadcast %div3A : f32 to vector<2000x1xf32>
    %div3A_4 = arith.divf %broadcast_in_dim3A, %div3A_3 : vector<2000x1xf32>
    %sub3A = vector.broadcast %div3A_4 : vector<2000x1xf32> to vector<2000x256xf32>
    %sub3A_5 = arith.subf %get3A_1, %sub3A : vector<2000x256xf32>
    %integer_pow3A = arith.mulf %sub3A_5, %sub3A_5 : vector<2000x256xf32>
    %reduce_sum3A_6 = arith.constant dense<0.000000e+00> : vector<2000xf32>
    %reduce_sum3A_7 = vector.multi_reduction <add>, %integer_pow3A, %reduce_sum3A_6 [1] : vector<2000x256xf32> to vector<2000xf32>
    %broadcast_in_dim3A_8 = vector.shape_cast %reduce_sum3A_7 : vector<2000xf32> to vector<2000x1xf32>
    %div3A_9 = arith.constant 2.560000e+02 : f32
    %div3A_10 = vector.broadcast %div3A_9 : f32 to vector<2000x1xf32>
    %div3A_11 = arith.divf %broadcast_in_dim3A_8, %div3A_10 : vector<2000x1xf32>
    %sub3A_12 = vector.broadcast %div3A_4 : vector<2000x1xf32> to vector<2000x256xf32>
    %sub3A_13 = arith.subf %get3A_1, %sub3A_12 : vector<2000x256xf32>
    %add3A = arith.constant 9.99999974E-6 : f32
    %add3A_14 = vector.broadcast %add3A : f32 to vector<2000x1xf32>
    %add3A_15 = arith.addf %div3A_11, %add3A_14 : vector<2000x1xf32>
    %sqrt3A = math.sqrt %add3A_15 : vector<2000x1xf32>
    %div3A_16 = vector.broadcast %sqrt3A : vector<2000x1xf32> to vector<2000x256xf32>
    %div3A_17 = arith.divf %sub3A_13, %div3A_16 : vector<2000x256xf32>
    %get3A_18 = arith.constant 0 : index
    %get3A_19 = vector.load %arg2[%get3A_18] : memref<256xf32, #tpu.memory_space<vmem>>, vector<256xf32>
    %broadcast_in_dim3A_20 = vector.shape_cast %get3A_19 : vector<256xf32> to vector<1x256xf32>
    %mul3A = vector.broadcast %broadcast_in_dim3A_20 : vector<1x256xf32> to vector<2000x256xf32>
    %mul3A_21 = arith.mulf %div3A_17, %mul3A : vector<2000x256xf32>
    %get3A_22 = arith.constant 0 : index
    %get3A_23 = vector.load %arg3[%get3A_22] : memref<256xf32, #tpu.memory_space<vmem>>, vector<256xf32>
    %broadcast_in_dim3A_24 = vector.shape_cast %get3A_23 : vector<256xf32> to vector<1x256xf32>
    %add3A_25 = vector.broadcast %broadcast_in_dim3A_24 : vector<1x256xf32> to vector<2000x256xf32>
    %add3A_26 = arith.addf %mul3A_21, %add3A_25 : vector<2000x256xf32>
    %convert_element_type3A = arith.truncf %add3A_26 : vector<2000x256xf32> to vector<2000x256xbf16>
    %get3A_27 = arith.constant 0 : index
    %get3A_28 = arith.constant 0 : index
    %get3A_29 = vector.load %arg4[%get3A_27, %get3A_28] : memref<256x1024xf32, #tpu.memory_space<vmem>>, vector<256x1024xf32>
    %convert_element_type3A_30 = arith.truncf %get3A_29 : vector<256x1024xf32> to vector<256x1024xbf16>
    %dot_general3A = arith.constant dense<0.000000e+00> : vector<2000x1024xf32>
    %dot_general3A_31 = tpu.matmul %convert_element_type3A, %convert_element_type3A_30, %dot_general3A {dimension_numbers = #tpu.dot_dimension_numbers<[1], [0], [0], [1], [0, 0, 1, 1], [], []>, transpose_lhs_hint = false} : vector<2000x256xbf16>, vector<256x1024xbf16>, vector<2000x1024xf32> -> vector<2000x1024xf32>
    %get3A_32 = arith.constant 0 : index
    %get3A_33 = vector.load %arg5[%get3A_32] : memref<1024xf32, #tpu.memory_space<vmem>>, vector<1024xf32>
    %broadcast_in_dim3A_34 = vector.shape_cast %get3A_33 : vector<1024xf32> to vector<1x1024xf32>
    %add3A_35 = vector.broadcast %broadcast_in_dim3A_34 : vector<1x1024xf32> to vector<2000x1024xf32>
    %add3A_36 = arith.addf %dot_general3A_31, %add3A_35 : vector<2000x1024xf32>
    %integer_pow3A_37 = arith.mulf %add3A_36, %add3A_36 : vector<2000x1024xf32>
    %integer_pow3A_38 = arith.mulf %add3A_36, %integer_pow3A_37 : vector<2000x1024xf32>
    %mul3A_39 = arith.constant 4.471500e-02 : f32
    %mul3A_40 = vector.broadcast %mul3A_39 : f32 to vector<2000x1024xf32>
    %mul3A_41 = arith.mulf %mul3A_40, %integer_pow3A_38 : vector<2000x1024xf32>
    %add3A_42 = arith.addf %add3A_36, %mul3A_41 : vector<2000x1024xf32>
    %mul3A_43 = arith.constant 0.797884583 : f32
    %mul3A_44 = vector.broadcast %mul3A_43 : f32 to vector<2000x1024xf32>
    %mul3A_45 = arith.mulf %mul3A_44, %add3A_42 : vector<2000x1024xf32>
    %tanh3A = math.tanh %mul3A_45 : vector<2000x1024xf32>
    %add3A_46 = arith.constant 1.000000e+00 : f32
    %add3A_47 = vector.broadcast %add3A_46 : f32 to vector<2000x1024xf32>
    %add3A_48 = arith.addf %add3A_47, %tanh3A : vector<2000x1024xf32>
    %mul3A_49 = arith.constant 5.000000e-01 : f32
    %mul3A_50 = vector.broadcast %mul3A_49 : f32 to vector<2000x1024xf32>
    %mul3A_51 = arith.mulf %mul3A_50, %add3A_48 : vector<2000x1024xf32>
    %mul3A_52 = arith.mulf %add3A_36, %mul3A_51 : vector<2000x1024xf32>
    %convert_element_type3A_53 = arith.truncf %mul3A_52 : vector<2000x1024xf32> to vector<2000x1024xbf16>
    %get3A_54 = arith.constant 0 : index
    %get3A_55 = arith.constant 0 : index
    %get3A_56 = vector.load %arg6[%get3A_54, %get3A_55] : memref<1024x256xf32, #tpu.memory_space<vmem>>, vector<1024x256xf32>
    %convert_element_type3A_57 = arith.truncf %get3A_56 : vector<1024x256xf32> to vector<1024x256xbf16>
    %dot_general3A_58 = arith.constant dense<0.000000e+00> : vector<2000x256xf32>
    %dot_general3A_59 = tpu.matmul %convert_element_type3A_53, %convert_element_type3A_57, %dot_general3A_58 {dimension_numbers = #tpu.dot_dimension_numbers<[1], [0], [0], [1], [0, 0, 1, 1], [], []>, transpose_lhs_hint = false} : vector<2000x1024xbf16>, vector<1024x256xbf16>, vector<2000x256xf32> -> vector<2000x256xf32>
    %add3A_60 = arith.addf %get3A_1, %dot_general3A_59 : vector<2000x256xf32>
    %get3A_61 = arith.constant 0 : index
    %get3A_62 = vector.load %arg7[%get3A_61] : memref<256xf32, #tpu.memory_space<vmem>>, vector<256xf32>
    %broadcast_in_dim3A_63 = vector.shape_cast %get3A_62 : vector<256xf32> to vector<1x256xf32>
    %add3A_64 = vector.broadcast %broadcast_in_dim3A_63 : vector<1x256xf32> to vector<2000x256xf32>
    %add3A_65 = arith.addf %add3A_60, %add3A_64 : vector<2000x256xf32>
    %swap3A = arith.constant 0 : index
    %swap3A_66 = arith.constant 0 : index
    %swap3A_67 = vector.load %arg8[%swap3A, %swap3A_66] : memref<2000x256xf32, #tpu.memory_space<vmem>>, vector<2000x256xf32>
    tpu.vector_store %arg8[%swap3A, %swap3A_66], %add3A_65 {strides = array<i32>} : memref<2000x256xf32, #tpu.memory_space<vmem>>, vector<2000x256xf32>,
    return
  }
  func.func @transform_0(%arg0: i32) -> (i32, i32) {
    %c0_i32 = arith.constant 0 : i32
    %c0_i32_0 = arith.constant 0 : i32
    return %arg0, %c0_i32 : i32, i32
  }
  func.func @transform_1(%arg0: i32) -> i32 {
    %c0_i32 = arith.constant 0 : i32
    %c0_i32_0 = arith.constant 0 : i32
    return %c0_i32 : i32
  }
  func.func @transform_2(%arg0: i32) -> i32 {
    %c0_i32 = arith.constant 0 : i32
    %c0_i32_0 = arith.constant 0 : i32
    return %c0_i32 : i32
  }
  func.func @transform_3(%arg0: i32) -> (i32, i32) {
    %c0_i32 = arith.constant 0 : i32
    %c0_i32_0 = arith.constant 0 : i32
    %c0_i32_1 = arith.constant 0 : i32
    return %c0_i32, %c0_i32_0 : i32, i32
  }
  func.func @transform_4(%arg0: i32) -> i32 {
    %c0_i32 = arith.constant 0 : i32
    %c0_i32_0 = arith.constant 0 : i32
    return %c0_i32 : i32
  }
  func.func @transform_5(%arg0: i32) -> (i32, i32) {
    %c0_i32 = arith.constant 0 : i32
    %c0_i32_0 = arith.constant 0 : i32
    %c0_i32_1 = arith.constant 0 : i32
    return %c0_i32, %c0_i32_0 : i32, i32
  }
  func.func @transform_6(%arg0: i32) -> i32 {
    %c0_i32 = arith.constant 0 : i32
    %c0_i32_0 = arith.constant 0 : i32
    return %c0_i32 : i32
  }
  func.func @transform_7(%arg0: i32) -> (i32, i32) {
    %c0_i32 = arith.constant 0 : i32
    %c0_i32_0 = arith.constant 0 : i32
    return %arg0, %c0_i32 : i32, i32
  }
}

</mosaic_0001>

<sc_bundles>
// kernel: gather_offload_async_start.1
scs
__scs_entry_jumppad:
0x0: {  	(pc) =	sbr.rel $0x88, $3  }
0x1: {  	(tag) =	ssettag $0x0;
	lr =	simm.s32 $0x1  }
0x2: {  	[smem:$0x3F93] =	sst lr;
	_ =	strace $0xD0000000  }
0x3: {  	_ = 	snop  }
0x4: {  	_ = 	snop  }
0x5: {  	_ = 	snop  }
0x6: {  	_ = 	snop  }
0x7: {  	_ = 	snop  }
__scs_overlays_trampoline_lowered:
0x8: {  	[smem:$0x3FA2] =	sst s0  }
0x9: {  	[smem:$0x3FA3] =	sst s1  }
0xa: {  	[smem:$0x3FA4] =	sst s2  }
0xb: {  	[smem:$0x3FA5] =	sst s3  }
0xc: {  	[smem:$0x3FA6] =	sst s4  }
0xd: {  	[smem:$0x3FA7] =	sst s5  }
0xe: {  	[smem:$0x3FA8] =	sst s6  }
0xf: {  	[smem:$0x3FA9] =	sst s7  }
0x10: {  	[smem:$0x3FAA] =	sst s8  }
0x11: {  	[smem:$0x3FAB] =	sst s9;
	s0 =	simm.s32 @!p0 $0x0  }
0x12: {  	s1 =	sld [smem:$0x3F91];
	s0 =	simm.s32 @p0 $0x1  }
0x13: {  	[smem:$0x3FAC] =	sst s0;
	s0 =	simm.s32 @!p1 $0x0  }
0x14: {  	s2 =	sld [smem:$0x3F90];
	s0 =	simm.s32 @p1 $0x1  }
0x15: {  	[smem:$0x3FAD] =	sst s0;
	s0 =	simm.s32 @!p2 $0x0  }
0x16: {  	s3 =	sld [smem:$0x3FDB];
	s0 =	simm.s32 @p2 $0x1  }
0x17: {  	s4 =	simm.s32 $0x1BF5;
	[smem:$0x3FAF] =	sst s0  }
0x18: {  	s0 =	sld [smem:$0x3F92];
	_ =	swait.ge [sflag:s4], $0x0  }
0x19: {  	s7 =	sld [smem:$0x3F93]  }
0x1a: {  	s8 =	sadd.s32 $0xFFFFE003, lr  }
0x1b: {  	s9 =	sadd.s32 $0xFFFFFEF7, lr;
	s5 =	simm.s32 $0xFFFFFFFF;
	p2 =	slt.u32 s8, $0xFFFFF086  }
0x1c: {  	p1 =	slt.u32 s9, $0xF7A;
	s5 =	simm.s32 @!p2 $0x0  }
0x1d: {  	s5 =	simm.s32 @p1 $0x1;
	p0 =	seq.s32 s7, s2  }
0x1e: {  	s7 =	smul.u32 @!p0 $0xF7A, s2;
	p2 =	seq.s32 @!p0 s5, $0x0  }
0x1f: {  	s9 =	smul.u32 $0xF7A, s1;
	s8 =	simm.s32 @!p0 $0x1BF5;
	p2 =	por !p2, p0  }
0x20: {  	[sflag:s8] =	ssyncset.s32 @!p0 $0xFFFFF086;
	s6 =	sadd.s32 @!p0 s3, s7;
	s7 =	simm.s32 @!p0 $0x108  }
0x21: {  	s3 =	sadd.s32 s3, s9;
	s6 =	sadd.s32 @!p0 $0x88, s6;
	s7 =	simm.s32 @p2 $0x1082  }
0x22: {  	[simem:s7], [sflag:s8] =	dma.local @!p0 [hbm:s6], $0xF7A  }
0x23: {  	s9 =	sor.u32 $0xD0000000, s2;
	s6 =	simm.s32 $0x108;
	_ =	swait.ge @!p0 [sflag:s8], $0x0  }
0x24: {  	s3 =	sadd.s32 $0x88, s3;
	s6 =	simm.s32 @!p1 $0x1082;
	[sflag:s4] =	ssyncset.s32 $0xFFFFF086  }
0x25: {  	[simem:s6], [sflag:s4] =	dma.local [hbm:s3], $0xF7A  }
0x26: {  	[smem:$0x3F93] =	sst s1;
	(tag) =	ssettag s2;
	_ =	strace s9  }
0x27: {  	s1 =	sld [smem:$0x3FA3]  }
0x28: {  	s2 =	sld [smem:$0x3FA4]  }
0x29: {  	s4 =	sld [smem:$0x3FA6]  }
0x2a: {  	p0 =	seq.s32 s5, $0x0;
	s5 =	sld [smem:$0x3FA7]  }
0x2b: {  	s6 =	sld [smem:$0x3FA8]  }
0x2c: {  	s7 =	sld [smem:$0x3FA9]  }
0x2d: {  	s3 =	simm.s32 $0x108;
	s8 =	sld [smem:$0x3FAA]  }
0x2e: {  	s3 =	simm.s32 @!p0 $0x1082;
	s9 =	sld [smem:$0x3FAB]  }
0x2f: {  	lr =	sadd.s32 s0, s3;
	s0 =	sld [smem:$0x3FA2]  }
0x30: {  	s3 =	sld [smem:$0x3FA5]  }
0x31: {  	[smem:$0x3FAE] =	sst s10  }
0x32: {  	s10 =	sld [smem:$0x3FAC];
	_ =	sdelay $0x3  }
0x33: {  	p0 =	seq.s32 s10, $0x1;
	s10 =	sld [smem:$0x3FAE];
	_ =	sdelay $0x3  }
0x34: {  	[smem:$0x3FAE] =	sst s10  }
0x35: {  	s10 =	sld [smem:$0x3FAD];
	_ =	sdelay $0x3  }
0x36: {  	p1 =	seq.s32 s10, $0x1;
	s10 =	sld [smem:$0x3FAE];
	_ =	sdelay $0x3  }
0x37: {  	[smem:$0x3FAE] =	sst s10  }
0x38: {  	s10 =	sld [smem:$0x3FAF]  }
0x39: {  	_ = 	snop;
	(pc) =	sbr.ind lr, $3  }
0x3a: {  	_ = 	snop  }
0x3b: {  	_ = 	snop  }
0x3c: {  	p2 =	seq.s32 s10, $0x1;
	s10 =	sld [smem:$0x3FAE]  }
0x3d: {  	_ =	shalt  }
0x3e: {  	_ =	shalt  }
0x3f: {  	_ =	shalt  }
0x40: {  	_ =	shalt  }
0x41: {  	_ =	shalt  }
0x42: {  	_ =	shalt  }
0x43: {  	_ =	shalt  }
0x44: {  	_ =	shalt  }
0x45: {  	_ =	shalt  }
0x46: {  	_ =	shalt  }
0x47: {  	_ =	shalt  }
0x48: {  	_ =	shalt  }
0x49: {  	_ =	shalt  }
0x4a: {  	_ =	shalt  }
0x4b: {  	_ =	shalt  }
0x4c: {  	_ =	shalt  }
0x4d: {  	_ =	shalt  }
0x4e: {  	_ =	shalt  }
0x4f: {  	_ =	shalt  }
0x50: {  	_ =	shalt  }
0x51: {  	_ =	shalt  }
0x52: {  	_ =	shalt  }
0x53: {  	_ =	shalt  }
0x54: {  	_ =	shalt  }
0x55: {  	_ =	shalt  }
0x56: {  	_ =	shalt  }
0x57: {  	_ =	shalt  }
0x58: {  	_ =	shalt  }
0x59: {  	_ =	shalt  }
0x5a: {  	_ =	shalt  }
0x5b: {  	_ =	shalt  }
0x5c: {  	_ =	shalt  }
0x5d: {  	_ =	shalt  }
0x5e: {  	_ =	shalt  }
0x5f: {  	_ =	shalt  }
0x60: {  	_ =	shalt  }
0x61: {  	_ =	shalt  }
0x62: {  	_ =	shalt  }
0x63: {  	_ =	shalt  }
0x64: {  	_ =	shalt  }
0x65: {  	_ =	shalt  }
0x66: {  	_ =	shalt  }
0x67: {  	_ =	shalt  }
0x68: {  	_ =	shalt  }
0x69: {  	_ =	shalt  }
0x6a: {  	_ =	shalt  }
0x6b: {  	_ =	shalt  }
0x6c: {  	_ =	shalt  }
0x6d: {  	_ =	shalt  }
0x6e: {  	_ =	shalt  }
0x6f: {  	_ =	shalt  }
0x70: {  	_ =	shalt  }
0x71: {  	_ =	shalt  }
0x72: {  	_ =	shalt  }
0x73: {  	_ =	shalt  }
0x74: {  	_ =	shalt  }
0x75: {  	_ =	shalt  }
0x76: {  	_ =	shalt  }
0x77: {  	_ =	shalt  }
0x78: {  	_ =	shalt  }
0x79: {  	_ =	shalt  }
0x7a: {  	_ =	shalt  }
0x7b: {  	_ =	shalt  }
0x7c: {  	_ =	shalt  }
0x7d: {  	_ =	shalt  }
0x7e: {  	_ =	shalt  }
0x7f: {  	_ =	shalt  }
0x80: {  	_ =	shalt  }
0x81: {  	_ =	shalt  }
0x82: {  	_ =	shalt  }
0x83: {  	_ =	shalt  }
0x84: {  	_ =	shalt  }
0x85: {  	_ =	shalt  }
0x86: {  	_ =	shalt  }
0x87: {  	_ =	shalt  }
.Lfunc_end0:
.L_simem_size_0:
called_computation.1_lowered:
.L_overlay_start_0:
0x88: {  	s2 =	sld [smem:$0x3FD9]  }
0x89: {  	s3 =	sld [smem:$0x3FFE];
	_ =	sdelay $0x1  }
0x8a: {  	s1 =	srdreg.scid  }
0x8b: {  	s0 =	sand.u32 $0x1, s1  }
0x8c: {  	s17 =	sshll.u32 s0, $0xA;
	s2 =	sadd.s32 s3, s2  }
0x8d: {  	s2 =	sadd.s32 s2, s17  }
0x8e: {  	[smem:$0x3FBA] =	sst s2  }
0x8f: {  	_ = 	snop  }
0x90: {  	(tm) =	ssettm $0x1  }
0x91: {  	s18 =	sld [smem:$0x3FFB];
	_ =	sdelay $0x3  }
0x92: {  	_ =	strace s18  }
0x93: {  	s2 =	sld [smem:$0x3FFC];
	_ =	sdelay $0x3  }
0x94: {  	_ =	strace s2  }
0x95: {  	s2 =	sld [smem:$0x3FFD];
	_ =	sdelay $0x3  }
0x96: {  	_ =	strace s2  }
0x97: {  	_ =	strace $0x8FFFFFFF  }
0x98: {  	s19 =	sld [smem:$0x3FDB];
	_ =	sdelay $0x1  }
0x99: {  	s20 =	simm.s32 $_scs_section_size  }
0x9a: {  	s4 =	simm.s32 $_size__tile_overlayer_lowered;
	s5 =	simm.s32 $_tile_overlayer_lowered  }
0x9b: {  	s6 =	simm.s32 $0x1BFF;
	s21 =	sshll.u32 s5, $0x1;
	s3 =	sadd.s32 s20, s19  }
0x9c: {  	s22 =	simm.s32 $0x0;
	s4 =	sshll.u32 s4, $0x1;
	s5 =	sadd.s32 s21, s3  }
0x9d: {  	[timem:s22], [sflag:s6] =	dma.local [hbm:s5], s4  }
0x9e: {  	_ =	swait.ge [sflag:s6], s4  }
0x9f: {  	s4 =	ssub.s32 $0x0, s4;
	[sflag:s6] =	ssyncset.done $0x0  }
0xa0: {  	[sflag:s6] =	ssyncadd.s32 s4;
	_ =	sdelay $0x1  }
0xa1: {  	s23 =	simm.s32 $0x1B8B  }
0xa2: {  	_ =	swait.ge [sflag:s23], $0x1  }
0xa3: {  	[sflag:s23] =	ssyncset.done $0x0  }
0xa4: {  	[sflag:s23] =	ssyncadd.s32 $0xFFFFFFFF  }
0xa5: {  	s4 =	sld [smem:$0x0]  }
0xa6: {  	s5 =	sand.u32 $0xFFFFFFFE, s1  }
0xa7: {  	p0 =	sne.s32 s1, s5  }
0xa8: {  	s5 =	sshll.u32 @p0 s5, $0xE  }
0xa9: {  	s5 =	sadd.s32 @p0 $0x11B8D, s5;
	s6 =	sshll.u32 @p0 s4, $0x11  }
0xaa: {  	s5 =	sor.u32 @p0 s6, s5  }
0xab: {  	[sflag:s5] =	ssyncadd.remote.s32 @p0 $0x1;
	_ =	sdelay $0x1  }
0xac: {  	s5 =	simm.s32 @p0 $0x1B8D  }
0xad: {  	_ =	swait.eq @p0 [sflag:s5], $0x1  }
0xae: {  	[sflag:s5] =	ssyncadd.s32 @p0 $0xFFFFFFFF  }
0xaf: {  	s6 =	sshll.u32 @!p0 s1, $0xE  }
0xb0: {  	s6 =	sor.u32 @!p0 $0x4000, s6;
	s5 =	simm.s32 @!p0 $0x1B8D  }
0xb1: {  	s4 =	sshll.u32 @!p0 s4, $0x11;
	s6 =	sadd.s32 @!p0 $0x11B8D, s6;
	_ =	swait.eq @!p0 [sflag:s5], $0x1  }
0xb2: {  	s4 =	sor.u32 @!p0 s4, s6;
	[sflag:s5] =	ssyncadd.s32 @!p0 $0xFFFFFFFF  }
0xb3: {  	s25 =	simm.s32 $0x1B8E;
	s24 =	sld [smem:$0x3FFE];
	[sflag:s4] =	ssyncadd.remote.s32 @!p0 $0x1  }
0xb4: {  	s26 =	simm.s32 $execute0_lowered;
	[smem:$0x3FD2] =	sst s25  }
0xb5: {  	s5 =	sshll.u32 s26, $0x1;
	_ =	strace $0x8000004C;
	[dreg:$0x1] =	wrdreg $0xFFFFFFFF  }
0xb6: {  	s28 =	simm.s32 $_size_execute0_lowered;
	s3 =	sadd.s32 s3, s5;
	[dreg:$0x0] =	wrdreg $0x0  }
0xb7: {  	s5 =	sshll.u32 s28, $0x1;
	[dreg:$0x2] =	wrdreg s3  }
0xb8: {  	[dreg:$0x3] =	wrdreg s5  }
0xb9: {  	[dreg:$0x4] =	wrdreg $0xC0  }
0xba: {  	_ =	task [dreg:s22], $0x5FFFF  }
0xbb: {  	[dreg:$0x1] =	wrdreg $0xFFFFFFFF  }
0xbc: {  	[dreg:$0x0] =	wrdreg $0x60  }
0xbd: {  	[dreg:$0x2] =	wrdreg s24  }
0xbe: {  	[dreg:$0x3] =	wrdreg $0xA  }
0xbf: {  	_ =	task.clear_ibuf [dreg:s22], $0x4FFFF;
	_ =	strace $0x9000004C  }
0xc0: {  	s29 =	simm.s32 $0xA;
	_ =	strace $0x8000004E  }
0xc1: {  	_ =	swait.ge [sflag:s29], $0x1  }
0xc2: {  	[sflag:s29] =	ssyncadd.s32 $0xFFFFFFFF  }
0xc3: {  	_ =	strace $0x9000004E  }
0xc4: {  	_ =	sfence  }
0xc5: {  	s30 =	sld [smem:$0x0];
	_ =	sdelay $0x2  }
0xc6: {  	s31 =	sshll.u32 s1, $0xD;
	s1 =	sshrl.u32 s1, $0x2  }
0xc7: {  	s4 =	sand.u32 $0x4000, s31;
	s1 =	sadd.s32 s1, s30  }
0xc8: {  	s0 =	sor.u32 s4, s0;
	s1 =	sshll.u32 s1, $0x11  }
0xc9: {  	s0 =	sor.u32 s1, s0  }
0xca: {  	s0 =	sadd.s32 $0x8F2B, s0  }
0xcb: {  	[sflag:s0] =	ssyncadd.remote.s32 $0x1  }
0xcc: {  	_ =	sfence.sel $0xFFFF  }
0xcd: {  	[dreg:$0x0] =	wrdreg $0xFFFFFFFF;
	(pc) =	sbr.abs _section_cstart, $3  }
0xce: {  	[dreg:$0x1] =	wrdreg $0xFFFFFFFF  }
0xcf: {  	_ =	task.clear_ibuf [dreg:s22], $0x2FFFF;
	_ =	strace $0x9FFFFFFF  }
0xd0: {  	(tm) =	ssettm $0x7FFFFFFF  }
0xd1: {  	_ =	shalt  }
tec
execute0_lowered:
.L_overlay_start_1:
0x0: {  	(tag) =	ssettag $0x1  }
0x1: {  	s0 =	stileid.u32  }
0x2: {  	s1 =	srdreg.scid;
	s2 =	rddreg [dreg:$0x0]  }
0x3: {  	s5 =	simm.s32 $0x1;
	s8 =	simm.s32 $0x1;
	s9 =	simm.s32 $0x3  }
0x4: {  	s10 =	simm.s32 $0x0;
	s3 =	sand.u32 $0x1, s1;
	s4 =	sshll.u32 s0, $0x1  }
0x5: {  	s13 =	simm.s32 $0x0;
	s12 =	simm.s32 $0x0;
	s6 =	sor.u32 s4, s3  }
0x6: {  	s1 =	rddreg [dreg:$0x1];
	_ =	strace $0x8000004D;
	s4 =	smul.u32 $0x50, s6  }
0x7: {  	s3 =	sadd.s32 $0x7A00, s2;
	p0 =	slt.u32 s6, $0x13;
	s6 =	simm.s32 $0xA00  }
.Ltmp0:
0x8: {  	s6 =	simm.s32 @!p0 $0x0;
	s7 =	ssub.s32 $0xFA0, s4;
	(pc) =	sbr.rel .LBB2_1-.Ltmp0, $4  }
0x9: {  	s8 =	simm.s32 @!p0 $0x0;
	p0 =	sne.s32 s7, s6;
	s7 =	simm.s32 $0x1  }
0xa: {  	[sflag:s5] =	ssyncpa.u1 $0x0;
	s6 =	simm.s32 $0x2;
	s7 =	simm.s32 @!p0 $0x0  }
0xb: {  	s11 =	smov.u32 s4;
	[sflag:s6] =	ssyncpa.u1 $0x0;
	s7 =	sadd.s32 s8, s7  }
0xc: {  	vm0 =	vmmov $0xffff;
	s8 =	sadd.s32 $0x400, s2;
	[sflag:s9] =	ssyncpa.u1 $0x0;
	s9 =	sadd.s32 $0x1, s7  }
.LBB2_4:
0xd: {  	v2 =	vnsel vm1, $0x0, v2  }
0xe: {  	vm1 =	vgt.s32 v0, $0x0;
	v2 =	vmin.u32 v2, $0x1387F  }
0xf: {  	v0 =	vnsel vm1, $0x0, v0  }
0x10: {  	v0 =	vmin.u32 v0, $0x1387F  }
0x11: {  	[tilespmem:s18], [sflag:$0x1] =	stream.indirect_vreg.gather [hbm4b:s3+s10], $0x1, v1, vm0, $0x4038;
	[tilespmem:$0x140] =	vst v63  }
0x12: {  	(ifvalue) =	ssetifvalue $0x7FFFFFFF  }
0x13: {  	[tilespmem:s15], [sflag:$0x1] =	stream.indirect_vreg.gather [hbm4b:s3+s10], $0x1, v2, vm0, $0x4038;
	[tilespmem:$0x140] =	vst v63  }
0x14: {  	s29 =	sadd.s32 $0x10, s15;
	(ifvalue) =	ssetifvalue $0x7FFFFFFF  }
0x15: {  	[tilespmem:s29], [sflag:$0x1] =	stream.indirect_vreg.gather [hbm4b:s3+s10], $0x1, v0, vm0, $0x4038;
	[tilespmem:$0x140] =	vst v63  }
0x16: {  	_ =	swait.ge [sflag:s5], $0x50  }
0x17: {  	s30 =	sshrl.u32 s13, $0x3;
	[sflag:s5] =	ssyncset.done $0x0  }
0x18: {  	s31 =	sand.u32 $0x7, s13;
	s15 =	sadd.s32 s8, s30;
	[sflag:s5] =	ssyncadd.s32 $0xFFFFFFB0  }
0x19: {  	[hbm4b:s15+s31] =	stream.linear.scatter [tilespmem:s14], [sflag:$0x3], $0x50, $0x38;
	[tilespmem:$0x140] =	vst v63  }
.LBB2_5:
0x1a: {  	s15 =	sadd.s32 $0xA00, s11  }
0x1b: {  	p1 =	sgt.s32 s15, $0xF9F  }
0x1c: {  	s15 =	smov.u32 @p1 s4;
	p1 =	sne.s32 s12, s9  }
.Ltmp1:
0x1d: {  	p0 =	slt.u32 s12, $0x2;
	(pc) =	sbr.rel @!p1 .LBB2_6-.Ltmp1, $4  }
0x1e: {  	s14 =	simm.s32 @!p0 $0x3  }
0x1f: {  	_ =	swait.ge @!p0 [sflag:s14], $0x50  }
0x20: {  	s16 =	sadd.s32 $0x1, s12;
	s13 =	smov.u32 s11;
	[sflag:s14] =	ssyncset.done @!p0 $0x0  }
0x21: {  	s12 =	smov.u32 s16;
	s11 =	smov.u32 s15;
	[sflag:s14] =	ssyncadd.s32 @!p0 $0xFFFFFFB0  }
.LBB2_1:
0x22: {  	p0 =	sge.u32 s12, s7  }
0x23: {  	s14 =	sxor.u32 @!p0 $0x1, s12  }
0x24: {  	s14 =	smul.u32 @!p0 $0x140, s14  }
0x25: {  	s31 =	sadd.s32 $0xFFFFFFFF, s12;
	s15 =	sshrl.u32 @!p0 s11, $0x3  }
0x26: {  	s16 =	sand.u32 @!p0 $0x7, s11;
	s15 =	sadd.s32 @!p0 s2, s15;
	s14 =	sshra.s32 @!p0 s14, $0x2  }
0x27: {  	[tilespmem:s14], [sflag:$0x2] =	stream.linear.gather @!p0 [hbm4b:s15+s16], $0x50, $0x38;
	[tilespmem:$0x140] =	vst v63  }
0x28: {  	p0 =	sge.u32 s31, s7  }
.Ltmp2:
0x29: {  	_ = 	snop;
	(pc) =	sbr.rel @p0 .LBB2_5-.Ltmp2, $1  }
0x2a: {  	_ =	sdelay $0x3  }
0x2b: {  	s14 =	sand.u32 $0x1, s12  }
0x2c: {  	_ =	swait.ge [sflag:s6], $0x50;
	p0 =	seq.s32 s14, $0x1;
	s14 =	simm.s32 $0x50  }
0x2d: {  	[sflag:s6] =	ssyncset.done $0x0;
	s14 =	simm.s32 @!p0 $0x0  }
0x2e: {  	[sflag:s6] =	ssyncadd.s32 $0xFFFFFFB0;
	(ifvalue) =	ssetifvalue $0x7FFFFFFF;
	v0 =	vld.msk [tilespmem:s14+$0x0 ss:$0x1], $0xffff;
	_ =	sdelay $0x4  }
0x2f: {  	s15 =	sadd.s32 $0x10, s14;
	vm1 =	vgt.s32 v0, $0x0  }
0x30: {  	v2 =	vld.msk [tilespmem:s15+$0x0 ss:$0x1], $0xffff;
	v1 =	vnsel vm1, $0x0, v0  }
0x31: {  	v1 =	vmin.u32 v1, $0x1387F;
	_ =	sdelay $0x2  }
0x32: {  	s17 =	simm.s32 $0x20;
	s14 =	sor.u32 $0xA0, s14;
	s16 =	sadd.s32 $0x10, s15  }
0x33: {  	s15 =	sadd.s32 $0x10, s14;
	s18 =	smov.u32 s14;
	v0 =	vld.msk [tilespmem:s16+$0x0 ss:$0x1], $0xffff;
	vm1 =	vgt.s32 v2, $0x0;
	(ifvalue) =	ssetifvalue $0x7FFFFFFF  }
.LBB2_3:
0x34: {  	[tilespmem:s18], [sflag:$0x1] =	stream.indirect_vreg.gather [hbm4b:s3+s10], $0x1, v1, vm0, $0x4038;
	[tilespmem:$0x140] =	vst v63  }
0x35: {  	s17 =	sadd.s32 $0x10, s17  }
0x36: {  	v2 =	vnsel vm1, $0x0, v2;
	p0 =	slt.u32 s17, $0x40  }
.Ltmp3:
0x37: {  	s18 =	smov.u32 s15;
	v1 =	vmin.u32 v2, $0x1387F;
	(pc) =	sbr.rel @p0 .LBB2_3-.Ltmp3, $3  }
0x38: {  	_ =	sdelay $0x1  }
0x39: {  	s16 =	sadd.s32 $0x10, s16  }
0x3a: {  	vm1 =	vgt.s32 v0, $0x0;
	s15 =	sadd.s32 $0x10, s15;
	v2 =	vmov v0;
	(ifvalue) =	ssetifvalue $0x7FFFFFFF;
	v0 =	vld.msk [tilespmem:s16+$0x0 ss:$0x1], $0xffff  }
.Ltmp4:
0x3b: {  	_ = 	snop;
	(pc) =	sbr.rel .LBB2_4-.Ltmp4, $1  }
0x3c: {  	_ =	sdelay $0x3  }
.LBB2_6:
0x3d: {  	_ =	sfence.sel $0x180000  }
0x3e: {  	s2 =	simm.s32 $0x2;
	[bflag:$0x0] =	sbarrier.arrive $0xFFFF  }
0x3f: {  	s30 =	simm.s32 $0x3;
	[sflag:s2] =	ssyncpa.u1 $0x1  }
0x40: {  	s31 =	simm.s32 $0x1;
	[sflag:s30] =	ssyncpa.u1 $0x1  }
0x41: {  	[sflag:s31] =	ssyncpa.u1 $0x1  }
0x42: {  	p0 =	sne.s32 s0, $0x0;
	_ =	strace $0x9000004D  }
0x43: {  	s0 =	sadd.s32 @!p0 $0x100000, s1;
	[bflag:$0x2] =	sbarrier.arrive $0xFFFF  }
0x44: {  	[sflag:s0] =	ssyncadd.tile.s32 @!p0 $0x1;
	_ =	shalt  }
.Lfunc_end2:
_tile_overlayer_lowered:
.L_overlay_start_2:
0x45: {  	(tag) =	ssettag $0x2  }
0x46: {  	s0 =	rddreg [dreg:$0x0];
	s2 =	stileid.u32  }
0x47: {  	s1 =	rddreg [dreg:$0x1];
	p0 =	sne.s32 s2, $0x0  }
0x48: {  	s3 =	rddreg [dreg:$0x2];
	[bflag:$0x3] =	sbarrier.arrive $0xFFFF;
	s2 =	simm.s32 @!p0 $0x1C01  }
0x49: {  	[timem:s3], [sflag:s2] =	dma.local @!p0 [hbm:s0], s1  }
0x4a: {  	s0 =	simm.s32 @!p0 $0x1  }
0x4b: {  	_ =	swait.ge @!p0 [sflag:s0], s1  }
0x4c: {  	s1 =	ssub.s32 @!p0 $0x0, s1;
	[sflag:s0] =	ssyncset.done @!p0 $0x0  }
0x4d: {  	[sflag:s0] =	ssyncadd.s32 @!p0 s1  }
0x4e: {  	[bflag:$0x3] =	sbarrier.arrive $0xFFFF  }
0x4f: {  	_ =	shalt  }

// kernel: gather_offload_async_start.2
scs
__scs_entry_jumppad:
0x0: {  	(pc) =	sbr.rel $0x88, $3  }
0x1: {  	(tag) =	ssettag $0x0;
	lr =	simm.s32 $0x1  }
0x2: {  	[smem:$0x3F93] =	sst lr;
	_ =	strace $0xD0000000  }
0x3: {  	_ = 	snop  }
0x4: {  	_ = 	snop  }
0x5: {  	_ = 	snop  }
0x6: {  	_ = 	snop  }
0x7: {  	_ = 	snop  }
__scs_overlays_trampoline_lowered:
0x8: {  	[smem:$0x3FA2] =	sst s0  }
0x9: {  	[smem:$0x3FA3] =	sst s1  }
0xa: {  	[smem:$0x3FA4] =	sst s2  }
0xb: {  	[smem:$0x3FA5] =	sst s3  }
0xc: {  	[smem:$0x3FA6] =	sst s4  }
0xd: {  	[smem:$0x3FA7] =	sst s5  }
0xe: {  	[smem:$0x3FA8] =	sst s6  }
0xf: {  	[smem:$0x3FA9] =	sst s7  }
0x10: {  	[smem:$0x3FAA] =	sst s8  }
0x11: {  	[smem:$0x3FAB] =	sst s9;
	s0 =	simm.s32 @!p0 $0x0  }
0x12: {  	s1 =	sld [smem:$0x3F91];
	s0 =	simm.s32 @p0 $0x1  }
0x13: {  	[smem:$0x3FAC] =	sst s0;
	s0 =	simm.s32 @!p1 $0x0  }
0x14: {  	s2 =	sld [smem:$0x3F90];
	s0 =	simm.s32 @p1 $0x1  }
0x15: {  	[smem:$0x3FAD] =	sst s0;
	s0 =	simm.s32 @!p2 $0x0  }
0x16: {  	s3 =	sld [smem:$0x3FDB];
	s0 =	simm.s32 @p2 $0x1  }
0x17: {  	s4 =	simm.s32 $0x1BF5;
	[smem:$0x3FAF] =	sst s0  }
0x18: {  	s0 =	sld [smem:$0x3F92];
	_ =	swait.ge [sflag:s4], $0x0  }
0x19: {  	s7 =	sld [smem:$0x3F93]  }
0x1a: {  	s8 =	sadd.s32 $0xFFFFE003, lr  }
0x1b: {  	s9 =	sadd.s32 $0xFFFFFEF7, lr;
	s5 =	simm.s32 $0xFFFFFFFF;
	p2 =	slt.u32 s8, $0xFFFFF086  }
0x1c: {  	p1 =	slt.u32 s9, $0xF7A;
	s5 =	simm.s32 @!p2 $0x0  }
0x1d: {  	s5 =	simm.s32 @p1 $0x1;
	p0 =	seq.s32 s7, s2  }
0x1e: {  	s7 =	smul.u32 @!p0 $0xF7A, s2;
	p2 =	seq.s32 @!p0 s5, $0x0  }
0x1f: {  	s9 =	smul.u32 $0xF7A, s1;
	s8 =	simm.s32 @!p0 $0x1BF5;
	p2 =	por !p2, p0  }
0x20: {  	[sflag:s8] =	ssyncset.s32 @!p0 $0xFFFFF086;
	s6 =	sadd.s32 @!p0 s3, s7;
	s7 =	simm.s32 @!p0 $0x108  }
0x21: {  	s3 =	sadd.s32 s3, s9;
	s6 =	sadd.s32 @!p0 $0x88, s6;
	s7 =	simm.s32 @p2 $0x1082  }
0x22: {  	[simem:s7], [sflag:s8] =	dma.local @!p0 [hbm:s6], $0xF7A  }
0x23: {  	s9 =	sor.u32 $0xD0000000, s2;
	s6 =	simm.s32 $0x108;
	_ =	swait.ge @!p0 [sflag:s8], $0x0  }
0x24: {  	s3 =	sadd.s32 $0x88, s3;
	s6 =	simm.s32 @!p1 $0x1082;
	[sflag:s4] =	ssyncset.s32 $0xFFFFF086  }
0x25: {  	[simem:s6], [sflag:s4] =	dma.local [hbm:s3], $0xF7A  }
0x26: {  	[smem:$0x3F93] =	sst s1;
	(tag) =	ssettag s2;
	_ =	strace s9  }
0x27: {  	s1 =	sld [smem:$0x3FA3]  }
0x28: {  	s2 =	sld [smem:$0x3FA4]  }
0x29: {  	s4 =	sld [smem:$0x3FA6]  }
0x2a: {  	p0 =	seq.s32 s5, $0x0;
	s5 =	sld [smem:$0x3FA7]  }
0x2b: {  	s6 =	sld [smem:$0x3FA8]  }
0x2c: {  	s7 =	sld [smem:$0x3FA9]  }
0x2d: {  	s3 =	simm.s32 $0x108;
	s8 =	sld [smem:$0x3FAA]  }
0x2e: {  	s3 =	simm.s32 @!p0 $0x1082;
	s9 =	sld [smem:$0x3FAB]  }
0x2f: {  	lr =	sadd.s32 s0, s3;
	s0 =	sld [smem:$0x3FA2]  }
0x30: {  	s3 =	sld [smem:$0x3FA5]  }
0x31: {  	[smem:$0x3FAE] =	sst s10  }
0x32: {  	s10 =	sld [smem:$0x3FAC];
	_ =	sdelay $0x3  }
0x33: {  	p0 =	seq.s32 s10, $0x1;
	s10 =	sld [smem:$0x3FAE];
	_ =	sdelay $0x3  }
0x34: {  	[smem:$0x3FAE] =	sst s10  }
0x35: {  	s10 =	sld [smem:$0x3FAD];
	_ =	sdelay $0x3  }
0x36: {  	p1 =	seq.s32 s10, $0x1;
	s10 =	sld [smem:$0x3FAE];
	_ =	sdelay $0x3  }
0x37: {  	[smem:$0x3FAE] =	sst s10  }
0x38: {  	s10 =	sld [smem:$0x3FAF]  }
0x39: {  	_ = 	snop;
	(pc) =	sbr.ind lr, $3  }
0x3a: {  	_ = 	snop  }
0x3b: {  	_ = 	snop  }
0x3c: {  	p2 =	seq.s32 s10, $0x1;
	s10 =	sld [smem:$0x3FAE]  }
0x3d: {  	_ =	shalt  }
0x3e: {  	_ =	shalt  }
0x3f: {  	_ =	shalt  }
0x40: {  	_ =	shalt  }
0x41: {  	_ =	shalt  }
0x42: {  	_ =	shalt  }
0x43: {  	_ =	shalt  }
0x44: {  	_ =	shalt  }
0x45: {  	_ =	shalt  }
0x46: {  	_ =	shalt  }
0x47: {  	_ =	shalt  }
0x48: {  	_ =	shalt  }
0x49: {  	_ =	shalt  }
0x4a: {  	_ =	shalt  }
0x4b: {  	_ =	shalt  }
0x4c: {  	_ =	shalt  }
0x4d: {  	_ =	shalt  }
0x4e: {  	_ =	shalt  }
0x4f: {  	_ =	shalt  }
0x50: {  	_ =	shalt  }
0x51: {  	_ =	shalt  }
0x52: {  	_ =	shalt  }
0x53: {  	_ =	shalt  }
0x54: {  	_ =	shalt  }
0x55: {  	_ =	shalt  }
0x56: {  	_ =	shalt  }
0x57: {  	_ =	shalt  }
0x58: {  	_ =	shalt  }
0x59: {  	_ =	shalt  }
0x5a: {  	_ =	shalt  }
0x5b: {  	_ =	shalt  }
0x5c: {  	_ =	shalt  }
0x5d: {  	_ =	shalt  }
0x5e: {  	_ =	shalt  }
0x5f: {  	_ =	shalt  }
0x60: {  	_ =	shalt  }
0x61: {  	_ =	shalt  }
0x62: {  	_ =	shalt  }
0x63: {  	_ =	shalt  }
0x64: {  	_ =	shalt  }
0x65: {  	_ =	shalt  }
0x66: {  	_ =	shalt  }
0x67: {  	_ =	shalt  }
0x68: {  	_ =	shalt  }
0x69: {  	_ =	shalt  }
0x6a: {  	_ =	shalt  }
0x6b: {  	_ =	shalt  }
0x6c: {  	_ =	shalt  }
0x6d: {  	_ =	shalt  }
0x6e: {  	_ =	shalt  }
0x6f: {  	_ =	shalt  }
0x70: {  	_ =	shalt  }
0x71: {  	_ =	shalt  }
0x72: {  	_ =	shalt  }
0x73: {  	_ =	shalt  }
0x74: {  	_ =	shalt  }
0x75: {  	_ =	shalt  }
0x76: {  	_ =	shalt  }
0x77: {  	_ =	shalt  }
0x78: {  	_ =	shalt  }
0x79: {  	_ =	shalt  }
0x7a: {  	_ =	shalt  }
0x7b: {  	_ =	shalt  }
0x7c: {  	_ =	shalt  }
0x7d: {  	_ =	shalt  }
0x7e: {  	_ =	shalt  }
0x7f: {  	_ =	shalt  }
0x80: {  	_ =	shalt  }
0x81: {  	_ =	shalt  }
0x82: {  	_ =	shalt  }
0x83: {  	_ =	shalt  }
0x84: {  	_ =	shalt  }
0x85: {  	_ =	shalt  }
0x86: {  	_ =	shalt  }
0x87: {  	_ =	shalt  }
.Lfunc_end0:
.L_simem_size_0:
called_computation.2_lowered:
.L_overlay_start_0:
0x88: {  	s2 =	sld [smem:$0x3FD9]  }
0x89: {  	s3 =	sld [smem:$0x3FFE];
	_ =	sdelay $0x1  }
0x8a: {  	s1 =	srdreg.scid  }
0x8b: {  	s0 =	sand.u32 $0x1, s1  }
0x8c: {  	s16 =	sshll.u32 s0, $0xA;
	s2 =	sadd.s32 s3, s2  }
0x8d: {  	s2 =	sadd.s32 s2, s16  }
0x8e: {  	[smem:$0x3FBA] =	sst s2  }
0x8f: {  	_ = 	snop  }
0x90: {  	(tm) =	ssettm $0x1  }
0x91: {  	s17 =	sld [smem:$0x3FFB];
	_ =	sdelay $0x3  }
0x92: {  	_ =	strace s17  }
0x93: {  	s2 =	sld [smem:$0x3FFC];
	_ =	sdelay $0x3  }
0x94: {  	_ =	strace s2  }
0x95: {  	s2 =	sld [smem:$0x3FFD];
	_ =	sdelay $0x3  }
0x96: {  	_ =	strace s2  }
0x97: {  	_ =	strace $0x8FFFFFFF  }
0x98: {  	s18 =	sld [smem:$0x3FDB];
	_ =	sdelay $0x1  }
0x99: {  	s19 =	simm.s32 $_scs_section_size  }
0x9a: {  	s4 =	simm.s32 $_size__tile_overlayer_lowered;
	s5 =	simm.s32 $_tile_overlayer_lowered  }
0x9b: {  	s22 =	simm.s32 $0x1BFF;
	s21 =	sshll.u32 s5, $0x1;
	s2 =	sadd.s32 s19, s18  }
0x9c: {  	s6 =	simm.s32 $0x0;
	s20 =	sshll.u32 s4, $0x1;
	s4 =	sadd.s32 s21, s2  }
0x9d: {  	[timem:s6], [sflag:s22] =	dma.local [hbm:s4], s20  }
0x9e: {  	_ =	swait.ge [sflag:s22], s20  }
0x9f: {  	s3 =	ssub.s32 $0x0, s20;
	[sflag:s22] =	ssyncset.done $0x0  }
0xa0: {  	[sflag:s22] =	ssyncadd.s32 s3;
	_ =	sdelay $0x1  }
0xa1: {  	s23 =	simm.s32 $0x1B8B  }
0xa2: {  	_ =	swait.ge [sflag:s23], $0x1  }
0xa3: {  	[sflag:s23] =	ssyncset.done $0x0  }
0xa4: {  	s25 =	simm.s32 $0x1B8E;
	s24 =	sld [smem:$0x3FFE];
	[sflag:s23] =	ssyncadd.s32 $0xFFFFFFFF  }
0xa5: {  	s26 =	simm.s32 $execute0_lowered;
	[smem:$0x3FD2] =	sst s25  }
0xa6: {  	s4 =	sshll.u32 s26, $0x1;
	_ =	strace $0x80000049;
	[dreg:$0x1] =	wrdreg $0xFFFFFFFF  }
0xa7: {  	s28 =	simm.s32 $_size_execute0_lowered;
	s2 =	sadd.s32 s2, s4;
	[dreg:$0x0] =	wrdreg $0x0  }
0xa8: {  	s4 =	sshll.u32 s28, $0x1;
	[dreg:$0x2] =	wrdreg s2  }
0xa9: {  	[dreg:$0x3] =	wrdreg s4  }
0xaa: {  	[dreg:$0x4] =	wrdreg $0xC0  }
0xab: {  	_ =	task [dreg:s6], $0x5FFFF  }
0xac: {  	[dreg:$0x1] =	wrdreg $0xFFFFFFFF  }
0xad: {  	[dreg:$0x0] =	wrdreg $0x60  }
0xae: {  	[dreg:$0x2] =	wrdreg s24  }
0xaf: {  	[dreg:$0x3] =	wrdreg $0xB  }
0xb0: {  	_ =	task.clear_ibuf [dreg:s6], $0x4FFFF;
	_ =	strace $0x90000049  }
0xb1: {  	s29 =	simm.s32 $0xB;
	_ =	strace $0x8000004B  }
0xb2: {  	_ =	swait.ge [sflag:s29], $0x1  }
0xb3: {  	[sflag:s29] =	ssyncadd.s32 $0xFFFFFFFF  }
0xb4: {  	_ =	strace $0x9000004B  }
0xb5: {  	_ =	sfence  }
0xb6: {  	s30 =	sld [smem:$0x0];
	_ =	sdelay $0x2  }
0xb7: {  	s31 =	sshll.u32 s1, $0xD;
	s1 =	sshrl.u32 s1, $0x2  }
0xb8: {  	s3 =	sand.u32 $0x4000, s31;
	s1 =	sadd.s32 s1, s30  }
0xb9: {  	s0 =	sor.u32 s3, s0;
	s1 =	sshll.u32 s1, $0x11  }
0xba: {  	s0 =	sor.u32 s1, s0  }
0xbb: {  	s0 =	sadd.s32 $0x8F2B, s0  }
0xbc: {  	[sflag:s0] =	ssyncadd.remote.s32 $0x1  }
0xbd: {  	_ =	sfence.sel $0xFFFF  }
0xbe: {  	[dreg:$0x0] =	wrdreg $0xFFFFFFFF;
	(pc) =	sbr.abs _section_cstart, $3  }
0xbf: {  	[dreg:$0x1] =	wrdreg $0xFFFFFFFF  }
0xc0: {  	_ =	task.clear_ibuf [dreg:s6], $0x2FFFF;
	_ =	strace $0x9FFFFFFF  }
0xc1: {  	(tm) =	ssettm $0x7FFFFFFF  }
tec
execute0_lowered:
.L_overlay_start_1:
0x0: {  	(tag) =	ssettag $0x1  }
0x1: {  	s0 =	stileid.u32  }
0x2: {  	s1 =	srdreg.scid;
	s2 =	rddreg [dreg:$0x0]  }
0x3: {  	s5 =	simm.s32 $0x1;
	s8 =	simm.s32 $0x1;
	s9 =	simm.s32 $0x3  }
0x4: {  	s10 =	simm.s32 $0x0;
	s3 =	sand.u32 $0x1, s1;
	s4 =	sshll.u32 s0, $0x1  }
0x5: {  	s13 =	simm.s32 $0x0;
	s12 =	simm.s32 $0x0;
	s6 =	sor.u32 s4, s3  }
0x6: {  	s1 =	rddreg [dreg:$0x1];
	_ =	strace $0x8000004A;
	s4 =	smul.u32 $0x50, s6  }
0x7: {  	s3 =	sadd.s32 $0x5200, s2;
	p0 =	slt.u32 s6, $0x13;
	s6 =	simm.s32 $0xA00  }
.Ltmp0:
0x8: {  	s6 =	simm.s32 @!p0 $0x0;
	s7 =	ssub.s32 $0xFA0, s4;
	(pc) =	sbr.rel .LBB2_1-.Ltmp0, $4  }
0x9: {  	s8 =	simm.s32 @!p0 $0x0;
	p0 =	sne.s32 s7, s6;
	s7 =	simm.s32 $0x1  }
0xa: {  	[sflag:s5] =	ssyncpa.u1 $0x0;
	s6 =	simm.s32 $0x2;
	s7 =	simm.s32 @!p0 $0x0  }
0xb: {  	s11 =	smov.u32 s4;
	[sflag:s6] =	ssyncpa.u1 $0x0;
	s7 =	sadd.s32 s8, s7  }
0xc: {  	vm0 =	vmmov $0xffff;
	s8 =	sadd.s32 $0x200, s2;
	[sflag:s9] =	ssyncpa.u1 $0x0;
	s9 =	sadd.s32 $0x1, s7  }
.LBB2_4:
0xd: {  	v2 =	vnsel vm1, $0x0, v2  }
0xe: {  	vm1 =	vgt.s32 v0, $0x0;
	v2 =	vmin.u32 v2, $0x1387F  }
0xf: {  	v0 =	vnsel vm1, $0x0, v0  }
0x10: {  	v0 =	vmin.u32 v0, $0x1387F  }
0x11: {  	[tilespmem:s18], [sflag:$0x1] =	stream.indirect_vreg.gather [hbm4b:s3+s10], $0x1, v1, vm0, $0x4038;
	[tilespmem:$0x140] =	vst v63  }
0x12: {  	(ifvalue) =	ssetifvalue $0x7FFFFFFF  }
0x13: {  	[tilespmem:s15], [sflag:$0x1] =	stream.indirect_vreg.gather [hbm4b:s3+s10], $0x1, v2, vm0, $0x4038;
	[tilespmem:$0x140] =	vst v63  }
0x14: {  	s29 =	sadd.s32 $0x10, s15;
	(ifvalue) =	ssetifvalue $0x7FFFFFFF  }
0x15: {  	[tilespmem:s29], [sflag:$0x1] =	stream.indirect_vreg.gather [hbm4b:s3+s10], $0x1, v0, vm0, $0x4038;
	[tilespmem:$0x140] =	vst v63  }
0x16: {  	_ =	swait.ge [sflag:s5], $0x50  }
0x17: {  	s30 =	sshrl.u32 s13, $0x3;
	[sflag:s5] =	ssyncset.done $0x0  }
0x18: {  	s31 =	sand.u32 $0x7, s13;
	s15 =	sadd.s32 s8, s30;
	[sflag:s5] =	ssyncadd.s32 $0xFFFFFFB0  }
0x19: {  	[hbm4b:s15+s31] =	stream.linear.scatter [tilespmem:s14], [sflag:$0x3], $0x50, $0x38;
	[tilespmem:$0x140] =	vst v63  }
.LBB2_5:
0x1a: {  	s15 =	sadd.s32 $0xA00, s11  }
0x1b: {  	p1 =	sgt.s32 s15, $0xF9F  }
0x1c: {  	s15 =	smov.u32 @p1 s4;
	p1 =	sne.s32 s12, s9  }
.Ltmp1:
0x1d: {  	p0 =	slt.u32 s12, $0x2;
	(pc) =	sbr.rel @!p1 .LBB2_6-.Ltmp1, $4  }
0x1e: {  	s14 =	simm.s32 @!p0 $0x3  }
0x1f: {  	_ =	swait.ge @!p0 [sflag:s14], $0x50  }
0x20: {  	s16 =	sadd.s32 $0x1, s12;
	s13 =	smov.u32 s11;
	[sflag:s14] =	ssyncset.done @!p0 $0x0  }
0x21: {  	s12 =	smov.u32 s16;
	s11 =	smov.u32 s15;
	[sflag:s14] =	ssyncadd.s32 @!p0 $0xFFFFFFB0  }
.LBB2_1:
0x22: {  	p0 =	sge.u32 s12, s7  }
0x23: {  	s14 =	sxor.u32 @!p0 $0x1, s12  }
0x24: {  	s14 =	smul.u32 @!p0 $0x140, s14  }
0x25: {  	s31 =	sadd.s32 $0xFFFFFFFF, s12;
	s15 =	sshrl.u32 @!p0 s11, $0x3  }
0x26: {  	s16 =	sand.u32 @!p0 $0x7, s11;
	s15 =	sadd.s32 @!p0 s2, s15;
	s14 =	sshra.s32 @!p0 s14, $0x2  }
0x27: {  	[tilespmem:s14], [sflag:$0x2] =	stream.linear.gather @!p0 [hbm4b:s15+s16], $0x50, $0x38;
	[tilespmem:$0x140] =	vst v63  }
0x28: {  	p0 =	sge.u32 s31, s7  }
.Ltmp2:
0x29: {  	_ = 	snop;
	(pc) =	sbr.rel @p0 .LBB2_5-.Ltmp2, $1  }
0x2a: {  	_ =	sdelay $0x3  }
0x2b: {  	s14 =	sand.u32 $0x1, s12  }
0x2c: {  	_ =	swait.ge [sflag:s6], $0x50;
	p0 =	seq.s32 s14, $0x1;
	s14 =	simm.s32 $0x50  }
0x2d: {  	[sflag:s6] =	ssyncset.done $0x0;
	s14 =	simm.s32 @!p0 $0x0  }
0x2e: {  	[sflag:s6] =	ssyncadd.s32 $0xFFFFFFB0;
	(ifvalue) =	ssetifvalue $0x7FFFFFFF;
	v0 =	vld.msk [tilespmem:s14+$0x0 ss:$0x1], $0xffff;
	_ =	sdelay $0x4  }
0x2f: {  	s15 =	sadd.s32 $0x10, s14;
	vm1 =	vgt.s32 v0, $0x0  }
0x30: {  	v2 =	vld.msk [tilespmem:s15+$0x0 ss:$0x1], $0xffff;
	v1 =	vnsel vm1, $0x0, v0  }
0x31: {  	v1 =	vmin.u32 v1, $0x1387F;
	_ =	sdelay $0x2  }
0x32: {  	s17 =	simm.s32 $0x20;
	s14 =	sor.u32 $0xA0, s14;
	s16 =	sadd.s32 $0x10, s15  }
0x33: {  	s15 =	sadd.s32 $0x10, s14;
	s18 =	smov.u32 s14;
	v0 =	vld.msk [tilespmem:s16+$0x0 ss:$0x1], $0xffff;
	vm1 =	vgt.s32 v2, $0x0;
	(ifvalue) =	ssetifvalue $0x7FFFFFFF  }
.LBB2_3:
0x34: {  	[tilespmem:s18], [sflag:$0x1] =	stream.indirect_vreg.gather [hbm4b:s3+s10], $0x1, v1, vm0, $0x4038;
	[tilespmem:$0x140] =	vst v63  }
0x35: {  	s17 =	sadd.s32 $0x10, s17  }
0x36: {  	v2 =	vnsel vm1, $0x0, v2;
	p0 =	slt.u32 s17, $0x40  }
.Ltmp3:
0x37: {  	s18 =	smov.u32 s15;
	v1 =	vmin.u32 v2, $0x1387F;
	(pc) =	sbr.rel @p0 .LBB2_3-.Ltmp3, $3  }
0x38: {  	_ =	sdelay $0x1  }
0x39: {  	s16 =	sadd.s32 $0x10, s16  }
0x3a: {  	vm1 =	vgt.s32 v0, $0x0;
	s15 =	sadd.s32 $0x10, s15;
	v2 =	vmov v0;
	(ifvalue) =	ssetifvalue $0x7FFFFFFF;
	v0 =	vld.msk [tilespmem:s16+$0x0 ss:$0x1], $0xffff  }
.Ltmp4:
0x3b: {  	_ = 	snop;
	(pc) =	sbr.rel .LBB2_4-.Ltmp4, $1  }
0x3c: {  	_ =	sdelay $0x3  }
.LBB2_6:
0x3d: {  	_ =	sfence.sel $0x180000  }
0x3e: {  	s2 =	simm.s32 $0x2;
	[bflag:$0x0] =	sbarrier.arrive $0xFFFF  }
0x3f: {  	s30 =	simm.s32 $0x3;
	[sflag:s2] =	ssyncpa.u1 $0x1  }
0x40: {  	s31 =	simm.s32 $0x1;
	[sflag:s30] =	ssyncpa.u1 $0x1  }
0x41: {  	[sflag:s31] =	ssyncpa.u1 $0x1  }
0x42: {  	p0 =	sne.s32 s0, $0x0;
	_ =	strace $0x9000004A  }
0x43: {  	s0 =	sadd.s32 @!p0 $0x100000, s1;
	[bflag:$0x2] =	sbarrier.arrive $0xFFFF  }
0x44: {  	[sflag:s0] =	ssyncadd.tile.s32 @!p0 $0x1;
	_ =	shalt  }
.Lfunc_end2:
_tile_overlayer_lowered:
.L_overlay_start_2:
0x45: {  	(tag) =	ssettag $0x2  }
0x46: {  	s0 =	rddreg [dreg:$0x0];
	s2 =	stileid.u32  }
0x47: {  	s1 =	rddreg [dreg:$0x1];
	p0 =	sne.s32 s2, $0x0  }
0x48: {  	s3 =	rddreg [dreg:$0x2];
	[bflag:$0x3] =	sbarrier.arrive $0xFFFF;
	s2 =	simm.s32 @!p0 $0x1C01  }
0x49: {  	[timem:s3], [sflag:s2] =	dma.local @!p0 [hbm:s0], s1  }
0x4a: {  	s0 =	simm.s32 @!p0 $0x1  }
0x4b: {  	_ =	swait.ge @!p0 [sflag:s0], s1  }
0x4c: {  	s1 =	ssub.s32 @!p0 $0x0, s1;
	[sflag:s0] =	ssyncset.done @!p0 $0x0  }
0x4d: {  	[sflag:s0] =	ssyncadd.s32 @!p0 s1  }
0x4e: {  	[bflag:$0x3] =	sbarrier.arrive $0xFFFF  }
0x4f: {  	_ =	shalt  }

// kernel: gather_offload_async_start
scs
__scs_entry_jumppad:
0x0: {  	(pc) =	sbr.rel $0x88, $3  }
0x1: {  	(tag) =	ssettag $0x0;
	lr =	simm.s32 $0x1  }
0x2: {  	[smem:$0x3F93] =	sst lr;
	_ =	strace $0xD0000000  }
0x3: {  	_ = 	snop  }
0x4: {  	_ = 	snop  }
0x5: {  	_ = 	snop  }
0x6: {  	_ = 	snop  }
0x7: {  	_ = 	snop  }
__scs_overlays_trampoline_lowered:
0x8: {  	[smem:$0x3FA2] =	sst s0  }
0x9: {  	[smem:$0x3FA3] =	sst s1  }
0xa: {  	[smem:$0x3FA4] =	sst s2  }
0xb: {  	[smem:$0x3FA5] =	sst s3  }
0xc: {  	[smem:$0x3FA6] =	sst s4  }
0xd: {  	[smem:$0x3FA7] =	sst s5  }
0xe: {  	[smem:$0x3FA8] =	sst s6  }
0xf: {  	[smem:$0x3FA9] =	sst s7  }
0x10: {  	[smem:$0x3FAA] =	sst s8  }
0x11: {  	[smem:$0x3FAB] =	sst s9;
	s0 =	simm.s32 @!p0 $0x0  }
0x12: {  	s1 =	sld [smem:$0x3F91];
	s0 =	simm.s32 @p0 $0x1  }
0x13: {  	[smem:$0x3FAC] =	sst s0;
	s0 =	simm.s32 @!p1 $0x0  }
0x14: {  	s2 =	sld [smem:$0x3F90];
	s0 =	simm.s32 @p1 $0x1  }
0x15: {  	[smem:$0x3FAD] =	sst s0;
	s0 =	simm.s32 @!p2 $0x0  }
0x16: {  	s3 =	sld [smem:$0x3FDB];
	s0 =	simm.s32 @p2 $0x1  }
0x17: {  	s4 =	simm.s32 $0x1BF5;
	[smem:$0x3FAF] =	sst s0  }
0x18: {  	s0 =	sld [smem:$0x3F92];
	_ =	swait.ge [sflag:s4], $0x0  }
0x19: {  	s7 =	sld [smem:$0x3F93]  }
0x1a: {  	s8 =	sadd.s32 $0xFFFFE003, lr  }
0x1b: {  	s9 =	sadd.s32 $0xFFFFFEF7, lr;
	s5 =	simm.s32 $0xFFFFFFFF;
	p2 =	slt.u32 s8, $0xFFFFF086  }
0x1c: {  	p1 =	slt.u32 s9, $0xF7A;
	s5 =	simm.s32 @!p2 $0x0  }
0x1d: {  	s5 =	simm.s32 @p1 $0x1;
	p0 =	seq.s32 s7, s2  }
0x1e: {  	s7 =	smul.u32 @!p0 $0xF7A, s2;
	p2 =	seq.s32 @!p0 s5, $0x0  }
0x1f: {  	s9 =	smul.u32 $0xF7A, s1;
	s8 =	simm.s32 @!p0 $0x1BF5;
	p2 =	por !p2, p0  }
0x20: {  	[sflag:s8] =	ssyncset.s32 @!p0 $0xFFFFF086;
	s6 =	sadd.s32 @!p0 s3, s7;
	s7 =	simm.s32 @!p0 $0x108  }
0x21: {  	s3 =	sadd.s32 s3, s9;
	s6 =	sadd.s32 @!p0 $0x88, s6;
	s7 =	simm.s32 @p2 $0x1082  }
0x22: {  	[simem:s7], [sflag:s8] =	dma.local @!p0 [hbm:s6], $0xF7A  }
0x23: {  	s9 =	sor.u32 $0xD0000000, s2;
	s6 =	simm.s32 $0x108;
	_ =	swait.ge @!p0 [sflag:s8], $0x0  }
0x24: {  	s3 =	sadd.s32 $0x88, s3;
	s6 =	simm.s32 @!p1 $0x1082;
	[sflag:s4] =	ssyncset.s32 $0xFFFFF086  }
0x25: {  	[simem:s6], [sflag:s4] =	dma.local [hbm:s3], $0xF7A  }
0x26: {  	[smem:$0x3F93] =	sst s1;
	(tag) =	ssettag s2;
	_ =	strace s9  }
0x27: {  	s1 =	sld [smem:$0x3FA3]  }
0x28: {  	s2 =	sld [smem:$0x3FA4]  }
0x29: {  	s4 =	sld [smem:$0x3FA6]  }
0x2a: {  	p0 =	seq.s32 s5, $0x0;
	s5 =	sld [smem:$0x3FA7]  }
0x2b: {  	s6 =	sld [smem:$0x3FA8]  }
0x2c: {  	s7 =	sld [smem:$0x3FA9]  }
0x2d: {  	s3 =	simm.s32 $0x108;
	s8 =	sld [smem:$0x3FAA]  }
0x2e: {  	s3 =	simm.s32 @!p0 $0x1082;
	s9 =	sld [smem:$0x3FAB]  }
0x2f: {  	lr =	sadd.s32 s0, s3;
	s0 =	sld [smem:$0x3FA2]  }
0x30: {  	s3 =	sld [smem:$0x3FA5]  }
0x31: {  	[smem:$0x3FAE] =	sst s10  }
0x32: {  	s10 =	sld [smem:$0x3FAC];
	_ =	sdelay $0x3  }
0x33: {  	p0 =	seq.s32 s10, $0x1;
	s10 =	sld [smem:$0x3FAE];
	_ =	sdelay $0x3  }
0x34: {  	[smem:$0x3FAE] =	sst s10  }
0x35: {  	s10 =	sld [smem:$0x3FAD];
	_ =	sdelay $0x3  }
0x36: {  	p1 =	seq.s32 s10, $0x1;
	s10 =	sld [smem:$0x3FAE];
	_ =	sdelay $0x3  }
0x37: {  	[smem:$0x3FAE] =	sst s10  }
0x38: {  	s10 =	sld [smem:$0x3FAF]  }
0x39: {  	_ = 	snop;
	(pc) =	sbr.ind lr, $3  }
0x3a: {  	_ = 	snop  }
0x3b: {  	_ = 	snop  }
0x3c: {  	p2 =	seq.s32 s10, $0x1;
	s10 =	sld [smem:$0x3FAE]  }
0x3d: {  	_ =	shalt  }
0x3e: {  	_ =	shalt  }
0x3f: {  	_ =	shalt  }
0x40: {  	_ =	shalt  }
0x41: {  	_ =	shalt  }
0x42: {  	_ =	shalt  }
0x43: {  	_ =	shalt  }
0x44: {  	_ =	shalt  }
0x45: {  	_ =	shalt  }
0x46: {  	_ =	shalt  }
0x47: {  	_ =	shalt  }
0x48: {  	_ =	shalt  }
0x49: {  	_ =	shalt  }
0x4a: {  	_ =	shalt  }
0x4b: {  	_ =	shalt  }
0x4c: {  	_ =	shalt  }
0x4d: {  	_ =	shalt  }
0x4e: {  	_ =	shalt  }
0x4f: {  	_ =	shalt  }
0x50: {  	_ =	shalt  }
0x51: {  	_ =	shalt  }
0x52: {  	_ =	shalt  }
0x53: {  	_ =	shalt  }
0x54: {  	_ =	shalt  }
0x55: {  	_ =	shalt  }
0x56: {  	_ =	shalt  }
0x57: {  	_ =	shalt  }
0x58: {  	_ =	shalt  }
0x59: {  	_ =	shalt  }
0x5a: {  	_ =	shalt  }
0x5b: {  	_ =	shalt  }
0x5c: {  	_ =	shalt  }
0x5d: {  	_ =	shalt  }
0x5e: {  	_ =	shalt  }
0x5f: {  	_ =	shalt  }
0x60: {  	_ =	shalt  }
0x61: {  	_ =	shalt  }
0x62: {  	_ =	shalt  }
0x63: {  	_ =	shalt  }
0x64: {  	_ =	shalt  }
0x65: {  	_ =	shalt  }
0x66: {  	_ =	shalt  }
0x67: {  	_ =	shalt  }
0x68: {  	_ =	shalt  }
0x69: {  	_ =	shalt  }
0x6a: {  	_ =	shalt  }
0x6b: {  	_ =	shalt  }
0x6c: {  	_ =	shalt  }
0x6d: {  	_ =	shalt  }
0x6e: {  	_ =	shalt  }
0x6f: {  	_ =	shalt  }
0x70: {  	_ =	shalt  }
0x71: {  	_ =	shalt  }
0x72: {  	_ =	shalt  }
0x73: {  	_ =	shalt  }
0x74: {  	_ =	shalt  }
0x75: {  	_ =	shalt  }
0x76: {  	_ =	shalt  }
0x77: {  	_ =	shalt  }
0x78: {  	_ =	shalt  }
0x79: {  	_ =	shalt  }
0x7a: {  	_ =	shalt  }
0x7b: {  	_ =	shalt  }
0x7c: {  	_ =	shalt  }
0x7d: {  	_ =	shalt  }
0x7e: {  	_ =	shalt  }
0x7f: {  	_ =	shalt  }
0x80: {  	_ =	shalt  }
0x81: {  	_ =	shalt  }
0x82: {  	_ =	shalt  }
0x83: {  	_ =	shalt  }
0x84: {  	_ =	shalt  }
0x85: {  	_ =	shalt  }
0x86: {  	_ =	shalt  }
0x87: {  	_ =	shalt  }
.Lfunc_end0:
.L_simem_size_0:
called_computation_lowered:
.L_overlay_start_0:
0x88: {  	s2 =	sld [smem:$0x3FD9]  }
0x89: {  	s3 =	sld [smem:$0x3FFE];
	_ =	sdelay $0x1  }
0x8a: {  	s1 =	srdreg.scid  }
0x8b: {  	s0 =	sand.u32 $0x1, s1  }
0x8c: {  	s17 =	sshll.u32 s0, $0xA;
	s2 =	sadd.s32 s3, s2  }
0x8d: {  	s2 =	sadd.s32 s2, s17  }
0x8e: {  	[smem:$0x3FBA] =	sst s2  }
0x8f: {  	_ = 	snop  }
0x90: {  	s18 =	sld [smem:$0x3FC9];
	(tm) =	ssettm $0x1  }
0x91: {  	s19 =	sld [smem:$0x3FFB];
	_ =	sdelay $0x3  }
0x92: {  	_ =	strace s19  }
0x93: {  	s2 =	sld [smem:$0x3FFC];
	_ =	sdelay $0x3  }
0x94: {  	_ =	strace s2  }
0x95: {  	s2 =	sld [smem:$0x3FFD];
	_ =	sdelay $0x3  }
0x96: {  	_ =	strace s2  }
0x97: {  	_ =	strace $0x8FFFFFFF  }
0x98: {  	s20 =	sld [smem:$0x3FDB];
	_ =	sdelay $0x1  }
0x99: {  	s4 =	simm.s32 $_scs_section_size  }
0x9a: {  	s5 =	simm.s32 $_size__tile_overlayer_lowered;
	s6 =	simm.s32 $_tile_overlayer_lowered  }
0x9b: {  	s7 =	simm.s32 $0x1BFF;
	s21 =	sshll.u32 s6, $0x1;
	s4 =	sadd.s32 s4, s20  }
0x9c: {  	s22 =	simm.s32 $0x0;
	s5 =	sshll.u32 s5, $0x1;
	s6 =	sadd.s32 s21, s4  }
0x9d: {  	[timem:s22], [sflag:s7] =	dma.local [hbm:s6], s5  }
0x9e: {  	_ =	swait.ge [sflag:s7], s5  }
0x9f: {  	s5 =	ssub.s32 $0x0, s5;
	[sflag:s7] =	ssyncset.done $0x0  }
0xa0: {  	[sflag:s7] =	ssyncadd.s32 s5;
	_ =	sdelay $0x1  }
0xa1: {  	s23 =	simm.s32 $0x1B8B  }
0xa2: {  	_ =	swait.ge [sflag:s23], $0x1  }
0xa3: {  	[sflag:s23] =	ssyncset.done $0x0  }
0xa4: {  	[sflag:s23] =	ssyncadd.s32 $0xFFFFFFFF  }
0xa5: {  	s5 =	sld [smem:$0x0]  }
0xa6: {  	s6 =	sand.u32 $0xFFFFFFFE, s1  }
0xa7: {  	p0 =	sne.s32 s1, s6  }
0xa8: {  	s6 =	sshll.u32 @p0 s6, $0xE  }
0xa9: {  	s6 =	sadd.s32 @p0 $0x11B8D, s6;
	s7 =	sshll.u32 @p0 s5, $0x11  }
0xaa: {  	s6 =	sor.u32 @p0 s7, s6  }
0xab: {  	[sflag:s6] =	ssyncadd.remote.s32 @p0 $0x1;
	_ =	sdelay $0x1  }
0xac: {  	s6 =	simm.s32 @p0 $0x1B8D  }
0xad: {  	_ =	swait.eq @p0 [sflag:s6], $0x1  }
0xae: {  	[sflag:s6] =	ssyncadd.s32 @p0 $0xFFFFFFFF  }
0xaf: {  	s7 =	sshll.u32 @!p0 s1, $0xE  }
0xb0: {  	s7 =	sor.u32 @!p0 $0x4000, s7;
	s6 =	simm.s32 @!p0 $0x1B8D  }
0xb1: {  	s5 =	sshll.u32 @!p0 s5, $0x11;
	s7 =	sadd.s32 @!p0 $0x11B8D, s7;
	_ =	swait.eq @!p0 [sflag:s6], $0x1  }
0xb2: {  	s5 =	sor.u32 @!p0 s5, s7;
	[sflag:s6] =	ssyncadd.s32 @!p0 $0xFFFFFFFF  }
0xb3: {  	s25 =	simm.s32 $0x1B8E;
	s24 =	sld [smem:$0x3FFE];
	[sflag:s5] =	ssyncadd.remote.s32 @!p0 $0x1  }
0xb4: {  	s26 =	simm.s32 $execute0_lowered;
	[smem:$0x3FD2] =	sst s25  }
0xb5: {  	s6 =	sshll.u32 s26, $0x1;
	_ =	strace $0x8000004F;
	[dreg:$0x1] =	wrdreg $0xFFFFFFFF  }
0xb6: {  	s28 =	simm.s32 $_size_execute0_lowered;
	s4 =	sadd.s32 s4, s6;
	[dreg:$0x0] =	wrdreg $0x0  }
0xb7: {  	s6 =	sshll.u32 s28, $0x1;
	[dreg:$0x2] =	wrdreg s4  }
0xb8: {  	[dreg:$0x3] =	wrdreg s6  }
0xb9: {  	[dreg:$0x4] =	wrdreg $0xC0  }
0xba: {  	_ =	task [dreg:s22], $0x5FFFF  }
0xbb: {  	[dreg:$0x1] =	wrdreg $0xFFFFFFFF  }
0xbc: {  	[dreg:$0x0] =	wrdreg $0x60  }
0xbd: {  	[dreg:$0x2] =	wrdreg s18  }
0xbe: {  	[dreg:$0x3] =	wrdreg s24  }
0xbf: {  	[dreg:$0x4] =	wrdreg $0x9  }
0xc0: {  	_ =	task.clear_ibuf [dreg:s22], $0x5FFFF;
	_ =	strace $0x9000004F  }
0xc1: {  	s29 =	simm.s32 $0x9;
	_ =	strace $0x80000051  }
0xc2: {  	_ =	swait.ge [sflag:s29], $0x1  }
0xc3: {  	[sflag:s29] =	ssyncadd.s32 $0xFFFFFFFF  }
0xc4: {  	_ =	strace $0x90000051  }
0xc5: {  	_ =	sfence  }
0xc6: {  	s30 =	sld [smem:$0x0];
	_ =	sdelay $0x2  }
0xc7: {  	s31 =	sshll.u32 s1, $0xD;
	s1 =	sshrl.u32 s1, $0x2  }
0xc8: {  	s4 =	sand.u32 $0x4000, s31;
	s1 =	sadd.s32 s1, s30  }
0xc9: {  	s0 =	sor.u32 s4, s0;
	s1 =	sshll.u32 s1, $0x11  }
0xca: {  	s0 =	sor.u32 s1, s0  }
0xcb: {  	s0 =	sadd.s32 $0x8F2B, s0  }
0xcc: {  	[sflag:s0] =	ssyncadd.remote.s32 $0x1  }
0xcd: {  	_ =	sfence.sel $0xFFFF  }
0xce: {  	[dreg:$0x0] =	wrdreg $0xFFFFFFFF;
	(pc) =	sbr.abs _section_cstart, $3  }
0xcf: {  	[dreg:$0x1] =	wrdreg $0xFFFFFFFF  }
0xd0: {  	_ =	task.clear_ibuf [dreg:s22], $0x2FFFF;
	_ =	strace $0x9FFFFFFF  }
0xd1: {  	(tm) =	ssettm $0x7FFFFFFF  }
tec
execute0_lowered:
.L_overlay_start_1:
0x0: {  	(tag) =	ssettag $0x1  }
0x1: {  	s0 =	srdreg.scid  }
0x2: {  	s1 =	sshll.u32 s0, $0x4  }
0x3: {  	s0 =	stileid.u32;
	s1 =	sand.u32 $0x10, s1  }
0x4: {  	s2 =	sor.u32 s0, s1  }
0x5: {  	s1 =	smin.u32 s2, $0x12  }
0x6: {  	s1 =	sadd.s32 s2, s1  }
0x7: {  	p0 =	slt.u32 s2, $0x12;
	s2 =	simm.s32 $0xA0;
	s1 =	smul.u32 $0x50, s1  }
0x8: {  	s2 =	simm.s32 @!p0 $0x50  }
0x9: {  	s2 =	sadd.s32 s2, s1  }
0xa: {  	s3 =	smin.u32 s2, $0xFA0  }
0xb: {  	s7 =	ssub.s32 s3, s1  }
0xc: {  	p0 =	sgt.s32 s7, $0x0  }
0xd: {  	s7 =	simm.s32 @!p0 $0x0  }
0xe: {  	s4 =	rddreg [dreg:$0x0];
	s31 =	smul.u32 $0xCCCD, s7  }
0xf: {  	s5 =	rddreg [dreg:$0x1]  }
0x10: {  	s6 =	simm.s32 $0x1;
	s10 =	simm.s32 $0x3;
	s8 =	sshrl.u32 s31, $0x16  }
0x11: {  	s13 =	simm.s32 $0x0;
	s12 =	simm.s32 $0x0;
	s9 =	smul.u32 $0x50, s8  }
.Ltmp0:
0x12: {  	s11 =	smov.u32 s1;
	s2 =	rddreg [dreg:$0x2];
	(pc) =	sbr.rel .LBB2_1-.Ltmp0, $4  }
0x13: {  	_ =	strace $0x80000050;
	p0 =	sne.s32 s7, s9;
	s9 =	simm.s32 $0x1  }
0x14: {  	[sflag:s6] =	ssyncpa.u1 $0x0;
	s7 =	simm.s32 $0x2;
	s9 =	simm.s32 @!p0 $0x0  }
0x15: {  	[sflag:s7] =	ssyncpa.u1 $0x0;
	p0 =	por $0x0, $0x0;
	s8 =	sadd.s32 s8, s9  }
0x16: {  	vm0 =	vmmov $0xff;
	vm1 =	vcmask $0x3F20;
	s9 =	sadd.s32 $0xA200, s5;
	[sflag:s10] =	ssyncpa.u1 $0x0;
	s10 =	sadd.s32 $0x1, s8  }
.LBB2_8:
0x17: {  	[hbm:s17] =	stream.linear.scatter [tilespmem:s14], [sflag:$0x3], $0x800, $0x38;
	[tilespmem:$0xA0A0] =	vst v63  }
.LBB2_9:
0x18: {  	s13 =	sadd.s32 $0x50, s11  }
0x19: {  	s15 =	smov.u32 s1;
	p2 =	slt.s32 s13, s3  }
0x1a: {  	s15 =	smov.u32 @p2 s13;
	p2 =	sne.s32 s12, s10  }
.Ltmp1:
0x1b: {  	p1 =	slt.u32 s12, $0x2;
	(pc) =	sbr.rel @!p2 .LBB2_10-.Ltmp1, $4  }
0x1c: {  	s14 =	simm.s32 @!p1 $0x3  }
0x1d: {  	s16 =	sadd.s32 $0x1, s12;
	_ =	swait.ge @!p1 [sflag:s14], $0x5000  }
0x1e: {  	p0 =	por !p0, !p0;
	s13 =	smov.u32 s11;
	[sflag:s14] =	ssyncset.done @!p1 $0x0  }
0x1f: {  	s12 =	smov.u32 s16;
	s11 =	smov.u32 s15;
	[sflag:s14] =	ssyncadd.s32 @!p1 $0xFFFFB000  }
.LBB2_1:
0x20: {  	p1 =	sge.u32 s12, s8  }
0x21: {  	s14 =	sxor.u32 @!p1 $0xFFFFFFFF, s12  }
0x22: {  	s14 =	sand.u32 @!p1 $0x1, s14  }
0x23: {  	s14 =	smul.u32 @!p1 $0x140, s14  }
0x24: {  	s31 =	sadd.s32 $0xFFFFFFFF, s12;
	s15 =	sshrl.u32 @!p1 s11, $0x3  }
0x25: {  	s16 =	sand.u32 @!p1 $0x7, s11;
	s15 =	sadd.s32 @!p1 s5, s15;
	s14 =	sshrl.u32 @!p1 s14, $0x2  }
0x26: {  	[tilespmem:s14], [sflag:$0x2] =	stream.linear.gather @!p1 [hbm4b:s15+s16], $0x50, $0x38;
	[tilespmem:$0xA0A0] =	vst v63  }
0x27: {  	p1 =	sge.u32 s31, s8  }
.Ltmp2:
0x28: {  	_ = 	snop;
	(pc) =	sbr.rel @p1 .LBB2_9-.Ltmp2, $1  }
0x29: {  	_ =	sdelay $0x3  }
0x2a: {  	s14 =	simm.s32 $0x1;
	s15 =	sand.u32 $0x1, s12  }
0x2b: {  	s14 =	simm.s32 @!p0 $0x0;
	s16 =	smul.u32 $0x14000, s15  }
0x2c: {  	_ =	swait.ge [sflag:s7], $0x50;
	s14 =	smul.u32 $0x14000, s14  }
0x2d: {  	s17 =	simm.s32 $0x0;
	[sflag:s7] =	ssyncset.done $0x0;
	s15 =	smul.u32 $0x140, s15  }
0x2e: {  	[sflag:s7] =	ssyncadd.s32 $0xFFFFFFB0;
	s16 =	sshrl.u32 s16, $0x2;
	s14 =	sshrl.u32 s14, $0x2  }
0x2f: {  	s15 =	sshrl.u32 s15, $0x2;
	s16 =	sor.u32 $0xA0, s16;
	s14 =	sor.u32 $0xA0, s14  }
.LBB2_3:
0x30: {  	s18 =	sshll.u32 s17, $0x4  }
0x31: {  	s18 =	sand.u32 $0x3FFFFFF0, s18  }
0x32: {  	s18 =	sadd.s32 s18, s15  }
0x33: {  	v0 =	vld.msk [tilespmem:s18+$0x0 ss:$0x1], $0xffff;
	_ =	sdelay $0x4  }
0x34: {  	vm2 =	vgt.s32 v0, $0x0  }
0x35: {  	v0 =	vnsel vm2, $0x0, v0  }
0x36: {  	v0 =	vmin.u32 v0, $0x1387F  }
0x37: {  	s31 =	sshll.u32 s17, $0xC;
	v1 =	vshll.u32 v0, $0x5;
	v0 =	vshll.u32 v0, $0x4  }
0x38: {  	s18 =	sand.u32 $0x3FFFF000, s31;
	v1 =	vand.u32 $0x3FFF00, v1;
	v0 =	vand.u32 $0x70, v0  }
0x39: {  	p1 =	por $0x1, $0x1;
	s19 =	simm.s32 $0x0;
	s18 =	sadd.s32 s18, s16;
	v0 =	vor.u32 v0, v1  }
.LBB2_4:
0x3a: {  	_ =	sdelay $0x1  }
0x3b: {  	s19 =	sshra.s32 s19, $0x2;
	p2 =	por p1, p1  }
.Ltmp3:
0x3c: {  	s19 =	sadd.s32 s19, s18;
	(pc) =	sbr.rel @p2 .LBB2_4-.Ltmp3, $4  }
0x3d: {  	[tilespmem:s19], [sflag:$0x1] =	stream.indirect_vreg.gather [hbm:s4], $0x80, v0, vm0, $0x38;
	[tilespmem:$0xA0A0] =	vst v63  }
0x3e: {  	s19 =	sadd.s32 $0x800, s19  }
0x3f: {  	[tilespmem:s19], [sflag:$0x1] =	stream.indirect_vreg.gather [hbm:s4], $0x80, v0, vm1, $0x38;
	[tilespmem:$0xA0A0] =	vst v63  }
0x40: {  	p1 =	por $0x0, $0x0;
	v0 =	vadd.s32 $0x80, v0;
	s19 =	simm.s32 $0x1000  }
0x41: {  	s17 =	sadd.s32 $0x1, s17  }
0x42: {  	p1 =	sne.s32 s17, $0x5  }
.Ltmp4:
0x43: {  	_ = 	snop;
	(pc) =	sbr.rel @p1 .LBB2_3-.Ltmp4, $1  }
0x44: {  	_ =	sdelay $0x3  }
0x45: {  	s15 =	sshll.u32 s13, $0x5  }
0x46: {  	s31 =	sshll.u32 s13, $0x4;
	s15 =	sand.u32 $0xFFFFFF00, s15  }
0x47: {  	_ =	swait.ge [sflag:s6], $0x5000;
	s13 =	sand.u32 $0x70, s31;
	s15 =	sadd.s32 s15, s9  }
0x48: {  	s16 =	sadd.s32 $0x800, s14;
	[sflag:s6] =	ssyncset.done $0x0;
	s13 =	sadd.s32 s13, s15  }
0x49: {  	[sflag:s6] =	ssyncadd.s32 $0xFFFFB000;
	s15 =	simm.s32 $0x100;
	s17 =	sadd.s32 $0x0, s13  }
.LBB2_7:
0x4a: {  	[hbm:s17] =	stream.linear.scatter [tilespmem:s14], [sflag:$0x3], $0x800, $0x38;
	[tilespmem:$0xA0A0] =	vst v63  }
0x4b: {  	s17 =	smov.u32 s15;
	s14 =	smov.u32 s16;
	p1 =	sne.s32 s15, $0x900  }
.Ltmp5:
0x4c: {  	s15 =	sadd.s32 $0x100, s15;
	(pc) =	sbr.rel @p1 .LBB2_7-.Ltmp5, $2  }
0x4d: {  	_ =	sdelay $0x2  }
0x4e: {  	s16 =	sadd.s32 $0x800, s16;
	s17 =	sadd.s32 s17, s13  }
.Ltmp6:
0x4f: {  	_ = 	snop;
	(pc) =	sbr.rel .LBB2_8-.Ltmp6, $1  }
0x50: {  	_ =	sdelay $0x3  }
.LBB2_10:
0x51: {  	_ =	sfence.sel $0x180000  }
0x52: {  	s1 =	simm.s32 $0x2;
	[bflag:$0x0] =	sbarrier.arrive $0xFFFF  }
0x53: {  	s30 =	simm.s32 $0x3;
	[sflag:s1] =	ssyncpa.u1 $0x1  }
0x54: {  	s31 =	simm.s32 $0x1;
	[sflag:s30] =	ssyncpa.u1 $0x1  }
0x55: {  	[sflag:s31] =	ssyncpa.u1 $0x1  }
0x56: {  	p0 =	sne.s32 s0, $0x0;
	_ =	strace $0x90000050  }
0x57: {  	s0 =	sadd.s32 @!p0 $0x100000, s2;
	[bflag:$0x2] =	sbarrier.arrive $0xFFFF  }
0x58: {  	[sflag:s0] =	ssyncadd.tile.s32 @!p0 $0x1;
	_ =	shalt  }
.Lfunc_end2:
_tile_overlayer_lowered:
.L_overlay_start_2:
0x59: {  	(tag) =	ssettag $0x2  }
0x5a: {  	s0 =	rddreg [dreg:$0x0];
	s2 =	stileid.u32  }
0x5b: {  	s1 =	rddreg [dreg:$0x1];
	p0 =	sne.s32 s2, $0x0  }
0x5c: {  	s3 =	rddreg [dreg:$0x2];
	[bflag:$0x3] =	sbarrier.arrive $0xFFFF;
	s2 =	simm.s32 @!p0 $0x1C01  }
0x5d: {  	[timem:s3], [sflag:s2] =	dma.local @!p0 [hbm:s0], s1  }
0x5e: {  	s0 =	simm.s32 @!p0 $0x1  }
0x5f: {  	_ =	swait.ge @!p0 [sflag:s0], s1  }
0x60: {  	s1 =	ssub.s32 @!p0 $0x0, s1;
	[sflag:s0] =	ssyncset.done @!p0 $0x0  }
0x61: {  	[sflag:s0] =	ssyncadd.s32 @!p0 s1  }
0x62: {  	[bflag:$0x3] =	sbarrier.arrive $0xFFFF  }
0x63: {  	_ =	shalt  }

// kernel: kernel.7.cloned.1.call-start
scs
__scs_entry_jumppad:
0x0: {  	(pc) =	sbr.rel $0x88, $3  }
0x1: {  	(tag) =	ssettag $0x0;
	lr =	simm.s32 $0x1  }
0x2: {  	[smem:$0x3F93] =	sst lr;
	_ =	strace $0xD0000000  }
0x3: {  	_ = 	snop  }
0x4: {  	_ = 	snop  }
0x5: {  	_ = 	snop  }
0x6: {  	_ = 	snop  }
0x7: {  	_ = 	snop  }
__scs_overlays_trampoline_lowered:
0x8: {  	[smem:$0x3FA2] =	sst s0  }
0x9: {  	[smem:$0x3FA3] =	sst s1  }
0xa: {  	[smem:$0x3FA4] =	sst s2  }
0xb: {  	[smem:$0x3FA5] =	sst s3  }
0xc: {  	[smem:$0x3FA6] =	sst s4  }
0xd: {  	[smem:$0x3FA7] =	sst s5  }
0xe: {  	[smem:$0x3FA8] =	sst s6  }
0xf: {  	[smem:$0x3FA9] =	sst s7  }
0x10: {  	[smem:$0x3FAA] =	sst s8  }
0x11: {  	[smem:$0x3FAB] =	sst s9;
	s0 =	simm.s32 @!p0 $0x0  }
0x12: {  	s1 =	sld [smem:$0x3F91];
	s0 =	simm.s32 @p0 $0x1  }
0x13: {  	[smem:$0x3FAC] =	sst s0;
	s0 =	simm.s32 @!p1 $0x0  }
0x14: {  	s2 =	sld [smem:$0x3F90];
	s0 =	simm.s32 @p1 $0x1  }
0x15: {  	[smem:$0x3FAD] =	sst s0;
	s0 =	simm.s32 @!p2 $0x0  }
0x16: {  	s3 =	sld [smem:$0x3FDB];
	s0 =	simm.s32 @p2 $0x1  }
0x17: {  	s4 =	simm.s32 $0x1BF5;
	[smem:$0x3FAF] =	sst s0  }
0x18: {  	s0 =	sld [smem:$0x3F92];
	_ =	swait.ge [sflag:s4], $0x0  }
0x19: {  	s7 =	sld [smem:$0x3F93]  }
0x1a: {  	s8 =	sadd.s32 $0xFFFFE003, lr  }
0x1b: {  	s9 =	sadd.s32 $0xFFFFFEF7, lr;
	s5 =	simm.s32 $0xFFFFFFFF;
	p2 =	slt.u32 s8, $0xFFFFF086  }
0x1c: {  	p1 =	slt.u32 s9, $0xF7A;
	s5 =	simm.s32 @!p2 $0x0  }
0x1d: {  	s5 =	simm.s32 @p1 $0x1;
	p0 =	seq.s32 s7, s2  }
0x1e: {  	s7 =	smul.u32 @!p0 $0xF7A, s2;
	p2 =	seq.s32 @!p0 s5, $0x0  }
0x1f: {  	s9 =	smul.u32 $0xF7A, s1;
	s8 =	simm.s32 @!p0 $0x1BF5;
	p2 =	por !p2, p0  }
0x20: {  	[sflag:s8] =	ssyncset.s32 @!p0 $0xFFFFF086;
	s6 =	sadd.s32 @!p0 s3, s7;
	s7 =	simm.s32 @!p0 $0x108  }
0x21: {  	s3 =	sadd.s32 s3, s9;
	s6 =	sadd.s32 @!p0 $0x88, s6;
	s7 =	simm.s32 @p2 $0x1082  }
0x22: {  	[simem:s7], [sflag:s8] =	dma.local @!p0 [hbm:s6], $0xF7A  }
0x23: {  	s9 =	sor.u32 $0xD0000000, s2;
	s6 =	simm.s32 $0x108;
	_ =	swait.ge @!p0 [sflag:s8], $0x0  }
0x24: {  	s3 =	sadd.s32 $0x88, s3;
	s6 =	simm.s32 @!p1 $0x1082;
	[sflag:s4] =	ssyncset.s32 $0xFFFFF086  }
0x25: {  	[simem:s6], [sflag:s4] =	dma.local [hbm:s3], $0xF7A  }
0x26: {  	[smem:$0x3F93] =	sst s1;
	(tag) =	ssettag s2;
	_ =	strace s9  }
0x27: {  	s1 =	sld [smem:$0x3FA3]  }
0x28: {  	s2 =	sld [smem:$0x3FA4]  }
0x29: {  	s4 =	sld [smem:$0x3FA6]  }
0x2a: {  	p0 =	seq.s32 s5, $0x0;
	s5 =	sld [smem:$0x3FA7]  }
0x2b: {  	s6 =	sld [smem:$0x3FA8]  }
0x2c: {  	s7 =	sld [smem:$0x3FA9]  }
0x2d: {  	s3 =	simm.s32 $0x108;
	s8 =	sld [smem:$0x3FAA]  }
0x2e: {  	s3 =	simm.s32 @!p0 $0x1082;
	s9 =	sld [smem:$0x3FAB]  }
0x2f: {  	lr =	sadd.s32 s0, s3;
	s0 =	sld [smem:$0x3FA2]  }
0x30: {  	s3 =	sld [smem:$0x3FA5]  }
0x31: {  	[smem:$0x3FAE] =	sst s10  }
0x32: {  	s10 =	sld [smem:$0x3FAC];
	_ =	sdelay $0x3  }
0x33: {  	p0 =	seq.s32 s10, $0x1;
	s10 =	sld [smem:$0x3FAE];
	_ =	sdelay $0x3  }
0x34: {  	[smem:$0x3FAE] =	sst s10  }
0x35: {  	s10 =	sld [smem:$0x3FAD];
	_ =	sdelay $0x3  }
0x36: {  	p1 =	seq.s32 s10, $0x1;
	s10 =	sld [smem:$0x3FAE];
	_ =	sdelay $0x3  }
0x37: {  	[smem:$0x3FAE] =	sst s10  }
0x38: {  	s10 =	sld [smem:$0x3FAF]  }
0x39: {  	_ = 	snop;
	(pc) =	sbr.ind lr, $3  }
0x3a: {  	_ = 	snop  }
0x3b: {  	_ = 	snop  }
0x3c: {  	p2 =	seq.s32 s10, $0x1;
	s10 =	sld [smem:$0x3FAE]  }
0x3d: {  	_ =	shalt  }
0x3e: {  	_ =	shalt  }
0x3f: {  	_ =	shalt  }
0x40: {  	_ =	shalt  }
0x41: {  	_ =	shalt  }
0x42: {  	_ =	shalt  }
0x43: {  	_ =	shalt  }
0x44: {  	_ =	shalt  }
0x45: {  	_ =	shalt  }
0x46: {  	_ =	shalt  }
0x47: {  	_ =	shalt  }
0x48: {  	_ =	shalt  }
0x49: {  	_ =	shalt  }
0x4a: {  	_ =	shalt  }
0x4b: {  	_ =	shalt  }
0x4c: {  	_ =	shalt  }
0x4d: {  	_ =	shalt  }
0x4e: {  	_ =	shalt  }
0x4f: {  	_ =	shalt  }
0x50: {  	_ =	shalt  }
0x51: {  	_ =	shalt  }
0x52: {  	_ =	shalt  }
0x53: {  	_ =	shalt  }
0x54: {  	_ =	shalt  }
0x55: {  	_ =	shalt  }
0x56: {  	_ =	shalt  }
0x57: {  	_ =	shalt  }
0x58: {  	_ =	shalt  }
0x59: {  	_ =	shalt  }
0x5a: {  	_ =	shalt  }
0x5b: {  	_ =	shalt  }
0x5c: {  	_ =	shalt  }
0x5d: {  	_ =	shalt  }
0x5e: {  	_ =	shalt  }
0x5f: {  	_ =	shalt  }
0x60: {  	_ =	shalt  }
0x61: {  	_ =	shalt  }
0x62: {  	_ =	shalt  }
0x63: {  	_ =	shalt  }
0x64: {  	_ =	shalt  }
0x65: {  	_ =	shalt  }
0x66: {  	_ =	shalt  }
0x67: {  	_ =	shalt  }
0x68: {  	_ =	shalt  }
0x69: {  	_ =	shalt  }
0x6a: {  	_ =	shalt  }
0x6b: {  	_ =	shalt  }
0x6c: {  	_ =	shalt  }
0x6d: {  	_ =	shalt  }
0x6e: {  	_ =	shalt  }
0x6f: {  	_ =	shalt  }
0x70: {  	_ =	shalt  }
0x71: {  	_ =	shalt  }
0x72: {  	_ =	shalt  }
0x73: {  	_ =	shalt  }
0x74: {  	_ =	shalt  }
0x75: {  	_ =	shalt  }
0x76: {  	_ =	shalt  }
0x77: {  	_ =	shalt  }
0x78: {  	_ =	shalt  }
0x79: {  	_ =	shalt  }
0x7a: {  	_ =	shalt  }
0x7b: {  	_ =	shalt  }
0x7c: {  	_ =	shalt  }
0x7d: {  	_ =	shalt  }
0x7e: {  	_ =	shalt  }
0x7f: {  	_ =	shalt  }
0x80: {  	_ =	shalt  }
0x81: {  	_ =	shalt  }
0x82: {  	_ =	shalt  }
0x83: {  	_ =	shalt  }
0x84: {  	_ =	shalt  }
0x85: {  	_ =	shalt  }
0x86: {  	_ =	shalt  }
0x87: {  	_ =	shalt  }
.Lfunc_end0:
.L_simem_size_0:
called_computation.3_lowered:
.L_overlay_start_0:
0x88: {  	s2 =	sld [smem:$0x3FD9]  }
0x89: {  	s3 =	sld [smem:$0x3FFE];
	_ =	sdelay $0x1  }
0x8a: {  	s1 =	srdreg.scid  }
0x8b: {  	s0 =	sand.u32 $0x1, s1  }
0x8c: {  	s16 =	sshll.u32 s0, $0xA;
	s2 =	sadd.s32 s3, s2  }
0x8d: {  	s2 =	sadd.s32 s2, s16  }
0x8e: {  	[smem:$0x3FBA] =	sst s2  }
0x8f: {  	_ = 	snop  }
0x90: {  	(tm) =	ssettm $0x1  }
0x91: {  	s17 =	sld [smem:$0x3FFB];
	_ =	sdelay $0x3  }
0x92: {  	_ =	strace s17  }
0x93: {  	s2 =	sld [smem:$0x3FFC];
	_ =	sdelay $0x3  }
0x94: {  	_ =	strace s2  }
0x95: {  	s2 =	sld [smem:$0x3FFD];
	_ =	sdelay $0x3  }
0x96: {  	_ =	strace s2  }
0x97: {  	_ =	strace $0x8FFFFFFF  }
0x98: {  	s18 =	sld [smem:$0x3FDB];
	_ =	sdelay $0x1  }
0x99: {  	s19 =	simm.s32 $_scs_section_size  }
0x9a: {  	s4 =	simm.s32 $_size__tile_overlayer_lowered;
	s5 =	simm.s32 $_tile_overlayer_lowered  }
0x9b: {  	s22 =	simm.s32 $0x1BFF;
	s21 =	sshll.u32 s5, $0x1;
	s2 =	sadd.s32 s19, s18  }
0x9c: {  	s6 =	simm.s32 $0x0;
	s20 =	sshll.u32 s4, $0x1;
	s4 =	sadd.s32 s21, s2  }
0x9d: {  	[timem:s6], [sflag:s22] =	dma.local [hbm:s4], s20  }
0x9e: {  	_ =	swait.ge [sflag:s22], s20  }
0x9f: {  	s3 =	ssub.s32 $0x0, s20;
	[sflag:s22] =	ssyncset.done $0x0  }
0xa0: {  	[sflag:s22] =	ssyncadd.s32 s3;
	_ =	sdelay $0x1  }
0xa1: {  	s23 =	simm.s32 $0x1B8B  }
0xa2: {  	_ =	swait.ge [sflag:s23], $0x1  }
0xa3: {  	[sflag:s23] =	ssyncset.done $0x0  }
0xa4: {  	s25 =	simm.s32 $0x1B8E;
	s24 =	sld [smem:$0x3FFE];
	[sflag:s23] =	ssyncadd.s32 $0xFFFFFFFF  }
0xa5: {  	s26 =	simm.s32 $execute0_lowered;
	[smem:$0x3FD2] =	sst s25  }
0xa6: {  	s4 =	sshll.u32 s26, $0x1;
	_ =	strace $0x80000046;
	[dreg:$0x1] =	wrdreg $0xFFFFFFFF  }
0xa7: {  	s28 =	simm.s32 $_size_execute0_lowered;
	s2 =	sadd.s32 s2, s4;
	[dreg:$0x0] =	wrdreg $0x0  }
0xa8: {  	s4 =	sshll.u32 s28, $0x1;
	[dreg:$0x2] =	wrdreg s2  }
0xa9: {  	[dreg:$0x3] =	wrdreg s4  }
0xaa: {  	[dreg:$0x4] =	wrdreg $0xC0  }
0xab: {  	_ =	task [dreg:s6], $0x5FFFF  }
0xac: {  	[dreg:$0x1] =	wrdreg $0xFFFFFFFF  }
0xad: {  	[dreg:$0x0] =	wrdreg $0x60  }
0xae: {  	[dreg:$0x2] =	wrdreg s24  }
0xaf: {  	[dreg:$0x3] =	wrdreg $0x2B000  }
0xb0: {  	[dreg:$0x4] =	wrdreg $0x2B100  }
0xb1: {  	[dreg:$0x5] =	wrdreg $0x9  }
0xb2: {  	_ =	task.clear_ibuf [dreg:s6], $0x6FFFF;
	_ =	strace $0x90000046  }
0xb3: {  	s29 =	simm.s32 $0x9;
	_ =	strace $0x80000048  }
0xb4: {  	_ =	swait.ge [sflag:s29], $0x1  }
0xb5: {  	[sflag:s29] =	ssyncadd.s32 $0xFFFFFFFF  }
0xb6: {  	_ =	strace $0x90000048  }
0xb7: {  	_ =	sfence  }
0xb8: {  	s30 =	sld [smem:$0x0];
	_ =	sdelay $0x2  }
0xb9: {  	s31 =	sshll.u32 s1, $0xD;
	s1 =	sshrl.u32 s1, $0x2  }
0xba: {  	s3 =	sand.u32 $0x4000, s31;
	s1 =	sadd.s32 s1, s30  }
0xbb: {  	s0 =	sor.u32 s3, s0;
	s1 =	sshll.u32 s1, $0x11  }
0xbc: {  	s0 =	sor.u32 s1, s0  }
0xbd: {  	s0 =	sadd.s32 $0x8F2B, s0  }
0xbe: {  	[sflag:s0] =	ssyncadd.remote.s32 $0x1  }
0xbf: {  	_ =	sfence.sel $0xFFFF  }
0xc0: {  	[dreg:$0x0] =	wrdreg $0xFFFFFFFF;
	(pc) =	sbr.abs _section_cstart, $3  }
0xc1: {  	[dreg:$0x1] =	wrdreg $0xFFFFFFFF  }
0xc2: {  	_ =	task.clear_ibuf [dreg:s6], $0x2FFFF;
	_ =	strace $0x9FFFFFFF  }
0xc3: {  	(tm) =	ssettm $0x7FFFFFFF  }
tec
execute0_lowered:
.L_overlay_start_1:
0x0: {  	(tag) =	ssettag $0x1  }
0x1: {  	s1 =	rddreg [dreg:$0x0]  }
0x2: {  	s0 =	srdreg.scid;
	s6 =	rddreg [dreg:$0x1]  }
0x3: {  	s14 =	stileid.u32;
	s8 =	rddreg [dreg:$0x2]  }
0x4: {  	s2 =	simm.s32 $0x0;
	s16 =	simm.s32 $0x9E0;
	s18 =	simm.s32 $0x1200  }
0x5: {  	s19 =	simm.s32 $0x1E00;
	s20 =	simm.s32 $0x1280;
	s21 =	simm.s32 $0x1E80  }
0x6: {  	s22 =	simm.s32 $0x1300;
	s23 =	simm.s32 $0x1F00;
	s28 =	simm.s32 $0x0  }
0x7: {  	s5 =	sand.u32 $0x1, s0;
	s7 =	sshrl.u32 s14, $0x3;
	s24 =	sand.u32 $0x7, s14  }
0x8: {  	[smem:$0x7FF] =	sst s2;
	s3 =	sadd.s32 $0x2800, s1;
	s13 =	smul.u32 $0xA00, s14  }
0x9: {  	s26 =	sshll.u32 s14, $0x7;
	s14 =	simm.s32 $0x2300;
	s11 =	smul.u32 $0x9C0, s24  }
0xa: {  	s0 =	sshll.u32 s5, $0x1;
	s10 =	ssub.s32 $0x2, s5;
	s25 =	smul.u32 $0xA000, s5  }
0xb: {  	_ =	strace $0x80000047;
	p0 =	seq.s32 s24, $0x7;
	s29 =	smul.u32 $0x9C40, s5  }
0xc: {  	s5 =	sadd.s32 s26, s6;
	s15 =	sshll.u32 s7, $0xA;
	s17 =	smul.u32 $0x4E20, s7  }
0xd: {  	v7 =	vmov s24;
	s24 =	simm.s32 $0x1380;
	s9 =	sor.u32 s7, s0;
	s12 =	sshrl.u32 s10, $0x1  }
0xe: {  	s16 =	simm.s32 @!p0 $0x9C0;
	s6 =	sadd.s32 s15, s6;
	s7 =	sadd.s32 s26, s8  }
0xf: {  	s8 =	sadd.s32 s15, s8;
	s15 =	simm.s32 $0x2280;
	s4 =	smul.u32 $0x4E20, s9  }
0x10: {  	v0 =	vlaneseq.u32;
	v4 =	vimm.s32 $0x0;
	v5 =	vimm.s32 $0x1;
	s26 =	simm.s32 $0x1;
	s10 =	ssub.s32 s10, s12;
	s30 =	smul.u32 $0x3E8, s9  }
0x11: {  	v6 =	vimm.s32 $0xF;
	v1 =	vmul.u32 $0xFFFFFFFF, v0;
	vm0 =	veq.s32 v7, $0x7;
	s12 =	sadd.s32 s13, s25;
	s31 =	sadd.s32 s17, s29;
	s13 =	simm.s32 $0x2200  }
0x12: {  	vm1 =	vgt.u32 v7, $0x5;
	vm2 =	vgt.u32 v7, $0x4;
	vm3 =	vgt.u32 v7, $0x3;
	s17 =	simm.s32 $0x80;
	s25 =	simm.s32 $0x1F80;
	s4 =	sadd.s32 s11, s4  }
0x13: {  	vm4 =	vgt.u32 v7, $0x2;
	vm5 =	vgt.u32 v7, $0x1;
	s9 =	smax.u32 s10, $0x1;
	s10 =	sadd.s32 $0xFA0, s12;
	v2 =	vmov s30;
	s4 =	sshrl.u32 s4, $0x3  }
0x14: {  	vm6 =	veq.s32 v7, $0x0;
	v1 =	vadd.s32 s16, v1;
	s12 =	simm.s32 $0x2;
	s11 =	sadd.s32 s11, s31;
	v3 =	vadd.s32 $0xFFFFFFFF, v2;
	s4 =	sadd.s32 s1, s4  }
.LBB2_1:
0x15: {  	[tilespmem:s2], [sflag:$0x2] =	stream.linear.gather [hbm4b:s4+s2], $0x9E0, $0x38;
	[tilespmem:$0x2B20] =	vst v63  }
0x16: {  	_ =	swait.ge [sflag:s12], $0x9E0  }
0x17: {  	[sflag:s12] =	ssyncset.done $0x0  }
0x18: {  	[sflag:s12] =	ssyncadd.s32 $0xFFFFF620  }
0x19: {  	[tilespmem:$0x2200] =	vst v4  }
0x1a: {  	s0 =	simm.s32 $0x10;
	s1 =	simm.s32 $0x0;
	s29 =	simm.s32 $0x0;
	v7 =	vld [tilespmem:s2+$0x0]  }
.LBB2_2:
0x1b: {  	p0 =	sne.s32 s0, $0x9F0;
	_ =	sdelay $0x2  }
0x1c: {  	v8 =	vmov s1;
	s1 =	smov.u32 s0  }
0x1d: {  	vm7 =	vlt.u32 v8, v1;
	v7 =	vshrl.u32 v7, $0x1C  }
0x1e: {  	v7 =	vxor.u32 $0x7, v7;
	_ =	sdelay $0x1  }
.Ltmp0:
0x1f: {  	(pc) =	sbr.rel @p0 .LBB2_2-.Ltmp0, $3  }
0x20: {  	_ =	sdelay $0x1  }
0x21: {  	s29 =	sadd.s32 $0x10, s29;
	[tilespmem:v7+s13+$0x0] =	vst.idx.add.s32.msk vm7, v5  }
0x22: {  	s0 =	sadd.s32 $0x10, s0;
	v7 =	vld [tilespmem:s29+$0x0]  }
0x23: {  	_ =	sdelay $0x2  }
0x24: {  	v8 =	vmov s1  }
0x25: {  	vm7 =	vlt.u32 v8, v1;
	v7 =	vshrl.u32 v7, $0x1C  }
0x26: {  	v7 =	vxor.u32 $0x7, v7;
	_ =	sdelay $0x4  }
0x27: {  	[tilespmem:v7+s13+$0x0] =	vst.idx.add.s32.msk vm7, v5  }
0x28: {  	[spmem:s5] =	stream.linear.scatter [tilespmem:s13], [sflag:$0x2], $0x80, $0x38;
	[tilespmem:$0x2B20] =	vst v63  }
0x29: {  	_ =	swait.ge [sflag:s12], $0x80  }
0x2a: {  	[sflag:s12] =	ssyncset.done $0x0  }
0x2b: {  	[sflag:s12] =	ssyncadd.s32 $0xFFFFFF80  }
0x2c: {  	[bflag:$0x0] =	sbarrier.arrive $0xFFFF  }
0x2d: {  	[tilespmem:s14], [sflag:$0x2] =	stream.linear.gather [spmem:s6], $0x400, $0x38;
	[tilespmem:$0x2B20] =	vst v63  }
0x2e: {  	_ =	swait.ge [sflag:s12], $0x400  }
0x2f: {  	[sflag:s12] =	ssyncset.done $0x0  }
0x30: {  	[sflag:s12] =	ssyncadd.s32 $0xFFFFFC00  }
0x31: {  	[bflag:$0x0] =	sbarrier.arrive $0xFFFF  }
0x32: {  	v7 =	vld [tilespmem:$0x2300]  }
0x33: {  	v8 =	vld [tilespmem:$0x2380]  }
0x34: {  	v9 =	vld [tilespmem:$0x2400]  }
0x35: {  	v10 =	vld [tilespmem:$0x2480]  }
0x36: {  	v11 =	vld [tilespmem:$0x2500]  }
0x37: {  	v12 =	vld [tilespmem:$0x2580]  }
0x38: {  	v7 =	vadd.s32 v7, v8;
	v8 =	vld [tilespmem:$0x2600]  }
0x39: {  	v7 =	vadd.s32 v9, v7;
	v9 =	vld [tilespmem:$0x2680]  }
0x3a: {  	v7 =	vadd.s32 v10, v7  }
0x3b: {  	v7 =	vadd.s32 v11, v7  }
0x3c: {  	v7 =	vadd.s32 v12, v7  }
0x3d: {  	v7 =	vadd.s32 v8, v7  }
0x3e: {  	v7 =	vadd.s32 v9, v7  }
0x3f: {  	(xrf0) =	vadd.scan.msk.s32 $0xffff, v7;
	_ =	sdelay $0x5  }
0x40: {  	v8, _, _ =	vpop (xrf0)  }
0x41: {  	vm7 =	vgt.s32 v8, $0x3E7  }
0x42: {  	v7 =	vsel vm7, $0x0, v7  }
0x43: {  	(xrf0) =	vadd.scan.msk.s32 $0xffff, v7;
	_ =	sdelay $0x5  }
0x44: {  	v7, _, _ =	vpop (xrf0)  }
0x45: {  	v8 =	vmpcnt.ones.xlane vm7;
	[tilespmem:$0x2280] =	vst v7  }
0x46: {  	s0 =	simm.s32 $0x0;
	v7 =	vld.idx.msk [tilespmem:v6+s15+$0x0], $0xffff;
	[tilespmem:$0x2200] =	vst v4  }
0x47: {  	s1 =	simm.s32 $0x10;
	s29 =	simm.s32 $0x0;
	v8 =	vadd.s32 $0xFFFFFFFF, v8;
	v9 =	vld [tilespmem:s0+$0x0]  }
.LBB2_4:
0x48: {  	p0 =	sne.s32 s1, $0x9F0;
	_ =	sdelay $0x3  }
0x49: {  	v10 =	vshrl.u32 v9, $0x1C  }
0x4a: {  	v11 =	vmov s0;
	s0 =	smov.u32 s1;
	v10 =	vxor.u32 v8, v10  }
0x4b: {  	vm7 =	vlt.u32 v11, v1;
	v9 =	vxor.u32 $0xFFFFFFFF, v9;
	vm8 =	veq.s32 v10, $0x8  }
0x4c: {  	v9 =	vshrl.u32 v9, $0x18;
	vm7 =	vmand vm7, vm8  }
0x4d: {  	v9 =	vand.u32 $0xF, v9;
	_ =	sdelay $0x1  }
.Ltmp1:
0x4e: {  	(pc) =	sbr.rel @p0 .LBB2_4-.Ltmp1, $3  }
0x4f: {  	_ =	sdelay $0x1  }
0x50: {  	s29 =	sadd.s32 $0x10, s29;
	[tilespmem:v9+s13+$0x0] =	vst.idx.add.s32.msk vm7, v5  }
0x51: {  	s1 =	sadd.s32 $0x10, s1;
	v9 =	vld [tilespmem:s29+$0x0]  }
0x52: {  	_ =	sdelay $0x3  }
0x53: {  	v10 =	vshrl.u32 v9, $0x1C  }
0x54: {  	v11 =	vmov s0;
	v10 =	vxor.u32 v8, v10  }
0x55: {  	vm7 =	vlt.u32 v11, v1;
	v9 =	vxor.u32 $0xFFFFFFFF, v9;
	vm8 =	veq.s32 v10, $0x8  }
0x56: {  	v9 =	vshrl.u32 v9, $0x18;
	vm7 =	vmand vm7, vm8  }
0x57: {  	v9 =	vand.u32 $0xF, v9;
	_ =	sdelay $0x4  }
0x58: {  	[tilespmem:v9+s13+$0x0] =	vst.idx.add.s32.msk vm7, v5  }
0x59: {  	[spmem:s5] =	stream.linear.scatter [tilespmem:s13], [sflag:$0x2], $0x80, $0x38;
	[tilespmem:$0x2B20] =	vst v63  }
0x5a: {  	_ =	swait.ge [sflag:s12], $0x80  }
0x5b: {  	[sflag:s12] =	ssyncset.done $0x0  }
0x5c: {  	[sflag:s12] =	ssyncadd.s32 $0xFFFFFF80  }
0x5d: {  	[bflag:$0x0] =	sbarrier.arrive $0xFFFF  }
0x5e: {  	[tilespmem:s14], [sflag:$0x2] =	stream.linear.gather [spmem:s6], $0x400, $0x38;
	[tilespmem:$0x2B20] =	vst v63  }
0x5f: {  	_ =	swait.ge [sflag:s12], $0x400  }
0x60: {  	[sflag:s12] =	ssyncset.done $0x0  }
0x61: {  	[sflag:s12] =	ssyncadd.s32 $0xFFFFFC00  }
0x62: {  	[bflag:$0x0] =	sbarrier.arrive $0xFFFF  }
0x63: {  	v9 =	vld [tilespmem:$0x2300]  }
0x64: {  	v10 =	vld [tilespmem:$0x2380]  }
0x65: {  	v11 =	vld [tilespmem:$0x2400]  }
0x66: {  	v12 =	vld [tilespmem:$0x2480]  }
0x67: {  	v13 =	vld [tilespmem:$0x2500]  }
0x68: {  	v14 =	vld [tilespmem:$0x2580]  }
0x69: {  	v9 =	vadd.s32 v9, v10;
	v10 =	vld [tilespmem:$0x2600]  }
0x6a: {  	v9 =	vadd.s32 v11, v9;
	v11 =	vld [tilespmem:$0x2680]  }
0x6b: {  	v9 =	vadd.s32 v12, v9  }
0x6c: {  	v9 =	vadd.s32 v13, v9  }
0x6d: {  	v9 =	vadd.s32 v14, v9  }
0x6e: {  	v9 =	vadd.s32 v10, v9  }
0x6f: {  	v9 =	vadd.s32 v11, v9  }
0x70: {  	(xrf0) =	vadd.scan.msk.s32 $0xffff, v9;
	_ =	sdelay $0x5  }
0x71: {  	v7 =	vsub.s32 $0x3E8, v7;
	v10, _, _ =	vpop (xrf0)  }
0x72: {  	vm7 =	vge.s32 v10, v7  }
0x73: {  	v9 =	vsel vm7, $0x0, v9  }
0x74: {  	(xrf0) =	vadd.scan.msk.s32 $0xffff, v9;
	_ =	sdelay $0x5  }
0x75: {  	v10 =	vmpcnt.ones.xlane vm7;
	v9, _, _ =	vpop (xrf0)  }
0x76: {  	v8 =	vshll.u32 v8, $0x4;
	[tilespmem:$0x2280] =	vst v9  }
0x77: {  	s0 =	simm.s32 $0x0;
	v8 =	vadd.s32 v10, v8;
	v9 =	vld.idx.msk [tilespmem:v6+s15+$0x0], $0xffff;
	[tilespmem:$0x2200] =	vst v4  }
0x78: {  	s1 =	simm.s32 $0x10;
	s29 =	simm.s32 $0x0;
	v8 =	vadd.s32 $0xFFFFFFFF, v8;
	v10 =	vld [tilespmem:s0+$0x0]  }
.LBB2_6:
0x79: {  	p0 =	sne.s32 s1, $0x9F0;
	_ =	sdelay $0x3  }
0x7a: {  	v11 =	vshrl.u32 v10, $0x18  }
0x7b: {  	v12 =	vmov s0;
	s0 =	smov.u32 s1;
	v11 =	vxor.u32 v8, v11  }
0x7c: {  	vm7 =	vlt.u32 v12, v1;
	v10 =	vxor.u32 $0xFFFFFFFF, v10;
	vm8 =	veq.s32 v11, $0x80  }
0x7d: {  	v10 =	vshrl.u32 v10, $0x14;
	vm7 =	vmand vm7, vm8  }
0x7e: {  	v10 =	vand.u32 $0xF, v10;
	_ =	sdelay $0x1  }
.Ltmp2:
0x7f: {  	(pc) =	sbr.rel @p0 .LBB2_6-.Ltmp2, $3  }
0x80: {  	_ =	sdelay $0x1  }
0x81: {  	s29 =	sadd.s32 $0x10, s29;
	[tilespmem:v10+s13+$0x0] =	vst.idx.add.s32.msk vm7, v5  }
0x82: {  	s1 =	sadd.s32 $0x10, s1;
	v10 =	vld [tilespmem:s29+$0x0]  }
0x83: {  	_ =	sdelay $0x3  }
0x84: {  	v11 =	vshrl.u32 v10, $0x18  }
0x85: {  	v12 =	vmov s0;
	v11 =	vxor.u32 v8, v11  }
0x86: {  	vm7 =	vlt.u32 v12, v1;
	v10 =	vxor.u32 $0xFFFFFFFF, v10;
	vm8 =	veq.s32 v11, $0x80  }
0x87: {  	v10 =	vshrl.u32 v10, $0x14;
	vm7 =	vmand vm7, vm8  }
0x88: {  	v10 =	vand.u32 $0xF, v10;
	_ =	sdelay $0x4  }
0x89: {  	[tilespmem:v10+s13+$0x0] =	vst.idx.add.s32.msk vm7, v5  }
0x8a: {  	[spmem:s5] =	stream.linear.scatter [tilespmem:s13], [sflag:$0x2], $0x80, $0x38;
	[tilespmem:$0x2B20] =	vst v63  }
0x8b: {  	_ =	swait.ge [sflag:s12], $0x80  }
0x8c: {  	[sflag:s12] =	ssyncset.done $0x0  }
0x8d: {  	[sflag:s12] =	ssyncadd.s32 $0xFFFFFF80  }
0x8e: {  	[bflag:$0x0] =	sbarrier.arrive $0xFFFF  }
0x8f: {  	[tilespmem:s14], [sflag:$0x2] =	stream.linear.gather [spmem:s6], $0x400, $0x38;
	[tilespmem:$0x2B20] =	vst v63  }
0x90: {  	_ =	swait.ge [sflag:s12], $0x400  }
0x91: {  	[sflag:s12] =	ssyncset.done $0x0  }
0x92: {  	[sflag:s12] =	ssyncadd.s32 $0xFFFFFC00  }
0x93: {  	[bflag:$0x0] =	sbarrier.arrive $0xFFFF  }
0x94: {  	v10 =	vld [tilespmem:$0x2300]  }
0x95: {  	v11 =	vld [tilespmem:$0x2380]  }
0x96: {  	v62 =	vld [tilespmem:$0x2400]  }
0x97: {  	v13 =	vld [tilespmem:$0x2480]  }
0x98: {  	v14 =	vld [tilespmem:$0x2500]  }
0x99: {  	v15 =	vld [tilespmem:$0x2580]  }
0x9a: {  	v10 =	vadd.s32 v10, v11;
	v11 =	vld [tilespmem:$0x2600]  }
0x9b: {  	v63 =	vld [tilespmem:$0x2680];
	v10 =	vadd.s32 v62, v10  }
0x9c: {  	v10 =	vadd.s32 v13, v10  }
0x9d: {  	v10 =	vadd.s32 v14, v10  }
0x9e: {  	v10 =	vadd.s32 v15, v10  }
0x9f: {  	v10 =	vadd.s32 v11, v10  }
0xa0: {  	v10 =	vadd.s32 v63, v10  }
0xa1: {  	(xrf0) =	vadd.scan.msk.s32 $0xffff, v10;
	_ =	sdelay $0x5  }
0xa2: {  	v7 =	vsub.s32 v7, v9;
	v9, _, _ =	vpop (xrf0)  }
0xa3: {  	vm7 =	vge.s32 v9, v7  }
0xa4: {  	v9 =	vsel vm7, $0x0, v10  }
0xa5: {  	(xrf0) =	vadd.scan.msk.s32 $0xffff, v9;
	_ =	sdelay $0x5  }
0xa6: {  	v10 =	vmpcnt.ones.xlane vm7;
	v9, _, _ =	vpop (xrf0)  }
0xa7: {  	v8 =	vshll.u32 v8, $0x4;
	[tilespmem:$0x2280] =	vst v9  }
0xa8: {  	s0 =	simm.s32 $0x0;
	v8 =	vadd.s32 v10, v8;
	v9 =	vld.idx.msk [tilespmem:v6+s15+$0x0], $0xffff;
	[tilespmem:$0x2200] =	vst v4  }
0xa9: {  	s1 =	simm.s32 $0x10;
	s29 =	simm.s32 $0x0;
	v8 =	vadd.s32 $0xFFFFFFFF, v8;
	v10 =	vld [tilespmem:s0+$0x0]  }
.LBB2_8:
0xaa: {  	p0 =	sne.s32 s1, $0x9F0;
	_ =	sdelay $0x3  }
0xab: {  	v11 =	vshrl.u32 v10, $0x14  }
0xac: {  	v12 =	vmov s0;
	s0 =	smov.u32 s1;
	v11 =	vxor.u32 v8, v11  }
0xad: {  	vm7 =	vlt.u32 v12, v1;
	v10 =	vxor.u32 $0xFFFFFFFF, v10;
	vm8 =	veq.s32 v11, $0x800  }
0xae: {  	v10 =	vshrl.u32 v10, $0x10;
	vm7 =	vmand vm7, vm8  }
0xaf: {  	v10 =	vand.u32 $0xF, v10;
	_ =	sdelay $0x1  }
.Ltmp3:
0xb0: {  	(pc) =	sbr.rel @p0 .LBB2_8-.Ltmp3, $3  }
0xb1: {  	_ =	sdelay $0x1  }
0xb2: {  	s29 =	sadd.s32 $0x10, s29;
	[tilespmem:v10+s13+$0x0] =	vst.idx.add.s32.msk vm7, v5  }
0xb3: {  	s1 =	sadd.s32 $0x10, s1;
	v10 =	vld [tilespmem:s29+$0x0]  }
0xb4: {  	_ =	sdelay $0x3  }
0xb5: {  	v11 =	vshrl.u32 v10, $0x14  }
0xb6: {  	v12 =	vmov s0;
	v11 =	vxor.u32 v8, v11  }
0xb7: {  	vm7 =	vlt.u32 v12, v1;
	v10 =	vxor.u32 $0xFFFFFFFF, v10;
	vm8 =	veq.s32 v11, $0x800  }
0xb8: {  	v10 =	vshrl.u32 v10, $0x10;
	vm7 =	vmand vm7, vm8  }
0xb9: {  	v10 =	vand.u32 $0xF, v10;
	_ =	sdelay $0x4  }
0xba: {  	[tilespmem:v10+s13+$0x0] =	vst.idx.add.s32.msk vm7, v5  }
0xbb: {  	[spmem:s5] =	stream.linear.scatter [tilespmem:s13], [sflag:$0x2], $0x80, $0x38;
	[tilespmem:$0x2B20] =	vst v63  }
0xbc: {  	_ =	swait.ge [sflag:s12], $0x80  }
0xbd: {  	[sflag:s12] =	ssyncset.done $0x0  }
0xbe: {  	[sflag:s12] =	ssyncadd.s32 $0xFFFFFF80  }
0xbf: {  	[bflag:$0x0] =	sbarrier.arrive $0xFFFF  }
0xc0: {  	[tilespmem:s14], [sflag:$0x2] =	stream.linear.gather [spmem:s6], $0x400, $0x38;
	[tilespmem:$0x2B20] =	vst v63  }
0xc1: {  	_ =	swait.ge [sflag:s12], $0x400  }
0xc2: {  	[sflag:s12] =	ssyncset.done $0x0  }
0xc3: {  	[sflag:s12] =	ssyncadd.s32 $0xFFFFFC00  }
0xc4: {  	[bflag:$0x0] =	sbarrier.arrive $0xFFFF  }
0xc5: {  	v10 =	vld [tilespmem:$0x2300]  }
0xc6: {  	v11 =	vld [tilespmem:$0x2380]  }
0xc7: {  	v62 =	vld [tilespmem:$0x2400]  }
0xc8: {  	v13 =	vld [tilespmem:$0x2480]  }
0xc9: {  	v14 =	vld [tilespmem:$0x2500]  }
0xca: {  	v15 =	vld [tilespmem:$0x2580]  }
0xcb: {  	v10 =	vadd.s32 v10, v11;
	v11 =	vld [tilespmem:$0x2600]  }
0xcc: {  	v63 =	vld [tilespmem:$0x2680];
	v10 =	vadd.s32 v62, v10  }
0xcd: {  	v10 =	vadd.s32 v13, v10  }
0xce: {  	v10 =	vadd.s32 v14, v10  }
0xcf: {  	v10 =	vadd.s32 v15, v10  }
0xd0: {  	v10 =	vadd.s32 v11, v10  }
0xd1: {  	v10 =	vadd.s32 v63, v10  }
0xd2: {  	(xrf0) =	vadd.scan.msk.s32 $0xffff, v10;
	_ =	sdelay $0x5  }
0xd3: {  	v7 =	vsub.s32 v7, v9;
	v9, _, _ =	vpop (xrf0)  }
0xd4: {  	vm7 =	vge.s32 v9, v7  }
0xd5: {  	v9 =	vsel vm7, $0x0, v10  }
0xd6: {  	(xrf0) =	vadd.scan.msk.s32 $0xffff, v9;
	_ =	sdelay $0x5  }
0xd7: {  	v10 =	vmpcnt.ones.xlane vm7;
	v9, _, _ =	vpop (xrf0)  }
0xd8: {  	v8 =	vshll.u32 v8, $0x4;
	[tilespmem:$0x2280] =	vst v9  }
0xd9: {  	s0 =	simm.s32 $0x0;
	v8 =	vadd.s32 v10, v8;
	v9 =	vld.idx.msk [tilespmem:v6+s15+$0x0], $0xffff;
	[tilespmem:$0x2200] =	vst v4  }
0xda: {  	s1 =	simm.s32 $0x10;
	s29 =	simm.s32 $0x0;
	v8 =	vadd.s32 $0xFFFFFFFF, v8;
	v10 =	vld [tilespmem:s0+$0x0]  }
.LBB2_10:
0xdb: {  	p0 =	sne.s32 s1, $0x9F0;
	_ =	sdelay $0x3  }
0xdc: {  	v11 =	vshrl.u32 v10, $0x10  }
0xdd: {  	v12 =	vmov s0;
	s0 =	smov.u32 s1;
	v11 =	vxor.u32 v8, v11  }
0xde: {  	vm7 =	vlt.u32 v12, v1;
	v10 =	vxor.u32 $0xFFFFFFFF, v10;
	vm8 =	veq.s32 v11, $0x8000  }
0xdf: {  	v10 =	vshrl.u32 v10, $0xC;
	vm7 =	vmand vm7, vm8  }
0xe0: {  	v10 =	vand.u32 $0xF, v10;
	_ =	sdelay $0x1  }
.Ltmp4:
0xe1: {  	(pc) =	sbr.rel @p0 .LBB2_10-.Ltmp4, $3  }
0xe2: {  	_ =	sdelay $0x1  }
0xe3: {  	s29 =	sadd.s32 $0x10, s29;
	[tilespmem:v10+s13+$0x0] =	vst.idx.add.s32.msk vm7, v5  }
0xe4: {  	s1 =	sadd.s32 $0x10, s1;
	v10 =	vld [tilespmem:s29+$0x0]  }
0xe5: {  	_ =	sdelay $0x3  }
0xe6: {  	v11 =	vshrl.u32 v10, $0x10  }
0xe7: {  	v12 =	vmov s0;
	v11 =	vxor.u32 v8, v11  }
0xe8: {  	vm7 =	vlt.u32 v12, v1;
	v10 =	vxor.u32 $0xFFFFFFFF, v10;
	vm8 =	veq.s32 v11, $0x8000  }
0xe9: {  	v10 =	vshrl.u32 v10, $0xC;
	vm7 =	vmand vm7, vm8  }
0xea: {  	v10 =	vand.u32 $0xF, v10;
	_ =	sdelay $0x4  }
0xeb: {  	[tilespmem:v10+s13+$0x0] =	vst.idx.add.s32.msk vm7, v5  }
0xec: {  	[spmem:s5] =	stream.linear.scatter [tilespmem:s13], [sflag:$0x2], $0x80, $0x38;
	[tilespmem:$0x2B20] =	vst v63  }
0xed: {  	_ =	swait.ge [sflag:s12], $0x80  }
0xee: {  	[sflag:s12] =	ssyncset.done $0x0  }
0xef: {  	[sflag:s12] =	ssyncadd.s32 $0xFFFFFF80  }
0xf0: {  	[bflag:$0x0] =	sbarrier.arrive $0xFFFF  }
0xf1: {  	[tilespmem:s14], [sflag:$0x2] =	stream.linear.gather [spmem:s6], $0x400, $0x38;
	[tilespmem:$0x2B20] =	vst v63  }
0xf2: {  	_ =	swait.ge [sflag:s12], $0x400  }
0xf3: {  	[sflag:s12] =	ssyncset.done $0x0  }
0xf4: {  	[sflag:s12] =	ssyncadd.s32 $0xFFFFFC00  }
0xf5: {  	[bflag:$0x0] =	sbarrier.arrive $0xFFFF  }
0xf6: {  	v10 =	vld [tilespmem:$0x2300]  }
0xf7: {  	v11 =	vld [tilespmem:$0x2380]  }
0xf8: {  	v62 =	vld [tilespmem:$0x2400]  }
0xf9: {  	v13 =	vld [tilespmem:$0x2480]  }
0xfa: {  	v14 =	vld [tilespmem:$0x2500]  }
0xfb: {  	v15 =	vld [tilespmem:$0x2580]  }
0xfc: {  	v10 =	vadd.s32 v10, v11;
	v11 =	vld [tilespmem:$0x2600]  }
0xfd: {  	v63 =	vld [tilespmem:$0x2680];
	v10 =	vadd.s32 v62, v10  }
0xfe: {  	v10 =	vadd.s32 v13, v10  }
0xff: {  	v10 =	vadd.s32 v14, v10  }
0x100: {  	v10 =	vadd.s32 v15, v10  }
0x101: {  	v10 =	vadd.s32 v11, v10  }
0x102: {  	v10 =	vadd.s32 v63, v10  }
0x103: {  	(xrf0) =	vadd.scan.msk.s32 $0xffff, v10;
	_ =	sdelay $0x5  }
0x104: {  	v7 =	vsub.s32 v7, v9;
	v9, _, _ =	vpop (xrf0)  }
0x105: {  	vm7 =	vge.s32 v9, v7  }
0x106: {  	v9 =	vsel vm7, $0x0, v10  }
0x107: {  	(xrf0) =	vadd.scan.msk.s32 $0xffff, v9;
	_ =	sdelay $0x5  }
0x108: {  	v10 =	vmpcnt.ones.xlane vm7;
	v9, _, _ =	vpop (xrf0)  }
0x109: {  	v8 =	vshll.u32 v8, $0x4;
	[tilespmem:$0x2280] =	vst v9  }
0x10a: {  	s0 =	simm.s32 $0x0;
	v8 =	vadd.s32 v10, v8;
	v9 =	vld.idx.msk [tilespmem:v6+s15+$0x0], $0xffff;
	[tilespmem:$0x2200] =	vst v4  }
0x10b: {  	s1 =	simm.s32 $0x10;
	s29 =	simm.s32 $0x0;
	v8 =	vadd.s32 $0xFFFFFFFF, v8;
	v10 =	vld [tilespmem:s0+$0x0]  }
.LBB2_12:
0x10c: {  	p0 =	sne.s32 s1, $0x9F0;
	_ =	sdelay $0x3  }
0x10d: {  	v11 =	vshrl.u32 v10, $0xC  }
0x10e: {  	v12 =	vmov s0;
	s0 =	smov.u32 s1;
	v11 =	vxor.u32 v8, v11  }
0x10f: {  	vm7 =	vlt.u32 v12, v1;
	v10 =	vxor.u32 $0xFFFFFFFF, v10;
	vm8 =	veq.s32 v11, $0x80000  }
0x110: {  	v10 =	vshrl.u32 v10, $0x8;
	vm7 =	vmand vm7, vm8  }
0x111: {  	v10 =	vand.u32 $0xF, v10;
	_ =	sdelay $0x1  }
.Ltmp5:
0x112: {  	(pc) =	sbr.rel @p0 .LBB2_12-.Ltmp5, $3  }
0x113: {  	_ =	sdelay $0x1  }
0x114: {  	s29 =	sadd.s32 $0x10, s29;
	[tilespmem:v10+s13+$0x0] =	vst.idx.add.s32.msk vm7, v5  }
0x115: {  	s1 =	sadd.s32 $0x10, s1;
	v10 =	vld [tilespmem:s29+$0x0]  }
0x116: {  	_ =	sdelay $0x3  }
0x117: {  	v11 =	vshrl.u32 v10, $0xC  }
0x118: {  	v12 =	vmov s0;
	v11 =	vxor.u32 v8, v11  }
0x119: {  	vm7 =	vlt.u32 v12, v1;
	v10 =	vxor.u32 $0xFFFFFFFF, v10;
	vm8 =	veq.s32 v11, $0x80000  }
0x11a: {  	v10 =	vshrl.u32 v10, $0x8;
	vm7 =	vmand vm7, vm8  }
0x11b: {  	v10 =	vand.u32 $0xF, v10;
	_ =	sdelay $0x4  }
0x11c: {  	[tilespmem:v10+s13+$0x0] =	vst.idx.add.s32.msk vm7, v5  }
0x11d: {  	[spmem:s5] =	stream.linear.scatter [tilespmem:s13], [sflag:$0x2], $0x80, $0x38;
	[tilespmem:$0x2B20] =	vst v63  }
0x11e: {  	_ =	swait.ge [sflag:s12], $0x80  }
0x11f: {  	[sflag:s12] =	ssyncset.done $0x0  }
0x120: {  	[sflag:s12] =	ssyncadd.s32 $0xFFFFFF80  }
0x121: {  	[bflag:$0x0] =	sbarrier.arrive $0xFFFF  }
0x122: {  	[tilespmem:s14], [sflag:$0x2] =	stream.linear.gather [spmem:s6], $0x400, $0x38;
	[tilespmem:$0x2B20] =	vst v63  }
0x123: {  	_ =	swait.ge [sflag:s12], $0x400  }
0x124: {  	[sflag:s12] =	ssyncset.done $0x0  }
0x125: {  	[sflag:s12] =	ssyncadd.s32 $0xFFFFFC00  }
0x126: {  	[bflag:$0x0] =	sbarrier.arrive $0xFFFF  }
0x127: {  	v10 =	vld [tilespmem:$0x2300]  }
0x128: {  	v11 =	vld [tilespmem:$0x2380]  }
0x129: {  	v62 =	vld [tilespmem:$0x2400]  }
0x12a: {  	v13 =	vld [tilespmem:$0x2480]  }
0x12b: {  	v14 =	vld [tilespmem:$0x2500]  }
0x12c: {  	v15 =	vld [tilespmem:$0x2580]  }
0x12d: {  	v10 =	vadd.s32 v10, v11;
	v11 =	vld [tilespmem:$0x2600]  }
0x12e: {  	v63 =	vld [tilespmem:$0x2680];
	v10 =	vadd.s32 v62, v10  }
0x12f: {  	v10 =	vadd.s32 v13, v10  }
0x130: {  	v10 =	vadd.s32 v14, v10  }
0x131: {  	v10 =	vadd.s32 v15, v10  }
0x132: {  	v10 =	vadd.s32 v11, v10  }
0x133: {  	v10 =	vadd.s32 v63, v10  }
0x134: {  	(xrf0) =	vadd.scan.msk.s32 $0xffff, v10;
	_ =	sdelay $0x5  }
0x135: {  	v7 =	vsub.s32 v7, v9;
	v9, _, _ =	vpop (xrf0)  }
0x136: {  	vm7 =	vge.s32 v9, v7  }
0x137: {  	v9 =	vsel vm7, $0x0, v10  }
0x138: {  	(xrf0) =	vadd.scan.msk.s32 $0xffff, v9;
	_ =	sdelay $0x5  }
0x139: {  	v10 =	vmpcnt.ones.xlane vm7;
	v9, _, _ =	vpop (xrf0)  }
0x13a: {  	v8 =	vshll.u32 v8, $0x4;
	[tilespmem:$0x2280] =	vst v9  }
0x13b: {  	s0 =	simm.s32 $0x0;
	v8 =	vadd.s32 v10, v8;
	v9 =	vld.idx.msk [tilespmem:v6+s15+$0x0], $0xffff;
	[tilespmem:$0x2200] =	vst v4  }
0x13c: {  	s1 =	simm.s32 $0x10;
	s29 =	simm.s32 $0x0;
	v8 =	vadd.s32 $0xFFFFFFFF, v8;
	v10 =	vld [tilespmem:s0+$0x0]  }
.LBB2_14:
0x13d: {  	p0 =	sne.s32 s1, $0x9F0;
	_ =	sdelay $0x3  }
0x13e: {  	v11 =	vshrl.u32 v10, $0x8  }
0x13f: {  	v12 =	vmov s0;
	s0 =	smov.u32 s1;
	v11 =	vxor.u32 v8, v11  }
0x140: {  	vm7 =	vlt.u32 v12, v1;
	v10 =	vxor.u32 $0xFFFFFFFF, v10;
	vm8 =	veq.s32 v11, $0x800000  }
0x141: {  	v10 =	vshrl.u32 v10, $0x4;
	vm7 =	vmand vm7, vm8  }
0x142: {  	v10 =	vand.u32 $0xF, v10;
	_ =	sdelay $0x1  }
.Ltmp6:
0x143: {  	(pc) =	sbr.rel @p0 .LBB2_14-.Ltmp6, $3  }
0x144: {  	_ =	sdelay $0x1  }
0x145: {  	s29 =	sadd.s32 $0x10, s29;
	[tilespmem:v10+s13+$0x0] =	vst.idx.add.s32.msk vm7, v5  }
0x146: {  	s1 =	sadd.s32 $0x10, s1;
	v10 =	vld [tilespmem:s29+$0x0]  }
0x147: {  	_ =	sdelay $0x3  }
0x148: {  	v11 =	vshrl.u32 v10, $0x8  }
0x149: {  	v12 =	vmov s0;
	v11 =	vxor.u32 v8, v11  }
0x14a: {  	vm7 =	vlt.u32 v12, v1;
	v10 =	vxor.u32 $0xFFFFFFFF, v10;
	vm8 =	veq.s32 v11, $0x800000  }
0x14b: {  	v10 =	vshrl.u32 v10, $0x4;
	vm7 =	vmand vm7, vm8  }
0x14c: {  	v10 =	vand.u32 $0xF, v10;
	_ =	sdelay $0x4  }
0x14d: {  	[tilespmem:v10+s13+$0x0] =	vst.idx.add.s32.msk vm7, v5  }
0x14e: {  	[spmem:s5] =	stream.linear.scatter [tilespmem:s13], [sflag:$0x2], $0x80, $0x38;
	[tilespmem:$0x2B20] =	vst v63  }
0x14f: {  	_ =	swait.ge [sflag:s12], $0x80  }
0x150: {  	[sflag:s12] =	ssyncset.done $0x0  }
0x151: {  	[sflag:s12] =	ssyncadd.s32 $0xFFFFFF80  }
0x152: {  	[bflag:$0x0] =	sbarrier.arrive $0xFFFF  }
0x153: {  	[tilespmem:s14], [sflag:$0x2] =	stream.linear.gather [spmem:s6], $0x400, $0x38;
	[tilespmem:$0x2B20] =	vst v63  }
0x154: {  	_ =	swait.ge [sflag:s12], $0x400  }
0x155: {  	[sflag:s12] =	ssyncset.done $0x0  }
0x156: {  	[sflag:s12] =	ssyncadd.s32 $0xFFFFFC00  }
0x157: {  	[bflag:$0x0] =	sbarrier.arrive $0xFFFF  }
0x158: {  	v10 =	vld [tilespmem:$0x2300]  }
0x159: {  	v11 =	vld [tilespmem:$0x2380]  }
0x15a: {  	v62 =	vld [tilespmem:$0x2400]  }
0x15b: {  	v13 =	vld [tilespmem:$0x2480]  }
0x15c: {  	v14 =	vld [tilespmem:$0x2500]  }
0x15d: {  	v15 =	vld [tilespmem:$0x2580]  }
0x15e: {  	v10 =	vadd.s32 v10, v11;
	v11 =	vld [tilespmem:$0x2600]  }
0x15f: {  	v63 =	vld [tilespmem:$0x2680];
	v10 =	vadd.s32 v62, v10  }
0x160: {  	v10 =	vadd.s32 v13, v10  }
0x161: {  	v10 =	vadd.s32 v14, v10  }
0x162: {  	v10 =	vadd.s32 v15, v10  }
0x163: {  	v10 =	vadd.s32 v11, v10  }
0x164: {  	v10 =	vadd.s32 v63, v10  }
0x165: {  	(xrf0) =	vadd.scan.msk.s32 $0xffff, v10;
	_ =	sdelay $0x5  }
0x166: {  	v7 =	vsub.s32 v7, v9;
	v9, _, _ =	vpop (xrf0)  }
0x167: {  	vm7 =	vge.s32 v9, v7  }
0x168: {  	v9 =	vsel vm7, $0x0, v10  }
0x169: {  	(xrf0) =	vadd.scan.msk.s32 $0xffff, v9;
	_ =	sdelay $0x5  }
0x16a: {  	v10 =	vmpcnt.ones.xlane vm7;
	v9, _, _ =	vpop (xrf0)  }
0x16b: {  	v8 =	vshll.u32 v8, $0x4;
	[tilespmem:$0x2280] =	vst v9  }
0x16c: {  	s0 =	simm.s32 $0x0;
	v8 =	vadd.s32 v10, v8;
	v9 =	vld.idx.msk [tilespmem:v6+s15+$0x0], $0xffff;
	[tilespmem:$0x2200] =	vst v4  }
0x16d: {  	s1 =	simm.s32 $0x10;
	s29 =	simm.s32 $0x0;
	v8 =	vadd.s32 $0xFFFFFFFF, v8;
	v10 =	vld [tilespmem:s0+$0x0]  }
.LBB2_16:
0x16e: {  	p0 =	sne.s32 s1, $0x9F0;
	_ =	sdelay $0x3  }
0x16f: {  	v11 =	vshrl.u32 v10, $0x4  }
0x170: {  	v12 =	vmov s0;
	s0 =	smov.u32 s1;
	v11 =	vxor.u32 v8, v11  }
0x171: {  	vm7 =	vlt.u32 v12, v1;
	vm8 =	veq.s32 v11, $0x8000000  }
0x172: {  	vm7 =	vmand vm7, vm8  }
0x173: {  	v10 =	vandn.u32 $0xF, v10;
	_ =	sdelay $0x1  }
.Ltmp7:
0x174: {  	(pc) =	sbr.rel @p0 .LBB2_16-.Ltmp7, $3  }
0x175: {  	_ =	sdelay $0x1  }
0x176: {  	s29 =	sadd.s32 $0x10, s29;
	[tilespmem:v10+s13+$0x0] =	vst.idx.add.s32.msk vm7, v5  }
0x177: {  	s1 =	sadd.s32 $0x10, s1;
	v10 =	vld [tilespmem:s29+$0x0]  }
0x178: {  	_ =	sdelay $0x3  }
0x179: {  	v11 =	vshrl.u32 v10, $0x4  }
0x17a: {  	v12 =	vmov s0;
	v11 =	vxor.u32 v8, v11  }
0x17b: {  	vm7 =	vlt.u32 v12, v1;
	vm8 =	veq.s32 v11, $0x8000000  }
0x17c: {  	vm7 =	vmand vm7, vm8  }
0x17d: {  	v10 =	vandn.u32 $0xF, v10;
	_ =	sdelay $0x4  }
0x17e: {  	[tilespmem:v10+s13+$0x0] =	vst.idx.add.s32.msk vm7, v5  }
0x17f: {  	[spmem:s5] =	stream.linear.scatter [tilespmem:s13], [sflag:$0x2], $0x80, $0x38;
	[tilespmem:$0x2B20] =	vst v63  }
0x180: {  	_ =	swait.ge [sflag:s12], $0x80  }
0x181: {  	[sflag:s12] =	ssyncset.done $0x0  }
0x182: {  	[sflag:s12] =	ssyncadd.s32 $0xFFFFFF80  }
0x183: {  	[bflag:$0x0] =	sbarrier.arrive $0xFFFF  }
0x184: {  	[tilespmem:s14], [sflag:$0x2] =	stream.linear.gather [spmem:s6], $0x400, $0x38;
	[tilespmem:$0x2B20] =	vst v63  }
0x185: {  	_ =	swait.ge [sflag:s12], $0x400  }
0x186: {  	[sflag:s12] =	ssyncset.done $0x0  }
0x187: {  	[sflag:s12] =	ssyncadd.s32 $0xFFFFFC00  }
0x188: {  	[bflag:$0x0] =	sbarrier.arrive $0xFFFF  }
0x189: {  	v10 =	vld [tilespmem:$0x2300]  }
0x18a: {  	v11 =	vld [tilespmem:$0x2380]  }
0x18b: {  	v62 =	vld [tilespmem:$0x2400]  }
0x18c: {  	v13 =	vld [tilespmem:$0x2480]  }
0x18d: {  	v14 =	vld [tilespmem:$0x2500]  }
0x18e: {  	v15 =	vld [tilespmem:$0x2580]  }
0x18f: {  	v10 =	vadd.s32 v10, v11;
	v11 =	vld [tilespmem:$0x2600]  }
0x190: {  	v63 =	vld [tilespmem:$0x2680];
	v10 =	vadd.s32 v62, v10  }
0x191: {  	v10 =	vadd.s32 v13, v10  }
0x192: {  	v10 =	vadd.s32 v14, v10  }
0x193: {  	v10 =	vadd.s32 v15, v10  }
0x194: {  	v10 =	vadd.s32 v11, v10  }
0x195: {  	v10 =	vadd.s32 v63, v10  }
0x196: {  	(xrf0) =	vadd.scan.msk.s32 $0xffff, v10;
	_ =	sdelay $0x5  }
0x197: {  	v7 =	vsub.s32 v7, v9;
	v9, _, _ =	vpop (xrf0)  }
0x198: {  	vm7 =	vge.s32 v9, v7  }
0x199: {  	v7 =	vsel vm7, $0x0, v10  }
0x19a: {  	(xrf0) =	vadd.scan.msk.s32 $0xffff, v7;
	_ =	sdelay $0x5  }
0x19b: {  	v7, _, _ =	vpop (xrf0)  }
0x19c: {  	s31 =	simm.s32 $0x0;
	[tilespmem:$0x2280] =	vst v7  }
0x19d: {  	v7 =	vmpcnt.ones.xlane vm7;
	v9 =	vld [tilespmem:s31+$0x0]  }
0x19e: {  	v8 =	vshll.u32 v8, $0x4  }
0x19f: {  	v7 =	vadd.s32 v7, v8  }
0x1a0: {  	v10 =	vmov s31;
	v7 =	vadd.s32 $0xFFFFFFFF, v7  }
0x1a1: {  	vm7 =	vlt.u32 v10, v1;
	v8 =	vimm.s32 $0x0;
	v7 =	vxor.u32 $0x80000000, v7  }
0x1a2: {  	s0 =	simm.s32 $0x10;
	s1 =	simm.s32 $0x10;
	vm8 =	vgt.s32 v9, v7;
	vm9 =	veq.s32 v9, v7;
	v9 =	vimm.s32 $0x0  }
.LBB2_18:
0x1a3: {  	v10 =	vld [tilespmem:s1+$0x0];
	p0 =	sne.s32 s0, $0x9F0;
	vm8 =	vmand vm7, vm8;
	vm7 =	vmand vm7, vm9;
	s29 =	smov.u32 s0;
	s0 =	sadd.s32 $0x10, s0  }
.Ltmp8:
0x1a4: {  	v11 =	vmpcnt.ones.xlane vm8;
	v12 =	vmpcnt.ones.xlane vm7;
	(pc) =	sbr.rel @p0 .LBB2_18-.Ltmp8, $4  }
0x1a5: {  	_ = 	snop  }
0x1a6: {  	v8 =	vadd.s32 v8, v11;
	v9 =	vadd.s32 v9, v12  }
0x1a7: {  	v11 =	vmov s29  }
0x1a8: {  	s1 =	sadd.s32 $0x10, s1;
	vm7 =	vlt.u32 v11, v1;
	vm8 =	vgt.s32 v10, v7;
	vm9 =	veq.s32 v10, v7  }
0x1a9: {  	vm8 =	vmand vm7, vm8  }
0x1aa: {  	vm7 =	vmand vm7, vm9;
	v10 =	vmpcnt.ones.xlane vm8  }
0x1ab: {  	v11 =	vmpcnt.ones.xlane vm7  }
0x1ac: {  	v8 =	vadd.s32 v8, v10  }
0x1ad: {  	v9 =	vadd.s32 v9, v11;
	[tilespmem:$0x2200] =	vst v8  }
0x1ae: {  	[tilespmem:$0x2280] =	vst v9  }
0x1af: {  	[spmem:s5] =	stream.linear.scatter [tilespmem:s13], [sflag:$0x2], $0x80, $0x38;
	[tilespmem:$0x2B20] =	vst v63  }
0x1b0: {  	_ =	swait.ge [sflag:s12], $0x80  }
0x1b1: {  	[sflag:s12] =	ssyncset.done $0x0  }
0x1b2: {  	[sflag:s12] =	ssyncadd.s32 $0xFFFFFF80  }
0x1b3: {  	[spmem:s7] =	stream.linear.scatter [tilespmem:s15], [sflag:$0x2], $0x80, $0x38;
	[tilespmem:$0x2B20] =	vst v63  }
0x1b4: {  	_ =	swait.ge [sflag:s12], $0x80  }
0x1b5: {  	[sflag:s12] =	ssyncset.done $0x0  }
0x1b6: {  	[sflag:s12] =	ssyncadd.s32 $0xFFFFFF80  }
0x1b7: {  	[bflag:$0x0] =	sbarrier.arrive $0xFFFF  }
0x1b8: {  	[tilespmem:s14], [sflag:$0x2] =	stream.linear.gather [spmem:s6], $0x400, $0x38;
	[tilespmem:$0x2B20] =	vst v63  }
0x1b9: {  	_ =	swait.ge [sflag:s12], $0x400  }
0x1ba: {  	[sflag:s12] =	ssyncset.done $0x0  }
0x1bb: {  	s0 =	simm.s32 $0x2700;
	[sflag:s12] =	ssyncadd.s32 $0xFFFFFC00  }
0x1bc: {  	[tilespmem:s0], [sflag:$0x2] =	stream.linear.gather [spmem:s8], $0x400, $0x38;
	[tilespmem:$0x2B20] =	vst v63  }
0x1bd: {  	_ =	swait.ge [sflag:s12], $0x400  }
0x1be: {  	[sflag:s12] =	ssyncset.done $0x0  }
0x1bf: {  	[sflag:s12] =	ssyncadd.s32 $0xFFFFFC00  }
0x1c0: {  	v8 =	vld [tilespmem:$0x2300]  }
0x1c1: {  	v9 =	vld [tilespmem:$0x2700]  }
0x1c2: {  	v10 =	vld [tilespmem:$0x2380]  }
0x1c3: {  	v11 =	vld [tilespmem:$0x2780]  }
0x1c4: {  	v12 =	vld [tilespmem:$0x2400]  }
0x1c5: {  	v13 =	vld [tilespmem:$0x2800]  }
0x1c6: {  	s16 =	simm.s32 $0x0;
	v15 =	vld [tilespmem:$0x2880]  }
0x1c7: {  	v19 =	vld [tilespmem:s16+$0x0]  }
0x1c8: {  	v22 =	vld [tilespmem:$0x2980]  }
0x1c9: {  	v17 =	vimm.s32 $0x0;
	v23 =	vmov s16  }
0x1ca: {  	vm8 =	vlt.u32 v23, v1;
	v14 =	vld [tilespmem:$0x2480];
	v18 =	vsel vm6, $0x0, v8;
	v8 =	vadd.s32 v8, v10  }
0x1cb: {  	v16 =	vld [tilespmem:$0x2500];
	v10 =	vnsel vm5, $0x0, v10;
	v11 =	vnsel vm5, $0x0, v11;
	v13 =	vnsel vm4, $0x0, v13  }
0x1cc: {  	v20 =	vld [tilespmem:$0x2900];
	v15 =	vnsel vm3, $0x0, v15;
	v9 =	vadd.s32 $0xFFFFFFFF, v9;
	vm7 =	veq.s32 v19, v7  }
0x1cd: {  	v21 =	vld [tilespmem:$0x2580];
	vm14 =	vgt.s32 v19, v7;
	v19 =	vnsel vm1, $0x0, v22;
	v8 =	vadd.s32 v12, v8  }
0x1ce: {  	v12 =	vnsel vm4, $0x0, v12;
	v9 =	vsel vm6, $0xFFFFFFFF, v9;
	vm7 =	vmand vm8, vm7  }
0x1cf: {  	v61 =	vld [tilespmem:$0x2600];
	vm8 =	vmand vm8, vm14;
	v18 =	vadd.s32 v18, v3;
	v9 =	vadd.s32 v11, v9  }
0x1d0: {  	v62 =	vld [tilespmem:$0x2A00];
	v8 =	vadd.s32 v14, v8;
	v9 =	vadd.s32 v13, v9;
	v13 =	vsel vm7, $0x1, v4  }
0x1d1: {  	v14 =	vnsel vm3, $0x0, v14;
	v11 =	vnsel vm2, $0x0, v20;
	v8 =	vadd.s32 v16, v8;
	(xrf0) =	vadd.scan.msk.s32 $0xffff, v13  }
0x1d2: {  	v63 =	vld [tilespmem:$0x2680];
	v10 =	vadd.s32 v10, v18;
	v16 =	vnsel vm2, $0x0, v16;
	v8 =	vadd.s32 v21, v8  }
0x1d3: {  	v13 =	vnsel vm1, $0x0, v21;
	v9 =	vadd.s32 v15, v9;
	v15 =	vsel vm8, $0x1, v4  }
0x1d4: {  	v18 =	vadd.s32 v61, v8;
	v8 =	vadd.s32 v11, v9;
	v9 =	vadd.s32 v12, v10;
	(xrf0) =	vadd.scan.msk.s32 $0xffff, v15  }
0x1d5: {  	v10 =	vnsel vm0, $0x0, v62;
	v8 =	vadd.s32 v19, v8;
	v9 =	vadd.s32 v14, v9  }
0x1d6: {  	v11 =	vnsel vm0, $0x0, v61;
	v8 =	vadd.s32 v10, v8;
	v9 =	vadd.s32 v16, v9  }
0x1d7: {  	v12 =	vadd.s32 v63, v18;
	v10 =	vadd.s32 v13, v9;
	v13 =	vadd.s32 v17, v8;
	v14, _, _ =	vpop (xrf0)  }
0x1d8: {  	s1 =	sadd.s32 $0x0, s10;
	v9 =	vsub.s32 $0x3E8, v12;
	v10 =	vadd.s32 v11, v10;
	v13 =	vadd.s32 v14, v13  }
0x1d9: {  	v11 =	vadd.s32 v2, v12;
	v12 =	vor.u32 s1, v0;
	vm15 =	vlt.s32 v13, v9  }
0x1da: {  	v14 =	vadd.s32 v17, v10;
	v15, _, _ =	vpop (xrf0);
	v13 =	vadd.s32 v13, v11;
	vm9 =	vmand vm7, vm15  }
0x1db: {  	v14 =	vadd.s32 v15, v14;
	v12 =	vsel vm9, v13, v12  }
0x1dc: {  	s29 =	simm.s32 $0xA00;
	s16 =	sadd.s32 $0x0, s11;
	v13 =	vmpcnt.ones.xlane vm7;
	v12 =	vsel vm8, v14, v12  }
0x1dd: {  	s30 =	simm.s32 $0x1600;
	v15 =	vmpcnt.ones.xlane vm8;
	[tilespmem:s29+$0x0] =	vst v12;
	v12 =	vor.u32 s16, v0  }
0x1de: {  	s31 =	simm.s32 $0x10;
	[tilespmem:s30+$0x0] =	vst v12  }
0x1df: {  	v15 =	vadd.s32 v17, v15;
	v14 =	vadd.s32 v17, v13;
	v16 =	vld [tilespmem:s31+$0x0]  }
0x1e0: {  	s0 =	simm.s32 $0x10;
	s1 =	simm.s32 $0x20;
	v13 =	vmov v15;
	v12 =	vmov v14  }
.LBB2_20:
0x1e1: {  	p0 =	sne.s32 s1, $0x9F0;
	_ =	sdelay $0x1  }
0x1e2: {  	v17 =	vmov s31  }
0x1e3: {  	vm7 =	vlt.u32 v17, v1;
	vm8 =	veq.s32 v16, v7  }
0x1e4: {  	vm8 =	vmand vm7, vm8  }
0x1e5: {  	v17 =	vsel vm8, $0x1, v4;
	v18 =	vmpcnt.ones.xlane vm8  }
0x1e6: {  	vm9 =	vgt.s32 v16, v7;
	(xrf0) =	vadd.scan.msk.s32 $0xffff, v17  }
0x1e7: {  	vm7 =	vmand vm7, vm9;
	v14 =	vadd.s32 v14, v18  }
0x1e8: {  	v16 =	vsel vm7, $0x1, v4;
	v17 =	vmpcnt.ones.xlane vm7  }
0x1e9: {  	(xrf0) =	vadd.scan.msk.s32 $0xffff, v16  }
0x1ea: {  	v15 =	vadd.s32 v15, v17;
	_ =	sdelay $0x1  }
0x1eb: {  	v16 =	vadd.s32 v12, v8;
	v12 =	vmov v14;
	v17, _, _ =	vpop (xrf0)  }
0x1ec: {  	s16 =	sadd.s32 s31, s10;
	v16 =	vadd.s32 v17, v16  }
0x1ed: {  	v17 =	vor.u32 s16, v0;
	vm9 =	vlt.s32 v16, v9  }
0x1ee: {  	v19 =	vadd.s32 v13, v10;
	v16 =	vadd.s32 v16, v11;
	vm8 =	vmand vm8, vm9;
	v18, _, _ =	vpop (xrf0)  }
0x1ef: {  	v13 =	vmov v15;
	v18 =	vadd.s32 v18, v19;
	v16 =	vsel vm8, v16, v17  }
.Ltmp9:
0x1f0: {  	s29 =	sadd.s32 $0x10, s29;
	s16 =	sadd.s32 s31, s11;
	v16 =	vsel vm7, v18, v16;
	(pc) =	sbr.rel @p0 .LBB2_20-.Ltmp9, $4  }
0x1f1: {  	s30 =	sadd.s32 $0x10, s30;
	s31 =	smov.u32 s1;
	[tilespmem:s29+$0x0] =	vst v16;
	v16 =	vor.u32 s16, v0  }
0x1f2: {  	s0 =	sadd.s32 $0x10, s0;
	[tilespmem:s30+$0x0] =	vst v16  }
0x1f3: {  	v16 =	vld [tilespmem:s0+$0x0]  }
0x1f4: {  	s1 =	sadd.s32 $0x10, s1  }
0x1f5: {  	_ =	sdelay $0x1  }
0x1f6: {  	v14 =	vmov s31  }
0x1f7: {  	vm7 =	vlt.u32 v14, v1;
	vm8 =	veq.s32 v16, v7  }
0x1f8: {  	vm8 =	vmand vm7, vm8  }
0x1f9: {  	v61 =	vsel vm8, $0x1, v4  }
0x1fa: {  	vm9 =	vgt.s32 v16, v7;
	(xrf0) =	vadd.scan.msk.s32 $0xffff, v61  }
0x1fb: {  	vm7 =	vmand vm7, vm9  }
0x1fc: {  	v7 =	vsel vm7, $0x1, v4  }
0x1fd: {  	(xrf0) =	vadd.scan.msk.s32 $0xffff, v7;
	_ =	sdelay $0x2  }
0x1fe: {  	v7 =	vadd.s32 v12, v8;
	v8, _, _ =	vpop (xrf0)  }
0x1ff: {  	v7 =	vadd.s32 v8, v7  }
0x200: {  	s0 =	sadd.s32 s31, s10;
	v62 =	vadd.s32 v13, v10;
	vm15 =	vlt.s32 v7, v9  }
0x201: {  	v8 =	vor.u32 s0, v0;
	v63, _, _ =	vpop (xrf0);
	v7 =	vadd.s32 v7, v11;
	vm8 =	vmand vm8, vm15  }
0x202: {  	v9 =	vadd.s32 v63, v62;
	v7 =	vsel vm8, v7, v8  }
0x203: {  	s31 =	sadd.s32 s31, s11;
	s1 =	sadd.s32 $0x10, s29;
	v7 =	vsel vm7, v9, v7  }
0x204: {  	[tilespmem:s1+$0x0] =	vst v7;
	v7 =	vor.u32 s31, v0;
	s1 =	sadd.s32 $0x10, s30  }
0x205: {  	s16 =	simm.s32 $0xA00;
	s29 =	simm.s32 $0x1600;
	[tilespmem:s1+$0x0] =	vst v7  }
0x206: {  	[hbm4b:s3+s17] =	stream.indirect.scatter [tilespmem:s29], [sflag:$0x1], $0x1, s16, s17, $0xb8;
	[tilespmem:$0x2B20] =	vst v63  }
0x207: {  	s30 =	simm.s32 $0xA80;
	s31 =	simm.s32 $0x1680  }
0x208: {  	[hbm4b:s3+s17] =	stream.indirect.scatter [tilespmem:s31], [sflag:$0x1], $0x1, s30, s17, $0xb8;
	[tilespmem:$0x2B20] =	vst v63  }
0x209: {  	s16 =	simm.s32 $0xB00;
	s29 =	simm.s32 $0x1700  }
0x20a: {  	[hbm4b:s3+s17] =	stream.indirect.scatter [tilespmem:s29], [sflag:$0x1], $0x1, s16, s17, $0xb8;
	[tilespmem:$0x2B20] =	vst v63  }
0x20b: {  	s30 =	simm.s32 $0xB80;
	s31 =	simm.s32 $0x1780  }
0x20c: {  	[hbm4b:s3+s17] =	stream.indirect.scatter [tilespmem:s31], [sflag:$0x1], $0x1, s30, s17, $0xb8;
	[tilespmem:$0x2B20] =	vst v63  }
0x20d: {  	s16 =	simm.s32 $0xC00;
	s29 =	simm.s32 $0x1800  }
0x20e: {  	[hbm4b:s3+s17] =	stream.indirect.scatter [tilespmem:s29], [sflag:$0x1], $0x1, s16, s17, $0xb8;
	[tilespmem:$0x2B20] =	vst v63  }
0x20f: {  	s30 =	simm.s32 $0xC80;
	s31 =	simm.s32 $0x1880  }
0x210: {  	[hbm4b:s3+s17] =	stream.indirect.scatter [tilespmem:s31], [sflag:$0x1], $0x1, s30, s17, $0xb8;
	[tilespmem:$0x2B20] =	vst v63  }
0x211: {  	s16 =	simm.s32 $0xD00;
	s29 =	simm.s32 $0x1900  }
0x212: {  	[hbm4b:s3+s17] =	stream.indirect.scatter [tilespmem:s29], [sflag:$0x1], $0x1, s16, s17, $0xb8;
	[tilespmem:$0x2B20] =	vst v63  }
0x213: {  	s30 =	simm.s32 $0xD80;
	s31 =	simm.s32 $0x1980  }
0x214: {  	[hbm4b:s3+s17] =	stream.indirect.scatter [tilespmem:s31], [sflag:$0x1], $0x1, s30, s17, $0xb8;
	[tilespmem:$0x2B20] =	vst v63  }
0x215: {  	s16 =	simm.s32 $0xE00;
	s29 =	simm.s32 $0x1A00  }
0x216: {  	[hbm4b:s3+s17] =	stream.indirect.scatter [tilespmem:s29], [sflag:$0x1], $0x1, s16, s17, $0xb8;
	[tilespmem:$0x2B20] =	vst v63  }
0x217: {  	s30 =	simm.s32 $0xE80;
	s31 =	simm.s32 $0x1A80  }
0x218: {  	[hbm4b:s3+s17] =	stream.indirect.scatter [tilespmem:s31], [sflag:$0x1], $0x1, s30, s17, $0xb8;
	[tilespmem:$0x2B20] =	vst v63  }
0x219: {  	s16 =	simm.s32 $0xF00;
	s29 =	simm.s32 $0x1B00  }
0x21a: {  	[hbm4b:s3+s17] =	stream.indirect.scatter [tilespmem:s29], [sflag:$0x1], $0x1, s16, s17, $0xb8;
	[tilespmem:$0x2B20] =	vst v63  }
0x21b: {  	s30 =	simm.s32 $0xF80;
	s31 =	simm.s32 $0x1B80  }
0x21c: {  	[hbm4b:s3+s17] =	stream.indirect.scatter [tilespmem:s31], [sflag:$0x1], $0x1, s30, s17, $0xb8;
	[tilespmem:$0x2B20] =	vst v63  }
0x21d: {  	s16 =	simm.s32 $0x1000;
	s29 =	simm.s32 $0x1C00  }
0x21e: {  	[hbm4b:s3+s17] =	stream.indirect.scatter [tilespmem:s29], [sflag:$0x1], $0x1, s16, s17, $0xb8;
	[tilespmem:$0x2B20] =	vst v63  }
0x21f: {  	s30 =	simm.s32 $0x1080;
	s31 =	simm.s32 $0x1C80  }
0x220: {  	[hbm4b:s3+s17] =	stream.indirect.scatter [tilespmem:s31], [sflag:$0x1], $0x1, s30, s17, $0xb8;
	[tilespmem:$0x2B20] =	vst v63  }
0x221: {  	s16 =	simm.s32 $0x1100;
	s29 =	simm.s32 $0x1D00  }
0x222: {  	[hbm4b:s3+s17] =	stream.indirect.scatter [tilespmem:s29], [sflag:$0x1], $0x1, s16, s17, $0xb8;
	[tilespmem:$0x2B20] =	vst v63  }
0x223: {  	s30 =	simm.s32 $0x1180;
	s31 =	simm.s32 $0x1D80  }
0x224: {  	[hbm4b:s3+s17] =	stream.indirect.scatter [tilespmem:s31], [sflag:$0x1], $0x1, s30, s17, $0xb8;
	[tilespmem:$0x2B20] =	vst v63  }
0x225: {  	_ = 	snop  }
0x226: {  	[hbm4b:s3+s17] =	stream.indirect.scatter [tilespmem:s19], [sflag:$0x1], $0x1, s18, s17, $0xb8;
	[tilespmem:$0x2B20] =	vst v63  }
0x227: {  	_ = 	snop  }
0x228: {  	[hbm4b:s3+s17] =	stream.indirect.scatter [tilespmem:s21], [sflag:$0x1], $0x1, s20, s17, $0xb8;
	[tilespmem:$0x2B20] =	vst v63  }
0x229: {  	_ = 	snop  }
0x22a: {  	[hbm4b:s3+s17] =	stream.indirect.scatter [tilespmem:s23], [sflag:$0x1], $0x1, s22, s17, $0xb8;
	[tilespmem:$0x2B20] =	vst v63  }
0x22b: {  	_ = 	snop  }
0x22c: {  	[hbm4b:s3+s17] =	stream.indirect.scatter [tilespmem:s25], [sflag:$0x1], $0x1, s24, s17, $0xb8;
	[tilespmem:$0x2B20] =	vst v63  }
0x22d: {  	_ =	swait.ge [sflag:s26], $0x80  }
0x22e: {  	[sflag:s26] =	ssyncset.done $0x0  }
0x22f: {  	[sflag:s26] =	ssyncadd.s32 $0xFFFFFF80  }
0x230: {  	_ =	swait.ge [sflag:s26], $0x80  }
0x231: {  	[sflag:s26] =	ssyncset.done $0x0  }
0x232: {  	[sflag:s26] =	ssyncadd.s32 $0xFFFFFF80  }
0x233: {  	_ =	swait.ge [sflag:s26], $0x80  }
0x234: {  	[sflag:s26] =	ssyncset.done $0x0  }
0x235: {  	[sflag:s26] =	ssyncadd.s32 $0xFFFFFF80  }
0x236: {  	_ =	swait.ge [sflag:s26], $0x80  }
0x237: {  	[sflag:s26] =	ssyncset.done $0x0  }
0x238: {  	[sflag:s26] =	ssyncadd.s32 $0xFFFFFF80  }
0x239: {  	_ =	swait.ge [sflag:s26], $0x80  }
0x23a: {  	[sflag:s26] =	ssyncset.done $0x0  }
0x23b: {  	[sflag:s26] =	ssyncadd.s32 $0xFFFFFF80  }
0x23c: {  	_ =	swait.ge [sflag:s26], $0x80  }
0x23d: {  	[sflag:s26] =	ssyncset.done $0x0  }
0x23e: {  	[sflag:s26] =	ssyncadd.s32 $0xFFFFFF80  }
0x23f: {  	_ =	swait.ge [sflag:s26], $0x80  }
0x240: {  	[sflag:s26] =	ssyncset.done $0x0  }
0x241: {  	[sflag:s26] =	ssyncadd.s32 $0xFFFFFF80  }
0x242: {  	_ =	swait.ge [sflag:s26], $0x80  }
0x243: {  	[sflag:s26] =	ssyncset.done $0x0  }
0x244: {  	[sflag:s26] =	ssyncadd.s32 $0xFFFFFF80  }
0x245: {  	_ =	swait.ge [sflag:s26], $0x80  }
0x246: {  	[sflag:s26] =	ssyncset.done $0x0  }
0x247: {  	[sflag:s26] =	ssyncadd.s32 $0xFFFFFF80  }
0x248: {  	_ =	swait.ge [sflag:s26], $0x80  }
0x249: {  	[sflag:s26] =	ssyncset.done $0x0  }
0x24a: {  	[sflag:s26] =	ssyncadd.s32 $0xFFFFFF80  }
0x24b: {  	_ =	swait.ge [sflag:s26], $0x80  }
0x24c: {  	[sflag:s26] =	ssyncset.done $0x0  }
0x24d: {  	[sflag:s26] =	ssyncadd.s32 $0xFFFFFF80  }
0x24e: {  	_ =	swait.ge [sflag:s26], $0x80  }
0x24f: {  	[sflag:s26] =	ssyncset.done $0x0  }
0x250: {  	[sflag:s26] =	ssyncadd.s32 $0xFFFFFF80  }
0x251: {  	_ =	swait.ge [sflag:s26], $0x80  }
0x252: {  	[sflag:s26] =	ssyncset.done $0x0  }
0x253: {  	[sflag:s26] =	ssyncadd.s32 $0xFFFFFF80  }
0x254: {  	_ =	swait.ge [sflag:s26], $0x80  }
0x255: {  	[sflag:s26] =	ssyncset.done $0x0  }
0x256: {  	[sflag:s26] =	ssyncadd.s32 $0xFFFFFF80  }
0x257: {  	_ =	swait.ge [sflag:s26], $0x80  }
0x258: {  	[sflag:s26] =	ssyncset.done $0x0  }
0x259: {  	[sflag:s26] =	ssyncadd.s32 $0xFFFFFF80  }
0x25a: {  	_ =	swait.ge [sflag:s26], $0x80  }
0x25b: {  	[sflag:s26] =	ssyncset.done $0x0  }
0x25c: {  	[sflag:s26] =	ssyncadd.s32 $0xFFFFFF80  }
0x25d: {  	_ =	swait.ge [sflag:s26], $0x80  }
0x25e: {  	[sflag:s26] =	ssyncset.done $0x0  }
0x25f: {  	[sflag:s26] =	ssyncadd.s32 $0xFFFFFF80  }
0x260: {  	_ =	swait.ge [sflag:s26], $0x80  }
0x261: {  	[sflag:s26] =	ssyncset.done $0x0  }
0x262: {  	s28 =	sadd.s32 $0x1, s28;
	[sflag:s26] =	ssyncadd.s32 $0xFFFFFF80  }
0x263: {  	p0 =	sne.s32 s28, s9;
	_ =	swait.ge [sflag:s26], $0x80  }
.Ltmp10:
0x264: {  	[sflag:s26] =	ssyncset.done $0x0;
	(pc) =	sbr.rel @p0 .LBB2_1-.Ltmp10, $4  }
0x265: {  	[sflag:s26] =	ssyncadd.s32 $0xFFFFFF80  }
0x266: {  	_ =	swait.ge [sflag:s26], $0x80  }
0x267: {  	[sflag:s26] =	ssyncset.done $0x0  }
0x268: {  	[sflag:s26] =	ssyncadd.s32 $0xFFFFFF80  }
0x269: {  	_ =	sfence.sel $0x180000  }
0x26a: {  	[bflag:$0x0] =	sbarrier.arrive $0xFFFF  }
0x26b: {  	_ =	strace $0x90000047  }
0x26c: {  	s0 =	stileid.u32;
	[bflag:$0x2] =	sbarrier.arrive $0xFFFF  }
0x26d: {  	p0 =	sne.s32 s0, $0x0;
	s0 =	rddreg [dreg:$0x3]  }
0x26e: {  	s0 =	sadd.s32 @!p0 $0x100000, s0  }
0x26f: {  	[sflag:s0] =	ssyncadd.tile.s32 @!p0 $0x1;
	_ =	shalt  }
.Lfunc_end2:
_tile_overlayer_lowered:
.L_overlay_start_2:
0x270: {  	(tag) =	ssettag $0x2  }
0x271: {  	s0 =	rddreg [dreg:$0x0];
	s2 =	stileid.u32  }
0x272: {  	s1 =	rddreg [dreg:$0x1];
	p0 =	sne.s32 s2, $0x0  }
0x273: {  	s3 =	rddreg [dreg:$0x2];
	[bflag:$0x3] =	sbarrier.arrive $0xFFFF;
	s2 =	simm.s32 @!p0 $0x1C02  }
0x274: {  	[timem:s3], [sflag:s2] =	dma.local @!p0 [hbm:s0], s1  }
0x275: {  	s0 =	simm.s32 @!p0 $0x2  }
0x276: {  	_ =	swait.ge @!p0 [sflag:s0], s1  }
0x277: {  	s1 =	ssub.s32 @!p0 $0x0, s1;
	[sflag:s0] =	ssyncset.done @!p0 $0x0  }
0x278: {  	[sflag:s0] =	ssyncadd.s32 @!p0 s1  }
0x279: {  	[bflag:$0x3] =	sbarrier.arrive $0xFFFF  }
0x27a: {  	_ =	shalt  }

</sc_bundles>
